<compile_context>
chip_gen: v7x
topology: tpu7x:2x2x1
jax: 0.10.2.dev20260603
libtpu: 0.0.44.dev20260713+nightly
codegen_flags: <defaults>
</compile_context>

<pallas_src>
import functools

import jax
import jax.numpy as jnp
from jax import lax
from jax.experimental import pallas as pl
from jax.experimental.pallas import tpu as pltpu
from jax.experimental.pallas import tpu_sc as plsc

NC = 2
NS = 16
NW = NC * NS
CH = 128


def _make_agg(n_nodes, e2d_rows, k, width, split=0.5):
    pair_groups = e2d_rows // (NS * k)
    g0 = 2 * round(split * pair_groups / 2)
    g1 = pair_groups - g0
    assert e2d_rows % (NS * k) == 0 and g1 % 2 == 0 and g0 >= 2 and g1 >= 2
    rows0, rows1 = g0 * k, g1 * k
    nacc = -(-(n_nodes + 1) // (NS * 8)) * NS * 8
    zsl = nacc // NS
    f32 = jnp.float32

    outs = [jax.ShapeDtypeStruct((NC, nacc, width), f32)]
    scratch = [
        pltpu.VMEM((k, CH), jnp.int32),
        pltpu.VMEM((k, CH), jnp.int32),
        pltpu.VMEM((k * CH, width), f32),
        pltpu.VMEM((k, CH), jnp.int32),
        pltpu.VMEM((k, CH), jnp.int32),
        pltpu.VMEM((k * CH, width), f32),
        pltpu.VMEM_SHARED((nacc, width), f32),
        pltpu.SemaphoreType.DMA,
        pltpu.SemaphoreType.DMA,
        pltpu.SemaphoreType.DMA,
        pltpu.SemaphoreType.DMA,
    ]

    def body(*refs):
        (table, src2d, dst2d, zeros_h, out_acc,
         srcbA, dstbA, rowsbA, srcbB, dstbB, rowsbB, acc,
         gsemA, gsemB, ssemA, ssemB) = refs
        c = lax.axis_index("c")
        s = lax.axis_index("s")
        n_groups = jnp.where(c == 0, g0, g1)

        pltpu.sync_copy(zeros_h.at[pl.ds(s * zsl, zsl)], acc.at[pl.ds(s * zsl, zsl)])
        plsc.subcore_barrier()

        base = jnp.where(c == 0, s * rows0, NS * rows0 + s * rows1)

        def load_group(g, srcb, dstb, rowsb, gsem):
            r0 = base + g * k
            pltpu.sync_copy(src2d.at[pl.ds(r0, k)], srcb)
            pltpu.sync_copy(dst2d.at[pl.ds(r0, k)], dstb)
            for j in range(k):
                pltpu.async_copy(table.at[srcb.at[j]],
                                 rowsb.at[pl.ds(j * CH, CH)], gsem)

        def drain_gathers(srcb, rowsb, gsem):
            for j in range(k):
                pltpu.make_async_copy(table.at[srcb.at[j]],
                                      rowsb.at[pl.ds(j * CH, CH)], gsem).wait()

        def fire_scatters(dstb, rowsb, ssem):
            return [pltpu.async_copy(rowsb.at[pl.ds(j * CH, CH)],
                                     acc.at[dstb.at[j]], ssem, add=True)
                    for j in range(k)]

        load_group(0, srcbA, dstbA, rowsbA, gsemA)
        load_group(1, srcbB, dstbB, rowsbB, gsemB)

        def it_body(t, carry):
            ga = 2 * t
            drain_gathers(srcbA, rowsbA, gsemA)
            sdA = fire_scatters(dstbA, rowsbA, ssemA)
            drain_gathers(srcbB, rowsbB, gsemB)
            sdB = fire_scatters(dstbB, rowsbB, ssemB)
            for d in sdA:
                d.wait()

            @pl.when(ga + 2 < n_groups)
            def _():
                load_group(ga + 2, srcbA, dstbA, rowsbA, gsemA)

            for d in sdB:
                d.wait()

            @pl.when(ga + 3 < n_groups)
            def _():
                load_group(ga + 3, srcbB, dstbB, rowsbB, gsemB)

            return carry

        lax.fori_loop(0, n_groups // 2, it_body, 0)
        plsc.subcore_barrier()

        pltpu.sync_copy(acc.at[pl.ds(s * zsl, zsl)],
                        out_acc.at[c, pl.ds(s * zsl, zsl)])

    return pl.kernel(
        body,
        out_type=tuple(outs),
        mesh=plsc.VectorSubcoreMesh(core_axis_name="c", subcore_axis_name="s"),
        scratch_types=tuple(scratch),
        compiler_params=pltpu.CompilerParams(use_tc_tiling_on_sc=False),
    )


def _p1(x, wcat_t, bm=2000):
    n, f_in = x.shape

    def body(x_ref, w_ref, z_ref, r_ref):
        res = jnp.dot(x_ref[...], w_ref[...], preferred_element_type=jnp.float32)
        pad = jnp.concatenate(
            [jnp.ones((bm, 1), jnp.float32), jnp.zeros((bm, 15), jnp.float32)],
            axis=1)
        z_ref[...] = jnp.concatenate([res[:, :16], pad], axis=1)
        r_ref[...] = res[:, 16:]

    return pl.pallas_call(
        body,
        grid=(n // bm,),
        in_specs=[pl.BlockSpec((bm, f_in), lambda i: (i, 0)),
                  pl.BlockSpec((f_in, 32), lambda i: (0, 0))],
        out_specs=[pl.BlockSpec((bm, 32), lambda i: (i, 0)),
                   pl.BlockSpec((bm, 16), lambda i: (i, 0))],
        out_shape=[jax.ShapeDtypeStruct((n, 32), jnp.float32),
                   jax.ShapeDtypeStruct((n, 16), jnp.float32)],
    )(x, wcat_t)


def _p2(parts, r, b1l, bm=2000):
    n = r.shape[0]

    def body(p_ref, r_ref, b_ref, h_ref, rcp_ref):
        tot = p_ref[0] + p_ref[1]
        rcp = 1.0 / jnp.maximum(tot[:, 16:17], 1.0)
        rcp16 = jnp.broadcast_to(rcp, (bm, 16))
        h_ref[...] = jnp.maximum(tot[:, :16] * rcp16 + b_ref[...] + r_ref[...],
                                 0.0)
        rcp_ref[...] = rcp16

    return pl.pallas_call(
        body,
        grid=(n // bm,),
        in_specs=[pl.BlockSpec((NC, bm, 32), lambda i: (0, i, 0)),
                  pl.BlockSpec((bm, 16), lambda i: (i, 0)),
                  pl.BlockSpec((1, 16), lambda i: (0, 0))],
        out_specs=[pl.BlockSpec((bm, 16), lambda i: (i, 0)),
                   pl.BlockSpec((bm, 16), lambda i: (i, 0))],
        out_shape=[jax.ShapeDtypeStruct((n, 16), jnp.float32),
                   jax.ShapeDtypeStruct((n, 16), jnp.float32)],
    )(parts, r, b1l)


def _p3(parts2, rcp, h, w2l_t, b2l, w2r_t, bm=2000):
    n = h.shape[0]
    c_out = w2l_t.shape[1]

    def body(p_ref, rcp_ref, h_ref, wl_ref, b_ref, wr_ref, o_ref):
        agg = (p_ref[0] + p_ref[1]) * rcp_ref[...]
        a = (jnp.dot(agg, wl_ref[...], preferred_element_type=jnp.float32)
             + jnp.dot(h_ref[...], wr_ref[...], preferred_element_type=jnp.float32)
             + b_ref[...])
        m = jnp.max(a, axis=1, keepdims=True)
        lse = m + jnp.log(jnp.sum(jnp.exp(a - m), axis=1, keepdims=True))
        o_ref[...] = a - lse

    return pl.pallas_call(
        body,
        grid=(n // bm,),
        in_specs=[pl.BlockSpec((NC, bm, 16), lambda i: (0, i, 0)),
                  pl.BlockSpec((bm, 16), lambda i: (i, 0)),
                  pl.BlockSpec((bm, 16), lambda i: (i, 0)),
                  pl.BlockSpec((16, c_out), lambda i: (0, 0)),
                  pl.BlockSpec((1, c_out), lambda i: (0, 0)),
                  pl.BlockSpec((16, c_out), lambda i: (0, 0))],
        out_specs=pl.BlockSpec((bm, c_out), lambda i: (i, 0)),
        out_shape=jax.ShapeDtypeStruct((n, c_out), jnp.float32),
    )(parts2, rcp, h, w2l_t, b2l, w2r_t)


def kernel(x, edge_index, edge_weight, W1l, b1l, W1r, W2l, b2l, W2r):
    n, f_in = x.shape
    e = edge_index.shape[1]

    k2 = 8
    quant = NW * CH * k2
    epad = -(-e // quant) * quant
    pad = epad - e
    src2d = jnp.concatenate(
        [edge_index[0], jnp.zeros((pad,), jnp.int32)]).reshape(-1, CH)
    dst2d = jnp.concatenate(
        [edge_index[1], jnp.full((pad,), n, jnp.int32)]).reshape(-1, CH)
    e2d_rows = epad // CH

    nacc = -(-(n + 1) // (NS * 8)) * NS * 8
    zeros32 = jnp.zeros((nacc, 32), jnp.float32)
    zeros16 = jnp.zeros((nacc, 16), jnp.float32)

    wcat_t = jnp.concatenate([W1l, W1r], axis=0).T

    z32, r = _p1(x, wcat_t)
    (parts,) = _make_agg(n, e2d_rows, k2, 32, split=0.8)(
        z32, src2d, dst2d, zeros32)
    h, rcp = _p2(parts, r, b1l.reshape(1, -1))
    (parts2,) = _make_agg(n, e2d_rows, k2, 16, split=0.8)(
        h, src2d, dst2d, zeros16)
    return _p3(parts2, rcp, h, W2l.T, b2l.reshape(1, -1), W2r.T)

# --- scband reference (transcript-rebuilt; emitter-appended) ---
"""Pipeline reference for scband-graph-sage-10471130267747 (READ-ONLY COPY).

The authoritative reference and input builder live on the scoring server;
editing this copy changes nothing except your own understanding.
"""

import jax, jax.numpy as jnp
import numpy as np

N, E, F_IN, H, C = 10000, 320000, 128, 16, 64


def setup_inputs(seed: int = 0) -> dict:
    key = jax.random.key(seed)
    ks = jax.random.split(key, 10)
    x = jax.random.normal(ks[0], (N, F_IN), dtype=jnp.float32)
    edge_index = jax.random.randint(ks[1], (2, E), 0, N, dtype=jnp.int32)
    edge_weight = jax.random.uniform(ks[2], (E,), dtype=jnp.float32)
    # SAGEConv layer 1: in=128 -> out=16. lin_l (with bias) applied to aggregated
    # neighbor features, lin_r (no bias) applied to root features.
    s1 = 1.0 / np.sqrt(F_IN)
    W1l = jax.random.uniform(ks[3], (H, F_IN), minval=-s1, maxval=s1, dtype=jnp.float32)
    b1l = jax.random.uniform(ks[4], (H,), minval=-s1, maxval=s1, dtype=jnp.float32)
    W1r = jax.random.uniform(ks[5], (H, F_IN), minval=-s1, maxval=s1, dtype=jnp.float32)
    # SAGEConv layer 2: in=16 -> out=64
    s2 = 1.0 / np.sqrt(H)
    W2l = jax.random.uniform(ks[6], (C, H), minval=-s2, maxval=s2, dtype=jnp.float32)
    b2l = jax.random.uniform(ks[7], (C,), minval=-s2, maxval=s2, dtype=jnp.float32)
    W2r = jax.random.uniform(ks[8], (C, H), minval=-s2, maxval=s2, dtype=jnp.float32)
    return {"x": x, "edge_index": edge_index, "edge_weight": edge_weight,
            "W1l": W1l, "b1l": b1l, "W1r": W1r,
            "W2l": W2l, "b2l": b2l, "W2r": W2r}


def _sage_conv(x, src, dst, Wl, bl, Wr):
    n = x.shape[0]
    msgs = jnp.take(x, src, axis=0)                       # gather source features
    agg = jax.ops.segment_sum(msgs, dst, num_segments=n)  # scatter-add to dst
    cnt = jax.ops.segment_sum(jnp.ones((msgs.shape[0], 1), dtype=x.dtype), dst, num_segments=n)
    agg = agg / jnp.clip(cnt, 1.0)                        # mean aggregation
    return agg @ Wl.T + bl + x @ Wr.T


def reference(x, edge_index, edge_weight, W1l, b1l, W1r, W2l, b2l, W2r):
    # eval mode: dropout is identity; edge_weight is unused by the module's forward
    src = edge_index[0]
    dst = edge_index[1]
    h = _sage_conv(x, src, dst, W1l, b1l, W1r)
    h = jax.nn.relu(h)
    out = _sage_conv(h, src, dst, W2l, b2l, W2r)
    return jax.nn.log_softmax(out, axis=1)

if __name__ == "__main__":
    import jax
    _d = setup_inputs()
    print(jax.jit(kernel)(*tuple(_d.values())))

</pallas_src>

<mosaic_0001>
#map = affine_map<(d0, d1) -> (0, 0)>
#map1 = affine_map<(d0, d1) -> (0, 0, 0)>
module attributes {stable_mosaic.version = 14 : i64} {
  func.func @body(%arg0: i32, %arg1: i32, %arg2: memref<10000x16xf32, #tpu.memory_space<hbm>>, %arg3: memref<2560x128xi32, #tpu.memory_space<hbm>>, %arg4: memref<2560x128xi32, #tpu.memory_space<hbm>>, %arg5: memref<10112x16xf32, #tpu.memory_space<hbm>>, %arg6: memref<2x10112x16xf32, #tpu.memory_space<hbm>>, %arg7: memref<8x128xi32, #tpu.memory_space<vmem>>, %arg8: memref<8x128xi32, #tpu.memory_space<vmem>>, %arg9: memref<1024x16xf32, #tpu.memory_space<vmem>>, %arg10: memref<8x128xi32, #tpu.memory_space<vmem>>, %arg11: memref<8x128xi32, #tpu.memory_space<vmem>>, %arg12: memref<1024x16xf32, #tpu.memory_space<vmem>>, %arg13: memref<10112x16xf32, #tpu.memory_space<vmem_shared>>, %arg14: memref<!tpu.dma_semaphore, #tpu.memory_space<semaphore_mem>>, %arg15: memref<!tpu.dma_semaphore, #tpu.memory_space<semaphore_mem>>, %arg16: memref<!tpu.dma_semaphore, #tpu.memory_space<semaphore_mem>>, %arg17: memref<!tpu.dma_semaphore, #tpu.memory_space<semaphore_mem>>) attributes {dimension_semantics = [#tpu.dimension_semantics<core_parallel>, #tpu.dimension_semantics<subcore_parallel>], iteration_bounds = array<i64: 2, 16>, scalar_prefetch = 0 : i64, scratch_operands = 11 : i64, tpu.core_type = #tpu.core_type<sc_vector_subcore>, window_params = [{transform_indices = #map}, {transform_indices = #map}, {transform_indices = #map}, {transform_indices = #map}, {transform_indices = #map1}]} {
    %eq3A = arith.constant 0 : i32
    %eq3A_0 = arith.cmpi eq, %arg0, %eq3A : i32
    %jit3A = arith.constant 16 : i32
    %jit3A_1 = arith.constant 4 : i32
    %select_n3A = arith.select %eq3A_0, %jit3A, %jit3A_1 : i32
    %mul3A = arith.constant 632 : i32
    %mul3A_2 = arith.muli %arg1, %mul3A : i32
    %mul3A_3 = arith.constant 632 : i32
    %mul3A_4 = arith.muli %arg1, %mul3A_3 : i32
    "tpu.region"() ({
      %run_scoped3A = tpu.sem_alloc : memref<!tpu.dma_semaphore, #tpu.memory_space<semaphore_mem>>
      %dma_start3A_208 = arith.constant 0 : i32
      %dma_start3A_209 = tpu.memref_slice %arg13[%mul3A_4, %dma_start3A_208] : memref<10112x16xf32, #tpu.memory_space<vmem_shared>> -> memref<632x16xf32, #tpu.memory_space<vmem_shared>>
      %dma_start3A_210 = arith.constant 0 : i32
      %dma_start3A_211 = tpu.memref_slice %arg5[%mul3A_2, %dma_start3A_210] : memref<10112x16xf32, #tpu.memory_space<hbm>> -> memref<632x16xf32, #tpu.memory_space<hbm>>
      tpu.enqueue_dma source(%dma_start3A_211 : memref<632x16xf32, #tpu.memory_space<hbm>>) target(%dma_start3A_209 : memref<632x16xf32, #tpu.memory_space<vmem_shared>>) target_semaphore(%run_scoped3A : memref<!tpu.dma_semaphore, #tpu.memory_space<semaphore_mem>>)
      %dma_wait3A = arith.constant 0 : i32
      %dma_wait3A_212 = tpu.memref_slice %arg13[%mul3A_4, %dma_wait3A] : memref<10112x16xf32, #tpu.memory_space<vmem_shared>> -> memref<632x16xf32, #tpu.memory_space<vmem_shared>>
      %dma_wait3A_213 = arith.constant 0 : i32
      %dma_wait3A_214 = tpu.memref_slice %arg5[%mul3A_2, %dma_wait3A_213] : memref<10112x16xf32, #tpu.memory_space<hbm>> -> memref<632x16xf32, #tpu.memory_space<hbm>>
      tpu.wait_dma2 semaphore(%run_scoped3A : memref<!tpu.dma_semaphore, #tpu.memory_space<semaphore_mem>>) src(%dma_wait3A_214 : memref<632x16xf32, #tpu.memory_space<hbm>>) dst(%dma_wait3A_212 : memref<632x16xf32, #tpu.memory_space<vmem_shared>>)
      tpu.yield
    }) : () -> ()
    %barrier3A = arith.constant 0 : index
    tpu.barrier barrier_id(%barrier3A)
    %eq3A_5 = arith.constant 0 : i32
    %eq3A_6 = arith.cmpi eq, %arg0, %eq3A_5 : i32
    %mul3A_7 = arith.constant 128 : i32
    %mul3A_8 = arith.muli %arg1, %mul3A_7 : i32
    %mul3A_9 = arith.constant 32 : i32
    %mul3A_10 = arith.muli %arg1, %mul3A_9 : i32
    %add3A = arith.constant 2048 : i32
    %add3A_11 = arith.addi %add3A, %mul3A_10 : i32
    %select_n3A_12 = arith.select %eq3A_6, %mul3A_8, %add3A_11 : i32
    %add3A_13 = arith.constant 0 : i32
    %add3A_14 = arith.addi %select_n3A_12, %add3A_13 : i32
    "tpu.region"() ({
      %run_scoped3A = tpu.sem_alloc : memref<!tpu.dma_semaphore, #tpu.memory_space<semaphore_mem>>
      %dma_start3A_208 = arith.constant 0 : i32
      %dma_start3A_209 = tpu.memref_slice %arg3[%add3A_14, %dma_start3A_208] : memref<2560x128xi32, #tpu.memory_space<hbm>> -> memref<8x128xi32, #tpu.memory_space<hbm>>
      %dma_start3A_210 = arith.constant 0 : i32
      %dma_start3A_211 = tpu.memref_slice %arg3[%add3A_14, %dma_start3A_210] : memref<2560x128xi32, #tpu.memory_space<hbm>> -> memref<8x128xi32, #tpu.memory_space<hbm>>
      tpu.enqueue_dma source(%dma_start3A_211 : memref<8x128xi32, #tpu.memory_space<hbm>>) target(%arg7 : memref<8x128xi32, #tpu.memory_space<vmem>>) target_semaphore(%run_scoped3A : memref<!tpu.dma_semaphore, #tpu.memory_space<semaphore_mem>>)
      %dma_wait3A = arith.constant 0 : i32
      %dma_wait3A_212 = tpu.memref_slice %arg3[%add3A_14, %dma_wait3A] : memref<2560x128xi32, #tpu.memory_space<hbm>> -> memref<8x128xi32, #tpu.memory_space<hbm>>
      %dma_wait3A_213 = arith.constant 0 : i32
      %dma_wait3A_214 = tpu.memref_slice %arg3[%add3A_14, %dma_wait3A_213] : memref<2560x128xi32, #tpu.memory_space<hbm>> -> memref<8x128xi32, #tpu.memory_space<hbm>>
      tpu.wait_dma2 semaphore(%run_scoped3A : memref<!tpu.dma_semaphore, #tpu.memory_space<semaphore_mem>>) src(%dma_wait3A_214 : memref<8x128xi32, #tpu.memory_space<hbm>>) dst(%arg7 : memref<8x128xi32, #tpu.memory_space<vmem>>)
      tpu.yield
    }) : () -> ()
    "tpu.region"() ({
      %run_scoped3A = tpu.sem_alloc : memref<!tpu.dma_semaphore, #tpu.memory_space<semaphore_mem>>
      %dma_start3A_208 = arith.constant 0 : i32
      %dma_start3A_209 = tpu.memref_slice %arg4[%add3A_14, %dma_start3A_208] : memref<2560x128xi32, #tpu.memory_space<hbm>> -> memref<8x128xi32, #tpu.memory_space<hbm>>
      %dma_start3A_210 = arith.constant 0 : i32
      %dma_start3A_211 = tpu.memref_slice %arg4[%add3A_14, %dma_start3A_210] : memref<2560x128xi32, #tpu.memory_space<hbm>> -> memref<8x128xi32, #tpu.memory_space<hbm>>
      tpu.enqueue_dma source(%dma_start3A_211 : memref<8x128xi32, #tpu.memory_space<hbm>>) target(%arg8 : memref<8x128xi32, #tpu.memory_space<vmem>>) target_semaphore(%run_scoped3A : memref<!tpu.dma_semaphore, #tpu.memory_space<semaphore_mem>>)
      %dma_wait3A = arith.constant 0 : i32
      %dma_wait3A_212 = tpu.memref_slice %arg4[%add3A_14, %dma_wait3A] : memref<2560x128xi32, #tpu.memory_space<hbm>> -> memref<8x128xi32, #tpu.memory_space<hbm>>
      %dma_wait3A_213 = arith.constant 0 : i32
      %dma_wait3A_214 = tpu.memref_slice %arg4[%add3A_14, %dma_wait3A_213] : memref<2560x128xi32, #tpu.memory_space<hbm>> -> memref<8x128xi32, #tpu.memory_space<hbm>>
      tpu.wait_dma2 semaphore(%run_scoped3A : memref<!tpu.dma_semaphore, #tpu.memory_space<semaphore_mem>>) src(%dma_wait3A_214 : memref<8x128xi32, #tpu.memory_space<hbm>>) dst(%arg8 : memref<8x128xi32, #tpu.memory_space<vmem>>)
      tpu.yield
    }) : () -> ()
    %dma_start3A = arith.constant 0 : i32
    %dma_start3A_15 = arith.constant 0 : i32
    %dma_start3A_16 = arith.constant 0 : i32
    %dma_start3A_17 = tpu.memref_slice %arg9[%dma_start3A_15, %dma_start3A_16] : memref<1024x16xf32, #tpu.memory_space<vmem>> -> memref<128x16xf32, #tpu.memory_space<vmem>>
    %dma_start3A_18 = arith.constant 0 : i32
    %dma_start3A_19 = tpu.memref_slice %arg7[%dma_start3A, %dma_start3A_18] : memref<8x128xi32, #tpu.memory_space<vmem>> -> memref<1x128xi32, #tpu.memory_space<vmem>>
    %dma_start3A_20 = tpu.memref_squeeze %dma_start3A_19 : memref<1x128xi32, #tpu.memory_space<vmem>> -> memref<128xi32, #tpu.memory_space<vmem>>
    %dma_start3A_21 = arith.constant 0 : i32
    %dma_start3A_22 = arith.constant 0 : i32
    %dma_start3A_23 = tpu.memref_slice %arg2[%dma_start3A_21, %dma_start3A_22] : memref<10000x16xf32, #tpu.memory_space<hbm>> -> memref<10000x16xf32, #tpu.memory_space<hbm>>
    tpu.enqueue_indirect_dma source(%dma_start3A_23 : memref<10000x16xf32, #tpu.memory_space<hbm>>) target(%dma_start3A_17 : memref<128x16xf32, #tpu.memory_space<vmem>>) offsets(%dma_start3A_20 : memref<128xi32, #tpu.memory_space<vmem>>) semaphore(%arg14 : memref<!tpu.dma_semaphore, #tpu.memory_space<semaphore_mem>>)
    %dma_start3A_24 = arith.constant 1 : i32
    %dma_start3A_25 = arith.constant 128 : i32
    %dma_start3A_26 = arith.constant 0 : i32
    %dma_start3A_27 = tpu.memref_slice %arg9[%dma_start3A_25, %dma_start3A_26] : memref<1024x16xf32, #tpu.memory_space<vmem>> -> memref<128x16xf32, #tpu.memory_space<vmem>>
    %dma_start3A_28 = arith.constant 0 : i32
    %dma_start3A_29 = tpu.memref_slice %arg7[%dma_start3A_24, %dma_start3A_28] : memref<8x128xi32, #tpu.memory_space<vmem>> -> memref<1x128xi32, #tpu.memory_space<vmem>>
    %dma_start3A_30 = tpu.memref_squeeze %dma_start3A_29 : memref<1x128xi32, #tpu.memory_space<vmem>> -> memref<128xi32, #tpu.memory_space<vmem>>
    %dma_start3A_31 = arith.constant 0 : i32
    %dma_start3A_32 = arith.constant 0 : i32
    %dma_start3A_33 = tpu.memref_slice %arg2[%dma_start3A_31, %dma_start3A_32] : memref<10000x16xf32, #tpu.memory_space<hbm>> -> memref<10000x16xf32, #tpu.memory_space<hbm>>
    tpu.enqueue_indirect_dma source(%dma_start3A_33 : memref<10000x16xf32, #tpu.memory_space<hbm>>) target(%dma_start3A_27 : memref<128x16xf32, #tpu.memory_space<vmem>>) offsets(%dma_start3A_30 : memref<128xi32, #tpu.memory_space<vmem>>) semaphore(%arg14 : memref<!tpu.dma_semaphore, #tpu.memory_space<semaphore_mem>>)
    %dma_start3A_34 = arith.constant 2 : i32
    %dma_start3A_35 = arith.constant 256 : i32
    %dma_start3A_36 = arith.constant 0 : i32
    %dma_start3A_37 = tpu.memref_slice %arg9[%dma_start3A_35, %dma_start3A_36] : memref<1024x16xf32, #tpu.memory_space<vmem>> -> memref<128x16xf32, #tpu.memory_space<vmem>>
    %dma_start3A_38 = arith.constant 0 : i32
    %dma_start3A_39 = tpu.memref_slice %arg7[%dma_start3A_34, %dma_start3A_38] : memref<8x128xi32, #tpu.memory_space<vmem>> -> memref<1x128xi32, #tpu.memory_space<vmem>>
    %dma_start3A_40 = tpu.memref_squeeze %dma_start3A_39 : memref<1x128xi32, #tpu.memory_space<vmem>> -> memref<128xi32, #tpu.memory_space<vmem>>
    %dma_start3A_41 = arith.constant 0 : i32
    %dma_start3A_42 = arith.constant 0 : i32
    %dma_start3A_43 = tpu.memref_slice %arg2[%dma_start3A_41, %dma_start3A_42] : memref<10000x16xf32, #tpu.memory_space<hbm>> -> memref<10000x16xf32, #tpu.memory_space<hbm>>
    tpu.enqueue_indirect_dma source(%dma_start3A_43 : memref<10000x16xf32, #tpu.memory_space<hbm>>) target(%dma_start3A_37 : memref<128x16xf32, #tpu.memory_space<vmem>>) offsets(%dma_start3A_40 : memref<128xi32, #tpu.memory_space<vmem>>) semaphore(%arg14 : memref<!tpu.dma_semaphore, #tpu.memory_space<semaphore_mem>>)
    %dma_start3A_44 = arith.constant 3 : i32
    %dma_start3A_45 = arith.constant 384 : i32
    %dma_start3A_46 = arith.constant 0 : i32
    %dma_start3A_47 = tpu.memref_slice %arg9[%dma_start3A_45, %dma_start3A_46] : memref<1024x16xf32, #tpu.memory_space<vmem>> -> memref<128x16xf32, #tpu.memory_space<vmem>>
    %dma_start3A_48 = arith.constant 0 : i32
    %dma_start3A_49 = tpu.memref_slice %arg7[%dma_start3A_44, %dma_start3A_48] : memref<8x128xi32, #tpu.memory_space<vmem>> -> memref<1x128xi32, #tpu.memory_space<vmem>>
    %dma_start3A_50 = tpu.memref_squeeze %dma_start3A_49 : memref<1x128xi32, #tpu.memory_space<vmem>> -> memref<128xi32, #tpu.memory_space<vmem>>
    %dma_start3A_51 = arith.constant 0 : i32
    %dma_start3A_52 = arith.constant 0 : i32
    %dma_start3A_53 = tpu.memref_slice %arg2[%dma_start3A_51, %dma_start3A_52] : memref<10000x16xf32, #tpu.memory_space<hbm>> -> memref<10000x16xf32, #tpu.memory_space<hbm>>
    tpu.enqueue_indirect_dma source(%dma_start3A_53 : memref<10000x16xf32, #tpu.memory_space<hbm>>) target(%dma_start3A_47 : memref<128x16xf32, #tpu.memory_space<vmem>>) offsets(%dma_start3A_50 : memref<128xi32, #tpu.memory_space<vmem>>) semaphore(%arg14 : memref<!tpu.dma_semaphore, #tpu.memory_space<semaphore_mem>>)
    %dma_start3A_54 = arith.constant 4 : i32
    %dma_start3A_55 = arith.constant 512 : i32
    %dma_start3A_56 = arith.constant 0 : i32
    %dma_start3A_57 = tpu.memref_slice %arg9[%dma_start3A_55, %dma_start3A_56] : memref<1024x16xf32, #tpu.memory_space<vmem>> -> memref<128x16xf32, #tpu.memory_space<vmem>>
    %dma_start3A_58 = arith.constant 0 : i32
    %dma_start3A_59 = tpu.memref_slice %arg7[%dma_start3A_54, %dma_start3A_58] : memref<8x128xi32, #tpu.memory_space<vmem>> -> memref<1x128xi32, #tpu.memory_space<vmem>>
    %dma_start3A_60 = tpu.memref_squeeze %dma_start3A_59 : memref<1x128xi32, #tpu.memory_space<vmem>> -> memref<128xi32, #tpu.memory_space<vmem>>
    %dma_start3A_61 = arith.constant 0 : i32
    %dma_start3A_62 = arith.constant 0 : i32
    %dma_start3A_63 = tpu.memref_slice %arg2[%dma_start3A_61, %dma_start3A_62] : memref<10000x16xf32, #tpu.memory_space<hbm>> -> memref<10000x16xf32, #tpu.memory_space<hbm>>
    tpu.enqueue_indirect_dma source(%dma_start3A_63 : memref<10000x16xf32, #tpu.memory_space<hbm>>) target(%dma_start3A_57 : memref<128x16xf32, #tpu.memory_space<vmem>>) offsets(%dma_start3A_60 : memref<128xi32, #tpu.memory_space<vmem>>) semaphore(%arg14 : memref<!tpu.dma_semaphore, #tpu.memory_space<semaphore_mem>>)
    %dma_start3A_64 = arith.constant 5 : i32
    %dma_start3A_65 = arith.constant 640 : i32
    %dma_start3A_66 = arith.constant 0 : i32
    %dma_start3A_67 = tpu.memref_slice %arg9[%dma_start3A_65, %dma_start3A_66] : memref<1024x16xf32, #tpu.memory_space<vmem>> -> memref<128x16xf32, #tpu.memory_space<vmem>>
    %dma_start3A_68 = arith.constant 0 : i32
    %dma_start3A_69 = tpu.memref_slice %arg7[%dma_start3A_64, %dma_start3A_68] : memref<8x128xi32, #tpu.memory_space<vmem>> -> memref<1x128xi32, #tpu.memory_space<vmem>>
    %dma_start3A_70 = tpu.memref_squeeze %dma_start3A_69 : memref<1x128xi32, #tpu.memory_space<vmem>> -> memref<128xi32, #tpu.memory_space<vmem>>
    %dma_start3A_71 = arith.constant 0 : i32
    %dma_start3A_72 = arith.constant 0 : i32
    %dma_start3A_73 = tpu.memref_slice %arg2[%dma_start3A_71, %dma_start3A_72] : memref<10000x16xf32, #tpu.memory_space<hbm>> -> memref<10000x16xf32, #tpu.memory_space<hbm>>
    tpu.enqueue_indirect_dma source(%dma_start3A_73 : memref<10000x16xf32, #tpu.memory_space<hbm>>) target(%dma_start3A_67 : memref<128x16xf32, #tpu.memory_space<vmem>>) offsets(%dma_start3A_70 : memref<128xi32, #tpu.memory_space<vmem>>) semaphore(%arg14 : memref<!tpu.dma_semaphore, #tpu.memory_space<semaphore_mem>>)
    %dma_start3A_74 = arith.constant 6 : i32
    %dma_start3A_75 = arith.constant 768 : i32
    %dma_start3A_76 = arith.constant 0 : i32
    %dma_start3A_77 = tpu.memref_slice %arg9[%dma_start3A_75, %dma_start3A_76] : memref<1024x16xf32, #tpu.memory_space<vmem>> -> memref<128x16xf32, #tpu.memory_space<vmem>>
    %dma_start3A_78 = arith.constant 0 : i32
    %dma_start3A_79 = tpu.memref_slice %arg7[%dma_start3A_74, %dma_start3A_78] : memref<8x128xi32, #tpu.memory_space<vmem>> -> memref<1x128xi32, #tpu.memory_space<vmem>>
    %dma_start3A_80 = tpu.memref_squeeze %dma_start3A_79 : memref<1x128xi32, #tpu.memory_space<vmem>> -> memref<128xi32, #tpu.memory_space<vmem>>
    %dma_start3A_81 = arith.constant 0 : i32
    %dma_start3A_82 = arith.constant 0 : i32
    %dma_start3A_83 = tpu.memref_slice %arg2[%dma_start3A_81, %dma_start3A_82] : memref<10000x16xf32, #tpu.memory_space<hbm>> -> memref<10000x16xf32, #tpu.memory_space<hbm>>
    tpu.enqueue_indirect_dma source(%dma_start3A_83 : memref<10000x16xf32, #tpu.memory_space<hbm>>) target(%dma_start3A_77 : memref<128x16xf32, #tpu.memory_space<vmem>>) offsets(%dma_start3A_80 : memref<128xi32, #tpu.memory_space<vmem>>) semaphore(%arg14 : memref<!tpu.dma_semaphore, #tpu.memory_space<semaphore_mem>>)
    %dma_start3A_84 = arith.constant 7 : i32
    %dma_start3A_85 = arith.constant 896 : i32
    %dma_start3A_86 = arith.constant 0 : i32
    %dma_start3A_87 = tpu.memref_slice %arg9[%dma_start3A_85, %dma_start3A_86] : memref<1024x16xf32, #tpu.memory_space<vmem>> -> memref<128x16xf32, #tpu.memory_space<vmem>>
    %dma_start3A_88 = arith.constant 0 : i32
    %dma_start3A_89 = tpu.memref_slice %arg7[%dma_start3A_84, %dma_start3A_88] : memref<8x128xi32, #tpu.memory_space<vmem>> -> memref<1x128xi32, #tpu.memory_space<vmem>>
    %dma_start3A_90 = tpu.memref_squeeze %dma_start3A_89 : memref<1x128xi32, #tpu.memory_space<vmem>> -> memref<128xi32, #tpu.memory_space<vmem>>
    %dma_start3A_91 = arith.constant 0 : i32
    %dma_start3A_92 = arith.constant 0 : i32
    %dma_start3A_93 = tpu.memref_slice %arg2[%dma_start3A_91, %dma_start3A_92] : memref<10000x16xf32, #tpu.memory_space<hbm>> -> memref<10000x16xf32, #tpu.memory_space<hbm>>
    tpu.enqueue_indirect_dma source(%dma_start3A_93 : memref<10000x16xf32, #tpu.memory_space<hbm>>) target(%dma_start3A_87 : memref<128x16xf32, #tpu.memory_space<vmem>>) offsets(%dma_start3A_90 : memref<128xi32, #tpu.memory_space<vmem>>) semaphore(%arg14 : memref<!tpu.dma_semaphore, #tpu.memory_space<semaphore_mem>>)
    %add3A_94 = arith.constant 8 : i32
    %add3A_95 = arith.addi %select_n3A_12, %add3A_94 : i32
    "tpu.region"() ({
      %run_scoped3A = tpu.sem_alloc : memref<!tpu.dma_semaphore, #tpu.memory_space<semaphore_mem>>
      %dma_start3A_208 = arith.constant 0 : i32
      %dma_start3A_209 = tpu.memref_slice %arg3[%add3A_95, %dma_start3A_208] : memref<2560x128xi32, #tpu.memory_space<hbm>> -> memref<8x128xi32, #tpu.memory_space<hbm>>
      %dma_start3A_210 = arith.constant 0 : i32
      %dma_start3A_211 = tpu.memref_slice %arg3[%add3A_95, %dma_start3A_210] : memref<2560x128xi32, #tpu.memory_space<hbm>> -> memref<8x128xi32, #tpu.memory_space<hbm>>
      tpu.enqueue_dma source(%dma_start3A_211 : memref<8x128xi32, #tpu.memory_space<hbm>>) target(%arg10 : memref<8x128xi32, #tpu.memory_space<vmem>>) target_semaphore(%run_scoped3A : memref<!tpu.dma_semaphore, #tpu.memory_space<semaphore_mem>>)
      %dma_wait3A = arith.constant 0 : i32
      %dma_wait3A_212 = tpu.memref_slice %arg3[%add3A_95, %dma_wait3A] : memref<2560x128xi32, #tpu.memory_space<hbm>> -> memref<8x128xi32, #tpu.memory_space<hbm>>
      %dma_wait3A_213 = arith.constant 0 : i32
      %dma_wait3A_214 = tpu.memref_slice %arg3[%add3A_95, %dma_wait3A_213] : memref<2560x128xi32, #tpu.memory_space<hbm>> -> memref<8x128xi32, #tpu.memory_space<hbm>>
      tpu.wait_dma2 semaphore(%run_scoped3A : memref<!tpu.dma_semaphore, #tpu.memory_space<semaphore_mem>>) src(%dma_wait3A_214 : memref<8x128xi32, #tpu.memory_space<hbm>>) dst(%arg10 : memref<8x128xi32, #tpu.memory_space<vmem>>)
      tpu.yield
    }) : () -> ()
    "tpu.region"() ({
      %run_scoped3A = tpu.sem_alloc : memref<!tpu.dma_semaphore, #tpu.memory_space<semaphore_mem>>
      %dma_start3A_208 = arith.constant 0 : i32
      %dma_start3A_209 = tpu.memref_slice %arg4[%add3A_95, %dma_start3A_208] : memref<2560x128xi32, #tpu.memory_space<hbm>> -> memref<8x128xi32, #tpu.memory_space<hbm>>
      %dma_start3A_210 = arith.constant 0 : i32
      %dma_start3A_211 = tpu.memref_slice %arg4[%add3A_95, %dma_start3A_210] : memref<2560x128xi32, #tpu.memory_space<hbm>> -> memref<8x128xi32, #tpu.memory_space<hbm>>
      tpu.enqueue_dma source(%dma_start3A_211 : memref<8x128xi32, #tpu.memory_space<hbm>>) target(%arg11 : memref<8x128xi32, #tpu.memory_space<vmem>>) target_semaphore(%run_scoped3A : memref<!tpu.dma_semaphore, #tpu.memory_space<semaphore_mem>>)
      %dma_wait3A = arith.constant 0 : i32
      %dma_wait3A_212 = tpu.memref_slice %arg4[%add3A_95, %dma_wait3A] : memref<2560x128xi32, #tpu.memory_space<hbm>> -> memref<8x128xi32, #tpu.memory_space<hbm>>
      %dma_wait3A_213 = arith.constant 0 : i32
      %dma_wait3A_214 = tpu.memref_slice %arg4[%add3A_95, %dma_wait3A_213] : memref<2560x128xi32, #tpu.memory_space<hbm>> -> memref<8x128xi32, #tpu.memory_space<hbm>>
      tpu.wait_dma2 semaphore(%run_scoped3A : memref<!tpu.dma_semaphore, #tpu.memory_space<semaphore_mem>>) src(%dma_wait3A_214 : memref<8x128xi32, #tpu.memory_space<hbm>>) dst(%arg11 : memref<8x128xi32, #tpu.memory_space<vmem>>)
      tpu.yield
    }) : () -> ()
    %dma_start3A_96 = arith.constant 0 : i32
    %dma_start3A_97 = arith.constant 0 : i32
    %dma_start3A_98 = arith.constant 0 : i32
    %dma_start3A_99 = tpu.memref_slice %arg12[%dma_start3A_97, %dma_start3A_98] : memref<1024x16xf32, #tpu.memory_space<vmem>> -> memref<128x16xf32, #tpu.memory_space<vmem>>
    %dma_start3A_100 = arith.constant 0 : i32
    %dma_start3A_101 = tpu.memref_slice %arg10[%dma_start3A_96, %dma_start3A_100] : memref<8x128xi32, #tpu.memory_space<vmem>> -> memref<1x128xi32, #tpu.memory_space<vmem>>
    %dma_start3A_102 = tpu.memref_squeeze %dma_start3A_101 : memref<1x128xi32, #tpu.memory_space<vmem>> -> memref<128xi32, #tpu.memory_space<vmem>>
    %dma_start3A_103 = arith.constant 0 : i32
    %dma_start3A_104 = arith.constant 0 : i32
    %dma_start3A_105 = tpu.memref_slice %arg2[%dma_start3A_103, %dma_start3A_104] : memref<10000x16xf32, #tpu.memory_space<hbm>> -> memref<10000x16xf32, #tpu.memory_space<hbm>>
    tpu.enqueue_indirect_dma source(%dma_start3A_105 : memref<10000x16xf32, #tpu.memory_space<hbm>>) target(%dma_start3A_99 : memref<128x16xf32, #tpu.memory_space<vmem>>) offsets(%dma_start3A_102 : memref<128xi32, #tpu.memory_space<vmem>>) semaphore(%arg15 : memref<!tpu.dma_semaphore, #tpu.memory_space<semaphore_mem>>)
    %dma_start3A_106 = arith.constant 1 : i32
    %dma_start3A_107 = arith.constant 128 : i32
    %dma_start3A_108 = arith.constant 0 : i32
    %dma_start3A_109 = tpu.memref_slice %arg12[%dma_start3A_107, %dma_start3A_108] : memref<1024x16xf32, #tpu.memory_space<vmem>> -> memref<128x16xf32, #tpu.memory_space<vmem>>
    %dma_start3A_110 = arith.constant 0 : i32
    %dma_start3A_111 = tpu.memref_slice %arg10[%dma_start3A_106, %dma_start3A_110] : memref<8x128xi32, #tpu.memory_space<vmem>> -> memref<1x128xi32, #tpu.memory_space<vmem>>
    %dma_start3A_112 = tpu.memref_squeeze %dma_start3A_111 : memref<1x128xi32, #tpu.memory_space<vmem>> -> memref<128xi32, #tpu.memory_space<vmem>>
    %dma_start3A_113 = arith.constant 0 : i32
    %dma_start3A_114 = arith.constant 0 : i32
    %dma_start3A_115 = tpu.memref_slice %arg2[%dma_start3A_113, %dma_start3A_114] : memref<10000x16xf32, #tpu.memory_space<hbm>> -> memref<10000x16xf32, #tpu.memory_space<hbm>>
    tpu.enqueue_indirect_dma source(%dma_start3A_115 : memref<10000x16xf32, #tpu.memory_space<hbm>>) target(%dma_start3A_109 : memref<128x16xf32, #tpu.memory_space<vmem>>) offsets(%dma_start3A_112 : memref<128xi32, #tpu.memory_space<vmem>>) semaphore(%arg15 : memref<!tpu.dma_semaphore, #tpu.memory_space<semaphore_mem>>)
    %dma_start3A_116 = arith.constant 2 : i32
    %dma_start3A_117 = arith.constant 256 : i32
    %dma_start3A_118 = arith.constant 0 : i32
    %dma_start3A_119 = tpu.memref_slice %arg12[%dma_start3A_117, %dma_start3A_118] : memref<1024x16xf32, #tpu.memory_space<vmem>> -> memref<128x16xf32, #tpu.memory_space<vmem>>
    %dma_start3A_120 = arith.constant 0 : i32
    %dma_start3A_121 = tpu.memref_slice %arg10[%dma_start3A_116, %dma_start3A_120] : memref<8x128xi32, #tpu.memory_space<vmem>> -> memref<1x128xi32, #tpu.memory_space<vmem>>
    %dma_start3A_122 = tpu.memref_squeeze %dma_start3A_121 : memref<1x128xi32, #tpu.memory_space<vmem>> -> memref<128xi32, #tpu.memory_space<vmem>>
    %dma_start3A_123 = arith.constant 0 : i32
    %dma_start3A_124 = arith.constant 0 : i32
    %dma_start3A_125 = tpu.memref_slice %arg2[%dma_start3A_123, %dma_start3A_124] : memref<10000x16xf32, #tpu.memory_space<hbm>> -> memref<10000x16xf32, #tpu.memory_space<hbm>>
    tpu.enqueue_indirect_dma source(%dma_start3A_125 : memref<10000x16xf32, #tpu.memory_space<hbm>>) target(%dma_start3A_119 : memref<128x16xf32, #tpu.memory_space<vmem>>) offsets(%dma_start3A_122 : memref<128xi32, #tpu.memory_space<vmem>>) semaphore(%arg15 : memref<!tpu.dma_semaphore, #tpu.memory_space<semaphore_mem>>)
    %dma_start3A_126 = arith.constant 3 : i32
    %dma_start3A_127 = arith.constant 384 : i32
    %dma_start3A_128 = arith.constant 0 : i32
    %dma_start3A_129 = tpu.memref_slice %arg12[%dma_start3A_127, %dma_start3A_128] : memref<1024x16xf32, #tpu.memory_space<vmem>> -> memref<128x16xf32, #tpu.memory_space<vmem>>
    %dma_start3A_130 = arith.constant 0 : i32
    %dma_start3A_131 = tpu.memref_slice %arg10[%dma_start3A_126, %dma_start3A_130] : memref<8x128xi32, #tpu.memory_space<vmem>> -> memref<1x128xi32, #tpu.memory_space<vmem>>
    %dma_start3A_132 = tpu.memref_squeeze %dma_start3A_131 : memref<1x128xi32, #tpu.memory_space<vmem>> -> memref<128xi32, #tpu.memory_space<vmem>>
    %dma_start3A_133 = arith.constant 0 : i32
    %dma_start3A_134 = arith.constant 0 : i32
    %dma_start3A_135 = tpu.memref_slice %arg2[%dma_start3A_133, %dma_start3A_134] : memref<10000x16xf32, #tpu.memory_space<hbm>> -> memref<10000x16xf32, #tpu.memory_space<hbm>>
    tpu.enqueue_indirect_dma source(%dma_start3A_135 : memref<10000x16xf32, #tpu.memory_space<hbm>>) target(%dma_start3A_129 : memref<128x16xf32, #tpu.memory_space<vmem>>) offsets(%dma_start3A_132 : memref<128xi32, #tpu.memory_space<vmem>>) semaphore(%arg15 : memref<!tpu.dma_semaphore, #tpu.memory_space<semaphore_mem>>)
    %dma_start3A_136 = arith.constant 4 : i32
    %dma_start3A_137 = arith.constant 512 : i32
    %dma_start3A_138 = arith.constant 0 : i32
    %dma_start3A_139 = tpu.memref_slice %arg12[%dma_start3A_137, %dma_start3A_138] : memref<1024x16xf32, #tpu.memory_space<vmem>> -> memref<128x16xf32, #tpu.memory_space<vmem>>
    %dma_start3A_140 = arith.constant 0 : i32
    %dma_start3A_141 = tpu.memref_slice %arg10[%dma_start3A_136, %dma_start3A_140] : memref<8x128xi32, #tpu.memory_space<vmem>> -> memref<1x128xi32, #tpu.memory_space<vmem>>
    %dma_start3A_142 = tpu.memref_squeeze %dma_start3A_141 : memref<1x128xi32, #tpu.memory_space<vmem>> -> memref<128xi32, #tpu.memory_space<vmem>>
    %dma_start3A_143 = arith.constant 0 : i32
    %dma_start3A_144 = arith.constant 0 : i32
    %dma_start3A_145 = tpu.memref_slice %arg2[%dma_start3A_143, %dma_start3A_144] : memref<10000x16xf32, #tpu.memory_space<hbm>> -> memref<10000x16xf32, #tpu.memory_space<hbm>>
    tpu.enqueue_indirect_dma source(%dma_start3A_145 : memref<10000x16xf32, #tpu.memory_space<hbm>>) target(%dma_start3A_139 : memref<128x16xf32, #tpu.memory_space<vmem>>) offsets(%dma_start3A_142 : memref<128xi32, #tpu.memory_space<vmem>>) semaphore(%arg15 : memref<!tpu.dma_semaphore, #tpu.memory_space<semaphore_mem>>)
    %dma_start3A_146 = arith.constant 5 : i32
    %dma_start3A_147 = arith.constant 640 : i32
    %dma_start3A_148 = arith.constant 0 : i32
    %dma_start3A_149 = tpu.memref_slice %arg12[%dma_start3A_147, %dma_start3A_148] : memref<1024x16xf32, #tpu.memory_space<vmem>> -> memref<128x16xf32, #tpu.memory_space<vmem>>
    %dma_start3A_150 = arith.constant 0 : i32
    %dma_start3A_151 = tpu.memref_slice %arg10[%dma_start3A_146, %dma_start3A_150] : memref<8x128xi32, #tpu.memory_space<vmem>> -> memref<1x128xi32, #tpu.memory_space<vmem>>
    %dma_start3A_152 = tpu.memref_squeeze %dma_start3A_151 : memref<1x128xi32, #tpu.memory_space<vmem>> -> memref<128xi32, #tpu.memory_space<vmem>>
    %dma_start3A_153 = arith.constant 0 : i32
    %dma_start3A_154 = arith.constant 0 : i32
    %dma_start3A_155 = tpu.memref_slice %arg2[%dma_start3A_153, %dma_start3A_154] : memref<10000x16xf32, #tpu.memory_space<hbm>> -> memref<10000x16xf32, #tpu.memory_space<hbm>>
    tpu.enqueue_indirect_dma source(%dma_start3A_155 : memref<10000x16xf32, #tpu.memory_space<hbm>>) target(%dma_start3A_149 : memref<128x16xf32, #tpu.memory_space<vmem>>) offsets(%dma_start3A_152 : memref<128xi32, #tpu.memory_space<vmem>>) semaphore(%arg15 : memref<!tpu.dma_semaphore, #tpu.memory_space<semaphore_mem>>)
    %dma_start3A_156 = arith.constant 6 : i32
    %dma_start3A_157 = arith.constant 768 : i32
    %dma_start3A_158 = arith.constant 0 : i32
    %dma_start3A_159 = tpu.memref_slice %arg12[%dma_start3A_157, %dma_start3A_158] : memref<1024x16xf32, #tpu.memory_space<vmem>> -> memref<128x16xf32, #tpu.memory_space<vmem>>
    %dma_start3A_160 = arith.constant 0 : i32
    %dma_start3A_161 = tpu.memref_slice %arg10[%dma_start3A_156, %dma_start3A_160] : memref<8x128xi32, #tpu.memory_space<vmem>> -> memref<1x128xi32, #tpu.memory_space<vmem>>
    %dma_start3A_162 = tpu.memref_squeeze %dma_start3A_161 : memref<1x128xi32, #tpu.memory_space<vmem>> -> memref<128xi32, #tpu.memory_space<vmem>>
    %dma_start3A_163 = arith.constant 0 : i32
    %dma_start3A_164 = arith.constant 0 : i32
    %dma_start3A_165 = tpu.memref_slice %arg2[%dma_start3A_163, %dma_start3A_164] : memref<10000x16xf32, #tpu.memory_space<hbm>> -> memref<10000x16xf32, #tpu.memory_space<hbm>>
    tpu.enqueue_indirect_dma source(%dma_start3A_165 : memref<10000x16xf32, #tpu.memory_space<hbm>>) target(%dma_start3A_159 : memref<128x16xf32, #tpu.memory_space<vmem>>) offsets(%dma_start3A_162 : memref<128xi32, #tpu.memory_space<vmem>>) semaphore(%arg15 : memref<!tpu.dma_semaphore, #tpu.memory_space<semaphore_mem>>)
    %dma_start3A_166 = arith.constant 7 : i32
    %dma_start3A_167 = arith.constant 896 : i32
    %dma_start3A_168 = arith.constant 0 : i32
    %dma_start3A_169 = tpu.memref_slice %arg12[%dma_start3A_167, %dma_start3A_168] : memref<1024x16xf32, #tpu.memory_space<vmem>> -> memref<128x16xf32, #tpu.memory_space<vmem>>
    %dma_start3A_170 = arith.constant 0 : i32
    %dma_start3A_171 = tpu.memref_slice %arg10[%dma_start3A_166, %dma_start3A_170] : memref<8x128xi32, #tpu.memory_space<vmem>> -> memref<1x128xi32, #tpu.memory_space<vmem>>
    %dma_start3A_172 = tpu.memref_squeeze %dma_start3A_171 : memref<1x128xi32, #tpu.memory_space<vmem>> -> memref<128xi32, #tpu.memory_space<vmem>>
    %dma_start3A_173 = arith.constant 0 : i32
    %dma_start3A_174 = arith.constant 0 : i32
    %dma_start3A_175 = tpu.memref_slice %arg2[%dma_start3A_173, %dma_start3A_174] : memref<10000x16xf32, #tpu.memory_space<hbm>> -> memref<10000x16xf32, #tpu.memory_space<hbm>>
    tpu.enqueue_indirect_dma source(%dma_start3A_175 : memref<10000x16xf32, #tpu.memory_space<hbm>>) target(%dma_start3A_169 : memref<128x16xf32, #tpu.memory_space<vmem>>) offsets(%dma_start3A_172 : memref<128xi32, #tpu.memory_space<vmem>>) semaphore(%arg15 : memref<!tpu.dma_semaphore, #tpu.memory_space<semaphore_mem>>)
    %jit3A_176 = arith.constant 2 : i32
    %div3A = arith.divsi %select_n3A, %jit3A_176 : i32
    %sign3A = arith.constant 0 : i32
    %sign3A_177 = arith.cmpi sgt, %select_n3A, %sign3A : i32
    %sign3A_178 = arith.extui %sign3A_177 : i1 to i32
    %sign3A_179 = arith.constant 0 : i32
    %sign3A_180 = arith.cmpi slt, %select_n3A, %sign3A_179 : i32
    %sign3A_181 = arith.extui %sign3A_180 : i1 to i32
    %sign3A_182 = arith.subi %sign3A_178, %sign3A_181 : i32
    %sign3A_183 = arith.constant 0 : i32
    %sign3A_184 = arith.cmpi sgt, %jit3A_176, %sign3A_183 : i32
    %sign3A_185 = arith.extui %sign3A_184 : i1 to i32
    %sign3A_186 = arith.constant 0 : i32
    %sign3A_187 = arith.cmpi slt, %jit3A_176, %sign3A_186 : i32
    %sign3A_188 = arith.extui %sign3A_187 : i1 to i32
    %sign3A_189 = arith.subi %sign3A_185, %sign3A_188 : i32
    %ne3A = arith.cmpi ne, %sign3A_182, %sign3A_189 : i32
    %rem3A = arith.remsi %select_n3A, %jit3A_176 : i32
    %ne3A_190 = arith.constant 0 : i32
    %ne3A_191 = arith.cmpi ne, %rem3A, %ne3A_190 : i32
    %and3A = arith.andi %ne3A, %ne3A_191 : i1
    %sub3A = arith.constant 1 : i32
    %sub3A_192 = arith.subi %div3A, %sub3A : i32
    %select_n3A_193 = arith.select %and3A, %sub3A_192, %div3A : i32
    %while3A = arith.constant 0 : i32
    %while3A_194 = arith.constant 0 : i32
    %while3A_195 = arith.subi %select_n3A_193, %while3A_194 : i32
    %while3A_196 = arith.addi %while3A_194, %while3A_195 : i32
    %while3A_197 = arith.constant 1 : i32
    %while3A_198 = arith.divsi %while3A_195, %while3A_197 : i32
    %while3A_199 = arith.muli %while3A_198, %while3A_197 : i32
    %while3A_200 = arith.addi %while3A_194, %while3A_199 : i32
    %while3A_201 = arith.constant 1 : i32
    scf.for %while3A_208 = %while3A_194 to %while3A_200 step %while3A_201  : i32 {
      %mul3A_209 = arith.constant 2 : i32
      %mul3A_210 = arith.muli %mul3A_209, %while3A_208 : i32
      %dma_wait3A = arith.constant 0 : i32
      %dma_wait3A_211 = arith.constant 0 : i32
      %dma_wait3A_212 = arith.constant 0 : i32
      %dma_wait3A_213 = tpu.memref_slice %arg9[%dma_wait3A_211, %dma_wait3A_212] : memref<1024x16xf32, #tpu.memory_space<vmem>> -> memref<128x16xf32, #tpu.memory_space<vmem>>
      %dma_wait3A_214 = arith.constant 0 : i32
      %dma_wait3A_215 = tpu.memref_slice %arg7[%dma_wait3A, %dma_wait3A_214] : memref<8x128xi32, #tpu.memory_space<vmem>> -> memref<1x128xi32, #tpu.memory_space<vmem>>
      %dma_wait3A_216 = tpu.memref_squeeze %dma_wait3A_215 : memref<1x128xi32, #tpu.memory_space<vmem>> -> memref<128xi32, #tpu.memory_space<vmem>>
      %dma_wait3A_217 = arith.constant 0 : i32
      %dma_wait3A_218 = arith.constant 0 : i32
      %dma_wait3A_219 = tpu.memref_slice %arg2[%dma_wait3A_217, %dma_wait3A_218] : memref<10000x16xf32, #tpu.memory_space<hbm>> -> memref<10000x16xf32, #tpu.memory_space<hbm>>
      tpu.wait_indirect_dma semaphore(%arg14 : memref<!tpu.dma_semaphore, #tpu.memory_space<semaphore_mem>>) src(%dma_wait3A_219 : memref<10000x16xf32, #tpu.memory_space<hbm>>) dst(%dma_wait3A_213 : memref<128x16xf32, #tpu.memory_space<vmem>>)
      %dma_wait3A_220 = arith.constant 1 : i32
      %dma_wait3A_221 = arith.constant 128 : i32
      %dma_wait3A_222 = arith.constant 0 : i32
      %dma_wait3A_223 = tpu.memref_slice %arg9[%dma_wait3A_221, %dma_wait3A_222] : memref<1024x16xf32, #tpu.memory_space<vmem>> -> memref<128x16xf32, #tpu.memory_space<vmem>>
      %dma_wait3A_224 = arith.constant 0 : i32
      %dma_wait3A_225 = tpu.memref_slice %arg7[%dma_wait3A_220, %dma_wait3A_224] : memref<8x128xi32, #tpu.memory_space<vmem>> -> memref<1x128xi32, #tpu.memory_space<vmem>>
      %dma_wait3A_226 = tpu.memref_squeeze %dma_wait3A_225 : memref<1x128xi32, #tpu.memory_space<vmem>> -> memref<128xi32, #tpu.memory_space<vmem>>
      %dma_wait3A_227 = arith.constant 0 : i32
      %dma_wait3A_228 = arith.constant 0 : i32
      %dma_wait3A_229 = tpu.memref_slice %arg2[%dma_wait3A_227, %dma_wait3A_228] : memref<10000x16xf32, #tpu.memory_space<hbm>> -> memref<10000x16xf32, #tpu.memory_space<hbm>>
      tpu.wait_indirect_dma semaphore(%arg14 : memref<!tpu.dma_semaphore, #tpu.memory_space<semaphore_mem>>) src(%dma_wait3A_229 : memref<10000x16xf32, #tpu.memory_space<hbm>>) dst(%dma_wait3A_223 : memref<128x16xf32, #tpu.memory_space<vmem>>)
      %dma_wait3A_230 = arith.constant 2 : i32
      %dma_wait3A_231 = arith.constant 256 : i32
      %dma_wait3A_232 = arith.constant 0 : i32
      %dma_wait3A_233 = tpu.memref_slice %arg9[%dma_wait3A_231, %dma_wait3A_232] : memref<1024x16xf32, #tpu.memory_space<vmem>> -> memref<128x16xf32, #tpu.memory_space<vmem>>
      %dma_wait3A_234 = arith.constant 0 : i32
      %dma_wait3A_235 = tpu.memref_slice %arg7[%dma_wait3A_230, %dma_wait3A_234] : memref<8x128xi32, #tpu.memory_space<vmem>> -> memref<1x128xi32, #tpu.memory_space<vmem>>
      %dma_wait3A_236 = tpu.memref_squeeze %dma_wait3A_235 : memref<1x128xi32, #tpu.memory_space<vmem>> -> memref<128xi32, #tpu.memory_space<vmem>>
      %dma_wait3A_237 = arith.constant 0 : i32
      %dma_wait3A_238 = arith.constant 0 : i32
      %dma_wait3A_239 = tpu.memref_slice %arg2[%dma_wait3A_237, %dma_wait3A_238] : memref<10000x16xf32, #tpu.memory_space<hbm>> -> memref<10000x16xf32, #tpu.memory_space<hbm>>
      tpu.wait_indirect_dma semaphore(%arg14 : memref<!tpu.dma_semaphore, #tpu.memory_space<semaphore_mem>>) src(%dma_wait3A_239 : memref<10000x16xf32, #tpu.memory_space<hbm>>) dst(%dma_wait3A_233 : memref<128x16xf32, #tpu.memory_space<vmem>>)
      %dma_wait3A_240 = arith.constant 3 : i32
      %dma_wait3A_241 = arith.constant 384 : i32
      %dma_wait3A_242 = arith.constant 0 : i32
      %dma_wait3A_243 = tpu.memref_slice %arg9[%dma_wait3A_241, %dma_wait3A_242] : memref<1024x16xf32, #tpu.memory_space<vmem>> -> memref<128x16xf32, #tpu.memory_space<vmem>>
      %dma_wait3A_244 = arith.constant 0 : i32
      %dma_wait3A_245 = tpu.memref_slice %arg7[%dma_wait3A_240, %dma_wait3A_244] : memref<8x128xi32, #tpu.memory_space<vmem>> -> memref<1x128xi32, #tpu.memory_space<vmem>>
      %dma_wait3A_246 = tpu.memref_squeeze %dma_wait3A_245 : memref<1x128xi32, #tpu.memory_space<vmem>> -> memref<128xi32, #tpu.memory_space<vmem>>
      %dma_wait3A_247 = arith.constant 0 : i32
      %dma_wait3A_248 = arith.constant 0 : i32
      %dma_wait3A_249 = tpu.memref_slice %arg2[%dma_wait3A_247, %dma_wait3A_248] : memref<10000x16xf32, #tpu.memory_space<hbm>> -> memref<10000x16xf32, #tpu.memory_space<hbm>>
      tpu.wait_indirect_dma semaphore(%arg14 : memref<!tpu.dma_semaphore, #tpu.memory_space<semaphore_mem>>) src(%dma_wait3A_249 : memref<10000x16xf32, #tpu.memory_space<hbm>>) dst(%dma_wait3A_243 : memref<128x16xf32, #tpu.memory_space<vmem>>)
      %dma_wait3A_250 = arith.constant 4 : i32
      %dma_wait3A_251 = arith.constant 512 : i32
      %dma_wait3A_252 = arith.constant 0 : i32
      %dma_wait3A_253 = tpu.memref_slice %arg9[%dma_wait3A_251, %dma_wait3A_252] : memref<1024x16xf32, #tpu.memory_space<vmem>> -> memref<128x16xf32, #tpu.memory_space<vmem>>
      %dma_wait3A_254 = arith.constant 0 : i32
      %dma_wait3A_255 = tpu.memref_slice %arg7[%dma_wait3A_250, %dma_wait3A_254] : memref<8x128xi32, #tpu.memory_space<vmem>> -> memref<1x128xi32, #tpu.memory_space<vmem>>
      %dma_wait3A_256 = tpu.memref_squeeze %dma_wait3A_255 : memref<1x128xi32, #tpu.memory_space<vmem>> -> memref<128xi32, #tpu.memory_space<vmem>>
      %dma_wait3A_257 = arith.constant 0 : i32
      %dma_wait3A_258 = arith.constant 0 : i32
      %dma_wait3A_259 = tpu.memref_slice %arg2[%dma_wait3A_257, %dma_wait3A_258] : memref<10000x16xf32, #tpu.memory_space<hbm>> -> memref<10000x16xf32, #tpu.memory_space<hbm>>
      tpu.wait_indirect_dma semaphore(%arg14 : memref<!tpu.dma_semaphore, #tpu.memory_space<semaphore_mem>>) src(%dma_wait3A_259 : memref<10000x16xf32, #tpu.memory_space<hbm>>) dst(%dma_wait3A_253 : memref<128x16xf32, #tpu.memory_space<vmem>>)
      %dma_wait3A_260 = arith.constant 5 : i32
      %dma_wait3A_261 = arith.constant 640 : i32
      %dma_wait3A_262 = arith.constant 0 : i32
      %dma_wait3A_263 = tpu.memref_slice %arg9[%dma_wait3A_261, %dma_wait3A_262] : memref<1024x16xf32, #tpu.memory_space<vmem>> -> memref<128x16xf32, #tpu.memory_space<vmem>>
      %dma_wait3A_264 = arith.constant 0 : i32
      %dma_wait3A_265 = tpu.memref_slice %arg7[%dma_wait3A_260, %dma_wait3A_264] : memref<8x128xi32, #tpu.memory_space<vmem>> -> memref<1x128xi32, #tpu.memory_space<vmem>>
      %dma_wait3A_266 = tpu.memref_squeeze %dma_wait3A_265 : memref<1x128xi32, #tpu.memory_space<vmem>> -> memref<128xi32, #tpu.memory_space<vmem>>
      %dma_wait3A_267 = arith.constant 0 : i32
      %dma_wait3A_268 = arith.constant 0 : i32
      %dma_wait3A_269 = tpu.memref_slice %arg2[%dma_wait3A_267, %dma_wait3A_268] : memref<10000x16xf32, #tpu.memory_space<hbm>> -> memref<10000x16xf32, #tpu.memory_space<hbm>>
      tpu.wait_indirect_dma semaphore(%arg14 : memref<!tpu.dma_semaphore, #tpu.memory_space<semaphore_mem>>) src(%dma_wait3A_269 : memref<10000x16xf32, #tpu.memory_space<hbm>>) dst(%dma_wait3A_263 : memref<128x16xf32, #tpu.memory_space<vmem>>)
      %dma_wait3A_270 = arith.constant 6 : i32
      %dma_wait3A_271 = arith.constant 768 : i32
      %dma_wait3A_272 = arith.constant 0 : i32
      %dma_wait3A_273 = tpu.memref_slice %arg9[%dma_wait3A_271, %dma_wait3A_272] : memref<1024x16xf32, #tpu.memory_space<vmem>> -> memref<128x16xf32, #tpu.memory_space<vmem>>
      %dma_wait3A_274 = arith.constant 0 : i32
      %dma_wait3A_275 = tpu.memref_slice %arg7[%dma_wait3A_270, %dma_wait3A_274] : memref<8x128xi32, #tpu.memory_space<vmem>> -> memref<1x128xi32, #tpu.memory_space<vmem>>
      %dma_wait3A_276 = tpu.memref_squeeze %dma_wait3A_275 : memref<1x128xi32, #tpu.memory_space<vmem>> -> memref<128xi32, #tpu.memory_space<vmem>>
      %dma_wait3A_277 = arith.constant 0 : i32
      %dma_wait3A_278 = arith.constant 0 : i32
      %dma_wait3A_279 = tpu.memref_slice %arg2[%dma_wait3A_277, %dma_wait3A_278] : memref<10000x16xf32, #tpu.memory_space<hbm>> -> memref<10000x16xf32, #tpu.memory_space<hbm>>
      tpu.wait_indirect_dma semaphore(%arg14 : memref<!tpu.dma_semaphore, #tpu.memory_space<semaphore_mem>>) src(%dma_wait3A_279 : memref<10000x16xf32, #tpu.memory_space<hbm>>) dst(%dma_wait3A_273 : memref<128x16xf32, #tpu.memory_space<vmem>>)
      %dma_wait3A_280 = arith.constant 7 : i32
      %dma_wait3A_281 = arith.constant 896 : i32
      %dma_wait3A_282 = arith.constant 0 : i32
      %dma_wait3A_283 = tpu.memref_slice %arg9[%dma_wait3A_281, %dma_wait3A_282] : memref<1024x16xf32, #tpu.memory_space<vmem>> -> memref<128x16xf32, #tpu.memory_space<vmem>>
      %dma_wait3A_284 = arith.constant 0 : i32
      %dma_wait3A_285 = tpu.memref_slice %arg7[%dma_wait3A_280, %dma_wait3A_284] : memref<8x128xi32, #tpu.memory_space<vmem>> -> memref<1x128xi32, #tpu.memory_space<vmem>>
      %dma_wait3A_286 = tpu.memref_squeeze %dma_wait3A_285 : memref<1x128xi32, #tpu.memory_space<vmem>> -> memref<128xi32, #tpu.memory_space<vmem>>
      %dma_wait3A_287 = arith.constant 0 : i32
      %dma_wait3A_288 = arith.constant 0 : i32
      %dma_wait3A_289 = tpu.memref_slice %arg2[%dma_wait3A_287, %dma_wait3A_288] : memref<10000x16xf32, #tpu.memory_space<hbm>> -> memref<10000x16xf32, #tpu.memory_space<hbm>>
      tpu.wait_indirect_dma semaphore(%arg14 : memref<!tpu.dma_semaphore, #tpu.memory_space<semaphore_mem>>) src(%dma_wait3A_289 : memref<10000x16xf32, #tpu.memory_space<hbm>>) dst(%dma_wait3A_283 : memref<128x16xf32, #tpu.memory_space<vmem>>)
      %dma_start3A_290 = arith.constant 0 : i32
      %dma_start3A_291 = arith.constant 0 : i32
      %dma_start3A_292 = arith.constant 0 : i32
      %dma_start3A_293 = tpu.memref_slice %arg9[%dma_start3A_291, %dma_start3A_292] : memref<1024x16xf32, #tpu.memory_space<vmem>> -> memref<128x16xf32, #tpu.memory_space<vmem>>
      %dma_start3A_294 = arith.constant 0 : i32
      %dma_start3A_295 = tpu.memref_slice %arg8[%dma_start3A_290, %dma_start3A_294] : memref<8x128xi32, #tpu.memory_space<vmem>> -> memref<1x128xi32, #tpu.memory_space<vmem>>
      %dma_start3A_296 = tpu.memref_squeeze %dma_start3A_295 : memref<1x128xi32, #tpu.memory_space<vmem>> -> memref<128xi32, #tpu.memory_space<vmem>>
      %dma_start3A_297 = arith.constant 0 : i32
      %dma_start3A_298 = arith.constant 0 : i32
      %dma_start3A_299 = tpu.memref_slice %arg13[%dma_start3A_297, %dma_start3A_298] : memref<10112x16xf32, #tpu.memory_space<vmem_shared>> -> memref<10112x16xf32, #tpu.memory_space<vmem_shared>>
      tpu.enqueue_indirect_dma source(%dma_start3A_293 : memref<128x16xf32, #tpu.memory_space<vmem>>) target(%dma_start3A_299 : memref<10112x16xf32, #tpu.memory_space<vmem_shared>>) offsets(%dma_start3A_296 : memref<128xi32, #tpu.memory_space<vmem>>) semaphore(%arg16 : memref<!tpu.dma_semaphore, #tpu.memory_space<semaphore_mem>>) {add = true}
      %dma_start3A_300 = arith.constant 1 : i32
      %dma_start3A_301 = arith.constant 128 : i32
      %dma_start3A_302 = arith.constant 0 : i32
      %dma_start3A_303 = tpu.memref_slice %arg9[%dma_start3A_301, %dma_start3A_302] : memref<1024x16xf32, #tpu.memory_space<vmem>> -> memref<128x16xf32, #tpu.memory_space<vmem>>
      %dma_start3A_304 = arith.constant 0 : i32
      %dma_start3A_305 = tpu.memref_slice %arg8[%dma_start3A_300, %dma_start3A_304] : memref<8x128xi32, #tpu.memory_space<vmem>> -> memref<1x128xi32, #tpu.memory_space<vmem>>
      %dma_start3A_306 = tpu.memref_squeeze %dma_start3A_305 : memref<1x128xi32, #tpu.memory_space<vmem>> -> memref<128xi32, #tpu.memory_space<vmem>>
      %dma_start3A_307 = arith.constant 0 : i32
      %dma_start3A_308 = arith.constant 0 : i32
      %dma_start3A_309 = tpu.memref_slice %arg13[%dma_start3A_307, %dma_start3A_308] : memref<10112x16xf32, #tpu.memory_space<vmem_shared>> -> memref<10112x16xf32, #tpu.memory_space<vmem_shared>>
      tpu.enqueue_indirect_dma source(%dma_start3A_303 : memref<128x16xf32, #tpu.memory_space<vmem>>) target(%dma_start3A_309 : memref<10112x16xf32, #tpu.memory_space<vmem_shared>>) offsets(%dma_start3A_306 : memref<128xi32, #tpu.memory_space<vmem>>) semaphore(%arg16 : memref<!tpu.dma_semaphore, #tpu.memory_space<semaphore_mem>>) {add = true}
      %dma_start3A_310 = arith.constant 2 : i32
      %dma_start3A_311 = arith.constant 256 : i32
      %dma_start3A_312 = arith.constant 0 : i32
      %dma_start3A_313 = tpu.memref_slice %arg9[%dma_start3A_311, %dma_start3A_312] : memref<1024x16xf32, #tpu.memory_space<vmem>> -> memref<128x16xf32, #tpu.memory_space<vmem>>
      %dma_start3A_314 = arith.constant 0 : i32
      %dma_start3A_315 = tpu.memref_slice %arg8[%dma_start3A_310, %dma_start3A_314] : memref<8x128xi32, #tpu.memory_space<vmem>> -> memref<1x128xi32, #tpu.memory_space<vmem>>
      %dma_start3A_316 = tpu.memref_squeeze %dma_start3A_315 : memref<1x128xi32, #tpu.memory_space<vmem>> -> memref<128xi32, #tpu.memory_space<vmem>>
      %dma_start3A_317 = arith.constant 0 : i32
      %dma_start3A_318 = arith.constant 0 : i32
      %dma_start3A_319 = tpu.memref_slice %arg13[%dma_start3A_317, %dma_start3A_318] : memref<10112x16xf32, #tpu.memory_space<vmem_shared>> -> memref<10112x16xf32, #tpu.memory_space<vmem_shared>>
      tpu.enqueue_indirect_dma source(%dma_start3A_313 : memref<128x16xf32, #tpu.memory_space<vmem>>) target(%dma_start3A_319 : memref<10112x16xf32, #tpu.memory_space<vmem_shared>>) offsets(%dma_start3A_316 : memref<128xi32, #tpu.memory_space<vmem>>) semaphore(%arg16 : memref<!tpu.dma_semaphore, #tpu.memory_space<semaphore_mem>>) {add = true}
      %dma_start3A_320 = arith.constant 3 : i32
      %dma_start3A_321 = arith.constant 384 : i32
      %dma_start3A_322 = arith.constant 0 : i32
      %dma_start3A_323 = tpu.memref_slice %arg9[%dma_start3A_321, %dma_start3A_322] : memref<1024x16xf32, #tpu.memory_space<vmem>> -> memref<128x16xf32, #tpu.memory_space<vmem>>
      %dma_start3A_324 = arith.constant 0 : i32
      %dma_start3A_325 = tpu.memref_slice %arg8[%dma_start3A_320, %dma_start3A_324] : memref<8x128xi32, #tpu.memory_space<vmem>> -> memref<1x128xi32, #tpu.memory_space<vmem>>
      %dma_start3A_326 = tpu.memref_squeeze %dma_start3A_325 : memref<1x128xi32, #tpu.memory_space<vmem>> -> memref<128xi32, #tpu.memory_space<vmem>>
      %dma_start3A_327 = arith.constant 0 : i32
      %dma_start3A_328 = arith.constant 0 : i32
      %dma_start3A_329 = tpu.memref_slice %arg13[%dma_start3A_327, %dma_start3A_328] : memref<10112x16xf32, #tpu.memory_space<vmem_shared>> -> memref<10112x16xf32, #tpu.memory_space<vmem_shared>>
      tpu.enqueue_indirect_dma source(%dma_start3A_323 : memref<128x16xf32, #tpu.memory_space<vmem>>) target(%dma_start3A_329 : memref<10112x16xf32, #tpu.memory_space<vmem_shared>>) offsets(%dma_start3A_326 : memref<128xi32, #tpu.memory_space<vmem>>) semaphore(%arg16 : memref<!tpu.dma_semaphore, #tpu.memory_space<semaphore_mem>>) {add = true}
      %dma_start3A_330 = arith.constant 4 : i32
      %dma_start3A_331 = arith.constant 512 : i32
      %dma_start3A_332 = arith.constant 0 : i32
      %dma_start3A_333 = tpu.memref_slice %arg9[%dma_start3A_331, %dma_start3A_332] : memref<1024x16xf32, #tpu.memory_space<vmem>> -> memref<128x16xf32, #tpu.memory_space<vmem>>
      %dma_start3A_334 = arith.constant 0 : i32
      %dma_start3A_335 = tpu.memref_slice %arg8[%dma_start3A_330, %dma_start3A_334] : memref<8x128xi32, #tpu.memory_space<vmem>> -> memref<1x128xi32, #tpu.memory_space<vmem>>
      %dma_start3A_336 = tpu.memref_squeeze %dma_start3A_335 : memref<1x128xi32, #tpu.memory_space<vmem>> -> memref<128xi32, #tpu.memory_space<vmem>>
      %dma_start3A_337 = arith.constant 0 : i32
      %dma_start3A_338 = arith.constant 0 : i32
      %dma_start3A_339 = tpu.memref_slice %arg13[%dma_start3A_337, %dma_start3A_338] : memref<10112x16xf32, #tpu.memory_space<vmem_shared>> -> memref<10112x16xf32, #tpu.memory_space<vmem_shared>>
      tpu.enqueue_indirect_dma source(%dma_start3A_333 : memref<128x16xf32, #tpu.memory_space<vmem>>) target(%dma_start3A_339 : memref<10112x16xf32, #tpu.memory_space<vmem_shared>>) offsets(%dma_start3A_336 : memref<128xi32, #tpu.memory_space<vmem>>) semaphore(%arg16 : memref<!tpu.dma_semaphore, #tpu.memory_space<semaphore_mem>>) {add = true}
      %dma_start3A_340 = arith.constant 5 : i32
      %dma_start3A_341 = arith.constant 640 : i32
      %dma_start3A_342 = arith.constant 0 : i32
      %dma_start3A_343 = tpu.memref_slice %arg9[%dma_start3A_341, %dma_start3A_342] : memref<1024x16xf32, #tpu.memory_space<vmem>> -> memref<128x16xf32, #tpu.memory_space<vmem>>
      %dma_start3A_344 = arith.constant 0 : i32
      %dma_start3A_345 = tpu.memref_slice %arg8[%dma_start3A_340, %dma_start3A_344] : memref<8x128xi32, #tpu.memory_space<vmem>> -> memref<1x128xi32, #tpu.memory_space<vmem>>
      %dma_start3A_346 = tpu.memref_squeeze %dma_start3A_345 : memref<1x128xi32, #tpu.memory_space<vmem>> -> memref<128xi32, #tpu.memory_space<vmem>>
      %dma_start3A_347 = arith.constant 0 : i32
      %dma_start3A_348 = arith.constant 0 : i32
      %dma_start3A_349 = tpu.memref_slice %arg13[%dma_start3A_347, %dma_start3A_348] : memref<10112x16xf32, #tpu.memory_space<vmem_shared>> -> memref<10112x16xf32, #tpu.memory_space<vmem_shared>>
      tpu.enqueue_indirect_dma source(%dma_start3A_343 : memref<128x16xf32, #tpu.memory_space<vmem>>) target(%dma_start3A_349 : memref<10112x16xf32, #tpu.memory_space<vmem_shared>>) offsets(%dma_start3A_346 : memref<128xi32, #tpu.memory_space<vmem>>) semaphore(%arg16 : memref<!tpu.dma_semaphore, #tpu.memory_space<semaphore_mem>>) {add = true}
      %dma_start3A_350 = arith.constant 6 : i32
      %dma_start3A_351 = arith.constant 768 : i32
      %dma_start3A_352 = arith.constant 0 : i32
      %dma_start3A_353 = tpu.memref_slice %arg9[%dma_start3A_351, %dma_start3A_352] : memref<1024x16xf32, #tpu.memory_space<vmem>> -> memref<128x16xf32, #tpu.memory_space<vmem>>
      %dma_start3A_354 = arith.constant 0 : i32
      %dma_start3A_355 = tpu.memref_slice %arg8[%dma_start3A_350, %dma_start3A_354] : memref<8x128xi32, #tpu.memory_space<vmem>> -> memref<1x128xi32, #tpu.memory_space<vmem>>
      %dma_start3A_356 = tpu.memref_squeeze %dma_start3A_355 : memref<1x128xi32, #tpu.memory_space<vmem>> -> memref<128xi32, #tpu.memory_space<vmem>>
      %dma_start3A_357 = arith.constant 0 : i32
      %dma_start3A_358 = arith.constant 0 : i32
      %dma_start3A_359 = tpu.memref_slice %arg13[%dma_start3A_357, %dma_start3A_358] : memref<10112x16xf32, #tpu.memory_space<vmem_shared>> -> memref<10112x16xf32, #tpu.memory_space<vmem_shared>>
      tpu.enqueue_indirect_dma source(%dma_start3A_353 : memref<128x16xf32, #tpu.memory_space<vmem>>) target(%dma_start3A_359 : memref<10112x16xf32, #tpu.memory_space<vmem_shared>>) offsets(%dma_start3A_356 : memref<128xi32, #tpu.memory_space<vmem>>) semaphore(%arg16 : memref<!tpu.dma_semaphore, #tpu.memory_space<semaphore_mem>>) {add = true}
      %dma_start3A_360 = arith.constant 7 : i32
      %dma_start3A_361 = arith.constant 896 : i32
      %dma_start3A_362 = arith.constant 0 : i32
      %dma_start3A_363 = tpu.memref_slice %arg9[%dma_start3A_361, %dma_start3A_362] : memref<1024x16xf32, #tpu.memory_space<vmem>> -> memref<128x16xf32, #tpu.memory_space<vmem>>
      %dma_start3A_364 = arith.constant 0 : i32
      %dma_start3A_365 = tpu.memref_slice %arg8[%dma_start3A_360, %dma_start3A_364] : memref<8x128xi32, #tpu.memory_space<vmem>> -> memref<1x128xi32, #tpu.memory_space<vmem>>
      %dma_start3A_366 = tpu.memref_squeeze %dma_start3A_365 : memref<1x128xi32, #tpu.memory_space<vmem>> -> memref<128xi32, #tpu.memory_space<vmem>>
      %dma_start3A_367 = arith.constant 0 : i32
      %dma_start3A_368 = arith.constant 0 : i32
      %dma_start3A_369 = tpu.memref_slice %arg13[%dma_start3A_367, %dma_start3A_368] : memref<10112x16xf32, #tpu.memory_space<vmem_shared>> -> memref<10112x16xf32, #tpu.memory_space<vmem_shared>>
      tpu.enqueue_indirect_dma source(%dma_start3A_363 : memref<128x16xf32, #tpu.memory_space<vmem>>) target(%dma_start3A_369 : memref<10112x16xf32, #tpu.memory_space<vmem_shared>>) offsets(%dma_start3A_366 : memref<128xi32, #tpu.memory_space<vmem>>) semaphore(%arg16 : memref<!tpu.dma_semaphore, #tpu.memory_space<semaphore_mem>>) {add = true}
      %dma_wait3A_370 = arith.constant 0 : i32
      %dma_wait3A_371 = arith.constant 0 : i32
      %dma_wait3A_372 = arith.constant 0 : i32
      %dma_wait3A_373 = tpu.memref_slice %arg12[%dma_wait3A_371, %dma_wait3A_372] : memref<1024x16xf32, #tpu.memory_space<vmem>> -> memref<128x16xf32, #tpu.memory_space<vmem>>
      %dma_wait3A_374 = arith.constant 0 : i32
      %dma_wait3A_375 = tpu.memref_slice %arg10[%dma_wait3A_370, %dma_wait3A_374] : memref<8x128xi32, #tpu.memory_space<vmem>> -> memref<1x128xi32, #tpu.memory_space<vmem>>
      %dma_wait3A_376 = tpu.memref_squeeze %dma_wait3A_375 : memref<1x128xi32, #tpu.memory_space<vmem>> -> memref<128xi32, #tpu.memory_space<vmem>>
      %dma_wait3A_377 = arith.constant 0 : i32
      %dma_wait3A_378 = arith.constant 0 : i32
      %dma_wait3A_379 = tpu.memref_slice %arg2[%dma_wait3A_377, %dma_wait3A_378] : memref<10000x16xf32, #tpu.memory_space<hbm>> -> memref<10000x16xf32, #tpu.memory_space<hbm>>
      tpu.wait_indirect_dma semaphore(%arg15 : memref<!tpu.dma_semaphore, #tpu.memory_space<semaphore_mem>>) src(%dma_wait3A_379 : memref<10000x16xf32, #tpu.memory_space<hbm>>) dst(%dma_wait3A_373 : memref<128x16xf32, #tpu.memory_space<vmem>>)
      %dma_wait3A_380 = arith.constant 1 : i32
      %dma_wait3A_381 = arith.constant 128 : i32
      %dma_wait3A_382 = arith.constant 0 : i32
      %dma_wait3A_383 = tpu.memref_slice %arg12[%dma_wait3A_381, %dma_wait3A_382] : memref<1024x16xf32, #tpu.memory_space<vmem>> -> memref<128x16xf32, #tpu.memory_space<vmem>>
      %dma_wait3A_384 = arith.constant 0 : i32
      %dma_wait3A_385 = tpu.memref_slice %arg10[%dma_wait3A_380, %dma_wait3A_384] : memref<8x128xi32, #tpu.memory_space<vmem>> -> memref<1x128xi32, #tpu.memory_space<vmem>>
      %dma_wait3A_386 = tpu.memref_squeeze %dma_wait3A_385 : memref<1x128xi32, #tpu.memory_space<vmem>> -> memref<128xi32, #tpu.memory_space<vmem>>
      %dma_wait3A_387 = arith.constant 0 : i32
      %dma_wait3A_388 = arith.constant 0 : i32
      %dma_wait3A_389 = tpu.memref_slice %arg2[%dma_wait3A_387, %dma_wait3A_388] : memref<10000x16xf32, #tpu.memory_space<hbm>> -> memref<10000x16xf32, #tpu.memory_space<hbm>>
      tpu.wait_indirect_dma semaphore(%arg15 : memref<!tpu.dma_semaphore, #tpu.memory_space<semaphore_mem>>) src(%dma_wait3A_389 : memref<10000x16xf32, #tpu.memory_space<hbm>>) dst(%dma_wait3A_383 : memref<128x16xf32, #tpu.memory_space<vmem>>)
      %dma_wait3A_390 = arith.constant 2 : i32
      %dma_wait3A_391 = arith.constant 256 : i32
      %dma_wait3A_392 = arith.constant 0 : i32
      %dma_wait3A_393 = tpu.memref_slice %arg12[%dma_wait3A_391, %dma_wait3A_392] : memref<1024x16xf32, #tpu.memory_space<vmem>> -> memref<128x16xf32, #tpu.memory_space<vmem>>
      %dma_wait3A_394 = arith.constant 0 : i32
      %dma_wait3A_395 = tpu.memref_slice %arg10[%dma_wait3A_390, %dma_wait3A_394] : memref<8x128xi32, #tpu.memory_space<vmem>> -> memref<1x128xi32, #tpu.memory_space<vmem>>
      %dma_wait3A_396 = tpu.memref_squeeze %dma_wait3A_395 : memref<1x128xi32, #tpu.memory_space<vmem>> -> memref<128xi32, #tpu.memory_space<vmem>>
      %dma_wait3A_397 = arith.constant 0 : i32
      %dma_wait3A_398 = arith.constant 0 : i32
      %dma_wait3A_399 = tpu.memref_slice %arg2[%dma_wait3A_397, %dma_wait3A_398] : memref<10000x16xf32, #tpu.memory_space<hbm>> -> memref<10000x16xf32, #tpu.memory_space<hbm>>
      tpu.wait_indirect_dma semaphore(%arg15 : memref<!tpu.dma_semaphore, #tpu.memory_space<semaphore_mem>>) src(%dma_wait3A_399 : memref<10000x16xf32, #tpu.memory_space<hbm>>) dst(%dma_wait3A_393 : memref<128x16xf32, #tpu.memory_space<vmem>>)
      %dma_wait3A_400 = arith.constant 3 : i32
      %dma_wait3A_401 = arith.constant 384 : i32
      %dma_wait3A_402 = arith.constant 0 : i32
      %dma_wait3A_403 = tpu.memref_slice %arg12[%dma_wait3A_401, %dma_wait3A_402] : memref<1024x16xf32, #tpu.memory_space<vmem>> -> memref<128x16xf32, #tpu.memory_space<vmem>>
      %dma_wait3A_404 = arith.constant 0 : i32
      %dma_wait3A_405 = tpu.memref_slice %arg10[%dma_wait3A_400, %dma_wait3A_404] : memref<8x128xi32, #tpu.memory_space<vmem>> -> memref<1x128xi32, #tpu.memory_space<vmem>>
      %dma_wait3A_406 = tpu.memref_squeeze %dma_wait3A_405 : memref<1x128xi32, #tpu.memory_space<vmem>> -> memref<128xi32, #tpu.memory_space<vmem>>
      %dma_wait3A_407 = arith.constant 0 : i32
      %dma_wait3A_408 = arith.constant 0 : i32
      %dma_wait3A_409 = tpu.memref_slice %arg2[%dma_wait3A_407, %dma_wait3A_408] : memref<10000x16xf32, #tpu.memory_space<hbm>> -> memref<10000x16xf32, #tpu.memory_space<hbm>>
      tpu.wait_indirect_dma semaphore(%arg15 : memref<!tpu.dma_semaphore, #tpu.memory_space<semaphore_mem>>) src(%dma_wait3A_409 : memref<10000x16xf32, #tpu.memory_space<hbm>>) dst(%dma_wait3A_403 : memref<128x16xf32, #tpu.memory_space<vmem>>)
      %dma_wait3A_410 = arith.constant 4 : i32
      %dma_wait3A_411 = arith.constant 512 : i32
      %dma_wait3A_412 = arith.constant 0 : i32
      %dma_wait3A_413 = tpu.memref_slice %arg12[%dma_wait3A_411, %dma_wait3A_412] : memref<1024x16xf32, #tpu.memory_space<vmem>> -> memref<128x16xf32, #tpu.memory_space<vmem>>
      %dma_wait3A_414 = arith.constant 0 : i32
      %dma_wait3A_415 = tpu.memref_slice %arg10[%dma_wait3A_410, %dma_wait3A_414] : memref<8x128xi32, #tpu.memory_space<vmem>> -> memref<1x128xi32, #tpu.memory_space<vmem>>
      %dma_wait3A_416 = tpu.memref_squeeze %dma_wait3A_415 : memref<1x128xi32, #tpu.memory_space<vmem>> -> memref<128xi32, #tpu.memory_space<vmem>>
      %dma_wait3A_417 = arith.constant 0 : i32
      %dma_wait3A_418 = arith.constant 0 : i32
      %dma_wait3A_419 = tpu.memref_slice %arg2[%dma_wait3A_417, %dma_wait3A_418] : memref<10000x16xf32, #tpu.memory_space<hbm>> -> memref<10000x16xf32, #tpu.memory_space<hbm>>
      tpu.wait_indirect_dma semaphore(%arg15 : memref<!tpu.dma_semaphore, #tpu.memory_space<semaphore_mem>>) src(%dma_wait3A_419 : memref<10000x16xf32, #tpu.memory_space<hbm>>) dst(%dma_wait3A_413 : memref<128x16xf32, #tpu.memory_space<vmem>>)
      %dma_wait3A_420 = arith.constant 5 : i32
      %dma_wait3A_421 = arith.constant 640 : i32
      %dma_wait3A_422 = arith.constant 0 : i32
      %dma_wait3A_423 = tpu.memref_slice %arg12[%dma_wait3A_421, %dma_wait3A_422] : memref<1024x16xf32, #tpu.memory_space<vmem>> -> memref<128x16xf32, #tpu.memory_space<vmem>>
      %dma_wait3A_424 = arith.constant 0 : i32
      %dma_wait3A_425 = tpu.memref_slice %arg10[%dma_wait3A_420, %dma_wait3A_424] : memref<8x128xi32, #tpu.memory_space<vmem>> -> memref<1x128xi32, #tpu.memory_space<vmem>>
      %dma_wait3A_426 = tpu.memref_squeeze %dma_wait3A_425 : memref<1x128xi32, #tpu.memory_space<vmem>> -> memref<128xi32, #tpu.memory_space<vmem>>
      %dma_wait3A_427 = arith.constant 0 : i32
      %dma_wait3A_428 = arith.constant 0 : i32
      %dma_wait3A_429 = tpu.memref_slice %arg2[%dma_wait3A_427, %dma_wait3A_428] : memref<10000x16xf32, #tpu.memory_space<hbm>> -> memref<10000x16xf32, #tpu.memory_space<hbm>>
      tpu.wait_indirect_dma semaphore(%arg15 : memref<!tpu.dma_semaphore, #tpu.memory_space<semaphore_mem>>) src(%dma_wait3A_429 : memref<10000x16xf32, #tpu.memory_space<hbm>>) dst(%dma_wait3A_423 : memref<128x16xf32, #tpu.memory_space<vmem>>)
      %dma_wait3A_430 = arith.constant 6 : i32
      %dma_wait3A_431 = arith.constant 768 : i32
      %dma_wait3A_432 = arith.constant 0 : i32
      %dma_wait3A_433 = tpu.memref_slice %arg12[%dma_wait3A_431, %dma_wait3A_432] : memref<1024x16xf32, #tpu.memory_space<vmem>> -> memref<128x16xf32, #tpu.memory_space<vmem>>
      %dma_wait3A_434 = arith.constant 0 : i32
      %dma_wait3A_435 = tpu.memref_slice %arg10[%dma_wait3A_430, %dma_wait3A_434] : memref<8x128xi32, #tpu.memory_space<vmem>> -> memref<1x128xi32, #tpu.memory_space<vmem>>
      %dma_wait3A_436 = tpu.memref_squeeze %dma_wait3A_435 : memref<1x128xi32, #tpu.memory_space<vmem>> -> memref<128xi32, #tpu.memory_space<vmem>>
      %dma_wait3A_437 = arith.constant 0 : i32
      %dma_wait3A_438 = arith.constant 0 : i32
      %dma_wait3A_439 = tpu.memref_slice %arg2[%dma_wait3A_437, %dma_wait3A_438] : memref<10000x16xf32, #tpu.memory_space<hbm>> -> memref<10000x16xf32, #tpu.memory_space<hbm>>
      tpu.wait_indirect_dma semaphore(%arg15 : memref<!tpu.dma_semaphore, #tpu.memory_space<semaphore_mem>>) src(%dma_wait3A_439 : memref<10000x16xf32, #tpu.memory_space<hbm>>) dst(%dma_wait3A_433 : memref<128x16xf32, #tpu.memory_space<vmem>>)
      %dma_wait3A_440 = arith.constant 7 : i32
      %dma_wait3A_441 = arith.constant 896 : i32
      %dma_wait3A_442 = arith.constant 0 : i32
      %dma_wait3A_443 = tpu.memref_slice %arg12[%dma_wait3A_441, %dma_wait3A_442] : memref<1024x16xf32, #tpu.memory_space<vmem>> -> memref<128x16xf32, #tpu.memory_space<vmem>>
      %dma_wait3A_444 = arith.constant 0 : i32
      %dma_wait3A_445 = tpu.memref_slice %arg10[%dma_wait3A_440, %dma_wait3A_444] : memref<8x128xi32, #tpu.memory_space<vmem>> -> memref<1x128xi32, #tpu.memory_space<vmem>>
      %dma_wait3A_446 = tpu.memref_squeeze %dma_wait3A_445 : memref<1x128xi32, #tpu.memory_space<vmem>> -> memref<128xi32, #tpu.memory_space<vmem>>
      %dma_wait3A_447 = arith.constant 0 : i32
      %dma_wait3A_448 = arith.constant 0 : i32
      %dma_wait3A_449 = tpu.memref_slice %arg2[%dma_wait3A_447, %dma_wait3A_448] : memref<10000x16xf32, #tpu.memory_space<hbm>> -> memref<10000x16xf32, #tpu.memory_space<hbm>>
      tpu.wait_indirect_dma semaphore(%arg15 : memref<!tpu.dma_semaphore, #tpu.memory_space<semaphore_mem>>) src(%dma_wait3A_449 : memref<10000x16xf32, #tpu.memory_space<hbm>>) dst(%dma_wait3A_443 : memref<128x16xf32, #tpu.memory_space<vmem>>)
      %dma_start3A_450 = arith.constant 0 : i32
      %dma_start3A_451 = arith.constant 0 : i32
      %dma_start3A_452 = arith.constant 0 : i32
      %dma_start3A_453 = tpu.memref_slice %arg12[%dma_start3A_451, %dma_start3A_452] : memref<1024x16xf32, #tpu.memory_space<vmem>> -> memref<128x16xf32, #tpu.memory_space<vmem>>
      %dma_start3A_454 = arith.constant 0 : i32
      %dma_start3A_455 = tpu.memref_slice %arg11[%dma_start3A_450, %dma_start3A_454] : memref<8x128xi32, #tpu.memory_space<vmem>> -> memref<1x128xi32, #tpu.memory_space<vmem>>
      %dma_start3A_456 = tpu.memref_squeeze %dma_start3A_455 : memref<1x128xi32, #tpu.memory_space<vmem>> -> memref<128xi32, #tpu.memory_space<vmem>>
      %dma_start3A_457 = arith.constant 0 : i32
      %dma_start3A_458 = arith.constant 0 : i32
      %dma_start3A_459 = tpu.memref_slice %arg13[%dma_start3A_457, %dma_start3A_458] : memref<10112x16xf32, #tpu.memory_space<vmem_shared>> -> memref<10112x16xf32, #tpu.memory_space<vmem_shared>>
      tpu.enqueue_indirect_dma source(%dma_start3A_453 : memref<128x16xf32, #tpu.memory_space<vmem>>) target(%dma_start3A_459 : memref<10112x16xf32, #tpu.memory_space<vmem_shared>>) offsets(%dma_start3A_456 : memref<128xi32, #tpu.memory_space<vmem>>) semaphore(%arg17 : memref<!tpu.dma_semaphore, #tpu.memory_space<semaphore_mem>>) {add = true}
      %dma_start3A_460 = arith.constant 1 : i32
      %dma_start3A_461 = arith.constant 128 : i32
      %dma_start3A_462 = arith.constant 0 : i32
      %dma_start3A_463 = tpu.memref_slice %arg12[%dma_start3A_461, %dma_start3A_462] : memref<1024x16xf32, #tpu.memory_space<vmem>> -> memref<128x16xf32, #tpu.memory_space<vmem>>
      %dma_start3A_464 = arith.constant 0 : i32
      %dma_start3A_465 = tpu.memref_slice %arg11[%dma_start3A_460, %dma_start3A_464] : memref<8x128xi32, #tpu.memory_space<vmem>> -> memref<1x128xi32, #tpu.memory_space<vmem>>
      %dma_start3A_466 = tpu.memref_squeeze %dma_start3A_465 : memref<1x128xi32, #tpu.memory_space<vmem>> -> memref<128xi32, #tpu.memory_space<vmem>>
      %dma_start3A_467 = arith.constant 0 : i32
      %dma_start3A_468 = arith.constant 0 : i32
      %dma_start3A_469 = tpu.memref_slice %arg13[%dma_start3A_467, %dma_start3A_468] : memref<10112x16xf32, #tpu.memory_space<vmem_shared>> -> memref<10112x16xf32, #tpu.memory_space<vmem_shared>>
      tpu.enqueue_indirect_dma source(%dma_start3A_463 : memref<128x16xf32, #tpu.memory_space<vmem>>) target(%dma_start3A_469 : memref<10112x16xf32, #tpu.memory_space<vmem_shared>>) offsets(%dma_start3A_466 : memref<128xi32, #tpu.memory_space<vmem>>) semaphore(%arg17 : memref<!tpu.dma_semaphore, #tpu.memory_space<semaphore_mem>>) {add = true}
      %dma_start3A_470 = arith.constant 2 : i32
      %dma_start3A_471 = arith.constant 256 : i32
      %dma_start3A_472 = arith.constant 0 : i32
      %dma_start3A_473 = tpu.memref_slice %arg12[%dma_start3A_471, %dma_start3A_472] : memref<1024x16xf32, #tpu.memory_space<vmem>> -> memref<128x16xf32, #tpu.memory_space<vmem>>
      %dma_start3A_474 = arith.constant 0 : i32
      %dma_start3A_475 = tpu.memref_slice %arg11[%dma_start3A_470, %dma_start3A_474] : memref<8x128xi32, #tpu.memory_space<vmem>> -> memref<1x128xi32, #tpu.memory_space<vmem>>
      %dma_start3A_476 = tpu.memref_squeeze %dma_start3A_475 : memref<1x128xi32, #tpu.memory_space<vmem>> -> memref<128xi32, #tpu.memory_space<vmem>>
      %dma_start3A_477 = arith.constant 0 : i32
      %dma_start3A_478 = arith.constant 0 : i32
      %dma_start3A_479 = tpu.memref_slice %arg13[%dma_start3A_477, %dma_start3A_478] : memref<10112x16xf32, #tpu.memory_space<vmem_shared>> -> memref<10112x16xf32, #tpu.memory_space<vmem_shared>>
      tpu.enqueue_indirect_dma source(%dma_start3A_473 : memref<128x16xf32, #tpu.memory_space<vmem>>) target(%dma_start3A_479 : memref<10112x16xf32, #tpu.memory_space<vmem_shared>>) offsets(%dma_start3A_476 : memref<128xi32, #tpu.memory_space<vmem>>) semaphore(%arg17 : memref<!tpu.dma_semaphore, #tpu.memory_space<semaphore_mem>>) {add = true}
      %dma_start3A_480 = arith.constant 3 : i32
      %dma_start3A_481 = arith.constant 384 : i32
      %dma_start3A_482 = arith.constant 0 : i32
      %dma_start3A_483 = tpu.memref_slice %arg12[%dma_start3A_481, %dma_start3A_482] : memref<1024x16xf32, #tpu.memory_space<vmem>> -> memref<128x16xf32, #tpu.memory_space<vmem>>
      %dma_start3A_484 = arith.constant 0 : i32
      %dma_start3A_485 = tpu.memref_slice %arg11[%dma_start3A_480, %dma_start3A_484] : memref<8x128xi32, #tpu.memory_space<vmem>> -> memref<1x128xi32, #tpu.memory_space<vmem>>
      %dma_start3A_486 = tpu.memref_squeeze %dma_start3A_485 : memref<1x128xi32, #tpu.memory_space<vmem>> -> memref<128xi32, #tpu.memory_space<vmem>>
      %dma_start3A_487 = arith.constant 0 : i32
      %dma_start3A_488 = arith.constant 0 : i32
      %dma_start3A_489 = tpu.memref_slice %arg13[%dma_start3A_487, %dma_start3A_488] : memref<10112x16xf32, #tpu.memory_space<vmem_shared>> -> memref<10112x16xf32, #tpu.memory_space<vmem_shared>>
      tpu.enqueue_indirect_dma source(%dma_start3A_483 : memref<128x16xf32, #tpu.memory_space<vmem>>) target(%dma_start3A_489 : memref<10112x16xf32, #tpu.memory_space<vmem_shared>>) offsets(%dma_start3A_486 : memref<128xi32, #tpu.memory_space<vmem>>) semaphore(%arg17 : memref<!tpu.dma_semaphore, #tpu.memory_space<semaphore_mem>>) {add = true}
      %dma_start3A_490 = arith.constant 4 : i32
      %dma_start3A_491 = arith.constant 512 : i32
      %dma_start3A_492 = arith.constant 0 : i32
      %dma_start3A_493 = tpu.memref_slice %arg12[%dma_start3A_491, %dma_start3A_492] : memref<1024x16xf32, #tpu.memory_space<vmem>> -> memref<128x16xf32, #tpu.memory_space<vmem>>
      %dma_start3A_494 = arith.constant 0 : i32
      %dma_start3A_495 = tpu.memref_slice %arg11[%dma_start3A_490, %dma_start3A_494] : memref<8x128xi32, #tpu.memory_space<vmem>> -> memref<1x128xi32, #tpu.memory_space<vmem>>
      %dma_start3A_496 = tpu.memref_squeeze %dma_start3A_495 : memref<1x128xi32, #tpu.memory_space<vmem>> -> memref<128xi32, #tpu.memory_space<vmem>>
      %dma_start3A_497 = arith.constant 0 : i32
      %dma_start3A_498 = arith.constant 0 : i32
      %dma_start3A_499 = tpu.memref_slice %arg13[%dma_start3A_497, %dma_start3A_498] : memref<10112x16xf32, #tpu.memory_space<vmem_shared>> -> memref<10112x16xf32, #tpu.memory_space<vmem_shared>>
      tpu.enqueue_indirect_dma source(%dma_start3A_493 : memref<128x16xf32, #tpu.memory_space<vmem>>) target(%dma_start3A_499 : memref<10112x16xf32, #tpu.memory_space<vmem_shared>>) offsets(%dma_start3A_496 : memref<128xi32, #tpu.memory_space<vmem>>) semaphore(%arg17 : memref<!tpu.dma_semaphore, #tpu.memory_space<semaphore_mem>>) {add = true}
      %dma_start3A_500 = arith.constant 5 : i32
      %dma_start3A_501 = arith.constant 640 : i32
      %dma_start3A_502 = arith.constant 0 : i32
      %dma_start3A_503 = tpu.memref_slice %arg12[%dma_start3A_501, %dma_start3A_502] : memref<1024x16xf32, #tpu.memory_space<vmem>> -> memref<128x16xf32, #tpu.memory_space<vmem>>
      %dma_start3A_504 = arith.constant 0 : i32
      %dma_start3A_505 = tpu.memref_slice %arg11[%dma_start3A_500, %dma_start3A_504] : memref<8x128xi32, #tpu.memory_space<vmem>> -> memref<1x128xi32, #tpu.memory_space<vmem>>
      %dma_start3A_506 = tpu.memref_squeeze %dma_start3A_505 : memref<1x128xi32, #tpu.memory_space<vmem>> -> memref<128xi32, #tpu.memory_space<vmem>>
      %dma_start3A_507 = arith.constant 0 : i32
      %dma_start3A_508 = arith.constant 0 : i32
      %dma_start3A_509 = tpu.memref_slice %arg13[%dma_start3A_507, %dma_start3A_508] : memref<10112x16xf32, #tpu.memory_space<vmem_shared>> -> memref<10112x16xf32, #tpu.memory_space<vmem_shared>>
      tpu.enqueue_indirect_dma source(%dma_start3A_503 : memref<128x16xf32, #tpu.memory_space<vmem>>) target(%dma_start3A_509 : memref<10112x16xf32, #tpu.memory_space<vmem_shared>>) offsets(%dma_start3A_506 : memref<128xi32, #tpu.memory_space<vmem>>) semaphore(%arg17 : memref<!tpu.dma_semaphore, #tpu.memory_space<semaphore_mem>>) {add = true}
      %dma_start3A_510 = arith.constant 6 : i32
      %dma_start3A_511 = arith.constant 768 : i32
      %dma_start3A_512 = arith.constant 0 : i32
      %dma_start3A_513 = tpu.memref_slice %arg12[%dma_start3A_511, %dma_start3A_512] : memref<1024x16xf32, #tpu.memory_space<vmem>> -> memref<128x16xf32, #tpu.memory_space<vmem>>
      %dma_start3A_514 = arith.constant 0 : i32
      %dma_start3A_515 = tpu.memref_slice %arg11[%dma_start3A_510, %dma_start3A_514] : memref<8x128xi32, #tpu.memory_space<vmem>> -> memref<1x128xi32, #tpu.memory_space<vmem>>
      %dma_start3A_516 = tpu.memref_squeeze %dma_start3A_515 : memref<1x128xi32, #tpu.memory_space<vmem>> -> memref<128xi32, #tpu.memory_space<vmem>>
      %dma_start3A_517 = arith.constant 0 : i32
      %dma_start3A_518 = arith.constant 0 : i32
      %dma_start3A_519 = tpu.memref_slice %arg13[%dma_start3A_517, %dma_start3A_518] : memref<10112x16xf32, #tpu.memory_space<vmem_shared>> -> memref<10112x16xf32, #tpu.memory_space<vmem_shared>>
      tpu.enqueue_indirect_dma source(%dma_start3A_513 : memref<128x16xf32, #tpu.memory_space<vmem>>) target(%dma_start3A_519 : memref<10112x16xf32, #tpu.memory_space<vmem_shared>>) offsets(%dma_start3A_516 : memref<128xi32, #tpu.memory_space<vmem>>) semaphore(%arg17 : memref<!tpu.dma_semaphore, #tpu.memory_space<semaphore_mem>>) {add = true}
      %dma_start3A_520 = arith.constant 7 : i32
      %dma_start3A_521 = arith.constant 896 : i32
      %dma_start3A_522 = arith.constant 0 : i32
      %dma_start3A_523 = tpu.memref_slice %arg12[%dma_start3A_521, %dma_start3A_522] : memref<1024x16xf32, #tpu.memory_space<vmem>> -> memref<128x16xf32, #tpu.memory_space<vmem>>
      %dma_start3A_524 = arith.constant 0 : i32
      %dma_start3A_525 = tpu.memref_slice %arg11[%dma_start3A_520, %dma_start3A_524] : memref<8x128xi32, #tpu.memory_space<vmem>> -> memref<1x128xi32, #tpu.memory_space<vmem>>
      %dma_start3A_526 = tpu.memref_squeeze %dma_start3A_525 : memref<1x128xi32, #tpu.memory_space<vmem>> -> memref<128xi32, #tpu.memory_space<vmem>>
      %dma_start3A_527 = arith.constant 0 : i32
      %dma_start3A_528 = arith.constant 0 : i32
      %dma_start3A_529 = tpu.memref_slice %arg13[%dma_start3A_527, %dma_start3A_528] : memref<10112x16xf32, #tpu.memory_space<vmem_shared>> -> memref<10112x16xf32, #tpu.memory_space<vmem_shared>>
      tpu.enqueue_indirect_dma source(%dma_start3A_523 : memref<128x16xf32, #tpu.memory_space<vmem>>) target(%dma_start3A_529 : memref<10112x16xf32, #tpu.memory_space<vmem_shared>>) offsets(%dma_start3A_526 : memref<128xi32, #tpu.memory_space<vmem>>) semaphore(%arg17 : memref<!tpu.dma_semaphore, #tpu.memory_space<semaphore_mem>>) {add = true}
      %dma_wait3A_530 = arith.constant 0 : i32
      %dma_wait3A_531 = arith.constant 0 : i32
      %dma_wait3A_532 = arith.constant 0 : i32
      %dma_wait3A_533 = tpu.memref_slice %arg9[%dma_wait3A_531, %dma_wait3A_532] : memref<1024x16xf32, #tpu.memory_space<vmem>> -> memref<128x16xf32, #tpu.memory_space<vmem>>
      %dma_wait3A_534 = arith.constant 0 : i32
      %dma_wait3A_535 = tpu.memref_slice %arg8[%dma_wait3A_530, %dma_wait3A_534] : memref<8x128xi32, #tpu.memory_space<vmem>> -> memref<1x128xi32, #tpu.memory_space<vmem>>
      %dma_wait3A_536 = tpu.memref_squeeze %dma_wait3A_535 : memref<1x128xi32, #tpu.memory_space<vmem>> -> memref<128xi32, #tpu.memory_space<vmem>>
      %dma_wait3A_537 = arith.constant 0 : i32
      %dma_wait3A_538 = arith.constant 0 : i32
      %dma_wait3A_539 = tpu.memref_slice %arg13[%dma_wait3A_537, %dma_wait3A_538] : memref<10112x16xf32, #tpu.memory_space<vmem_shared>> -> memref<10112x16xf32, #tpu.memory_space<vmem_shared>>
      tpu.wait_indirect_dma semaphore(%arg16 : memref<!tpu.dma_semaphore, #tpu.memory_space<semaphore_mem>>) src(%dma_wait3A_533 : memref<128x16xf32, #tpu.memory_space<vmem>>) dst(%dma_wait3A_539 : memref<10112x16xf32, #tpu.memory_space<vmem_shared>>)
      %dma_wait3A_540 = arith.constant 1 : i32
      %dma_wait3A_541 = arith.constant 128 : i32
      %dma_wait3A_542 = arith.constant 0 : i32
      %dma_wait3A_543 = tpu.memref_slice %arg9[%dma_wait3A_541, %dma_wait3A_542] : memref<1024x16xf32, #tpu.memory_space<vmem>> -> memref<128x16xf32, #tpu.memory_space<vmem>>
      %dma_wait3A_544 = arith.constant 0 : i32
      %dma_wait3A_545 = tpu.memref_slice %arg8[%dma_wait3A_540, %dma_wait3A_544] : memref<8x128xi32, #tpu.memory_space<vmem>> -> memref<1x128xi32, #tpu.memory_space<vmem>>
      %dma_wait3A_546 = tpu.memref_squeeze %dma_wait3A_545 : memref<1x128xi32, #tpu.memory_space<vmem>> -> memref<128xi32, #tpu.memory_space<vmem>>
      %dma_wait3A_547 = arith.constant 0 : i32
      %dma_wait3A_548 = arith.constant 0 : i32
      %dma_wait3A_549 = tpu.memref_slice %arg13[%dma_wait3A_547, %dma_wait3A_548] : memref<10112x16xf32, #tpu.memory_space<vmem_shared>> -> memref<10112x16xf32, #tpu.memory_space<vmem_shared>>
      tpu.wait_indirect_dma semaphore(%arg16 : memref<!tpu.dma_semaphore, #tpu.memory_space<semaphore_mem>>) src(%dma_wait3A_543 : memref<128x16xf32, #tpu.memory_space<vmem>>) dst(%dma_wait3A_549 : memref<10112x16xf32, #tpu.memory_space<vmem_shared>>)
      %dma_wait3A_550 = arith.constant 2 : i32
      %dma_wait3A_551 = arith.constant 256 : i32
      %dma_wait3A_552 = arith.constant 0 : i32
      %dma_wait3A_553 = tpu.memref_slice %arg9[%dma_wait3A_551, %dma_wait3A_552] : memref<1024x16xf32, #tpu.memory_space<vmem>> -> memref<128x16xf32, #tpu.memory_space<vmem>>
      %dma_wait3A_554 = arith.constant 0 : i32
      %dma_wait3A_555 = tpu.memref_slice %arg8[%dma_wait3A_550, %dma_wait3A_554] : memref<8x128xi32, #tpu.memory_space<vmem>> -> memref<1x128xi32, #tpu.memory_space<vmem>>
      %dma_wait3A_556 = tpu.memref_squeeze %dma_wait3A_555 : memref<1x128xi32, #tpu.memory_space<vmem>> -> memref<128xi32, #tpu.memory_space<vmem>>
      %dma_wait3A_557 = arith.constant 0 : i32
      %dma_wait3A_558 = arith.constant 0 : i32
      %dma_wait3A_559 = tpu.memref_slice %arg13[%dma_wait3A_557, %dma_wait3A_558] : memref<10112x16xf32, #tpu.memory_space<vmem_shared>> -> memref<10112x16xf32, #tpu.memory_space<vmem_shared>>
      tpu.wait_indirect_dma semaphore(%arg16 : memref<!tpu.dma_semaphore, #tpu.memory_space<semaphore_mem>>) src(%dma_wait3A_553 : memref<128x16xf32, #tpu.memory_space<vmem>>) dst(%dma_wait3A_559 : memref<10112x16xf32, #tpu.memory_space<vmem_shared>>)
      %dma_wait3A_560 = arith.constant 3 : i32
      %dma_wait3A_561 = arith.constant 384 : i32
      %dma_wait3A_562 = arith.constant 0 : i32
      %dma_wait3A_563 = tpu.memref_slice %arg9[%dma_wait3A_561, %dma_wait3A_562] : memref<1024x16xf32, #tpu.memory_space<vmem>> -> memref<128x16xf32, #tpu.memory_space<vmem>>
      %dma_wait3A_564 = arith.constant 0 : i32
      %dma_wait3A_565 = tpu.memref_slice %arg8[%dma_wait3A_560, %dma_wait3A_564] : memref<8x128xi32, #tpu.memory_space<vmem>> -> memref<1x128xi32, #tpu.memory_space<vmem>>
      %dma_wait3A_566 = tpu.memref_squeeze %dma_wait3A_565 : memref<1x128xi32, #tpu.memory_space<vmem>> -> memref<128xi32, #tpu.memory_space<vmem>>
      %dma_wait3A_567 = arith.constant 0 : i32
      %dma_wait3A_568 = arith.constant 0 : i32
      %dma_wait3A_569 = tpu.memref_slice %arg13[%dma_wait3A_567, %dma_wait3A_568] : memref<10112x16xf32, #tpu.memory_space<vmem_shared>> -> memref<10112x16xf32, #tpu.memory_space<vmem_shared>>
      tpu.wait_indirect_dma semaphore(%arg16 : memref<!tpu.dma_semaphore, #tpu.memory_space<semaphore_mem>>) src(%dma_wait3A_563 : memref<128x16xf32, #tpu.memory_space<vmem>>) dst(%dma_wait3A_569 : memref<10112x16xf32, #tpu.memory_space<vmem_shared>>)
      %dma_wait3A_570 = arith.constant 4 : i32
      %dma_wait3A_571 = arith.constant 512 : i32
      %dma_wait3A_572 = arith.constant 0 : i32
      %dma_wait3A_573 = tpu.memref_slice %arg9[%dma_wait3A_571, %dma_wait3A_572] : memref<1024x16xf32, #tpu.memory_space<vmem>> -> memref<128x16xf32, #tpu.memory_space<vmem>>
      %dma_wait3A_574 = arith.constant 0 : i32
      %dma_wait3A_575 = tpu.memref_slice %arg8[%dma_wait3A_570, %dma_wait3A_574] : memref<8x128xi32, #tpu.memory_space<vmem>> -> memref<1x128xi32, #tpu.memory_space<vmem>>
      %dma_wait3A_576 = tpu.memref_squeeze %dma_wait3A_575 : memref<1x128xi32, #tpu.memory_space<vmem>> -> memref<128xi32, #tpu.memory_space<vmem>>
      %dma_wait3A_577 = arith.constant 0 : i32
      %dma_wait3A_578 = arith.constant 0 : i32
      %dma_wait3A_579 = tpu.memref_slice %arg13[%dma_wait3A_577, %dma_wait3A_578] : memref<10112x16xf32, #tpu.memory_space<vmem_shared>> -> memref<10112x16xf32, #tpu.memory_space<vmem_shared>>
      tpu.wait_indirect_dma semaphore(%arg16 : memref<!tpu.dma_semaphore, #tpu.memory_space<semaphore_mem>>) src(%dma_wait3A_573 : memref<128x16xf32, #tpu.memory_space<vmem>>) dst(%dma_wait3A_579 : memref<10112x16xf32, #tpu.memory_space<vmem_shared>>)
      %dma_wait3A_580 = arith.constant 5 : i32
      %dma_wait3A_581 = arith.constant 640 : i32
      %dma_wait3A_582 = arith.constant 0 : i32
      %dma_wait3A_583 = tpu.memref_slice %arg9[%dma_wait3A_581, %dma_wait3A_582] : memref<1024x16xf32, #tpu.memory_space<vmem>> -> memref<128x16xf32, #tpu.memory_space<vmem>>
      %dma_wait3A_584 = arith.constant 0 : i32
      %dma_wait3A_585 = tpu.memref_slice %arg8[%dma_wait3A_580, %dma_wait3A_584] : memref<8x128xi32, #tpu.memory_space<vmem>> -> memref<1x128xi32, #tpu.memory_space<vmem>>
      %dma_wait3A_586 = tpu.memref_squeeze %dma_wait3A_585 : memref<1x128xi32, #tpu.memory_space<vmem>> -> memref<128xi32, #tpu.memory_space<vmem>>
      %dma_wait3A_587 = arith.constant 0 : i32
      %dma_wait3A_588 = arith.constant 0 : i32
      %dma_wait3A_589 = tpu.memref_slice %arg13[%dma_wait3A_587, %dma_wait3A_588] : memref<10112x16xf32, #tpu.memory_space<vmem_shared>> -> memref<10112x16xf32, #tpu.memory_space<vmem_shared>>
      tpu.wait_indirect_dma semaphore(%arg16 : memref<!tpu.dma_semaphore, #tpu.memory_space<semaphore_mem>>) src(%dma_wait3A_583 : memref<128x16xf32, #tpu.memory_space<vmem>>) dst(%dma_wait3A_589 : memref<10112x16xf32, #tpu.memory_space<vmem_shared>>)
      %dma_wait3A_590 = arith.constant 6 : i32
      %dma_wait3A_591 = arith.constant 768 : i32
      %dma_wait3A_592 = arith.constant 0 : i32
      %dma_wait3A_593 = tpu.memref_slice %arg9[%dma_wait3A_591, %dma_wait3A_592] : memref<1024x16xf32, #tpu.memory_space<vmem>> -> memref<128x16xf32, #tpu.memory_space<vmem>>
      %dma_wait3A_594 = arith.constant 0 : i32
      %dma_wait3A_595 = tpu.memref_slice %arg8[%dma_wait3A_590, %dma_wait3A_594] : memref<8x128xi32, #tpu.memory_space<vmem>> -> memref<1x128xi32, #tpu.memory_space<vmem>>
      %dma_wait3A_596 = tpu.memref_squeeze %dma_wait3A_595 : memref<1x128xi32, #tpu.memory_space<vmem>> -> memref<128xi32, #tpu.memory_space<vmem>>
      %dma_wait3A_597 = arith.constant 0 : i32
      %dma_wait3A_598 = arith.constant 0 : i32
      %dma_wait3A_599 = tpu.memref_slice %arg13[%dma_wait3A_597, %dma_wait3A_598] : memref<10112x16xf32, #tpu.memory_space<vmem_shared>> -> memref<10112x16xf32, #tpu.memory_space<vmem_shared>>
      tpu.wait_indirect_dma semaphore(%arg16 : memref<!tpu.dma_semaphore, #tpu.memory_space<semaphore_mem>>) src(%dma_wait3A_593 : memref<128x16xf32, #tpu.memory_space<vmem>>) dst(%dma_wait3A_599 : memref<10112x16xf32, #tpu.memory_space<vmem_shared>>)
      %dma_wait3A_600 = arith.constant 7 : i32
      %dma_wait3A_601 = arith.constant 896 : i32
      %dma_wait3A_602 = arith.constant 0 : i32
      %dma_wait3A_603 = tpu.memref_slice %arg9[%dma_wait3A_601, %dma_wait3A_602] : memref<1024x16xf32, #tpu.memory_space<vmem>> -> memref<128x16xf32, #tpu.memory_space<vmem>>
      %dma_wait3A_604 = arith.constant 0 : i32
      %dma_wait3A_605 = tpu.memref_slice %arg8[%dma_wait3A_600, %dma_wait3A_604] : memref<8x128xi32, #tpu.memory_space<vmem>> -> memref<1x128xi32, #tpu.memory_space<vmem>>
      %dma_wait3A_606 = tpu.memref_squeeze %dma_wait3A_605 : memref<1x128xi32, #tpu.memory_space<vmem>> -> memref<128xi32, #tpu.memory_space<vmem>>
      %dma_wait3A_607 = arith.constant 0 : i32
      %dma_wait3A_608 = arith.constant 0 : i32
      %dma_wait3A_609 = tpu.memref_slice %arg13[%dma_wait3A_607, %dma_wait3A_608] : memref<10112x16xf32, #tpu.memory_space<vmem_shared>> -> memref<10112x16xf32, #tpu.memory_space<vmem_shared>>
      tpu.wait_indirect_dma semaphore(%arg16 : memref<!tpu.dma_semaphore, #tpu.memory_space<semaphore_mem>>) src(%dma_wait3A_603 : memref<128x16xf32, #tpu.memory_space<vmem>>) dst(%dma_wait3A_609 : memref<10112x16xf32, #tpu.memory_space<vmem_shared>>)
      %add3A_610 = arith.constant 2 : i32
      %add3A_611 = arith.addi %mul3A_210, %add3A_610 : i32
      %lt3A = arith.cmpi slt, %add3A_611, %select_n3A : i32
      %convert_element_type3A = arith.extui %lt3A : i1 to i32
      %cond3A = arith.constant 0 : i32
      %cond3A_612 = arith.cmpi ne, %convert_element_type3A, %cond3A : i32
      scf.if %cond3A_612 {
        %add3A_699 = arith.constant 2 : i32
        %add3A_700 = arith.addi %mul3A_210, %add3A_699 : i32
        %mul3A_701 = arith.constant 8 : i32
        %mul3A_702 = arith.muli %add3A_700, %mul3A_701 : i32
        %add3A_703 = arith.addi %select_n3A_12, %mul3A_702 : i32
        "tpu.region"() ({
          %run_scoped3A = tpu.sem_alloc : memref<!tpu.dma_semaphore, #tpu.memory_space<semaphore_mem>>
          %dma_start3A_784 = arith.constant 0 : i32
          %dma_start3A_785 = tpu.memref_slice %arg3[%add3A_703, %dma_start3A_784] : memref<2560x128xi32, #tpu.memory_space<hbm>> -> memref<8x128xi32, #tpu.memory_space<hbm>>
          %dma_start3A_786 = arith.constant 0 : i32
          %dma_start3A_787 = tpu.memref_slice %arg3[%add3A_703, %dma_start3A_786] : memref<2560x128xi32, #tpu.memory_space<hbm>> -> memref<8x128xi32, #tpu.memory_space<hbm>>
          tpu.enqueue_dma source(%dma_start3A_787 : memref<8x128xi32, #tpu.memory_space<hbm>>) target(%arg7 : memref<8x128xi32, #tpu.memory_space<vmem>>) target_semaphore(%run_scoped3A : memref<!tpu.dma_semaphore, #tpu.memory_space<semaphore_mem>>)
          %dma_wait3A_788 = arith.constant 0 : i32
          %dma_wait3A_789 = tpu.memref_slice %arg3[%add3A_703, %dma_wait3A_788] : memref<2560x128xi32, #tpu.memory_space<hbm>> -> memref<8x128xi32, #tpu.memory_space<hbm>>
          %dma_wait3A_790 = arith.constant 0 : i32
          %dma_wait3A_791 = tpu.memref_slice %arg3[%add3A_703, %dma_wait3A_790] : memref<2560x128xi32, #tpu.memory_space<hbm>> -> memref<8x128xi32, #tpu.memory_space<hbm>>
          tpu.wait_dma2 semaphore(%run_scoped3A : memref<!tpu.dma_semaphore, #tpu.memory_space<semaphore_mem>>) src(%dma_wait3A_791 : memref<8x128xi32, #tpu.memory_space<hbm>>) dst(%arg7 : memref<8x128xi32, #tpu.memory_space<vmem>>)
          tpu.yield
        }) : () -> ()
        "tpu.region"() ({
          %run_scoped3A = tpu.sem_alloc : memref<!tpu.dma_semaphore, #tpu.memory_space<semaphore_mem>>
          %dma_start3A_784 = arith.constant 0 : i32
          %dma_start3A_785 = tpu.memref_slice %arg4[%add3A_703, %dma_start3A_784] : memref<2560x128xi32, #tpu.memory_space<hbm>> -> memref<8x128xi32, #tpu.memory_space<hbm>>
          %dma_start3A_786 = arith.constant 0 : i32
          %dma_start3A_787 = tpu.memref_slice %arg4[%add3A_703, %dma_start3A_786] : memref<2560x128xi32, #tpu.memory_space<hbm>> -> memref<8x128xi32, #tpu.memory_space<hbm>>
          tpu.enqueue_dma source(%dma_start3A_787 : memref<8x128xi32, #tpu.memory_space<hbm>>) target(%arg8 : memref<8x128xi32, #tpu.memory_space<vmem>>) target_semaphore(%run_scoped3A : memref<!tpu.dma_semaphore, #tpu.memory_space<semaphore_mem>>)
          %dma_wait3A_788 = arith.constant 0 : i32
          %dma_wait3A_789 = tpu.memref_slice %arg4[%add3A_703, %dma_wait3A_788] : memref<2560x128xi32, #tpu.memory_space<hbm>> -> memref<8x128xi32, #tpu.memory_space<hbm>>
          %dma_wait3A_790 = arith.constant 0 : i32
          %dma_wait3A_791 = tpu.memref_slice %arg4[%add3A_703, %dma_wait3A_790] : memref<2560x128xi32, #tpu.memory_space<hbm>> -> memref<8x128xi32, #tpu.memory_space<hbm>>
          tpu.wait_dma2 semaphore(%run_scoped3A : memref<!tpu.dma_semaphore, #tpu.memory_space<semaphore_mem>>) src(%dma_wait3A_791 : memref<8x128xi32, #tpu.memory_space<hbm>>) dst(%arg8 : memref<8x128xi32, #tpu.memory_space<vmem>>)
          tpu.yield
        }) : () -> ()
        %dma_start3A_704 = arith.constant 0 : i32
        %dma_start3A_705 = arith.constant 0 : i32
        %dma_start3A_706 = arith.constant 0 : i32
        %dma_start3A_707 = tpu.memref_slice %arg9[%dma_start3A_705, %dma_start3A_706] : memref<1024x16xf32, #tpu.memory_space<vmem>> -> memref<128x16xf32, #tpu.memory_space<vmem>>
        %dma_start3A_708 = arith.constant 0 : i32
        %dma_start3A_709 = tpu.memref_slice %arg7[%dma_start3A_704, %dma_start3A_708] : memref<8x128xi32, #tpu.memory_space<vmem>> -> memref<1x128xi32, #tpu.memory_space<vmem>>
        %dma_start3A_710 = tpu.memref_squeeze %dma_start3A_709 : memref<1x128xi32, #tpu.memory_space<vmem>> -> memref<128xi32, #tpu.memory_space<vmem>>
        %dma_start3A_711 = arith.constant 0 : i32
        %dma_start3A_712 = arith.constant 0 : i32
        %dma_start3A_713 = tpu.memref_slice %arg2[%dma_start3A_711, %dma_start3A_712] : memref<10000x16xf32, #tpu.memory_space<hbm>> -> memref<10000x16xf32, #tpu.memory_space<hbm>>
        tpu.enqueue_indirect_dma source(%dma_start3A_713 : memref<10000x16xf32, #tpu.memory_space<hbm>>) target(%dma_start3A_707 : memref<128x16xf32, #tpu.memory_space<vmem>>) offsets(%dma_start3A_710 : memref<128xi32, #tpu.memory_space<vmem>>) semaphore(%arg14 : memref<!tpu.dma_semaphore, #tpu.memory_space<semaphore_mem>>)
        %dma_start3A_714 = arith.constant 1 : i32
        %dma_start3A_715 = arith.constant 128 : i32
        %dma_start3A_716 = arith.constant 0 : i32
        %dma_start3A_717 = tpu.memref_slice %arg9[%dma_start3A_715, %dma_start3A_716] : memref<1024x16xf32, #tpu.memory_space<vmem>> -> memref<128x16xf32, #tpu.memory_space<vmem>>
        %dma_start3A_718 = arith.constant 0 : i32
        %dma_start3A_719 = tpu.memref_slice %arg7[%dma_start3A_714, %dma_start3A_718] : memref<8x128xi32, #tpu.memory_space<vmem>> -> memref<1x128xi32, #tpu.memory_space<vmem>>
        %dma_start3A_720 = tpu.memref_squeeze %dma_start3A_719 : memref<1x128xi32, #tpu.memory_space<vmem>> -> memref<128xi32, #tpu.memory_space<vmem>>
        %dma_start3A_721 = arith.constant 0 : i32
        %dma_start3A_722 = arith.constant 0 : i32
        %dma_start3A_723 = tpu.memref_slice %arg2[%dma_start3A_721, %dma_start3A_722] : memref<10000x16xf32, #tpu.memory_space<hbm>> -> memref<10000x16xf32, #tpu.memory_space<hbm>>
        tpu.enqueue_indirect_dma source(%dma_start3A_723 : memref<10000x16xf32, #tpu.memory_space<hbm>>) target(%dma_start3A_717 : memref<128x16xf32, #tpu.memory_space<vmem>>) offsets(%dma_start3A_720 : memref<128xi32, #tpu.memory_space<vmem>>) semaphore(%arg14 : memref<!tpu.dma_semaphore, #tpu.memory_space<semaphore_mem>>)
        %dma_start3A_724 = arith.constant 2 : i32
        %dma_start3A_725 = arith.constant 256 : i32
        %dma_start3A_726 = arith.constant 0 : i32
        %dma_start3A_727 = tpu.memref_slice %arg9[%dma_start3A_725, %dma_start3A_726] : memref<1024x16xf32, #tpu.memory_space<vmem>> -> memref<128x16xf32, #tpu.memory_space<vmem>>
        %dma_start3A_728 = arith.constant 0 : i32
        %dma_start3A_729 = tpu.memref_slice %arg7[%dma_start3A_724, %dma_start3A_728] : memref<8x128xi32, #tpu.memory_space<vmem>> -> memref<1x128xi32, #tpu.memory_space<vmem>>
        %dma_start3A_730 = tpu.memref_squeeze %dma_start3A_729 : memref<1x128xi32, #tpu.memory_space<vmem>> -> memref<128xi32, #tpu.memory_space<vmem>>
        %dma_start3A_731 = arith.constant 0 : i32
        %dma_start3A_732 = arith.constant 0 : i32
        %dma_start3A_733 = tpu.memref_slice %arg2[%dma_start3A_731, %dma_start3A_732] : memref<10000x16xf32, #tpu.memory_space<hbm>> -> memref<10000x16xf32, #tpu.memory_space<hbm>>
        tpu.enqueue_indirect_dma source(%dma_start3A_733 : memref<10000x16xf32, #tpu.memory_space<hbm>>) target(%dma_start3A_727 : memref<128x16xf32, #tpu.memory_space<vmem>>) offsets(%dma_start3A_730 : memref<128xi32, #tpu.memory_space<vmem>>) semaphore(%arg14 : memref<!tpu.dma_semaphore, #tpu.memory_space<semaphore_mem>>)
        %dma_start3A_734 = arith.constant 3 : i32
        %dma_start3A_735 = arith.constant 384 : i32
        %dma_start3A_736 = arith.constant 0 : i32
        %dma_start3A_737 = tpu.memref_slice %arg9[%dma_start3A_735, %dma_start3A_736] : memref<1024x16xf32, #tpu.memory_space<vmem>> -> memref<128x16xf32, #tpu.memory_space<vmem>>
        %dma_start3A_738 = arith.constant 0 : i32
        %dma_start3A_739 = tpu.memref_slice %arg7[%dma_start3A_734, %dma_start3A_738] : memref<8x128xi32, #tpu.memory_space<vmem>> -> memref<1x128xi32, #tpu.memory_space<vmem>>
        %dma_start3A_740 = tpu.memref_squeeze %dma_start3A_739 : memref<1x128xi32, #tpu.memory_space<vmem>> -> memref<128xi32, #tpu.memory_space<vmem>>
        %dma_start3A_741 = arith.constant 0 : i32
        %dma_start3A_742 = arith.constant 0 : i32
        %dma_start3A_743 = tpu.memref_slice %arg2[%dma_start3A_741, %dma_start3A_742] : memref<10000x16xf32, #tpu.memory_space<hbm>> -> memref<10000x16xf32, #tpu.memory_space<hbm>>
        tpu.enqueue_indirect_dma source(%dma_start3A_743 : memref<10000x16xf32, #tpu.memory_space<hbm>>) target(%dma_start3A_737 : memref<128x16xf32, #tpu.memory_space<vmem>>) offsets(%dma_start3A_740 : memref<128xi32, #tpu.memory_space<vmem>>) semaphore(%arg14 : memref<!tpu.dma_semaphore, #tpu.memory_space<semaphore_mem>>)
        %dma_start3A_744 = arith.constant 4 : i32
        %dma_start3A_745 = arith.constant 512 : i32
        %dma_start3A_746 = arith.constant 0 : i32
        %dma_start3A_747 = tpu.memref_slice %arg9[%dma_start3A_745, %dma_start3A_746] : memref<1024x16xf32, #tpu.memory_space<vmem>> -> memref<128x16xf32, #tpu.memory_space<vmem>>
        %dma_start3A_748 = arith.constant 0 : i32
        %dma_start3A_749 = tpu.memref_slice %arg7[%dma_start3A_744, %dma_start3A_748] : memref<8x128xi32, #tpu.memory_space<vmem>> -> memref<1x128xi32, #tpu.memory_space<vmem>>
        %dma_start3A_750 = tpu.memref_squeeze %dma_start3A_749 : memref<1x128xi32, #tpu.memory_space<vmem>> -> memref<128xi32, #tpu.memory_space<vmem>>
        %dma_start3A_751 = arith.constant 0 : i32
        %dma_start3A_752 = arith.constant 0 : i32
        %dma_start3A_753 = tpu.memref_slice %arg2[%dma_start3A_751, %dma_start3A_752] : memref<10000x16xf32, #tpu.memory_space<hbm>> -> memref<10000x16xf32, #tpu.memory_space<hbm>>
        tpu.enqueue_indirect_dma source(%dma_start3A_753 : memref<10000x16xf32, #tpu.memory_space<hbm>>) target(%dma_start3A_747 : memref<128x16xf32, #tpu.memory_space<vmem>>) offsets(%dma_start3A_750 : memref<128xi32, #tpu.memory_space<vmem>>) semaphore(%arg14 : memref<!tpu.dma_semaphore, #tpu.memory_space<semaphore_mem>>)
        %dma_start3A_754 = arith.constant 5 : i32
        %dma_start3A_755 = arith.constant 640 : i32
        %dma_start3A_756 = arith.constant 0 : i32
        %dma_start3A_757 = tpu.memref_slice %arg9[%dma_start3A_755, %dma_start3A_756] : memref<1024x16xf32, #tpu.memory_space<vmem>> -> memref<128x16xf32, #tpu.memory_space<vmem>>
        %dma_start3A_758 = arith.constant 0 : i32
        %dma_start3A_759 = tpu.memref_slice %arg7[%dma_start3A_754, %dma_start3A_758] : memref<8x128xi32, #tpu.memory_space<vmem>> -> memref<1x128xi32, #tpu.memory_space<vmem>>
        %dma_start3A_760 = tpu.memref_squeeze %dma_start3A_759 : memref<1x128xi32, #tpu.memory_space<vmem>> -> memref<128xi32, #tpu.memory_space<vmem>>
        %dma_start3A_761 = arith.constant 0 : i32
        %dma_start3A_762 = arith.constant 0 : i32
        %dma_start3A_763 = tpu.memref_slice %arg2[%dma_start3A_761, %dma_start3A_762] : memref<10000x16xf32, #tpu.memory_space<hbm>> -> memref<10000x16xf32, #tpu.memory_space<hbm>>
        tpu.enqueue_indirect_dma source(%dma_start3A_763 : memref<10000x16xf32, #tpu.memory_space<hbm>>) target(%dma_start3A_757 : memref<128x16xf32, #tpu.memory_space<vmem>>) offsets(%dma_start3A_760 : memref<128xi32, #tpu.memory_space<vmem>>) semaphore(%arg14 : memref<!tpu.dma_semaphore, #tpu.memory_space<semaphore_mem>>)
        %dma_start3A_764 = arith.constant 6 : i32
        %dma_start3A_765 = arith.constant 768 : i32
        %dma_start3A_766 = arith.constant 0 : i32
        %dma_start3A_767 = tpu.memref_slice %arg9[%dma_start3A_765, %dma_start3A_766] : memref<1024x16xf32, #tpu.memory_space<vmem>> -> memref<128x16xf32, #tpu.memory_space<vmem>>
        %dma_start3A_768 = arith.constant 0 : i32
        %dma_start3A_769 = tpu.memref_slice %arg7[%dma_start3A_764, %dma_start3A_768] : memref<8x128xi32, #tpu.memory_space<vmem>> -> memref<1x128xi32, #tpu.memory_space<vmem>>
        %dma_start3A_770 = tpu.memref_squeeze %dma_start3A_769 : memref<1x128xi32, #tpu.memory_space<vmem>> -> memref<128xi32, #tpu.memory_space<vmem>>
        %dma_start3A_771 = arith.constant 0 : i32
        %dma_start3A_772 = arith.constant 0 : i32
        %dma_start3A_773 = tpu.memref_slice %arg2[%dma_start3A_771, %dma_start3A_772] : memref<10000x16xf32, #tpu.memory_space<hbm>> -> memref<10000x16xf32, #tpu.memory_space<hbm>>
        tpu.enqueue_indirect_dma source(%dma_start3A_773 : memref<10000x16xf32, #tpu.memory_space<hbm>>) target(%dma_start3A_767 : memref<128x16xf32, #tpu.memory_space<vmem>>) offsets(%dma_start3A_770 : memref<128xi32, #tpu.memory_space<vmem>>) semaphore(%arg14 : memref<!tpu.dma_semaphore, #tpu.memory_space<semaphore_mem>>)
        %dma_start3A_774 = arith.constant 7 : i32
        %dma_start3A_775 = arith.constant 896 : i32
        %dma_start3A_776 = arith.constant 0 : i32
        %dma_start3A_777 = tpu.memref_slice %arg9[%dma_start3A_775, %dma_start3A_776] : memref<1024x16xf32, #tpu.memory_space<vmem>> -> memref<128x16xf32, #tpu.memory_space<vmem>>
        %dma_start3A_778 = arith.constant 0 : i32
        %dma_start3A_779 = tpu.memref_slice %arg7[%dma_start3A_774, %dma_start3A_778] : memref<8x128xi32, #tpu.memory_space<vmem>> -> memref<1x128xi32, #tpu.memory_space<vmem>>
        %dma_start3A_780 = tpu.memref_squeeze %dma_start3A_779 : memref<1x128xi32, #tpu.memory_space<vmem>> -> memref<128xi32, #tpu.memory_space<vmem>>
        %dma_start3A_781 = arith.constant 0 : i32
        %dma_start3A_782 = arith.constant 0 : i32
        %dma_start3A_783 = tpu.memref_slice %arg2[%dma_start3A_781, %dma_start3A_782] : memref<10000x16xf32, #tpu.memory_space<hbm>> -> memref<10000x16xf32, #tpu.memory_space<hbm>>
        tpu.enqueue_indirect_dma source(%dma_start3A_783 : memref<10000x16xf32, #tpu.memory_space<hbm>>) target(%dma_start3A_777 : memref<128x16xf32, #tpu.memory_space<vmem>>) offsets(%dma_start3A_780 : memref<128xi32, #tpu.memory_space<vmem>>) semaphore(%arg14 : memref<!tpu.dma_semaphore, #tpu.memory_space<semaphore_mem>>)
      } else {
      }
      %dma_wait3A_613 = arith.constant 0 : i32
      %dma_wait3A_614 = arith.constant 0 : i32
      %dma_wait3A_615 = arith.constant 0 : i32
      %dma_wait3A_616 = tpu.memref_slice %arg12[%dma_wait3A_614, %dma_wait3A_615] : memref<1024x16xf32, #tpu.memory_space<vmem>> -> memref<128x16xf32, #tpu.memory_space<vmem>>
      %dma_wait3A_617 = arith.constant 0 : i32
      %dma_wait3A_618 = tpu.memref_slice %arg11[%dma_wait3A_613, %dma_wait3A_617] : memref<8x128xi32, #tpu.memory_space<vmem>> -> memref<1x128xi32, #tpu.memory_space<vmem>>
      %dma_wait3A_619 = tpu.memref_squeeze %dma_wait3A_618 : memref<1x128xi32, #tpu.memory_space<vmem>> -> memref<128xi32, #tpu.memory_space<vmem>>
      %dma_wait3A_620 = arith.constant 0 : i32
      %dma_wait3A_621 = arith.constant 0 : i32
      %dma_wait3A_622 = tpu.memref_slice %arg13[%dma_wait3A_620, %dma_wait3A_621] : memref<10112x16xf32, #tpu.memory_space<vmem_shared>> -> memref<10112x16xf32, #tpu.memory_space<vmem_shared>>
      tpu.wait_indirect_dma semaphore(%arg17 : memref<!tpu.dma_semaphore, #tpu.memory_space<semaphore_mem>>) src(%dma_wait3A_616 : memref<128x16xf32, #tpu.memory_space<vmem>>) dst(%dma_wait3A_622 : memref<10112x16xf32, #tpu.memory_space<vmem_shared>>)
      %dma_wait3A_623 = arith.constant 1 : i32
      %dma_wait3A_624 = arith.constant 128 : i32
      %dma_wait3A_625 = arith.constant 0 : i32
      %dma_wait3A_626 = tpu.memref_slice %arg12[%dma_wait3A_624, %dma_wait3A_625] : memref<1024x16xf32, #tpu.memory_space<vmem>> -> memref<128x16xf32, #tpu.memory_space<vmem>>
      %dma_wait3A_627 = arith.constant 0 : i32
      %dma_wait3A_628 = tpu.memref_slice %arg11[%dma_wait3A_623, %dma_wait3A_627] : memref<8x128xi32, #tpu.memory_space<vmem>> -> memref<1x128xi32, #tpu.memory_space<vmem>>
      %dma_wait3A_629 = tpu.memref_squeeze %dma_wait3A_628 : memref<1x128xi32, #tpu.memory_space<vmem>> -> memref<128xi32, #tpu.memory_space<vmem>>
      %dma_wait3A_630 = arith.constant 0 : i32
      %dma_wait3A_631 = arith.constant 0 : i32
      %dma_wait3A_632 = tpu.memref_slice %arg13[%dma_wait3A_630, %dma_wait3A_631] : memref<10112x16xf32, #tpu.memory_space<vmem_shared>> -> memref<10112x16xf32, #tpu.memory_space<vmem_shared>>
      tpu.wait_indirect_dma semaphore(%arg17 : memref<!tpu.dma_semaphore, #tpu.memory_space<semaphore_mem>>) src(%dma_wait3A_626 : memref<128x16xf32, #tpu.memory_space<vmem>>) dst(%dma_wait3A_632 : memref<10112x16xf32, #tpu.memory_space<vmem_shared>>)
      %dma_wait3A_633 = arith.constant 2 : i32
      %dma_wait3A_634 = arith.constant 256 : i32
      %dma_wait3A_635 = arith.constant 0 : i32
      %dma_wait3A_636 = tpu.memref_slice %arg12[%dma_wait3A_634, %dma_wait3A_635] : memref<1024x16xf32, #tpu.memory_space<vmem>> -> memref<128x16xf32, #tpu.memory_space<vmem>>
      %dma_wait3A_637 = arith.constant 0 : i32
      %dma_wait3A_638 = tpu.memref_slice %arg11[%dma_wait3A_633, %dma_wait3A_637] : memref<8x128xi32, #tpu.memory_space<vmem>> -> memref<1x128xi32, #tpu.memory_space<vmem>>
      %dma_wait3A_639 = tpu.memref_squeeze %dma_wait3A_638 : memref<1x128xi32, #tpu.memory_space<vmem>> -> memref<128xi32, #tpu.memory_space<vmem>>
      %dma_wait3A_640 = arith.constant 0 : i32
      %dma_wait3A_641 = arith.constant 0 : i32
      %dma_wait3A_642 = tpu.memref_slice %arg13[%dma_wait3A_640, %dma_wait3A_641] : memref<10112x16xf32, #tpu.memory_space<vmem_shared>> -> memref<10112x16xf32, #tpu.memory_space<vmem_shared>>
      tpu.wait_indirect_dma semaphore(%arg17 : memref<!tpu.dma_semaphore, #tpu.memory_space<semaphore_mem>>) src(%dma_wait3A_636 : memref<128x16xf32, #tpu.memory_space<vmem>>) dst(%dma_wait3A_642 : memref<10112x16xf32, #tpu.memory_space<vmem_shared>>)
      %dma_wait3A_643 = arith.constant 3 : i32
      %dma_wait3A_644 = arith.constant 384 : i32
      %dma_wait3A_645 = arith.constant 0 : i32
      %dma_wait3A_646 = tpu.memref_slice %arg12[%dma_wait3A_644, %dma_wait3A_645] : memref<1024x16xf32, #tpu.memory_space<vmem>> -> memref<128x16xf32, #tpu.memory_space<vmem>>
      %dma_wait3A_647 = arith.constant 0 : i32
      %dma_wait3A_648 = tpu.memref_slice %arg11[%dma_wait3A_643, %dma_wait3A_647] : memref<8x128xi32, #tpu.memory_space<vmem>> -> memref<1x128xi32, #tpu.memory_space<vmem>>
      %dma_wait3A_649 = tpu.memref_squeeze %dma_wait3A_648 : memref<1x128xi32, #tpu.memory_space<vmem>> -> memref<128xi32, #tpu.memory_space<vmem>>
      %dma_wait3A_650 = arith.constant 0 : i32
      %dma_wait3A_651 = arith.constant 0 : i32
      %dma_wait3A_652 = tpu.memref_slice %arg13[%dma_wait3A_650, %dma_wait3A_651] : memref<10112x16xf32, #tpu.memory_space<vmem_shared>> -> memref<10112x16xf32, #tpu.memory_space<vmem_shared>>
      tpu.wait_indirect_dma semaphore(%arg17 : memref<!tpu.dma_semaphore, #tpu.memory_space<semaphore_mem>>) src(%dma_wait3A_646 : memref<128x16xf32, #tpu.memory_space<vmem>>) dst(%dma_wait3A_652 : memref<10112x16xf32, #tpu.memory_space<vmem_shared>>)
      %dma_wait3A_653 = arith.constant 4 : i32
      %dma_wait3A_654 = arith.constant 512 : i32
      %dma_wait3A_655 = arith.constant 0 : i32
      %dma_wait3A_656 = tpu.memref_slice %arg12[%dma_wait3A_654, %dma_wait3A_655] : memref<1024x16xf32, #tpu.memory_space<vmem>> -> memref<128x16xf32, #tpu.memory_space<vmem>>
      %dma_wait3A_657 = arith.constant 0 : i32
      %dma_wait3A_658 = tpu.memref_slice %arg11[%dma_wait3A_653, %dma_wait3A_657] : memref<8x128xi32, #tpu.memory_space<vmem>> -> memref<1x128xi32, #tpu.memory_space<vmem>>
      %dma_wait3A_659 = tpu.memref_squeeze %dma_wait3A_658 : memref<1x128xi32, #tpu.memory_space<vmem>> -> memref<128xi32, #tpu.memory_space<vmem>>
      %dma_wait3A_660 = arith.constant 0 : i32
      %dma_wait3A_661 = arith.constant 0 : i32
      %dma_wait3A_662 = tpu.memref_slice %arg13[%dma_wait3A_660, %dma_wait3A_661] : memref<10112x16xf32, #tpu.memory_space<vmem_shared>> -> memref<10112x16xf32, #tpu.memory_space<vmem_shared>>
      tpu.wait_indirect_dma semaphore(%arg17 : memref<!tpu.dma_semaphore, #tpu.memory_space<semaphore_mem>>) src(%dma_wait3A_656 : memref<128x16xf32, #tpu.memory_space<vmem>>) dst(%dma_wait3A_662 : memref<10112x16xf32, #tpu.memory_space<vmem_shared>>)
      %dma_wait3A_663 = arith.constant 5 : i32
      %dma_wait3A_664 = arith.constant 640 : i32
      %dma_wait3A_665 = arith.constant 0 : i32
      %dma_wait3A_666 = tpu.memref_slice %arg12[%dma_wait3A_664, %dma_wait3A_665] : memref<1024x16xf32, #tpu.memory_space<vmem>> -> memref<128x16xf32, #tpu.memory_space<vmem>>
      %dma_wait3A_667 = arith.constant 0 : i32
      %dma_wait3A_668 = tpu.memref_slice %arg11[%dma_wait3A_663, %dma_wait3A_667] : memref<8x128xi32, #tpu.memory_space<vmem>> -> memref<1x128xi32, #tpu.memory_space<vmem>>
      %dma_wait3A_669 = tpu.memref_squeeze %dma_wait3A_668 : memref<1x128xi32, #tpu.memory_space<vmem>> -> memref<128xi32, #tpu.memory_space<vmem>>
      %dma_wait3A_670 = arith.constant 0 : i32
      %dma_wait3A_671 = arith.constant 0 : i32
      %dma_wait3A_672 = tpu.memref_slice %arg13[%dma_wait3A_670, %dma_wait3A_671] : memref<10112x16xf32, #tpu.memory_space<vmem_shared>> -> memref<10112x16xf32, #tpu.memory_space<vmem_shared>>
      tpu.wait_indirect_dma semaphore(%arg17 : memref<!tpu.dma_semaphore, #tpu.memory_space<semaphore_mem>>) src(%dma_wait3A_666 : memref<128x16xf32, #tpu.memory_space<vmem>>) dst(%dma_wait3A_672 : memref<10112x16xf32, #tpu.memory_space<vmem_shared>>)
      %dma_wait3A_673 = arith.constant 6 : i32
      %dma_wait3A_674 = arith.constant 768 : i32
      %dma_wait3A_675 = arith.constant 0 : i32
      %dma_wait3A_676 = tpu.memref_slice %arg12[%dma_wait3A_674, %dma_wait3A_675] : memref<1024x16xf32, #tpu.memory_space<vmem>> -> memref<128x16xf32, #tpu.memory_space<vmem>>
      %dma_wait3A_677 = arith.constant 0 : i32
      %dma_wait3A_678 = tpu.memref_slice %arg11[%dma_wait3A_673, %dma_wait3A_677] : memref<8x128xi32, #tpu.memory_space<vmem>> -> memref<1x128xi32, #tpu.memory_space<vmem>>
      %dma_wait3A_679 = tpu.memref_squeeze %dma_wait3A_678 : memref<1x128xi32, #tpu.memory_space<vmem>> -> memref<128xi32, #tpu.memory_space<vmem>>
      %dma_wait3A_680 = arith.constant 0 : i32
      %dma_wait3A_681 = arith.constant 0 : i32
      %dma_wait3A_682 = tpu.memref_slice %arg13[%dma_wait3A_680, %dma_wait3A_681] : memref<10112x16xf32, #tpu.memory_space<vmem_shared>> -> memref<10112x16xf32, #tpu.memory_space<vmem_shared>>
      tpu.wait_indirect_dma semaphore(%arg17 : memref<!tpu.dma_semaphore, #tpu.memory_space<semaphore_mem>>) src(%dma_wait3A_676 : memref<128x16xf32, #tpu.memory_space<vmem>>) dst(%dma_wait3A_682 : memref<10112x16xf32, #tpu.memory_space<vmem_shared>>)
      %dma_wait3A_683 = arith.constant 7 : i32
      %dma_wait3A_684 = arith.constant 896 : i32
      %dma_wait3A_685 = arith.constant 0 : i32
      %dma_wait3A_686 = tpu.memref_slice %arg12[%dma_wait3A_684, %dma_wait3A_685] : memref<1024x16xf32, #tpu.memory_space<vmem>> -> memref<128x16xf32, #tpu.memory_space<vmem>>
      %dma_wait3A_687 = arith.constant 0 : i32
      %dma_wait3A_688 = tpu.memref_slice %arg11[%dma_wait3A_683, %dma_wait3A_687] : memref<8x128xi32, #tpu.memory_space<vmem>> -> memref<1x128xi32, #tpu.memory_space<vmem>>
      %dma_wait3A_689 = tpu.memref_squeeze %dma_wait3A_688 : memref<1x128xi32, #tpu.memory_space<vmem>> -> memref<128xi32, #tpu.memory_space<vmem>>
      %dma_wait3A_690 = arith.constant 0 : i32
      %dma_wait3A_691 = arith.constant 0 : i32
      %dma_wait3A_692 = tpu.memref_slice %arg13[%dma_wait3A_690, %dma_wait3A_691] : memref<10112x16xf32, #tpu.memory_space<vmem_shared>> -> memref<10112x16xf32, #tpu.memory_space<vmem_shared>>
      tpu.wait_indirect_dma semaphore(%arg17 : memref<!tpu.dma_semaphore, #tpu.memory_space<semaphore_mem>>) src(%dma_wait3A_686 : memref<128x16xf32, #tpu.memory_space<vmem>>) dst(%dma_wait3A_692 : memref<10112x16xf32, #tpu.memory_space<vmem_shared>>)
      %add3A_693 = arith.constant 3 : i32
      %add3A_694 = arith.addi %mul3A_210, %add3A_693 : i32
      %lt3A_695 = arith.cmpi slt, %add3A_694, %select_n3A : i32
      %convert_element_type3A_696 = arith.extui %lt3A_695 : i1 to i32
      %cond3A_697 = arith.constant 0 : i32
      %cond3A_698 = arith.cmpi ne, %convert_element_type3A_696, %cond3A_697 : i32
      scf.if %cond3A_698 {
        %add3A_699 = arith.constant 3 : i32
        %add3A_700 = arith.addi %mul3A_210, %add3A_699 : i32
        %mul3A_701 = arith.constant 8 : i32
        %mul3A_702 = arith.muli %add3A_700, %mul3A_701 : i32
        %add3A_703 = arith.addi %select_n3A_12, %mul3A_702 : i32
        "tpu.region"() ({
          %run_scoped3A = tpu.sem_alloc : memref<!tpu.dma_semaphore, #tpu.memory_space<semaphore_mem>>
          %dma_start3A_784 = arith.constant 0 : i32
          %dma_start3A_785 = tpu.memref_slice %arg3[%add3A_703, %dma_start3A_784] : memref<2560x128xi32, #tpu.memory_space<hbm>> -> memref<8x128xi32, #tpu.memory_space<hbm>>
          %dma_start3A_786 = arith.constant 0 : i32
          %dma_start3A_787 = tpu.memref_slice %arg3[%add3A_703, %dma_start3A_786] : memref<2560x128xi32, #tpu.memory_space<hbm>> -> memref<8x128xi32, #tpu.memory_space<hbm>>
          tpu.enqueue_dma source(%dma_start3A_787 : memref<8x128xi32, #tpu.memory_space<hbm>>) target(%arg10 : memref<8x128xi32, #tpu.memory_space<vmem>>) target_semaphore(%run_scoped3A : memref<!tpu.dma_semaphore, #tpu.memory_space<semaphore_mem>>)
          %dma_wait3A_788 = arith.constant 0 : i32
          %dma_wait3A_789 = tpu.memref_slice %arg3[%add3A_703, %dma_wait3A_788] : memref<2560x128xi32, #tpu.memory_space<hbm>> -> memref<8x128xi32, #tpu.memory_space<hbm>>
          %dma_wait3A_790 = arith.constant 0 : i32
          %dma_wait3A_791 = tpu.memref_slice %arg3[%add3A_703, %dma_wait3A_790] : memref<2560x128xi32, #tpu.memory_space<hbm>> -> memref<8x128xi32, #tpu.memory_space<hbm>>
          tpu.wait_dma2 semaphore(%run_scoped3A : memref<!tpu.dma_semaphore, #tpu.memory_space<semaphore_mem>>) src(%dma_wait3A_791 : memref<8x128xi32, #tpu.memory_space<hbm>>) dst(%arg10 : memref<8x128xi32, #tpu.memory_space<vmem>>)
          tpu.yield
        }) : () -> ()
        "tpu.region"() ({
          %run_scoped3A = tpu.sem_alloc : memref<!tpu.dma_semaphore, #tpu.memory_space<semaphore_mem>>
          %dma_start3A_784 = arith.constant 0 : i32
          %dma_start3A_785 = tpu.memref_slice %arg4[%add3A_703, %dma_start3A_784] : memref<2560x128xi32, #tpu.memory_space<hbm>> -> memref<8x128xi32, #tpu.memory_space<hbm>>
          %dma_start3A_786 = arith.constant 0 : i32
          %dma_start3A_787 = tpu.memref_slice %arg4[%add3A_703, %dma_start3A_786] : memref<2560x128xi32, #tpu.memory_space<hbm>> -> memref<8x128xi32, #tpu.memory_space<hbm>>
          tpu.enqueue_dma source(%dma_start3A_787 : memref<8x128xi32, #tpu.memory_space<hbm>>) target(%arg11 : memref<8x128xi32, #tpu.memory_space<vmem>>) target_semaphore(%run_scoped3A : memref<!tpu.dma_semaphore, #tpu.memory_space<semaphore_mem>>)
          %dma_wait3A_788 = arith.constant 0 : i32
          %dma_wait3A_789 = tpu.memref_slice %arg4[%add3A_703, %dma_wait3A_788] : memref<2560x128xi32, #tpu.memory_space<hbm>> -> memref<8x128xi32, #tpu.memory_space<hbm>>
          %dma_wait3A_790 = arith.constant 0 : i32
          %dma_wait3A_791 = tpu.memref_slice %arg4[%add3A_703, %dma_wait3A_790] : memref<2560x128xi32, #tpu.memory_space<hbm>> -> memref<8x128xi32, #tpu.memory_space<hbm>>
          tpu.wait_dma2 semaphore(%run_scoped3A : memref<!tpu.dma_semaphore, #tpu.memory_space<semaphore_mem>>) src(%dma_wait3A_791 : memref<8x128xi32, #tpu.memory_space<hbm>>) dst(%arg11 : memref<8x128xi32, #tpu.memory_space<vmem>>)
          tpu.yield
        }) : () -> ()
        %dma_start3A_704 = arith.constant 0 : i32
        %dma_start3A_705 = arith.constant 0 : i32
        %dma_start3A_706 = arith.constant 0 : i32
        %dma_start3A_707 = tpu.memref_slice %arg12[%dma_start3A_705, %dma_start3A_706] : memref<1024x16xf32, #tpu.memory_space<vmem>> -> memref<128x16xf32, #tpu.memory_space<vmem>>
        %dma_start3A_708 = arith.constant 0 : i32
        %dma_start3A_709 = tpu.memref_slice %arg10[%dma_start3A_704, %dma_start3A_708] : memref<8x128xi32, #tpu.memory_space<vmem>> -> memref<1x128xi32, #tpu.memory_space<vmem>>
        %dma_start3A_710 = tpu.memref_squeeze %dma_start3A_709 : memref<1x128xi32, #tpu.memory_space<vmem>> -> memref<128xi32, #tpu.memory_space<vmem>>
        %dma_start3A_711 = arith.constant 0 : i32
        %dma_start3A_712 = arith.constant 0 : i32
        %dma_start3A_713 = tpu.memref_slice %arg2[%dma_start3A_711, %dma_start3A_712] : memref<10000x16xf32, #tpu.memory_space<hbm>> -> memref<10000x16xf32, #tpu.memory_space<hbm>>
        tpu.enqueue_indirect_dma source(%dma_start3A_713 : memref<10000x16xf32, #tpu.memory_space<hbm>>) target(%dma_start3A_707 : memref<128x16xf32, #tpu.memory_space<vmem>>) offsets(%dma_start3A_710 : memref<128xi32, #tpu.memory_space<vmem>>) semaphore(%arg15 : memref<!tpu.dma_semaphore, #tpu.memory_space<semaphore_mem>>)
        %dma_start3A_714 = arith.constant 1 : i32
        %dma_start3A_715 = arith.constant 128 : i32
        %dma_start3A_716 = arith.constant 0 : i32
        %dma_start3A_717 = tpu.memref_slice %arg12[%dma_start3A_715, %dma_start3A_716] : memref<1024x16xf32, #tpu.memory_space<vmem>> -> memref<128x16xf32, #tpu.memory_space<vmem>>
        %dma_start3A_718 = arith.constant 0 : i32
        %dma_start3A_719 = tpu.memref_slice %arg10[%dma_start3A_714, %dma_start3A_718] : memref<8x128xi32, #tpu.memory_space<vmem>> -> memref<1x128xi32, #tpu.memory_space<vmem>>
        %dma_start3A_720 = tpu.memref_squeeze %dma_start3A_719 : memref<1x128xi32, #tpu.memory_space<vmem>> -> memref<128xi32, #tpu.memory_space<vmem>>
        %dma_start3A_721 = arith.constant 0 : i32
        %dma_start3A_722 = arith.constant 0 : i32
        %dma_start3A_723 = tpu.memref_slice %arg2[%dma_start3A_721, %dma_start3A_722] : memref<10000x16xf32, #tpu.memory_space<hbm>> -> memref<10000x16xf32, #tpu.memory_space<hbm>>
        tpu.enqueue_indirect_dma source(%dma_start3A_723 : memref<10000x16xf32, #tpu.memory_space<hbm>>) target(%dma_start3A_717 : memref<128x16xf32, #tpu.memory_space<vmem>>) offsets(%dma_start3A_720 : memref<128xi32, #tpu.memory_space<vmem>>) semaphore(%arg15 : memref<!tpu.dma_semaphore, #tpu.memory_space<semaphore_mem>>)
        %dma_start3A_724 = arith.constant 2 : i32
        %dma_start3A_725 = arith.constant 256 : i32
        %dma_start3A_726 = arith.constant 0 : i32
        %dma_start3A_727 = tpu.memref_slice %arg12[%dma_start3A_725, %dma_start3A_726] : memref<1024x16xf32, #tpu.memory_space<vmem>> -> memref<128x16xf32, #tpu.memory_space<vmem>>
        %dma_start3A_728 = arith.constant 0 : i32
        %dma_start3A_729 = tpu.memref_slice %arg10[%dma_start3A_724, %dma_start3A_728] : memref<8x128xi32, #tpu.memory_space<vmem>> -> memref<1x128xi32, #tpu.memory_space<vmem>>
        %dma_start3A_730 = tpu.memref_squeeze %dma_start3A_729 : memref<1x128xi32, #tpu.memory_space<vmem>> -> memref<128xi32, #tpu.memory_space<vmem>>
        %dma_start3A_731 = arith.constant 0 : i32
        %dma_start3A_732 = arith.constant 0 : i32
        %dma_start3A_733 = tpu.memref_slice %arg2[%dma_start3A_731, %dma_start3A_732] : memref<10000x16xf32, #tpu.memory_space<hbm>> -> memref<10000x16xf32, #tpu.memory_space<hbm>>
        tpu.enqueue_indirect_dma source(%dma_start3A_733 : memref<10000x16xf32, #tpu.memory_space<hbm>>) target(%dma_start3A_727 : memref<128x16xf32, #tpu.memory_space<vmem>>) offsets(%dma_start3A_730 : memref<128xi32, #tpu.memory_space<vmem>>) semaphore(%arg15 : memref<!tpu.dma_semaphore, #tpu.memory_space<semaphore_mem>>)
        %dma_start3A_734 = arith.constant 3 : i32
        %dma_start3A_735 = arith.constant 384 : i32
        %dma_start3A_736 = arith.constant 0 : i32
        %dma_start3A_737 = tpu.memref_slice %arg12[%dma_start3A_735, %dma_start3A_736] : memref<1024x16xf32, #tpu.memory_space<vmem>> -> memref<128x16xf32, #tpu.memory_space<vmem>>
        %dma_start3A_738 = arith.constant 0 : i32
        %dma_start3A_739 = tpu.memref_slice %arg10[%dma_start3A_734, %dma_start3A_738] : memref<8x128xi32, #tpu.memory_space<vmem>> -> memref<1x128xi32, #tpu.memory_space<vmem>>
        %dma_start3A_740 = tpu.memref_squeeze %dma_start3A_739 : memref<1x128xi32, #tpu.memory_space<vmem>> -> memref<128xi32, #tpu.memory_space<vmem>>
        %dma_start3A_741 = arith.constant 0 : i32
        %dma_start3A_742 = arith.constant 0 : i32
        %dma_start3A_743 = tpu.memref_slice %arg2[%dma_start3A_741, %dma_start3A_742] : memref<10000x16xf32, #tpu.memory_space<hbm>> -> memref<10000x16xf32, #tpu.memory_space<hbm>>
        tpu.enqueue_indirect_dma source(%dma_start3A_743 : memref<10000x16xf32, #tpu.memory_space<hbm>>) target(%dma_start3A_737 : memref<128x16xf32, #tpu.memory_space<vmem>>) offsets(%dma_start3A_740 : memref<128xi32, #tpu.memory_space<vmem>>) semaphore(%arg15 : memref<!tpu.dma_semaphore, #tpu.memory_space<semaphore_mem>>)
        %dma_start3A_744 = arith.constant 4 : i32
        %dma_start3A_745 = arith.constant 512 : i32
        %dma_start3A_746 = arith.constant 0 : i32
        %dma_start3A_747 = tpu.memref_slice %arg12[%dma_start3A_745, %dma_start3A_746] : memref<1024x16xf32, #tpu.memory_space<vmem>> -> memref<128x16xf32, #tpu.memory_space<vmem>>
        %dma_start3A_748 = arith.constant 0 : i32
        %dma_start3A_749 = tpu.memref_slice %arg10[%dma_start3A_744, %dma_start3A_748] : memref<8x128xi32, #tpu.memory_space<vmem>> -> memref<1x128xi32, #tpu.memory_space<vmem>>
        %dma_start3A_750 = tpu.memref_squeeze %dma_start3A_749 : memref<1x128xi32, #tpu.memory_space<vmem>> -> memref<128xi32, #tpu.memory_space<vmem>>
        %dma_start3A_751 = arith.constant 0 : i32
        %dma_start3A_752 = arith.constant 0 : i32
        %dma_start3A_753 = tpu.memref_slice %arg2[%dma_start3A_751, %dma_start3A_752] : memref<10000x16xf32, #tpu.memory_space<hbm>> -> memref<10000x16xf32, #tpu.memory_space<hbm>>
        tpu.enqueue_indirect_dma source(%dma_start3A_753 : memref<10000x16xf32, #tpu.memory_space<hbm>>) target(%dma_start3A_747 : memref<128x16xf32, #tpu.memory_space<vmem>>) offsets(%dma_start3A_750 : memref<128xi32, #tpu.memory_space<vmem>>) semaphore(%arg15 : memref<!tpu.dma_semaphore, #tpu.memory_space<semaphore_mem>>)
        %dma_start3A_754 = arith.constant 5 : i32
        %dma_start3A_755 = arith.constant 640 : i32
        %dma_start3A_756 = arith.constant 0 : i32
        %dma_start3A_757 = tpu.memref_slice %arg12[%dma_start3A_755, %dma_start3A_756] : memref<1024x16xf32, #tpu.memory_space<vmem>> -> memref<128x16xf32, #tpu.memory_space<vmem>>
        %dma_start3A_758 = arith.constant 0 : i32
        %dma_start3A_759 = tpu.memref_slice %arg10[%dma_start3A_754, %dma_start3A_758] : memref<8x128xi32, #tpu.memory_space<vmem>> -> memref<1x128xi32, #tpu.memory_space<vmem>>
        %dma_start3A_760 = tpu.memref_squeeze %dma_start3A_759 : memref<1x128xi32, #tpu.memory_space<vmem>> -> memref<128xi32, #tpu.memory_space<vmem>>
        %dma_start3A_761 = arith.constant 0 : i32
        %dma_start3A_762 = arith.constant 0 : i32
        %dma_start3A_763 = tpu.memref_slice %arg2[%dma_start3A_761, %dma_start3A_762] : memref<10000x16xf32, #tpu.memory_space<hbm>> -> memref<10000x16xf32, #tpu.memory_space<hbm>>
        tpu.enqueue_indirect_dma source(%dma_start3A_763 : memref<10000x16xf32, #tpu.memory_space<hbm>>) target(%dma_start3A_757 : memref<128x16xf32, #tpu.memory_space<vmem>>) offsets(%dma_start3A_760 : memref<128xi32, #tpu.memory_space<vmem>>) semaphore(%arg15 : memref<!tpu.dma_semaphore, #tpu.memory_space<semaphore_mem>>)
        %dma_start3A_764 = arith.constant 6 : i32
        %dma_start3A_765 = arith.constant 768 : i32
        %dma_start3A_766 = arith.constant 0 : i32
        %dma_start3A_767 = tpu.memref_slice %arg12[%dma_start3A_765, %dma_start3A_766] : memref<1024x16xf32, #tpu.memory_space<vmem>> -> memref<128x16xf32, #tpu.memory_space<vmem>>
        %dma_start3A_768 = arith.constant 0 : i32
        %dma_start3A_769 = tpu.memref_slice %arg10[%dma_start3A_764, %dma_start3A_768] : memref<8x128xi32, #tpu.memory_space<vmem>> -> memref<1x128xi32, #tpu.memory_space<vmem>>
        %dma_start3A_770 = tpu.memref_squeeze %dma_start3A_769 : memref<1x128xi32, #tpu.memory_space<vmem>> -> memref<128xi32, #tpu.memory_space<vmem>>
        %dma_start3A_771 = arith.constant 0 : i32
        %dma_start3A_772 = arith.constant 0 : i32
        %dma_start3A_773 = tpu.memref_slice %arg2[%dma_start3A_771, %dma_start3A_772] : memref<10000x16xf32, #tpu.memory_space<hbm>> -> memref<10000x16xf32, #tpu.memory_space<hbm>>
        tpu.enqueue_indirect_dma source(%dma_start3A_773 : memref<10000x16xf32, #tpu.memory_space<hbm>>) target(%dma_start3A_767 : memref<128x16xf32, #tpu.memory_space<vmem>>) offsets(%dma_start3A_770 : memref<128xi32, #tpu.memory_space<vmem>>) semaphore(%arg15 : memref<!tpu.dma_semaphore, #tpu.memory_space<semaphore_mem>>)
        %dma_start3A_774 = arith.constant 7 : i32
        %dma_start3A_775 = arith.constant 896 : i32
        %dma_start3A_776 = arith.constant 0 : i32
        %dma_start3A_777 = tpu.memref_slice %arg12[%dma_start3A_775, %dma_start3A_776] : memref<1024x16xf32, #tpu.memory_space<vmem>> -> memref<128x16xf32, #tpu.memory_space<vmem>>
        %dma_start3A_778 = arith.constant 0 : i32
        %dma_start3A_779 = tpu.memref_slice %arg10[%dma_start3A_774, %dma_start3A_778] : memref<8x128xi32, #tpu.memory_space<vmem>> -> memref<1x128xi32, #tpu.memory_space<vmem>>
        %dma_start3A_780 = tpu.memref_squeeze %dma_start3A_779 : memref<1x128xi32, #tpu.memory_space<vmem>> -> memref<128xi32, #tpu.memory_space<vmem>>
        %dma_start3A_781 = arith.constant 0 : i32
        %dma_start3A_782 = arith.constant 0 : i32
        %dma_start3A_783 = tpu.memref_slice %arg2[%dma_start3A_781, %dma_start3A_782] : memref<10000x16xf32, #tpu.memory_space<hbm>> -> memref<10000x16xf32, #tpu.memory_space<hbm>>
        tpu.enqueue_indirect_dma source(%dma_start3A_783 : memref<10000x16xf32, #tpu.memory_space<hbm>>) target(%dma_start3A_777 : memref<128x16xf32, #tpu.memory_space<vmem>>) offsets(%dma_start3A_780 : memref<128xi32, #tpu.memory_space<vmem>>) semaphore(%arg15 : memref<!tpu.dma_semaphore, #tpu.memory_space<semaphore_mem>>)
      } else {
      }
    }
    %while3A_202 = arith.constant 1 : i32
    scf.for %while3A_208 = %while3A_200 to %while3A_196 step %while3A_202  : i32 {
      %mul3A_209 = arith.constant 2 : i32
      %mul3A_210 = arith.muli %mul3A_209, %while3A_208 : i32
      %dma_wait3A = arith.constant 0 : i32
      %dma_wait3A_211 = arith.constant 0 : i32
      %dma_wait3A_212 = arith.constant 0 : i32
      %dma_wait3A_213 = tpu.memref_slice %arg9[%dma_wait3A_211, %dma_wait3A_212] : memref<1024x16xf32, #tpu.memory_space<vmem>> -> memref<128x16xf32, #tpu.memory_space<vmem>>
      %dma_wait3A_214 = arith.constant 0 : i32
      %dma_wait3A_215 = tpu.memref_slice %arg7[%dma_wait3A, %dma_wait3A_214] : memref<8x128xi32, #tpu.memory_space<vmem>> -> memref<1x128xi32, #tpu.memory_space<vmem>>
      %dma_wait3A_216 = tpu.memref_squeeze %dma_wait3A_215 : memref<1x128xi32, #tpu.memory_space<vmem>> -> memref<128xi32, #tpu.memory_space<vmem>>
      %dma_wait3A_217 = arith.constant 0 : i32
      %dma_wait3A_218 = arith.constant 0 : i32
      %dma_wait3A_219 = tpu.memref_slice %arg2[%dma_wait3A_217, %dma_wait3A_218] : memref<10000x16xf32, #tpu.memory_space<hbm>> -> memref<10000x16xf32, #tpu.memory_space<hbm>>
      tpu.wait_indirect_dma semaphore(%arg14 : memref<!tpu.dma_semaphore, #tpu.memory_space<semaphore_mem>>) src(%dma_wait3A_219 : memref<10000x16xf32, #tpu.memory_space<hbm>>) dst(%dma_wait3A_213 : memref<128x16xf32, #tpu.memory_space<vmem>>)
      %dma_wait3A_220 = arith.constant 1 : i32
      %dma_wait3A_221 = arith.constant 128 : i32
      %dma_wait3A_222 = arith.constant 0 : i32
      %dma_wait3A_223 = tpu.memref_slice %arg9[%dma_wait3A_221, %dma_wait3A_222] : memref<1024x16xf32, #tpu.memory_space<vmem>> -> memref<128x16xf32, #tpu.memory_space<vmem>>
      %dma_wait3A_224 = arith.constant 0 : i32
      %dma_wait3A_225 = tpu.memref_slice %arg7[%dma_wait3A_220, %dma_wait3A_224] : memref<8x128xi32, #tpu.memory_space<vmem>> -> memref<1x128xi32, #tpu.memory_space<vmem>>
      %dma_wait3A_226 = tpu.memref_squeeze %dma_wait3A_225 : memref<1x128xi32, #tpu.memory_space<vmem>> -> memref<128xi32, #tpu.memory_space<vmem>>
      %dma_wait3A_227 = arith.constant 0 : i32
      %dma_wait3A_228 = arith.constant 0 : i32
      %dma_wait3A_229 = tpu.memref_slice %arg2[%dma_wait3A_227, %dma_wait3A_228] : memref<10000x16xf32, #tpu.memory_space<hbm>> -> memref<10000x16xf32, #tpu.memory_space<hbm>>
      tpu.wait_indirect_dma semaphore(%arg14 : memref<!tpu.dma_semaphore, #tpu.memory_space<semaphore_mem>>) src(%dma_wait3A_229 : memref<10000x16xf32, #tpu.memory_space<hbm>>) dst(%dma_wait3A_223 : memref<128x16xf32, #tpu.memory_space<vmem>>)
      %dma_wait3A_230 = arith.constant 2 : i32
      %dma_wait3A_231 = arith.constant 256 : i32
      %dma_wait3A_232 = arith.constant 0 : i32
      %dma_wait3A_233 = tpu.memref_slice %arg9[%dma_wait3A_231, %dma_wait3A_232] : memref<1024x16xf32, #tpu.memory_space<vmem>> -> memref<128x16xf32, #tpu.memory_space<vmem>>
      %dma_wait3A_234 = arith.constant 0 : i32
      %dma_wait3A_235 = tpu.memref_slice %arg7[%dma_wait3A_230, %dma_wait3A_234] : memref<8x128xi32, #tpu.memory_space<vmem>> -> memref<1x128xi32, #tpu.memory_space<vmem>>
      %dma_wait3A_236 = tpu.memref_squeeze %dma_wait3A_235 : memref<1x128xi32, #tpu.memory_space<vmem>> -> memref<128xi32, #tpu.memory_space<vmem>>
      %dma_wait3A_237 = arith.constant 0 : i32
      %dma_wait3A_238 = arith.constant 0 : i32
      %dma_wait3A_239 = tpu.memref_slice %arg2[%dma_wait3A_237, %dma_wait3A_238] : memref<10000x16xf32, #tpu.memory_space<hbm>> -> memref<10000x16xf32, #tpu.memory_space<hbm>>
      tpu.wait_indirect_dma semaphore(%arg14 : memref<!tpu.dma_semaphore, #tpu.memory_space<semaphore_mem>>) src(%dma_wait3A_239 : memref<10000x16xf32, #tpu.memory_space<hbm>>) dst(%dma_wait3A_233 : memref<128x16xf32, #tpu.memory_space<vmem>>)
      %dma_wait3A_240 = arith.constant 3 : i32
      %dma_wait3A_241 = arith.constant 384 : i32
      %dma_wait3A_242 = arith.constant 0 : i32
      %dma_wait3A_243 = tpu.memref_slice %arg9[%dma_wait3A_241, %dma_wait3A_242] : memref<1024x16xf32, #tpu.memory_space<vmem>> -> memref<128x16xf32, #tpu.memory_space<vmem>>
      %dma_wait3A_244 = arith.constant 0 : i32
      %dma_wait3A_245 = tpu.memref_slice %arg7[%dma_wait3A_240, %dma_wait3A_244] : memref<8x128xi32, #tpu.memory_space<vmem>> -> memref<1x128xi32, #tpu.memory_space<vmem>>
      %dma_wait3A_246 = tpu.memref_squeeze %dma_wait3A_245 : memref<1x128xi32, #tpu.memory_space<vmem>> -> memref<128xi32, #tpu.memory_space<vmem>>
      %dma_wait3A_247 = arith.constant 0 : i32
      %dma_wait3A_248 = arith.constant 0 : i32
      %dma_wait3A_249 = tpu.memref_slice %arg2[%dma_wait3A_247, %dma_wait3A_248] : memref<10000x16xf32, #tpu.memory_space<hbm>> -> memref<10000x16xf32, #tpu.memory_space<hbm>>
      tpu.wait_indirect_dma semaphore(%arg14 : memref<!tpu.dma_semaphore, #tpu.memory_space<semaphore_mem>>) src(%dma_wait3A_249 : memref<10000x16xf32, #tpu.memory_space<hbm>>) dst(%dma_wait3A_243 : memref<128x16xf32, #tpu.memory_space<vmem>>)
      %dma_wait3A_250 = arith.constant 4 : i32
      %dma_wait3A_251 = arith.constant 512 : i32
      %dma_wait3A_252 = arith.constant 0 : i32
      %dma_wait3A_253 = tpu.memref_slice %arg9[%dma_wait3A_251, %dma_wait3A_252] : memref<1024x16xf32, #tpu.memory_space<vmem>> -> memref<128x16xf32, #tpu.memory_space<vmem>>
      %dma_wait3A_254 = arith.constant 0 : i32
      %dma_wait3A_255 = tpu.memref_slice %arg7[%dma_wait3A_250, %dma_wait3A_254] : memref<8x128xi32, #tpu.memory_space<vmem>> -> memref<1x128xi32, #tpu.memory_space<vmem>>
      %dma_wait3A_256 = tpu.memref_squeeze %dma_wait3A_255 : memref<1x128xi32, #tpu.memory_space<vmem>> -> memref<128xi32, #tpu.memory_space<vmem>>
      %dma_wait3A_257 = arith.constant 0 : i32
      %dma_wait3A_258 = arith.constant 0 : i32
      %dma_wait3A_259 = tpu.memref_slice %arg2[%dma_wait3A_257, %dma_wait3A_258] : memref<10000x16xf32, #tpu.memory_space<hbm>> -> memref<10000x16xf32, #tpu.memory_space<hbm>>
      tpu.wait_indirect_dma semaphore(%arg14 : memref<!tpu.dma_semaphore, #tpu.memory_space<semaphore_mem>>) src(%dma_wait3A_259 : memref<10000x16xf32, #tpu.memory_space<hbm>>) dst(%dma_wait3A_253 : memref<128x16xf32, #tpu.memory_space<vmem>>)
      %dma_wait3A_260 = arith.constant 5 : i32
      %dma_wait3A_261 = arith.constant 640 : i32
      %dma_wait3A_262 = arith.constant 0 : i32
      %dma_wait3A_263 = tpu.memref_slice %arg9[%dma_wait3A_261, %dma_wait3A_262] : memref<1024x16xf32, #tpu.memory_space<vmem>> -> memref<128x16xf32, #tpu.memory_space<vmem>>
      %dma_wait3A_264 = arith.constant 0 : i32
      %dma_wait3A_265 = tpu.memref_slice %arg7[%dma_wait3A_260, %dma_wait3A_264] : memref<8x128xi32, #tpu.memory_space<vmem>> -> memref<1x128xi32, #tpu.memory_space<vmem>>
      %dma_wait3A_266 = tpu.memref_squeeze %dma_wait3A_265 : memref<1x128xi32, #tpu.memory_space<vmem>> -> memref<128xi32, #tpu.memory_space<vmem>>
      %dma_wait3A_267 = arith.constant 0 : i32
      %dma_wait3A_268 = arith.constant 0 : i32
      %dma_wait3A_269 = tpu.memref_slice %arg2[%dma_wait3A_267, %dma_wait3A_268] : memref<10000x16xf32, #tpu.memory_space<hbm>> -> memref<10000x16xf32, #tpu.memory_space<hbm>>
      tpu.wait_indirect_dma semaphore(%arg14 : memref<!tpu.dma_semaphore, #tpu.memory_space<semaphore_mem>>) src(%dma_wait3A_269 : memref<10000x16xf32, #tpu.memory_space<hbm>>) dst(%dma_wait3A_263 : memref<128x16xf32, #tpu.memory_space<vmem>>)
      %dma_wait3A_270 = arith.constant 6 : i32
      %dma_wait3A_271 = arith.constant 768 : i32
      %dma_wait3A_272 = arith.constant 0 : i32
      %dma_wait3A_273 = tpu.memref_slice %arg9[%dma_wait3A_271, %dma_wait3A_272] : memref<1024x16xf32, #tpu.memory_space<vmem>> -> memref<128x16xf32, #tpu.memory_space<vmem>>
      %dma_wait3A_274 = arith.constant 0 : i32
      %dma_wait3A_275 = tpu.memref_slice %arg7[%dma_wait3A_270, %dma_wait3A_274] : memref<8x128xi32, #tpu.memory_space<vmem>> -> memref<1x128xi32, #tpu.memory_space<vmem>>
      %dma_wait3A_276 = tpu.memref_squeeze %dma_wait3A_275 : memref<1x128xi32, #tpu.memory_space<vmem>> -> memref<128xi32, #tpu.memory_space<vmem>>
      %dma_wait3A_277 = arith.constant 0 : i32
      %dma_wait3A_278 = arith.constant 0 : i32
      %dma_wait3A_279 = tpu.memref_slice %arg2[%dma_wait3A_277, %dma_wait3A_278] : memref<10000x16xf32, #tpu.memory_space<hbm>> -> memref<10000x16xf32, #tpu.memory_space<hbm>>
      tpu.wait_indirect_dma semaphore(%arg14 : memref<!tpu.dma_semaphore, #tpu.memory_space<semaphore_mem>>) src(%dma_wait3A_279 : memref<10000x16xf32, #tpu.memory_space<hbm>>) dst(%dma_wait3A_273 : memref<128x16xf32, #tpu.memory_space<vmem>>)
      %dma_wait3A_280 = arith.constant 7 : i32
      %dma_wait3A_281 = arith.constant 896 : i32
      %dma_wait3A_282 = arith.constant 0 : i32
      %dma_wait3A_283 = tpu.memref_slice %arg9[%dma_wait3A_281, %dma_wait3A_282] : memref<1024x16xf32, #tpu.memory_space<vmem>> -> memref<128x16xf32, #tpu.memory_space<vmem>>
      %dma_wait3A_284 = arith.constant 0 : i32
      %dma_wait3A_285 = tpu.memref_slice %arg7[%dma_wait3A_280, %dma_wait3A_284] : memref<8x128xi32, #tpu.memory_space<vmem>> -> memref<1x128xi32, #tpu.memory_space<vmem>>
      %dma_wait3A_286 = tpu.memref_squeeze %dma_wait3A_285 : memref<1x128xi32, #tpu.memory_space<vmem>> -> memref<128xi32, #tpu.memory_space<vmem>>
      %dma_wait3A_287 = arith.constant 0 : i32
      %dma_wait3A_288 = arith.constant 0 : i32
      %dma_wait3A_289 = tpu.memref_slice %arg2[%dma_wait3A_287, %dma_wait3A_288] : memref<10000x16xf32, #tpu.memory_space<hbm>> -> memref<10000x16xf32, #tpu.memory_space<hbm>>
      tpu.wait_indirect_dma semaphore(%arg14 : memref<!tpu.dma_semaphore, #tpu.memory_space<semaphore_mem>>) src(%dma_wait3A_289 : memref<10000x16xf32, #tpu.memory_space<hbm>>) dst(%dma_wait3A_283 : memref<128x16xf32, #tpu.memory_space<vmem>>)
      %dma_start3A_290 = arith.constant 0 : i32
      %dma_start3A_291 = arith.constant 0 : i32
      %dma_start3A_292 = arith.constant 0 : i32
      %dma_start3A_293 = tpu.memref_slice %arg9[%dma_start3A_291, %dma_start3A_292] : memref<1024x16xf32, #tpu.memory_space<vmem>> -> memref<128x16xf32, #tpu.memory_space<vmem>>
      %dma_start3A_294 = arith.constant 0 : i32
      %dma_start3A_295 = tpu.memref_slice %arg8[%dma_start3A_290, %dma_start3A_294] : memref<8x128xi32, #tpu.memory_space<vmem>> -> memref<1x128xi32, #tpu.memory_space<vmem>>
      %dma_start3A_296 = tpu.memref_squeeze %dma_start3A_295 : memref<1x128xi32, #tpu.memory_space<vmem>> -> memref<128xi32, #tpu.memory_space<vmem>>
      %dma_start3A_297 = arith.constant 0 : i32
      %dma_start3A_298 = arith.constant 0 : i32
      %dma_start3A_299 = tpu.memref_slice %arg13[%dma_start3A_297, %dma_start3A_298] : memref<10112x16xf32, #tpu.memory_space<vmem_shared>> -> memref<10112x16xf32, #tpu.memory_space<vmem_shared>>
      tpu.enqueue_indirect_dma source(%dma_start3A_293 : memref<128x16xf32, #tpu.memory_space<vmem>>) target(%dma_start3A_299 : memref<10112x16xf32, #tpu.memory_space<vmem_shared>>) offsets(%dma_start3A_296 : memref<128xi32, #tpu.memory_space<vmem>>) semaphore(%arg16 : memref<!tpu.dma_semaphore, #tpu.memory_space<semaphore_mem>>) {add = true}
      %dma_start3A_300 = arith.constant 1 : i32
      %dma_start3A_301 = arith.constant 128 : i32
      %dma_start3A_302 = arith.constant 0 : i32
      %dma_start3A_303 = tpu.memref_slice %arg9[%dma_start3A_301, %dma_start3A_302] : memref<1024x16xf32, #tpu.memory_space<vmem>> -> memref<128x16xf32, #tpu.memory_space<vmem>>
      %dma_start3A_304 = arith.constant 0 : i32
      %dma_start3A_305 = tpu.memref_slice %arg8[%dma_start3A_300, %dma_start3A_304] : memref<8x128xi32, #tpu.memory_space<vmem>> -> memref<1x128xi32, #tpu.memory_space<vmem>>
      %dma_start3A_306 = tpu.memref_squeeze %dma_start3A_305 : memref<1x128xi32, #tpu.memory_space<vmem>> -> memref<128xi32, #tpu.memory_space<vmem>>
      %dma_start3A_307 = arith.constant 0 : i32
      %dma_start3A_308 = arith.constant 0 : i32
      %dma_start3A_309 = tpu.memref_slice %arg13[%dma_start3A_307, %dma_start3A_308] : memref<10112x16xf32, #tpu.memory_space<vmem_shared>> -> memref<10112x16xf32, #tpu.memory_space<vmem_shared>>
      tpu.enqueue_indirect_dma source(%dma_start3A_303 : memref<128x16xf32, #tpu.memory_space<vmem>>) target(%dma_start3A_309 : memref<10112x16xf32, #tpu.memory_space<vmem_shared>>) offsets(%dma_start3A_306 : memref<128xi32, #tpu.memory_space<vmem>>) semaphore(%arg16 : memref<!tpu.dma_semaphore, #tpu.memory_space<semaphore_mem>>) {add = true}
      %dma_start3A_310 = arith.constant 2 : i32
      %dma_start3A_311 = arith.constant 256 : i32
      %dma_start3A_312 = arith.constant 0 : i32
      %dma_start3A_313 = tpu.memref_slice %arg9[%dma_start3A_311, %dma_start3A_312] : memref<1024x16xf32, #tpu.memory_space<vmem>> -> memref<128x16xf32, #tpu.memory_space<vmem>>
      %dma_start3A_314 = arith.constant 0 : i32
      %dma_start3A_315 = tpu.memref_slice %arg8[%dma_start3A_310, %dma_start3A_314] : memref<8x128xi32, #tpu.memory_space<vmem>> -> memref<1x128xi32, #tpu.memory_space<vmem>>
      %dma_start3A_316 = tpu.memref_squeeze %dma_start3A_315 : memref<1x128xi32, #tpu.memory_space<vmem>> -> memref<128xi32, #tpu.memory_space<vmem>>
      %dma_start3A_317 = arith.constant 0 : i32
      %dma_start3A_318 = arith.constant 0 : i32
      %dma_start3A_319 = tpu.memref_slice %arg13[%dma_start3A_317, %dma_start3A_318] : memref<10112x16xf32, #tpu.memory_space<vmem_shared>> -> memref<10112x16xf32, #tpu.memory_space<vmem_shared>>
      tpu.enqueue_indirect_dma source(%dma_start3A_313 : memref<128x16xf32, #tpu.memory_space<vmem>>) target(%dma_start3A_319 : memref<10112x16xf32, #tpu.memory_space<vmem_shared>>) offsets(%dma_start3A_316 : memref<128xi32, #tpu.memory_space<vmem>>) semaphore(%arg16 : memref<!tpu.dma_semaphore, #tpu.memory_space<semaphore_mem>>) {add = true}
      %dma_start3A_320 = arith.constant 3 : i32
      %dma_start3A_321 = arith.constant 384 : i32
      %dma_start3A_322 = arith.constant 0 : i32
      %dma_start3A_323 = tpu.memref_slice %arg9[%dma_start3A_321, %dma_start3A_322] : memref<1024x16xf32, #tpu.memory_space<vmem>> -> memref<128x16xf32, #tpu.memory_space<vmem>>
      %dma_start3A_324 = arith.constant 0 : i32
      %dma_start3A_325 = tpu.memref_slice %arg8[%dma_start3A_320, %dma_start3A_324] : memref<8x128xi32, #tpu.memory_space<vmem>> -> memref<1x128xi32, #tpu.memory_space<vmem>>
      %dma_start3A_326 = tpu.memref_squeeze %dma_start3A_325 : memref<1x128xi32, #tpu.memory_space<vmem>> -> memref<128xi32, #tpu.memory_space<vmem>>
      %dma_start3A_327 = arith.constant 0 : i32
      %dma_start3A_328 = arith.constant 0 : i32
      %dma_start3A_329 = tpu.memref_slice %arg13[%dma_start3A_327, %dma_start3A_328] : memref<10112x16xf32, #tpu.memory_space<vmem_shared>> -> memref<10112x16xf32, #tpu.memory_space<vmem_shared>>
      tpu.enqueue_indirect_dma source(%dma_start3A_323 : memref<128x16xf32, #tpu.memory_space<vmem>>) target(%dma_start3A_329 : memref<10112x16xf32, #tpu.memory_space<vmem_shared>>) offsets(%dma_start3A_326 : memref<128xi32, #tpu.memory_space<vmem>>) semaphore(%arg16 : memref<!tpu.dma_semaphore, #tpu.memory_space<semaphore_mem>>) {add = true}
      %dma_start3A_330 = arith.constant 4 : i32
      %dma_start3A_331 = arith.constant 512 : i32
      %dma_start3A_332 = arith.constant 0 : i32
      %dma_start3A_333 = tpu.memref_slice %arg9[%dma_start3A_331, %dma_start3A_332] : memref<1024x16xf32, #tpu.memory_space<vmem>> -> memref<128x16xf32, #tpu.memory_space<vmem>>
      %dma_start3A_334 = arith.constant 0 : i32
      %dma_start3A_335 = tpu.memref_slice %arg8[%dma_start3A_330, %dma_start3A_334] : memref<8x128xi32, #tpu.memory_space<vmem>> -> memref<1x128xi32, #tpu.memory_space<vmem>>
      %dma_start3A_336 = tpu.memref_squeeze %dma_start3A_335 : memref<1x128xi32, #tpu.memory_space<vmem>> -> memref<128xi32, #tpu.memory_space<vmem>>
      %dma_start3A_337 = arith.constant 0 : i32
      %dma_start3A_338 = arith.constant 0 : i32
      %dma_start3A_339 = tpu.memref_slice %arg13[%dma_start3A_337, %dma_start3A_338] : memref<10112x16xf32, #tpu.memory_space<vmem_shared>> -> memref<10112x16xf32, #tpu.memory_space<vmem_shared>>
      tpu.enqueue_indirect_dma source(%dma_start3A_333 : memref<128x16xf32, #tpu.memory_space<vmem>>) target(%dma_start3A_339 : memref<10112x16xf32, #tpu.memory_space<vmem_shared>>) offsets(%dma_start3A_336 : memref<128xi32, #tpu.memory_space<vmem>>) semaphore(%arg16 : memref<!tpu.dma_semaphore, #tpu.memory_space<semaphore_mem>>) {add = true}
      %dma_start3A_340 = arith.constant 5 : i32
      %dma_start3A_341 = arith.constant 640 : i32
      %dma_start3A_342 = arith.constant 0 : i32
      %dma_start3A_343 = tpu.memref_slice %arg9[%dma_start3A_341, %dma_start3A_342] : memref<1024x16xf32, #tpu.memory_space<vmem>> -> memref<128x16xf32, #tpu.memory_space<vmem>>
      %dma_start3A_344 = arith.constant 0 : i32
      %dma_start3A_345 = tpu.memref_slice %arg8[%dma_start3A_340, %dma_start3A_344] : memref<8x128xi32, #tpu.memory_space<vmem>> -> memref<1x128xi32, #tpu.memory_space<vmem>>
      %dma_start3A_346 = tpu.memref_squeeze %dma_start3A_345 : memref<1x128xi32, #tpu.memory_space<vmem>> -> memref<128xi32, #tpu.memory_space<vmem>>
      %dma_start3A_347 = arith.constant 0 : i32
      %dma_start3A_348 = arith.constant 0 : i32
      %dma_start3A_349 = tpu.memref_slice %arg13[%dma_start3A_347, %dma_start3A_348] : memref<10112x16xf32, #tpu.memory_space<vmem_shared>> -> memref<10112x16xf32, #tpu.memory_space<vmem_shared>>
      tpu.enqueue_indirect_dma source(%dma_start3A_343 : memref<128x16xf32, #tpu.memory_space<vmem>>) target(%dma_start3A_349 : memref<10112x16xf32, #tpu.memory_space<vmem_shared>>) offsets(%dma_start3A_346 : memref<128xi32, #tpu.memory_space<vmem>>) semaphore(%arg16 : memref<!tpu.dma_semaphore, #tpu.memory_space<semaphore_mem>>) {add = true}
      %dma_start3A_350 = arith.constant 6 : i32
      %dma_start3A_351 = arith.constant 768 : i32
      %dma_start3A_352 = arith.constant 0 : i32
      %dma_start3A_353 = tpu.memref_slice %arg9[%dma_start3A_351, %dma_start3A_352] : memref<1024x16xf32, #tpu.memory_space<vmem>> -> memref<128x16xf32, #tpu.memory_space<vmem>>
      %dma_start3A_354 = arith.constant 0 : i32
      %dma_start3A_355 = tpu.memref_slice %arg8[%dma_start3A_350, %dma_start3A_354] : memref<8x128xi32, #tpu.memory_space<vmem>> -> memref<1x128xi32, #tpu.memory_space<vmem>>
      %dma_start3A_356 = tpu.memref_squeeze %dma_start3A_355 : memref<1x128xi32, #tpu.memory_space<vmem>> -> memref<128xi32, #tpu.memory_space<vmem>>
      %dma_start3A_357 = arith.constant 0 : i32
      %dma_start3A_358 = arith.constant 0 : i32
      %dma_start3A_359 = tpu.memref_slice %arg13[%dma_start3A_357, %dma_start3A_358] : memref<10112x16xf32, #tpu.memory_space<vmem_shared>> -> memref<10112x16xf32, #tpu.memory_space<vmem_shared>>
      tpu.enqueue_indirect_dma source(%dma_start3A_353 : memref<128x16xf32, #tpu.memory_space<vmem>>) target(%dma_start3A_359 : memref<10112x16xf32, #tpu.memory_space<vmem_shared>>) offsets(%dma_start3A_356 : memref<128xi32, #tpu.memory_space<vmem>>) semaphore(%arg16 : memref<!tpu.dma_semaphore, #tpu.memory_space<semaphore_mem>>) {add = true}
      %dma_start3A_360 = arith.constant 7 : i32
      %dma_start3A_361 = arith.constant 896 : i32
      %dma_start3A_362 = arith.constant 0 : i32
      %dma_start3A_363 = tpu.memref_slice %arg9[%dma_start3A_361, %dma_start3A_362] : memref<1024x16xf32, #tpu.memory_space<vmem>> -> memref<128x16xf32, #tpu.memory_space<vmem>>
      %dma_start3A_364 = arith.constant 0 : i32
      %dma_start3A_365 = tpu.memref_slice %arg8[%dma_start3A_360, %dma_start3A_364] : memref<8x128xi32, #tpu.memory_space<vmem>> -> memref<1x128xi32, #tpu.memory_space<vmem>>
      %dma_start3A_366 = tpu.memref_squeeze %dma_start3A_365 : memref<1x128xi32, #tpu.memory_space<vmem>> -> memref<128xi32, #tpu.memory_space<vmem>>
      %dma_start3A_367 = arith.constant 0 : i32
      %dma_start3A_368 = arith.constant 0 : i32
      %dma_start3A_369 = tpu.memref_slice %arg13[%dma_start3A_367, %dma_start3A_368] : memref<10112x16xf32, #tpu.memory_space<vmem_shared>> -> memref<10112x16xf32, #tpu.memory_space<vmem_shared>>
      tpu.enqueue_indirect_dma source(%dma_start3A_363 : memref<128x16xf32, #tpu.memory_space<vmem>>) target(%dma_start3A_369 : memref<10112x16xf32, #tpu.memory_space<vmem_shared>>) offsets(%dma_start3A_366 : memref<128xi32, #tpu.memory_space<vmem>>) semaphore(%arg16 : memref<!tpu.dma_semaphore, #tpu.memory_space<semaphore_mem>>) {add = true}
      %dma_wait3A_370 = arith.constant 0 : i32
      %dma_wait3A_371 = arith.constant 0 : i32
      %dma_wait3A_372 = arith.constant 0 : i32
      %dma_wait3A_373 = tpu.memref_slice %arg12[%dma_wait3A_371, %dma_wait3A_372] : memref<1024x16xf32, #tpu.memory_space<vmem>> -> memref<128x16xf32, #tpu.memory_space<vmem>>
      %dma_wait3A_374 = arith.constant 0 : i32
      %dma_wait3A_375 = tpu.memref_slice %arg10[%dma_wait3A_370, %dma_wait3A_374] : memref<8x128xi32, #tpu.memory_space<vmem>> -> memref<1x128xi32, #tpu.memory_space<vmem>>
      %dma_wait3A_376 = tpu.memref_squeeze %dma_wait3A_375 : memref<1x128xi32, #tpu.memory_space<vmem>> -> memref<128xi32, #tpu.memory_space<vmem>>
      %dma_wait3A_377 = arith.constant 0 : i32
      %dma_wait3A_378 = arith.constant 0 : i32
      %dma_wait3A_379 = tpu.memref_slice %arg2[%dma_wait3A_377, %dma_wait3A_378] : memref<10000x16xf32, #tpu.memory_space<hbm>> -> memref<10000x16xf32, #tpu.memory_space<hbm>>
      tpu.wait_indirect_dma semaphore(%arg15 : memref<!tpu.dma_semaphore, #tpu.memory_space<semaphore_mem>>) src(%dma_wait3A_379 : memref<10000x16xf32, #tpu.memory_space<hbm>>) dst(%dma_wait3A_373 : memref<128x16xf32, #tpu.memory_space<vmem>>)
      %dma_wait3A_380 = arith.constant 1 : i32
      %dma_wait3A_381 = arith.constant 128 : i32
      %dma_wait3A_382 = arith.constant 0 : i32
      %dma_wait3A_383 = tpu.memref_slice %arg12[%dma_wait3A_381, %dma_wait3A_382] : memref<1024x16xf32, #tpu.memory_space<vmem>> -> memref<128x16xf32, #tpu.memory_space<vmem>>
      %dma_wait3A_384 = arith.constant 0 : i32
      %dma_wait3A_385 = tpu.memref_slice %arg10[%dma_wait3A_380, %dma_wait3A_384] : memref<8x128xi32, #tpu.memory_space<vmem>> -> memref<1x128xi32, #tpu.memory_space<vmem>>
      %dma_wait3A_386 = tpu.memref_squeeze %dma_wait3A_385 : memref<1x128xi32, #tpu.memory_space<vmem>> -> memref<128xi32, #tpu.memory_space<vmem>>
      %dma_wait3A_387 = arith.constant 0 : i32
      %dma_wait3A_388 = arith.constant 0 : i32
      %dma_wait3A_389 = tpu.memref_slice %arg2[%dma_wait3A_387, %dma_wait3A_388] : memref<10000x16xf32, #tpu.memory_space<hbm>> -> memref<10000x16xf32, #tpu.memory_space<hbm>>
      tpu.wait_indirect_dma semaphore(%arg15 : memref<!tpu.dma_semaphore, #tpu.memory_space<semaphore_mem>>) src(%dma_wait3A_389 : memref<10000x16xf32, #tpu.memory_space<hbm>>) dst(%dma_wait3A_383 : memref<128x16xf32, #tpu.memory_space<vmem>>)
      %dma_wait3A_390 = arith.constant 2 : i32
      %dma_wait3A_391 = arith.constant 256 : i32
      %dma_wait3A_392 = arith.constant 0 : i32
      %dma_wait3A_393 = tpu.memref_slice %arg12[%dma_wait3A_391, %dma_wait3A_392] : memref<1024x16xf32, #tpu.memory_space<vmem>> -> memref<128x16xf32, #tpu.memory_space<vmem>>
      %dma_wait3A_394 = arith.constant 0 : i32
      %dma_wait3A_395 = tpu.memref_slice %arg10[%dma_wait3A_390, %dma_wait3A_394] : memref<8x128xi32, #tpu.memory_space<vmem>> -> memref<1x128xi32, #tpu.memory_space<vmem>>
      %dma_wait3A_396 = tpu.memref_squeeze %dma_wait3A_395 : memref<1x128xi32, #tpu.memory_space<vmem>> -> memref<128xi32, #tpu.memory_space<vmem>>
      %dma_wait3A_397 = arith.constant 0 : i32
      %dma_wait3A_398 = arith.constant 0 : i32
      %dma_wait3A_399 = tpu.memref_slice %arg2[%dma_wait3A_397, %dma_wait3A_398] : memref<10000x16xf32, #tpu.memory_space<hbm>> -> memref<10000x16xf32, #tpu.memory_space<hbm>>
      tpu.wait_indirect_dma semaphore(%arg15 : memref<!tpu.dma_semaphore, #tpu.memory_space<semaphore_mem>>) src(%dma_wait3A_399 : memref<10000x16xf32, #tpu.memory_space<hbm>>) dst(%dma_wait3A_393 : memref<128x16xf32, #tpu.memory_space<vmem>>)
      %dma_wait3A_400 = arith.constant 3 : i32
      %dma_wait3A_401 = arith.constant 384 : i32
      %dma_wait3A_402 = arith.constant 0 : i32
      %dma_wait3A_403 = tpu.memref_slice %arg12[%dma_wait3A_401, %dma_wait3A_402] : memref<1024x16xf32, #tpu.memory_space<vmem>> -> memref<128x16xf32, #tpu.memory_space<vmem>>
      %dma_wait3A_404 = arith.constant 0 : i32
      %dma_wait3A_405 = tpu.memref_slice %arg10[%dma_wait3A_400, %dma_wait3A_404] : memref<8x128xi32, #tpu.memory_space<vmem>> -> memref<1x128xi32, #tpu.memory_space<vmem>>
      %dma_wait3A_406 = tpu.memref_squeeze %dma_wait3A_405 : memref<1x128xi32, #tpu.memory_space<vmem>> -> memref<128xi32, #tpu.memory_space<vmem>>
      %dma_wait3A_407 = arith.constant 0 : i32
      %dma_wait3A_408 = arith.constant 0 : i32
      %dma_wait3A_409 = tpu.memref_slice %arg2[%dma_wait3A_407, %dma_wait3A_408] : memref<10000x16xf32, #tpu.memory_space<hbm>> -> memref<10000x16xf32, #tpu.memory_space<hbm>>
      tpu.wait_indirect_dma semaphore(%arg15 : memref<!tpu.dma_semaphore, #tpu.memory_space<semaphore_mem>>) src(%dma_wait3A_409 : memref<10000x16xf32, #tpu.memory_space<hbm>>) dst(%dma_wait3A_403 : memref<128x16xf32, #tpu.memory_space<vmem>>)
      %dma_wait3A_410 = arith.constant 4 : i32
      %dma_wait3A_411 = arith.constant 512 : i32
      %dma_wait3A_412 = arith.constant 0 : i32
      %dma_wait3A_413 = tpu.memref_slice %arg12[%dma_wait3A_411, %dma_wait3A_412] : memref<1024x16xf32, #tpu.memory_space<vmem>> -> memref<128x16xf32, #tpu.memory_space<vmem>>
      %dma_wait3A_414 = arith.constant 0 : i32
      %dma_wait3A_415 = tpu.memref_slice %arg10[%dma_wait3A_410, %dma_wait3A_414] : memref<8x128xi32, #tpu.memory_space<vmem>> -> memref<1x128xi32, #tpu.memory_space<vmem>>
      %dma_wait3A_416 = tpu.memref_squeeze %dma_wait3A_415 : memref<1x128xi32, #tpu.memory_space<vmem>> -> memref<128xi32, #tpu.memory_space<vmem>>
      %dma_wait3A_417 = arith.constant 0 : i32
      %dma_wait3A_418 = arith.constant 0 : i32
      %dma_wait3A_419 = tpu.memref_slice %arg2[%dma_wait3A_417, %dma_wait3A_418] : memref<10000x16xf32, #tpu.memory_space<hbm>> -> memref<10000x16xf32, #tpu.memory_space<hbm>>
      tpu.wait_indirect_dma semaphore(%arg15 : memref<!tpu.dma_semaphore, #tpu.memory_space<semaphore_mem>>) src(%dma_wait3A_419 : memref<10000x16xf32, #tpu.memory_space<hbm>>) dst(%dma_wait3A_413 : memref<128x16xf32, #tpu.memory_space<vmem>>)
      %dma_wait3A_420 = arith.constant 5 : i32
      %dma_wait3A_421 = arith.constant 640 : i32
      %dma_wait3A_422 = arith.constant 0 : i32
      %dma_wait3A_423 = tpu.memref_slice %arg12[%dma_wait3A_421, %dma_wait3A_422] : memref<1024x16xf32, #tpu.memory_space<vmem>> -> memref<128x16xf32, #tpu.memory_space<vmem>>
      %dma_wait3A_424 = arith.constant 0 : i32
      %dma_wait3A_425 = tpu.memref_slice %arg10[%dma_wait3A_420, %dma_wait3A_424] : memref<8x128xi32, #tpu.memory_space<vmem>> -> memref<1x128xi32, #tpu.memory_space<vmem>>
      %dma_wait3A_426 = tpu.memref_squeeze %dma_wait3A_425 : memref<1x128xi32, #tpu.memory_space<vmem>> -> memref<128xi32, #tpu.memory_space<vmem>>
      %dma_wait3A_427 = arith.constant 0 : i32
      %dma_wait3A_428 = arith.constant 0 : i32
      %dma_wait3A_429 = tpu.memref_slice %arg2[%dma_wait3A_427, %dma_wait3A_428] : memref<10000x16xf32, #tpu.memory_space<hbm>> -> memref<10000x16xf32, #tpu.memory_space<hbm>>
      tpu.wait_indirect_dma semaphore(%arg15 : memref<!tpu.dma_semaphore, #tpu.memory_space<semaphore_mem>>) src(%dma_wait3A_429 : memref<10000x16xf32, #tpu.memory_space<hbm>>) dst(%dma_wait3A_423 : memref<128x16xf32, #tpu.memory_space<vmem>>)
      %dma_wait3A_430 = arith.constant 6 : i32
      %dma_wait3A_431 = arith.constant 768 : i32
      %dma_wait3A_432 = arith.constant 0 : i32
      %dma_wait3A_433 = tpu.memref_slice %arg12[%dma_wait3A_431, %dma_wait3A_432] : memref<1024x16xf32, #tpu.memory_space<vmem>> -> memref<128x16xf32, #tpu.memory_space<vmem>>
      %dma_wait3A_434 = arith.constant 0 : i32
      %dma_wait3A_435 = tpu.memref_slice %arg10[%dma_wait3A_430, %dma_wait3A_434] : memref<8x128xi32, #tpu.memory_space<vmem>> -> memref<1x128xi32, #tpu.memory_space<vmem>>
      %dma_wait3A_436 = tpu.memref_squeeze %dma_wait3A_435 : memref<1x128xi32, #tpu.memory_space<vmem>> -> memref<128xi32, #tpu.memory_space<vmem>>
      %dma_wait3A_437 = arith.constant 0 : i32
      %dma_wait3A_438 = arith.constant 0 : i32
      %dma_wait3A_439 = tpu.memref_slice %arg2[%dma_wait3A_437, %dma_wait3A_438] : memref<10000x16xf32, #tpu.memory_space<hbm>> -> memref<10000x16xf32, #tpu.memory_space<hbm>>
      tpu.wait_indirect_dma semaphore(%arg15 : memref<!tpu.dma_semaphore, #tpu.memory_space<semaphore_mem>>) src(%dma_wait3A_439 : memref<10000x16xf32, #tpu.memory_space<hbm>>) dst(%dma_wait3A_433 : memref<128x16xf32, #tpu.memory_space<vmem>>)
      %dma_wait3A_440 = arith.constant 7 : i32
      %dma_wait3A_441 = arith.constant 896 : i32
      %dma_wait3A_442 = arith.constant 0 : i32
      %dma_wait3A_443 = tpu.memref_slice %arg12[%dma_wait3A_441, %dma_wait3A_442] : memref<1024x16xf32, #tpu.memory_space<vmem>> -> memref<128x16xf32, #tpu.memory_space<vmem>>
      %dma_wait3A_444 = arith.constant 0 : i32
      %dma_wait3A_445 = tpu.memref_slice %arg10[%dma_wait3A_440, %dma_wait3A_444] : memref<8x128xi32, #tpu.memory_space<vmem>> -> memref<1x128xi32, #tpu.memory_space<vmem>>
      %dma_wait3A_446 = tpu.memref_squeeze %dma_wait3A_445 : memref<1x128xi32, #tpu.memory_space<vmem>> -> memref<128xi32, #tpu.memory_space<vmem>>
      %dma_wait3A_447 = arith.constant 0 : i32
      %dma_wait3A_448 = arith.constant 0 : i32
      %dma_wait3A_449 = tpu.memref_slice %arg2[%dma_wait3A_447, %dma_wait3A_448] : memref<10000x16xf32, #tpu.memory_space<hbm>> -> memref<10000x16xf32, #tpu.memory_space<hbm>>
      tpu.wait_indirect_dma semaphore(%arg15 : memref<!tpu.dma_semaphore, #tpu.memory_space<semaphore_mem>>) src(%dma_wait3A_449 : memref<10000x16xf32, #tpu.memory_space<hbm>>) dst(%dma_wait3A_443 : memref<128x16xf32, #tpu.memory_space<vmem>>)
      %dma_start3A_450 = arith.constant 0 : i32
      %dma_start3A_451 = arith.constant 0 : i32
      %dma_start3A_452 = arith.constant 0 : i32
      %dma_start3A_453 = tpu.memref_slice %arg12[%dma_start3A_451, %dma_start3A_452] : memref<1024x16xf32, #tpu.memory_space<vmem>> -> memref<128x16xf32, #tpu.memory_space<vmem>>
      %dma_start3A_454 = arith.constant 0 : i32
      %dma_start3A_455 = tpu.memref_slice %arg11[%dma_start3A_450, %dma_start3A_454] : memref<8x128xi32, #tpu.memory_space<vmem>> -> memref<1x128xi32, #tpu.memory_space<vmem>>
      %dma_start3A_456 = tpu.memref_squeeze %dma_start3A_455 : memref<1x128xi32, #tpu.memory_space<vmem>> -> memref<128xi32, #tpu.memory_space<vmem>>
      %dma_start3A_457 = arith.constant 0 : i32
      %dma_start3A_458 = arith.constant 0 : i32
      %dma_start3A_459 = tpu.memref_slice %arg13[%dma_start3A_457, %dma_start3A_458] : memref<10112x16xf32, #tpu.memory_space<vmem_shared>> -> memref<10112x16xf32, #tpu.memory_space<vmem_shared>>
      tpu.enqueue_indirect_dma source(%dma_start3A_453 : memref<128x16xf32, #tpu.memory_space<vmem>>) target(%dma_start3A_459 : memref<10112x16xf32, #tpu.memory_space<vmem_shared>>) offsets(%dma_start3A_456 : memref<128xi32, #tpu.memory_space<vmem>>) semaphore(%arg17 : memref<!tpu.dma_semaphore, #tpu.memory_space<semaphore_mem>>) {add = true}
      %dma_start3A_460 = arith.constant 1 : i32
      %dma_start3A_461 = arith.constant 128 : i32
      %dma_start3A_462 = arith.constant 0 : i32
      %dma_start3A_463 = tpu.memref_slice %arg12[%dma_start3A_461, %dma_start3A_462] : memref<1024x16xf32, #tpu.memory_space<vmem>> -> memref<128x16xf32, #tpu.memory_space<vmem>>
      %dma_start3A_464 = arith.constant 0 : i32
      %dma_start3A_465 = tpu.memref_slice %arg11[%dma_start3A_460, %dma_start3A_464] : memref<8x128xi32, #tpu.memory_space<vmem>> -> memref<1x128xi32, #tpu.memory_space<vmem>>
      %dma_start3A_466 = tpu.memref_squeeze %dma_start3A_465 : memref<1x128xi32, #tpu.memory_space<vmem>> -> memref<128xi32, #tpu.memory_space<vmem>>
      %dma_start3A_467 = arith.constant 0 : i32
      %dma_start3A_468 = arith.constant 0 : i32
      %dma_start3A_469 = tpu.memref_slice %arg13[%dma_start3A_467, %dma_start3A_468] : memref<10112x16xf32, #tpu.memory_space<vmem_shared>> -> memref<10112x16xf32, #tpu.memory_space<vmem_shared>>
      tpu.enqueue_indirect_dma source(%dma_start3A_463 : memref<128x16xf32, #tpu.memory_space<vmem>>) target(%dma_start3A_469 : memref<10112x16xf32, #tpu.memory_space<vmem_shared>>) offsets(%dma_start3A_466 : memref<128xi32, #tpu.memory_space<vmem>>) semaphore(%arg17 : memref<!tpu.dma_semaphore, #tpu.memory_space<semaphore_mem>>) {add = true}
      %dma_start3A_470 = arith.constant 2 : i32
      %dma_start3A_471 = arith.constant 256 : i32
      %dma_start3A_472 = arith.constant 0 : i32
      %dma_start3A_473 = tpu.memref_slice %arg12[%dma_start3A_471, %dma_start3A_472] : memref<1024x16xf32, #tpu.memory_space<vmem>> -> memref<128x16xf32, #tpu.memory_space<vmem>>
      %dma_start3A_474 = arith.constant 0 : i32
      %dma_start3A_475 = tpu.memref_slice %arg11[%dma_start3A_470, %dma_start3A_474] : memref<8x128xi32, #tpu.memory_space<vmem>> -> memref<1x128xi32, #tpu.memory_space<vmem>>
      %dma_start3A_476 = tpu.memref_squeeze %dma_start3A_475 : memref<1x128xi32, #tpu.memory_space<vmem>> -> memref<128xi32, #tpu.memory_space<vmem>>
      %dma_start3A_477 = arith.constant 0 : i32
      %dma_start3A_478 = arith.constant 0 : i32
      %dma_start3A_479 = tpu.memref_slice %arg13[%dma_start3A_477, %dma_start3A_478] : memref<10112x16xf32, #tpu.memory_space<vmem_shared>> -> memref<10112x16xf32, #tpu.memory_space<vmem_shared>>
      tpu.enqueue_indirect_dma source(%dma_start3A_473 : memref<128x16xf32, #tpu.memory_space<vmem>>) target(%dma_start3A_479 : memref<10112x16xf32, #tpu.memory_space<vmem_shared>>) offsets(%dma_start3A_476 : memref<128xi32, #tpu.memory_space<vmem>>) semaphore(%arg17 : memref<!tpu.dma_semaphore, #tpu.memory_space<semaphore_mem>>) {add = true}
      %dma_start3A_480 = arith.constant 3 : i32
      %dma_start3A_481 = arith.constant 384 : i32
      %dma_start3A_482 = arith.constant 0 : i32
      %dma_start3A_483 = tpu.memref_slice %arg12[%dma_start3A_481, %dma_start3A_482] : memref<1024x16xf32, #tpu.memory_space<vmem>> -> memref<128x16xf32, #tpu.memory_space<vmem>>
      %dma_start3A_484 = arith.constant 0 : i32
      %dma_start3A_485 = tpu.memref_slice %arg11[%dma_start3A_480, %dma_start3A_484] : memref<8x128xi32, #tpu.memory_space<vmem>> -> memref<1x128xi32, #tpu.memory_space<vmem>>
      %dma_start3A_486 = tpu.memref_squeeze %dma_start3A_485 : memref<1x128xi32, #tpu.memory_space<vmem>> -> memref<128xi32, #tpu.memory_space<vmem>>
      %dma_start3A_487 = arith.constant 0 : i32
      %dma_start3A_488 = arith.constant 0 : i32
      %dma_start3A_489 = tpu.memref_slice %arg13[%dma_start3A_487, %dma_start3A_488] : memref<10112x16xf32, #tpu.memory_space<vmem_shared>> -> memref<10112x16xf32, #tpu.memory_space<vmem_shared>>
      tpu.enqueue_indirect_dma source(%dma_start3A_483 : memref<128x16xf32, #tpu.memory_space<vmem>>) target(%dma_start3A_489 : memref<10112x16xf32, #tpu.memory_space<vmem_shared>>) offsets(%dma_start3A_486 : memref<128xi32, #tpu.memory_space<vmem>>) semaphore(%arg17 : memref<!tpu.dma_semaphore, #tpu.memory_space<semaphore_mem>>) {add = true}
      %dma_start3A_490 = arith.constant 4 : i32
      %dma_start3A_491 = arith.constant 512 : i32
      %dma_start3A_492 = arith.constant 0 : i32
      %dma_start3A_493 = tpu.memref_slice %arg12[%dma_start3A_491, %dma_start3A_492] : memref<1024x16xf32, #tpu.memory_space<vmem>> -> memref<128x16xf32, #tpu.memory_space<vmem>>
      %dma_start3A_494 = arith.constant 0 : i32
      %dma_start3A_495 = tpu.memref_slice %arg11[%dma_start3A_490, %dma_start3A_494] : memref<8x128xi32, #tpu.memory_space<vmem>> -> memref<1x128xi32, #tpu.memory_space<vmem>>
      %dma_start3A_496 = tpu.memref_squeeze %dma_start3A_495 : memref<1x128xi32, #tpu.memory_space<vmem>> -> memref<128xi32, #tpu.memory_space<vmem>>
      %dma_start3A_497 = arith.constant 0 : i32
      %dma_start3A_498 = arith.constant 0 : i32
      %dma_start3A_499 = tpu.memref_slice %arg13[%dma_start3A_497, %dma_start3A_498] : memref<10112x16xf32, #tpu.memory_space<vmem_shared>> -> memref<10112x16xf32, #tpu.memory_space<vmem_shared>>
      tpu.enqueue_indirect_dma source(%dma_start3A_493 : memref<128x16xf32, #tpu.memory_space<vmem>>) target(%dma_start3A_499 : memref<10112x16xf32, #tpu.memory_space<vmem_shared>>) offsets(%dma_start3A_496 : memref<128xi32, #tpu.memory_space<vmem>>) semaphore(%arg17 : memref<!tpu.dma_semaphore, #tpu.memory_space<semaphore_mem>>) {add = true}
      %dma_start3A_500 = arith.constant 5 : i32
      %dma_start3A_501 = arith.constant 640 : i32
      %dma_start3A_502 = arith.constant 0 : i32
      %dma_start3A_503 = tpu.memref_slice %arg12[%dma_start3A_501, %dma_start3A_502] : memref<1024x16xf32, #tpu.memory_space<vmem>> -> memref<128x16xf32, #tpu.memory_space<vmem>>
      %dma_start3A_504 = arith.constant 0 : i32
      %dma_start3A_505 = tpu.memref_slice %arg11[%dma_start3A_500, %dma_start3A_504] : memref<8x128xi32, #tpu.memory_space<vmem>> -> memref<1x128xi32, #tpu.memory_space<vmem>>
      %dma_start3A_506 = tpu.memref_squeeze %dma_start3A_505 : memref<1x128xi32, #tpu.memory_space<vmem>> -> memref<128xi32, #tpu.memory_space<vmem>>
      %dma_start3A_507 = arith.constant 0 : i32
      %dma_start3A_508 = arith.constant 0 : i32
      %dma_start3A_509 = tpu.memref_slice %arg13[%dma_start3A_507, %dma_start3A_508] : memref<10112x16xf32, #tpu.memory_space<vmem_shared>> -> memref<10112x16xf32, #tpu.memory_space<vmem_shared>>
      tpu.enqueue_indirect_dma source(%dma_start3A_503 : memref<128x16xf32, #tpu.memory_space<vmem>>) target(%dma_start3A_509 : memref<10112x16xf32, #tpu.memory_space<vmem_shared>>) offsets(%dma_start3A_506 : memref<128xi32, #tpu.memory_space<vmem>>) semaphore(%arg17 : memref<!tpu.dma_semaphore, #tpu.memory_space<semaphore_mem>>) {add = true}
      %dma_start3A_510 = arith.constant 6 : i32
      %dma_start3A_511 = arith.constant 768 : i32
      %dma_start3A_512 = arith.constant 0 : i32
      %dma_start3A_513 = tpu.memref_slice %arg12[%dma_start3A_511, %dma_start3A_512] : memref<1024x16xf32, #tpu.memory_space<vmem>> -> memref<128x16xf32, #tpu.memory_space<vmem>>
      %dma_start3A_514 = arith.constant 0 : i32
      %dma_start3A_515 = tpu.memref_slice %arg11[%dma_start3A_510, %dma_start3A_514] : memref<8x128xi32, #tpu.memory_space<vmem>> -> memref<1x128xi32, #tpu.memory_space<vmem>>
      %dma_start3A_516 = tpu.memref_squeeze %dma_start3A_515 : memref<1x128xi32, #tpu.memory_space<vmem>> -> memref<128xi32, #tpu.memory_space<vmem>>
      %dma_start3A_517 = arith.constant 0 : i32
      %dma_start3A_518 = arith.constant 0 : i32
      %dma_start3A_519 = tpu.memref_slice %arg13[%dma_start3A_517, %dma_start3A_518] : memref<10112x16xf32, #tpu.memory_space<vmem_shared>> -> memref<10112x16xf32, #tpu.memory_space<vmem_shared>>
      tpu.enqueue_indirect_dma source(%dma_start3A_513 : memref<128x16xf32, #tpu.memory_space<vmem>>) target(%dma_start3A_519 : memref<10112x16xf32, #tpu.memory_space<vmem_shared>>) offsets(%dma_start3A_516 : memref<128xi32, #tpu.memory_space<vmem>>) semaphore(%arg17 : memref<!tpu.dma_semaphore, #tpu.memory_space<semaphore_mem>>) {add = true}
      %dma_start3A_520 = arith.constant 7 : i32
      %dma_start3A_521 = arith.constant 896 : i32
      %dma_start3A_522 = arith.constant 0 : i32
      %dma_start3A_523 = tpu.memref_slice %arg12[%dma_start3A_521, %dma_start3A_522] : memref<1024x16xf32, #tpu.memory_space<vmem>> -> memref<128x16xf32, #tpu.memory_space<vmem>>
      %dma_start3A_524 = arith.constant 0 : i32
      %dma_start3A_525 = tpu.memref_slice %arg11[%dma_start3A_520, %dma_start3A_524] : memref<8x128xi32, #tpu.memory_space<vmem>> -> memref<1x128xi32, #tpu.memory_space<vmem>>
      %dma_start3A_526 = tpu.memref_squeeze %dma_start3A_525 : memref<1x128xi32, #tpu.memory_space<vmem>> -> memref<128xi32, #tpu.memory_space<vmem>>
      %dma_start3A_527 = arith.constant 0 : i32
      %dma_start3A_528 = arith.constant 0 : i32
      %dma_start3A_529 = tpu.memref_slice %arg13[%dma_start3A_527, %dma_start3A_528] : memref<10112x16xf32, #tpu.memory_space<vmem_shared>> -> memref<10112x16xf32, #tpu.memory_space<vmem_shared>>
      tpu.enqueue_indirect_dma source(%dma_start3A_523 : memref<128x16xf32, #tpu.memory_space<vmem>>) target(%dma_start3A_529 : memref<10112x16xf32, #tpu.memory_space<vmem_shared>>) offsets(%dma_start3A_526 : memref<128xi32, #tpu.memory_space<vmem>>) semaphore(%arg17 : memref<!tpu.dma_semaphore, #tpu.memory_space<semaphore_mem>>) {add = true}
      %dma_wait3A_530 = arith.constant 0 : i32
      %dma_wait3A_531 = arith.constant 0 : i32
      %dma_wait3A_532 = arith.constant 0 : i32
      %dma_wait3A_533 = tpu.memref_slice %arg9[%dma_wait3A_531, %dma_wait3A_532] : memref<1024x16xf32, #tpu.memory_space<vmem>> -> memref<128x16xf32, #tpu.memory_space<vmem>>
      %dma_wait3A_534 = arith.constant 0 : i32
      %dma_wait3A_535 = tpu.memref_slice %arg8[%dma_wait3A_530, %dma_wait3A_534] : memref<8x128xi32, #tpu.memory_space<vmem>> -> memref<1x128xi32, #tpu.memory_space<vmem>>
      %dma_wait3A_536 = tpu.memref_squeeze %dma_wait3A_535 : memref<1x128xi32, #tpu.memory_space<vmem>> -> memref<128xi32, #tpu.memory_space<vmem>>
      %dma_wait3A_537 = arith.constant 0 : i32
      %dma_wait3A_538 = arith.constant 0 : i32
      %dma_wait3A_539 = tpu.memref_slice %arg13[%dma_wait3A_537, %dma_wait3A_538] : memref<10112x16xf32, #tpu.memory_space<vmem_shared>> -> memref<10112x16xf32, #tpu.memory_space<vmem_shared>>
      tpu.wait_indirect_dma semaphore(%arg16 : memref<!tpu.dma_semaphore, #tpu.memory_space<semaphore_mem>>) src(%dma_wait3A_533 : memref<128x16xf32, #tpu.memory_space<vmem>>) dst(%dma_wait3A_539 : memref<10112x16xf32, #tpu.memory_space<vmem_shared>>)
      %dma_wait3A_540 = arith.constant 1 : i32
      %dma_wait3A_541 = arith.constant 128 : i32
      %dma_wait3A_542 = arith.constant 0 : i32
      %dma_wait3A_543 = tpu.memref_slice %arg9[%dma_wait3A_541, %dma_wait3A_542] : memref<1024x16xf32, #tpu.memory_space<vmem>> -> memref<128x16xf32, #tpu.memory_space<vmem>>
      %dma_wait3A_544 = arith.constant 0 : i32
      %dma_wait3A_545 = tpu.memref_slice %arg8[%dma_wait3A_540, %dma_wait3A_544] : memref<8x128xi32, #tpu.memory_space<vmem>> -> memref<1x128xi32, #tpu.memory_space<vmem>>
      %dma_wait3A_546 = tpu.memref_squeeze %dma_wait3A_545 : memref<1x128xi32, #tpu.memory_space<vmem>> -> memref<128xi32, #tpu.memory_space<vmem>>
      %dma_wait3A_547 = arith.constant 0 : i32
      %dma_wait3A_548 = arith.constant 0 : i32
      %dma_wait3A_549 = tpu.memref_slice %arg13[%dma_wait3A_547, %dma_wait3A_548] : memref<10112x16xf32, #tpu.memory_space<vmem_shared>> -> memref<10112x16xf32, #tpu.memory_space<vmem_shared>>
      tpu.wait_indirect_dma semaphore(%arg16 : memref<!tpu.dma_semaphore, #tpu.memory_space<semaphore_mem>>) src(%dma_wait3A_543 : memref<128x16xf32, #tpu.memory_space<vmem>>) dst(%dma_wait3A_549 : memref<10112x16xf32, #tpu.memory_space<vmem_shared>>)
      %dma_wait3A_550 = arith.constant 2 : i32
      %dma_wait3A_551 = arith.constant 256 : i32
      %dma_wait3A_552 = arith.constant 0 : i32
      %dma_wait3A_553 = tpu.memref_slice %arg9[%dma_wait3A_551, %dma_wait3A_552] : memref<1024x16xf32, #tpu.memory_space<vmem>> -> memref<128x16xf32, #tpu.memory_space<vmem>>
      %dma_wait3A_554 = arith.constant 0 : i32
      %dma_wait3A_555 = tpu.memref_slice %arg8[%dma_wait3A_550, %dma_wait3A_554] : memref<8x128xi32, #tpu.memory_space<vmem>> -> memref<1x128xi32, #tpu.memory_space<vmem>>
      %dma_wait3A_556 = tpu.memref_squeeze %dma_wait3A_555 : memref<1x128xi32, #tpu.memory_space<vmem>> -> memref<128xi32, #tpu.memory_space<vmem>>
      %dma_wait3A_557 = arith.constant 0 : i32
      %dma_wait3A_558 = arith.constant 0 : i32
      %dma_wait3A_559 = tpu.memref_slice %arg13[%dma_wait3A_557, %dma_wait3A_558] : memref<10112x16xf32, #tpu.memory_space<vmem_shared>> -> memref<10112x16xf32, #tpu.memory_space<vmem_shared>>
      tpu.wait_indirect_dma semaphore(%arg16 : memref<!tpu.dma_semaphore, #tpu.memory_space<semaphore_mem>>) src(%dma_wait3A_553 : memref<128x16xf32, #tpu.memory_space<vmem>>) dst(%dma_wait3A_559 : memref<10112x16xf32, #tpu.memory_space<vmem_shared>>)
      %dma_wait3A_560 = arith.constant 3 : i32
      %dma_wait3A_561 = arith.constant 384 : i32
      %dma_wait3A_562 = arith.constant 0 : i32
      %dma_wait3A_563 = tpu.memref_slice %arg9[%dma_wait3A_561, %dma_wait3A_562] : memref<1024x16xf32, #tpu.memory_space<vmem>> -> memref<128x16xf32, #tpu.memory_space<vmem>>
      %dma_wait3A_564 = arith.constant 0 : i32
      %dma_wait3A_565 = tpu.memref_slice %arg8[%dma_wait3A_560, %dma_wait3A_564] : memref<8x128xi32, #tpu.memory_space<vmem>> -> memref<1x128xi32, #tpu.memory_space<vmem>>
      %dma_wait3A_566 = tpu.memref_squeeze %dma_wait3A_565 : memref<1x128xi32, #tpu.memory_space<vmem>> -> memref<128xi32, #tpu.memory_space<vmem>>
      %dma_wait3A_567 = arith.constant 0 : i32
      %dma_wait3A_568 = arith.constant 0 : i32
      %dma_wait3A_569 = tpu.memref_slice %arg13[%dma_wait3A_567, %dma_wait3A_568] : memref<10112x16xf32, #tpu.memory_space<vmem_shared>> -> memref<10112x16xf32, #tpu.memory_space<vmem_shared>>
      tpu.wait_indirect_dma semaphore(%arg16 : memref<!tpu.dma_semaphore, #tpu.memory_space<semaphore_mem>>) src(%dma_wait3A_563 : memref<128x16xf32, #tpu.memory_space<vmem>>) dst(%dma_wait3A_569 : memref<10112x16xf32, #tpu.memory_space<vmem_shared>>)
      %dma_wait3A_570 = arith.constant 4 : i32
      %dma_wait3A_571 = arith.constant 512 : i32
      %dma_wait3A_572 = arith.constant 0 : i32
      %dma_wait3A_573 = tpu.memref_slice %arg9[%dma_wait3A_571, %dma_wait3A_572] : memref<1024x16xf32, #tpu.memory_space<vmem>> -> memref<128x16xf32, #tpu.memory_space<vmem>>
      %dma_wait3A_574 = arith.constant 0 : i32
      %dma_wait3A_575 = tpu.memref_slice %arg8[%dma_wait3A_570, %dma_wait3A_574] : memref<8x128xi32, #tpu.memory_space<vmem>> -> memref<1x128xi32, #tpu.memory_space<vmem>>
      %dma_wait3A_576 = tpu.memref_squeeze %dma_wait3A_575 : memref<1x128xi32, #tpu.memory_space<vmem>> -> memref<128xi32, #tpu.memory_space<vmem>>
      %dma_wait3A_577 = arith.constant 0 : i32
      %dma_wait3A_578 = arith.constant 0 : i32
      %dma_wait3A_579 = tpu.memref_slice %arg13[%dma_wait3A_577, %dma_wait3A_578] : memref<10112x16xf32, #tpu.memory_space<vmem_shared>> -> memref<10112x16xf32, #tpu.memory_space<vmem_shared>>
      tpu.wait_indirect_dma semaphore(%arg16 : memref<!tpu.dma_semaphore, #tpu.memory_space<semaphore_mem>>) src(%dma_wait3A_573 : memref<128x16xf32, #tpu.memory_space<vmem>>) dst(%dma_wait3A_579 : memref<10112x16xf32, #tpu.memory_space<vmem_shared>>)
      %dma_wait3A_580 = arith.constant 5 : i32
      %dma_wait3A_581 = arith.constant 640 : i32
      %dma_wait3A_582 = arith.constant 0 : i32
      %dma_wait3A_583 = tpu.memref_slice %arg9[%dma_wait3A_581, %dma_wait3A_582] : memref<1024x16xf32, #tpu.memory_space<vmem>> -> memref<128x16xf32, #tpu.memory_space<vmem>>
      %dma_wait3A_584 = arith.constant 0 : i32
      %dma_wait3A_585 = tpu.memref_slice %arg8[%dma_wait3A_580, %dma_wait3A_584] : memref<8x128xi32, #tpu.memory_space<vmem>> -> memref<1x128xi32, #tpu.memory_space<vmem>>
      %dma_wait3A_586 = tpu.memref_squeeze %dma_wait3A_585 : memref<1x128xi32, #tpu.memory_space<vmem>> -> memref<128xi32, #tpu.memory_space<vmem>>
      %dma_wait3A_587 = arith.constant 0 : i32
      %dma_wait3A_588 = arith.constant 0 : i32
      %dma_wait3A_589 = tpu.memref_slice %arg13[%dma_wait3A_587, %dma_wait3A_588] : memref<10112x16xf32, #tpu.memory_space<vmem_shared>> -> memref<10112x16xf32, #tpu.memory_space<vmem_shared>>
      tpu.wait_indirect_dma semaphore(%arg16 : memref<!tpu.dma_semaphore, #tpu.memory_space<semaphore_mem>>) src(%dma_wait3A_583 : memref<128x16xf32, #tpu.memory_space<vmem>>) dst(%dma_wait3A_589 : memref<10112x16xf32, #tpu.memory_space<vmem_shared>>)
      %dma_wait3A_590 = arith.constant 6 : i32
      %dma_wait3A_591 = arith.constant 768 : i32
      %dma_wait3A_592 = arith.constant 0 : i32
      %dma_wait3A_593 = tpu.memref_slice %arg9[%dma_wait3A_591, %dma_wait3A_592] : memref<1024x16xf32, #tpu.memory_space<vmem>> -> memref<128x16xf32, #tpu.memory_space<vmem>>
      %dma_wait3A_594 = arith.constant 0 : i32
      %dma_wait3A_595 = tpu.memref_slice %arg8[%dma_wait3A_590, %dma_wait3A_594] : memref<8x128xi32, #tpu.memory_space<vmem>> -> memref<1x128xi32, #tpu.memory_space<vmem>>
      %dma_wait3A_596 = tpu.memref_squeeze %dma_wait3A_595 : memref<1x128xi32, #tpu.memory_space<vmem>> -> memref<128xi32, #tpu.memory_space<vmem>>
      %dma_wait3A_597 = arith.constant 0 : i32
      %dma_wait3A_598 = arith.constant 0 : i32
      %dma_wait3A_599 = tpu.memref_slice %arg13[%dma_wait3A_597, %dma_wait3A_598] : memref<10112x16xf32, #tpu.memory_space<vmem_shared>> -> memref<10112x16xf32, #tpu.memory_space<vmem_shared>>
      tpu.wait_indirect_dma semaphore(%arg16 : memref<!tpu.dma_semaphore, #tpu.memory_space<semaphore_mem>>) src(%dma_wait3A_593 : memref<128x16xf32, #tpu.memory_space<vmem>>) dst(%dma_wait3A_599 : memref<10112x16xf32, #tpu.memory_space<vmem_shared>>)
      %dma_wait3A_600 = arith.constant 7 : i32
      %dma_wait3A_601 = arith.constant 896 : i32
      %dma_wait3A_602 = arith.constant 0 : i32
      %dma_wait3A_603 = tpu.memref_slice %arg9[%dma_wait3A_601, %dma_wait3A_602] : memref<1024x16xf32, #tpu.memory_space<vmem>> -> memref<128x16xf32, #tpu.memory_space<vmem>>
      %dma_wait3A_604 = arith.constant 0 : i32
      %dma_wait3A_605 = tpu.memref_slice %arg8[%dma_wait3A_600, %dma_wait3A_604] : memref<8x128xi32, #tpu.memory_space<vmem>> -> memref<1x128xi32, #tpu.memory_space<vmem>>
      %dma_wait3A_606 = tpu.memref_squeeze %dma_wait3A_605 : memref<1x128xi32, #tpu.memory_space<vmem>> -> memref<128xi32, #tpu.memory_space<vmem>>
      %dma_wait3A_607 = arith.constant 0 : i32
      %dma_wait3A_608 = arith.constant 0 : i32
      %dma_wait3A_609 = tpu.memref_slice %arg13[%dma_wait3A_607, %dma_wait3A_608] : memref<10112x16xf32, #tpu.memory_space<vmem_shared>> -> memref<10112x16xf32, #tpu.memory_space<vmem_shared>>
      tpu.wait_indirect_dma semaphore(%arg16 : memref<!tpu.dma_semaphore, #tpu.memory_space<semaphore_mem>>) src(%dma_wait3A_603 : memref<128x16xf32, #tpu.memory_space<vmem>>) dst(%dma_wait3A_609 : memref<10112x16xf32, #tpu.memory_space<vmem_shared>>)
      %add3A_610 = arith.constant 2 : i32
      %add3A_611 = arith.addi %mul3A_210, %add3A_610 : i32
      %lt3A = arith.cmpi slt, %add3A_611, %select_n3A : i32
      %convert_element_type3A = arith.extui %lt3A : i1 to i32
      %cond3A = arith.constant 0 : i32
      %cond3A_612 = arith.cmpi ne, %convert_element_type3A, %cond3A : i32
      scf.if %cond3A_612 {
        %add3A_699 = arith.constant 2 : i32
        %add3A_700 = arith.addi %mul3A_210, %add3A_699 : i32
        %mul3A_701 = arith.constant 8 : i32
        %mul3A_702 = arith.muli %add3A_700, %mul3A_701 : i32
        %add3A_703 = arith.addi %select_n3A_12, %mul3A_702 : i32
        "tpu.region"() ({
          %run_scoped3A = tpu.sem_alloc : memref<!tpu.dma_semaphore, #tpu.memory_space<semaphore_mem>>
          %dma_start3A_784 = arith.constant 0 : i32
          %dma_start3A_785 = tpu.memref_slice %arg3[%add3A_703, %dma_start3A_784] : memref<2560x128xi32, #tpu.memory_space<hbm>> -> memref<8x128xi32, #tpu.memory_space<hbm>>
          %dma_start3A_786 = arith.constant 0 : i32
          %dma_start3A_787 = tpu.memref_slice %arg3[%add3A_703, %dma_start3A_786] : memref<2560x128xi32, #tpu.memory_space<hbm>> -> memref<8x128xi32, #tpu.memory_space<hbm>>
          tpu.enqueue_dma source(%dma_start3A_787 : memref<8x128xi32, #tpu.memory_space<hbm>>) target(%arg7 : memref<8x128xi32, #tpu.memory_space<vmem>>) target_semaphore(%run_scoped3A : memref<!tpu.dma_semaphore, #tpu.memory_space<semaphore_mem>>)
          %dma_wait3A_788 = arith.constant 0 : i32
          %dma_wait3A_789 = tpu.memref_slice %arg3[%add3A_703, %dma_wait3A_788] : memref<2560x128xi32, #tpu.memory_space<hbm>> -> memref<8x128xi32, #tpu.memory_space<hbm>>
          %dma_wait3A_790 = arith.constant 0 : i32
          %dma_wait3A_791 = tpu.memref_slice %arg3[%add3A_703, %dma_wait3A_790] : memref<2560x128xi32, #tpu.memory_space<hbm>> -> memref<8x128xi32, #tpu.memory_space<hbm>>
          tpu.wait_dma2 semaphore(%run_scoped3A : memref<!tpu.dma_semaphore, #tpu.memory_space<semaphore_mem>>) src(%dma_wait3A_791 : memref<8x128xi32, #tpu.memory_space<hbm>>) dst(%arg7 : memref<8x128xi32, #tpu.memory_space<vmem>>)
          tpu.yield
        }) : () -> ()
        "tpu.region"() ({
          %run_scoped3A = tpu.sem_alloc : memref<!tpu.dma_semaphore, #tpu.memory_space<semaphore_mem>>
          %dma_start3A_784 = arith.constant 0 : i32
          %dma_start3A_785 = tpu.memref_slice %arg4[%add3A_703, %dma_start3A_784] : memref<2560x128xi32, #tpu.memory_space<hbm>> -> memref<8x128xi32, #tpu.memory_space<hbm>>
          %dma_start3A_786 = arith.constant 0 : i32
          %dma_start3A_787 = tpu.memref_slice %arg4[%add3A_703, %dma_start3A_786] : memref<2560x128xi32, #tpu.memory_space<hbm>> -> memref<8x128xi32, #tpu.memory_space<hbm>>
          tpu.enqueue_dma source(%dma_start3A_787 : memref<8x128xi32, #tpu.memory_space<hbm>>) target(%arg8 : memref<8x128xi32, #tpu.memory_space<vmem>>) target_semaphore(%run_scoped3A : memref<!tpu.dma_semaphore, #tpu.memory_space<semaphore_mem>>)
          %dma_wait3A_788 = arith.constant 0 : i32
          %dma_wait3A_789 = tpu.memref_slice %arg4[%add3A_703, %dma_wait3A_788] : memref<2560x128xi32, #tpu.memory_space<hbm>> -> memref<8x128xi32, #tpu.memory_space<hbm>>
          %dma_wait3A_790 = arith.constant 0 : i32
          %dma_wait3A_791 = tpu.memref_slice %arg4[%add3A_703, %dma_wait3A_790] : memref<2560x128xi32, #tpu.memory_space<hbm>> -> memref<8x128xi32, #tpu.memory_space<hbm>>
          tpu.wait_dma2 semaphore(%run_scoped3A : memref<!tpu.dma_semaphore, #tpu.memory_space<semaphore_mem>>) src(%dma_wait3A_791 : memref<8x128xi32, #tpu.memory_space<hbm>>) dst(%arg8 : memref<8x128xi32, #tpu.memory_space<vmem>>)
          tpu.yield
        }) : () -> ()
        %dma_start3A_704 = arith.constant 0 : i32
        %dma_start3A_705 = arith.constant 0 : i32
        %dma_start3A_706 = arith.constant 0 : i32
        %dma_start3A_707 = tpu.memref_slice %arg9[%dma_start3A_705, %dma_start3A_706] : memref<1024x16xf32, #tpu.memory_space<vmem>> -> memref<128x16xf32, #tpu.memory_space<vmem>>
        %dma_start3A_708 = arith.constant 0 : i32
        %dma_start3A_709 = tpu.memref_slice %arg7[%dma_start3A_704, %dma_start3A_708] : memref<8x128xi32, #tpu.memory_space<vmem>> -> memref<1x128xi32, #tpu.memory_space<vmem>>
        %dma_start3A_710 = tpu.memref_squeeze %dma_start3A_709 : memref<1x128xi32, #tpu.memory_space<vmem>> -> memref<128xi32, #tpu.memory_space<vmem>>
        %dma_start3A_711 = arith.constant 0 : i32
        %dma_start3A_712 = arith.constant 0 : i32
        %dma_start3A_713 = tpu.memref_slice %arg2[%dma_start3A_711, %dma_start3A_712] : memref<10000x16xf32, #tpu.memory_space<hbm>> -> memref<10000x16xf32, #tpu.memory_space<hbm>>
        tpu.enqueue_indirect_dma source(%dma_start3A_713 : memref<10000x16xf32, #tpu.memory_space<hbm>>) target(%dma_start3A_707 : memref<128x16xf32, #tpu.memory_space<vmem>>) offsets(%dma_start3A_710 : memref<128xi32, #tpu.memory_space<vmem>>) semaphore(%arg14 : memref<!tpu.dma_semaphore, #tpu.memory_space<semaphore_mem>>)
        %dma_start3A_714 = arith.constant 1 : i32
        %dma_start3A_715 = arith.constant 128 : i32
        %dma_start3A_716 = arith.constant 0 : i32
        %dma_start3A_717 = tpu.memref_slice %arg9[%dma_start3A_715, %dma_start3A_716] : memref<1024x16xf32, #tpu.memory_space<vmem>> -> memref<128x16xf32, #tpu.memory_space<vmem>>
        %dma_start3A_718 = arith.constant 0 : i32
        %dma_start3A_719 = tpu.memref_slice %arg7[%dma_start3A_714, %dma_start3A_718] : memref<8x128xi32, #tpu.memory_space<vmem>> -> memref<1x128xi32, #tpu.memory_space<vmem>>
        %dma_start3A_720 = tpu.memref_squeeze %dma_start3A_719 : memref<1x128xi32, #tpu.memory_space<vmem>> -> memref<128xi32, #tpu.memory_space<vmem>>
        %dma_start3A_721 = arith.constant 0 : i32
        %dma_start3A_722 = arith.constant 0 : i32
        %dma_start3A_723 = tpu.memref_slice %arg2[%dma_start3A_721, %dma_start3A_722] : memref<10000x16xf32, #tpu.memory_space<hbm>> -> memref<10000x16xf32, #tpu.memory_space<hbm>>
        tpu.enqueue_indirect_dma source(%dma_start3A_723 : memref<10000x16xf32, #tpu.memory_space<hbm>>) target(%dma_start3A_717 : memref<128x16xf32, #tpu.memory_space<vmem>>) offsets(%dma_start3A_720 : memref<128xi32, #tpu.memory_space<vmem>>) semaphore(%arg14 : memref<!tpu.dma_semaphore, #tpu.memory_space<semaphore_mem>>)
        %dma_start3A_724 = arith.constant 2 : i32
        %dma_start3A_725 = arith.constant 256 : i32
        %dma_start3A_726 = arith.constant 0 : i32
        %dma_start3A_727 = tpu.memref_slice %arg9[%dma_start3A_725, %dma_start3A_726] : memref<1024x16xf32, #tpu.memory_space<vmem>> -> memref<128x16xf32, #tpu.memory_space<vmem>>
        %dma_start3A_728 = arith.constant 0 : i32
        %dma_start3A_729 = tpu.memref_slice %arg7[%dma_start3A_724, %dma_start3A_728] : memref<8x128xi32, #tpu.memory_space<vmem>> -> memref<1x128xi32, #tpu.memory_space<vmem>>
        %dma_start3A_730 = tpu.memref_squeeze %dma_start3A_729 : memref<1x128xi32, #tpu.memory_space<vmem>> -> memref<128xi32, #tpu.memory_space<vmem>>
        %dma_start3A_731 = arith.constant 0 : i32
        %dma_start3A_732 = arith.constant 0 : i32
        %dma_start3A_733 = tpu.memref_slice %arg2[%dma_start3A_731, %dma_start3A_732] : memref<10000x16xf32, #tpu.memory_space<hbm>> -> memref<10000x16xf32, #tpu.memory_space<hbm>>
        tpu.enqueue_indirect_dma source(%dma_start3A_733 : memref<10000x16xf32, #tpu.memory_space<hbm>>) target(%dma_start3A_727 : memref<128x16xf32, #tpu.memory_space<vmem>>) offsets(%dma_start3A_730 : memref<128xi32, #tpu.memory_space<vmem>>) semaphore(%arg14 : memref<!tpu.dma_semaphore, #tpu.memory_space<semaphore_mem>>)
        %dma_start3A_734 = arith.constant 3 : i32
        %dma_start3A_735 = arith.constant 384 : i32
        %dma_start3A_736 = arith.constant 0 : i32
        %dma_start3A_737 = tpu.memref_slice %arg9[%dma_start3A_735, %dma_start3A_736] : memref<1024x16xf32, #tpu.memory_space<vmem>> -> memref<128x16xf32, #tpu.memory_space<vmem>>
        %dma_start3A_738 = arith.constant 0 : i32
        %dma_start3A_739 = tpu.memref_slice %arg7[%dma_start3A_734, %dma_start3A_738] : memref<8x128xi32, #tpu.memory_space<vmem>> -> memref<1x128xi32, #tpu.memory_space<vmem>>
        %dma_start3A_740 = tpu.memref_squeeze %dma_start3A_739 : memref<1x128xi32, #tpu.memory_space<vmem>> -> memref<128xi32, #tpu.memory_space<vmem>>
        %dma_start3A_741 = arith.constant 0 : i32
        %dma_start3A_742 = arith.constant 0 : i32
        %dma_start3A_743 = tpu.memref_slice %arg2[%dma_start3A_741, %dma_start3A_742] : memref<10000x16xf32, #tpu.memory_space<hbm>> -> memref<10000x16xf32, #tpu.memory_space<hbm>>
        tpu.enqueue_indirect_dma source(%dma_start3A_743 : memref<10000x16xf32, #tpu.memory_space<hbm>>) target(%dma_start3A_737 : memref<128x16xf32, #tpu.memory_space<vmem>>) offsets(%dma_start3A_740 : memref<128xi32, #tpu.memory_space<vmem>>) semaphore(%arg14 : memref<!tpu.dma_semaphore, #tpu.memory_space<semaphore_mem>>)
        %dma_start3A_744 = arith.constant 4 : i32
        %dma_start3A_745 = arith.constant 512 : i32
        %dma_start3A_746 = arith.constant 0 : i32
        %dma_start3A_747 = tpu.memref_slice %arg9[%dma_start3A_745, %dma_start3A_746] : memref<1024x16xf32, #tpu.memory_space<vmem>> -> memref<128x16xf32, #tpu.memory_space<vmem>>
        %dma_start3A_748 = arith.constant 0 : i32
        %dma_start3A_749 = tpu.memref_slice %arg7[%dma_start3A_744, %dma_start3A_748] : memref<8x128xi32, #tpu.memory_space<vmem>> -> memref<1x128xi32, #tpu.memory_space<vmem>>
        %dma_start3A_750 = tpu.memref_squeeze %dma_start3A_749 : memref<1x128xi32, #tpu.memory_space<vmem>> -> memref<128xi32, #tpu.memory_space<vmem>>
        %dma_start3A_751 = arith.constant 0 : i32
        %dma_start3A_752 = arith.constant 0 : i32
        %dma_start3A_753 = tpu.memref_slice %arg2[%dma_start3A_751, %dma_start3A_752] : memref<10000x16xf32, #tpu.memory_space<hbm>> -> memref<10000x16xf32, #tpu.memory_space<hbm>>
        tpu.enqueue_indirect_dma source(%dma_start3A_753 : memref<10000x16xf32, #tpu.memory_space<hbm>>) target(%dma_start3A_747 : memref<128x16xf32, #tpu.memory_space<vmem>>) offsets(%dma_start3A_750 : memref<128xi32, #tpu.memory_space<vmem>>) semaphore(%arg14 : memref<!tpu.dma_semaphore, #tpu.memory_space<semaphore_mem>>)
        %dma_start3A_754 = arith.constant 5 : i32
        %dma_start3A_755 = arith.constant 640 : i32
        %dma_start3A_756 = arith.constant 0 : i32
        %dma_start3A_757 = tpu.memref_slice %arg9[%dma_start3A_755, %dma_start3A_756] : memref<1024x16xf32, #tpu.memory_space<vmem>> -> memref<128x16xf32, #tpu.memory_space<vmem>>
        %dma_start3A_758 = arith.constant 0 : i32
        %dma_start3A_759 = tpu.memref_slice %arg7[%dma_start3A_754, %dma_start3A_758] : memref<8x128xi32, #tpu.memory_space<vmem>> -> memref<1x128xi32, #tpu.memory_space<vmem>>
        %dma_start3A_760 = tpu.memref_squeeze %dma_start3A_759 : memref<1x128xi32, #tpu.memory_space<vmem>> -> memref<128xi32, #tpu.memory_space<vmem>>
        %dma_start3A_761 = arith.constant 0 : i32
        %dma_start3A_762 = arith.constant 0 : i32
        %dma_start3A_763 = tpu.memref_slice %arg2[%dma_start3A_761, %dma_start3A_762] : memref<10000x16xf32, #tpu.memory_space<hbm>> -> memref<10000x16xf32, #tpu.memory_space<hbm>>
        tpu.enqueue_indirect_dma source(%dma_start3A_763 : memref<10000x16xf32, #tpu.memory_space<hbm>>) target(%dma_start3A_757 : memref<128x16xf32, #tpu.memory_space<vmem>>) offsets(%dma_start3A_760 : memref<128xi32, #tpu.memory_space<vmem>>) semaphore(%arg14 : memref<!tpu.dma_semaphore, #tpu.memory_space<semaphore_mem>>)
        %dma_start3A_764 = arith.constant 6 : i32
        %dma_start3A_765 = arith.constant 768 : i32
        %dma_start3A_766 = arith.constant 0 : i32
        %dma_start3A_767 = tpu.memref_slice %arg9[%dma_start3A_765, %dma_start3A_766] : memref<1024x16xf32, #tpu.memory_space<vmem>> -> memref<128x16xf32, #tpu.memory_space<vmem>>
        %dma_start3A_768 = arith.constant 0 : i32
        %dma_start3A_769 = tpu.memref_slice %arg7[%dma_start3A_764, %dma_start3A_768] : memref<8x128xi32, #tpu.memory_space<vmem>> -> memref<1x128xi32, #tpu.memory_space<vmem>>
        %dma_start3A_770 = tpu.memref_squeeze %dma_start3A_769 : memref<1x128xi32, #tpu.memory_space<vmem>> -> memref<128xi32, #tpu.memory_space<vmem>>
        %dma_start3A_771 = arith.constant 0 : i32
        %dma_start3A_772 = arith.constant 0 : i32
        %dma_start3A_773 = tpu.memref_slice %arg2[%dma_start3A_771, %dma_start3A_772] : memref<10000x16xf32, #tpu.memory_space<hbm>> -> memref<10000x16xf32, #tpu.memory_space<hbm>>
        tpu.enqueue_indirect_dma source(%dma_start3A_773 : memref<10000x16xf32, #tpu.memory_space<hbm>>) target(%dma_start3A_767 : memref<128x16xf32, #tpu.memory_space<vmem>>) offsets(%dma_start3A_770 : memref<128xi32, #tpu.memory_space<vmem>>) semaphore(%arg14 : memref<!tpu.dma_semaphore, #tpu.memory_space<semaphore_mem>>)
        %dma_start3A_774 = arith.constant 7 : i32
        %dma_start3A_775 = arith.constant 896 : i32
        %dma_start3A_776 = arith.constant 0 : i32
        %dma_start3A_777 = tpu.memref_slice %arg9[%dma_start3A_775, %dma_start3A_776] : memref<1024x16xf32, #tpu.memory_space<vmem>> -> memref<128x16xf32, #tpu.memory_space<vmem>>
        %dma_start3A_778 = arith.constant 0 : i32
        %dma_start3A_779 = tpu.memref_slice %arg7[%dma_start3A_774, %dma_start3A_778] : memref<8x128xi32, #tpu.memory_space<vmem>> -> memref<1x128xi32, #tpu.memory_space<vmem>>
        %dma_start3A_780 = tpu.memref_squeeze %dma_start3A_779 : memref<1x128xi32, #tpu.memory_space<vmem>> -> memref<128xi32, #tpu.memory_space<vmem>>
        %dma_start3A_781 = arith.constant 0 : i32
        %dma_start3A_782 = arith.constant 0 : i32
        %dma_start3A_783 = tpu.memref_slice %arg2[%dma_start3A_781, %dma_start3A_782] : memref<10000x16xf32, #tpu.memory_space<hbm>> -> memref<10000x16xf32, #tpu.memory_space<hbm>>
        tpu.enqueue_indirect_dma source(%dma_start3A_783 : memref<10000x16xf32, #tpu.memory_space<hbm>>) target(%dma_start3A_777 : memref<128x16xf32, #tpu.memory_space<vmem>>) offsets(%dma_start3A_780 : memref<128xi32, #tpu.memory_space<vmem>>) semaphore(%arg14 : memref<!tpu.dma_semaphore, #tpu.memory_space<semaphore_mem>>)
      } else {
      }
      %dma_wait3A_613 = arith.constant 0 : i32
      %dma_wait3A_614 = arith.constant 0 : i32
      %dma_wait3A_615 = arith.constant 0 : i32
      %dma_wait3A_616 = tpu.memref_slice %arg12[%dma_wait3A_614, %dma_wait3A_615] : memref<1024x16xf32, #tpu.memory_space<vmem>> -> memref<128x16xf32, #tpu.memory_space<vmem>>
      %dma_wait3A_617 = arith.constant 0 : i32
      %dma_wait3A_618 = tpu.memref_slice %arg11[%dma_wait3A_613, %dma_wait3A_617] : memref<8x128xi32, #tpu.memory_space<vmem>> -> memref<1x128xi32, #tpu.memory_space<vmem>>
      %dma_wait3A_619 = tpu.memref_squeeze %dma_wait3A_618 : memref<1x128xi32, #tpu.memory_space<vmem>> -> memref<128xi32, #tpu.memory_space<vmem>>
      %dma_wait3A_620 = arith.constant 0 : i32
      %dma_wait3A_621 = arith.constant 0 : i32
      %dma_wait3A_622 = tpu.memref_slice %arg13[%dma_wait3A_620, %dma_wait3A_621] : memref<10112x16xf32, #tpu.memory_space<vmem_shared>> -> memref<10112x16xf32, #tpu.memory_space<vmem_shared>>
      tpu.wait_indirect_dma semaphore(%arg17 : memref<!tpu.dma_semaphore, #tpu.memory_space<semaphore_mem>>) src(%dma_wait3A_616 : memref<128x16xf32, #tpu.memory_space<vmem>>) dst(%dma_wait3A_622 : memref<10112x16xf32, #tpu.memory_space<vmem_shared>>)
      %dma_wait3A_623 = arith.constant 1 : i32
      %dma_wait3A_624 = arith.constant 128 : i32
      %dma_wait3A_625 = arith.constant 0 : i32
      %dma_wait3A_626 = tpu.memref_slice %arg12[%dma_wait3A_624, %dma_wait3A_625] : memref<1024x16xf32, #tpu.memory_space<vmem>> -> memref<128x16xf32, #tpu.memory_space<vmem>>
      %dma_wait3A_627 = arith.constant 0 : i32
      %dma_wait3A_628 = tpu.memref_slice %arg11[%dma_wait3A_623, %dma_wait3A_627] : memref<8x128xi32, #tpu.memory_space<vmem>> -> memref<1x128xi32, #tpu.memory_space<vmem>>
      %dma_wait3A_629 = tpu.memref_squeeze %dma_wait3A_628 : memref<1x128xi32, #tpu.memory_space<vmem>> -> memref<128xi32, #tpu.memory_space<vmem>>
      %dma_wait3A_630 = arith.constant 0 : i32
      %dma_wait3A_631 = arith.constant 0 : i32
      %dma_wait3A_632 = tpu.memref_slice %arg13[%dma_wait3A_630, %dma_wait3A_631] : memref<10112x16xf32, #tpu.memory_space<vmem_shared>> -> memref<10112x16xf32, #tpu.memory_space<vmem_shared>>
      tpu.wait_indirect_dma semaphore(%arg17 : memref<!tpu.dma_semaphore, #tpu.memory_space<semaphore_mem>>) src(%dma_wait3A_626 : memref<128x16xf32, #tpu.memory_space<vmem>>) dst(%dma_wait3A_632 : memref<10112x16xf32, #tpu.memory_space<vmem_shared>>)
      %dma_wait3A_633 = arith.constant 2 : i32
      %dma_wait3A_634 = arith.constant 256 : i32
      %dma_wait3A_635 = arith.constant 0 : i32
      %dma_wait3A_636 = tpu.memref_slice %arg12[%dma_wait3A_634, %dma_wait3A_635] : memref<1024x16xf32, #tpu.memory_space<vmem>> -> memref<128x16xf32, #tpu.memory_space<vmem>>
      %dma_wait3A_637 = arith.constant 0 : i32
      %dma_wait3A_638 = tpu.memref_slice %arg11[%dma_wait3A_633, %dma_wait3A_637] : memref<8x128xi32, #tpu.memory_space<vmem>> -> memref<1x128xi32, #tpu.memory_space<vmem>>
      %dma_wait3A_639 = tpu.memref_squeeze %dma_wait3A_638 : memref<1x128xi32, #tpu.memory_space<vmem>> -> memref<128xi32, #tpu.memory_space<vmem>>
      %dma_wait3A_640 = arith.constant 0 : i32
      %dma_wait3A_641 = arith.constant 0 : i32
      %dma_wait3A_642 = tpu.memref_slice %arg13[%dma_wait3A_640, %dma_wait3A_641] : memref<10112x16xf32, #tpu.memory_space<vmem_shared>> -> memref<10112x16xf32, #tpu.memory_space<vmem_shared>>
      tpu.wait_indirect_dma semaphore(%arg17 : memref<!tpu.dma_semaphore, #tpu.memory_space<semaphore_mem>>) src(%dma_wait3A_636 : memref<128x16xf32, #tpu.memory_space<vmem>>) dst(%dma_wait3A_642 : memref<10112x16xf32, #tpu.memory_space<vmem_shared>>)
      %dma_wait3A_643 = arith.constant 3 : i32
      %dma_wait3A_644 = arith.constant 384 : i32
      %dma_wait3A_645 = arith.constant 0 : i32
      %dma_wait3A_646 = tpu.memref_slice %arg12[%dma_wait3A_644, %dma_wait3A_645] : memref<1024x16xf32, #tpu.memory_space<vmem>> -> memref<128x16xf32, #tpu.memory_space<vmem>>
      %dma_wait3A_647 = arith.constant 0 : i32
      %dma_wait3A_648 = tpu.memref_slice %arg11[%dma_wait3A_643, %dma_wait3A_647] : memref<8x128xi32, #tpu.memory_space<vmem>> -> memref<1x128xi32, #tpu.memory_space<vmem>>
      %dma_wait3A_649 = tpu.memref_squeeze %dma_wait3A_648 : memref<1x128xi32, #tpu.memory_space<vmem>> -> memref<128xi32, #tpu.memory_space<vmem>>
      %dma_wait3A_650 = arith.constant 0 : i32
      %dma_wait3A_651 = arith.constant 0 : i32
      %dma_wait3A_652 = tpu.memref_slice %arg13[%dma_wait3A_650, %dma_wait3A_651] : memref<10112x16xf32, #tpu.memory_space<vmem_shared>> -> memref<10112x16xf32, #tpu.memory_space<vmem_shared>>
      tpu.wait_indirect_dma semaphore(%arg17 : memref<!tpu.dma_semaphore, #tpu.memory_space<semaphore_mem>>) src(%dma_wait3A_646 : memref<128x16xf32, #tpu.memory_space<vmem>>) dst(%dma_wait3A_652 : memref<10112x16xf32, #tpu.memory_space<vmem_shared>>)
      %dma_wait3A_653 = arith.constant 4 : i32
      %dma_wait3A_654 = arith.constant 512 : i32
      %dma_wait3A_655 = arith.constant 0 : i32
      %dma_wait3A_656 = tpu.memref_slice %arg12[%dma_wait3A_654, %dma_wait3A_655] : memref<1024x16xf32, #tpu.memory_space<vmem>> -> memref<128x16xf32, #tpu.memory_space<vmem>>
      %dma_wait3A_657 = arith.constant 0 : i32
      %dma_wait3A_658 = tpu.memref_slice %arg11[%dma_wait3A_653, %dma_wait3A_657] : memref<8x128xi32, #tpu.memory_space<vmem>> -> memref<1x128xi32, #tpu.memory_space<vmem>>
      %dma_wait3A_659 = tpu.memref_squeeze %dma_wait3A_658 : memref<1x128xi32, #tpu.memory_space<vmem>> -> memref<128xi32, #tpu.memory_space<vmem>>
      %dma_wait3A_660 = arith.constant 0 : i32
      %dma_wait3A_661 = arith.constant 0 : i32
      %dma_wait3A_662 = tpu.memref_slice %arg13[%dma_wait3A_660, %dma_wait3A_661] : memref<10112x16xf32, #tpu.memory_space<vmem_shared>> -> memref<10112x16xf32, #tpu.memory_space<vmem_shared>>
      tpu.wait_indirect_dma semaphore(%arg17 : memref<!tpu.dma_semaphore, #tpu.memory_space<semaphore_mem>>) src(%dma_wait3A_656 : memref<128x16xf32, #tpu.memory_space<vmem>>) dst(%dma_wait3A_662 : memref<10112x16xf32, #tpu.memory_space<vmem_shared>>)
      %dma_wait3A_663 = arith.constant 5 : i32
      %dma_wait3A_664 = arith.constant 640 : i32
      %dma_wait3A_665 = arith.constant 0 : i32
      %dma_wait3A_666 = tpu.memref_slice %arg12[%dma_wait3A_664, %dma_wait3A_665] : memref<1024x16xf32, #tpu.memory_space<vmem>> -> memref<128x16xf32, #tpu.memory_space<vmem>>
      %dma_wait3A_667 = arith.constant 0 : i32
      %dma_wait3A_668 = tpu.memref_slice %arg11[%dma_wait3A_663, %dma_wait3A_667] : memref<8x128xi32, #tpu.memory_space<vmem>> -> memref<1x128xi32, #tpu.memory_space<vmem>>
      %dma_wait3A_669 = tpu.memref_squeeze %dma_wait3A_668 : memref<1x128xi32, #tpu.memory_space<vmem>> -> memref<128xi32, #tpu.memory_space<vmem>>
      %dma_wait3A_670 = arith.constant 0 : i32
      %dma_wait3A_671 = arith.constant 0 : i32
      %dma_wait3A_672 = tpu.memref_slice %arg13[%dma_wait3A_670, %dma_wait3A_671] : memref<10112x16xf32, #tpu.memory_space<vmem_shared>> -> memref<10112x16xf32, #tpu.memory_space<vmem_shared>>
      tpu.wait_indirect_dma semaphore(%arg17 : memref<!tpu.dma_semaphore, #tpu.memory_space<semaphore_mem>>) src(%dma_wait3A_666 : memref<128x16xf32, #tpu.memory_space<vmem>>) dst(%dma_wait3A_672 : memref<10112x16xf32, #tpu.memory_space<vmem_shared>>)
      %dma_wait3A_673 = arith.constant 6 : i32
      %dma_wait3A_674 = arith.constant 768 : i32
      %dma_wait3A_675 = arith.constant 0 : i32
      %dma_wait3A_676 = tpu.memref_slice %arg12[%dma_wait3A_674, %dma_wait3A_675] : memref<1024x16xf32, #tpu.memory_space<vmem>> -> memref<128x16xf32, #tpu.memory_space<vmem>>
      %dma_wait3A_677 = arith.constant 0 : i32
      %dma_wait3A_678 = tpu.memref_slice %arg11[%dma_wait3A_673, %dma_wait3A_677] : memref<8x128xi32, #tpu.memory_space<vmem>> -> memref<1x128xi32, #tpu.memory_space<vmem>>
      %dma_wait3A_679 = tpu.memref_squeeze %dma_wait3A_678 : memref<1x128xi32, #tpu.memory_space<vmem>> -> memref<128xi32, #tpu.memory_space<vmem>>
      %dma_wait3A_680 = arith.constant 0 : i32
      %dma_wait3A_681 = arith.constant 0 : i32
      %dma_wait3A_682 = tpu.memref_slice %arg13[%dma_wait3A_680, %dma_wait3A_681] : memref<10112x16xf32, #tpu.memory_space<vmem_shared>> -> memref<10112x16xf32, #tpu.memory_space<vmem_shared>>
      tpu.wait_indirect_dma semaphore(%arg17 : memref<!tpu.dma_semaphore, #tpu.memory_space<semaphore_mem>>) src(%dma_wait3A_676 : memref<128x16xf32, #tpu.memory_space<vmem>>) dst(%dma_wait3A_682 : memref<10112x16xf32, #tpu.memory_space<vmem_shared>>)
      %dma_wait3A_683 = arith.constant 7 : i32
      %dma_wait3A_684 = arith.constant 896 : i32
      %dma_wait3A_685 = arith.constant 0 : i32
      %dma_wait3A_686 = tpu.memref_slice %arg12[%dma_wait3A_684, %dma_wait3A_685] : memref<1024x16xf32, #tpu.memory_space<vmem>> -> memref<128x16xf32, #tpu.memory_space<vmem>>
      %dma_wait3A_687 = arith.constant 0 : i32
      %dma_wait3A_688 = tpu.memref_slice %arg11[%dma_wait3A_683, %dma_wait3A_687] : memref<8x128xi32, #tpu.memory_space<vmem>> -> memref<1x128xi32, #tpu.memory_space<vmem>>
      %dma_wait3A_689 = tpu.memref_squeeze %dma_wait3A_688 : memref<1x128xi32, #tpu.memory_space<vmem>> -> memref<128xi32, #tpu.memory_space<vmem>>
      %dma_wait3A_690 = arith.constant 0 : i32
      %dma_wait3A_691 = arith.constant 0 : i32
      %dma_wait3A_692 = tpu.memref_slice %arg13[%dma_wait3A_690, %dma_wait3A_691] : memref<10112x16xf32, #tpu.memory_space<vmem_shared>> -> memref<10112x16xf32, #tpu.memory_space<vmem_shared>>
      tpu.wait_indirect_dma semaphore(%arg17 : memref<!tpu.dma_semaphore, #tpu.memory_space<semaphore_mem>>) src(%dma_wait3A_686 : memref<128x16xf32, #tpu.memory_space<vmem>>) dst(%dma_wait3A_692 : memref<10112x16xf32, #tpu.memory_space<vmem_shared>>)
      %add3A_693 = arith.constant 3 : i32
      %add3A_694 = arith.addi %mul3A_210, %add3A_693 : i32
      %lt3A_695 = arith.cmpi slt, %add3A_694, %select_n3A : i32
      %convert_element_type3A_696 = arith.extui %lt3A_695 : i1 to i32
      %cond3A_697 = arith.constant 0 : i32
      %cond3A_698 = arith.cmpi ne, %convert_element_type3A_696, %cond3A_697 : i32
      scf.if %cond3A_698 {
        %add3A_699 = arith.constant 3 : i32
        %add3A_700 = arith.addi %mul3A_210, %add3A_699 : i32
        %mul3A_701 = arith.constant 8 : i32
        %mul3A_702 = arith.muli %add3A_700, %mul3A_701 : i32
        %add3A_703 = arith.addi %select_n3A_12, %mul3A_702 : i32
        "tpu.region"() ({
          %run_scoped3A = tpu.sem_alloc : memref<!tpu.dma_semaphore, #tpu.memory_space<semaphore_mem>>
          %dma_start3A_784 = arith.constant 0 : i32
          %dma_start3A_785 = tpu.memref_slice %arg3[%add3A_703, %dma_start3A_784] : memref<2560x128xi32, #tpu.memory_space<hbm>> -> memref<8x128xi32, #tpu.memory_space<hbm>>
          %dma_start3A_786 = arith.constant 0 : i32
          %dma_start3A_787 = tpu.memref_slice %arg3[%add3A_703, %dma_start3A_786] : memref<2560x128xi32, #tpu.memory_space<hbm>> -> memref<8x128xi32, #tpu.memory_space<hbm>>
          tpu.enqueue_dma source(%dma_start3A_787 : memref<8x128xi32, #tpu.memory_space<hbm>>) target(%arg10 : memref<8x128xi32, #tpu.memory_space<vmem>>) target_semaphore(%run_scoped3A : memref<!tpu.dma_semaphore, #tpu.memory_space<semaphore_mem>>)
          %dma_wait3A_788 = arith.constant 0 : i32
          %dma_wait3A_789 = tpu.memref_slice %arg3[%add3A_703, %dma_wait3A_788] : memref<2560x128xi32, #tpu.memory_space<hbm>> -> memref<8x128xi32, #tpu.memory_space<hbm>>
          %dma_wait3A_790 = arith.constant 0 : i32
          %dma_wait3A_791 = tpu.memref_slice %arg3[%add3A_703, %dma_wait3A_790] : memref<2560x128xi32, #tpu.memory_space<hbm>> -> memref<8x128xi32, #tpu.memory_space<hbm>>
          tpu.wait_dma2 semaphore(%run_scoped3A : memref<!tpu.dma_semaphore, #tpu.memory_space<semaphore_mem>>) src(%dma_wait3A_791 : memref<8x128xi32, #tpu.memory_space<hbm>>) dst(%arg10 : memref<8x128xi32, #tpu.memory_space<vmem>>)
          tpu.yield
        }) : () -> ()
        "tpu.region"() ({
          %run_scoped3A = tpu.sem_alloc : memref<!tpu.dma_semaphore, #tpu.memory_space<semaphore_mem>>
          %dma_start3A_784 = arith.constant 0 : i32
          %dma_start3A_785 = tpu.memref_slice %arg4[%add3A_703, %dma_start3A_784] : memref<2560x128xi32, #tpu.memory_space<hbm>> -> memref<8x128xi32, #tpu.memory_space<hbm>>
          %dma_start3A_786 = arith.constant 0 : i32
          %dma_start3A_787 = tpu.memref_slice %arg4[%add3A_703, %dma_start3A_786] : memref<2560x128xi32, #tpu.memory_space<hbm>> -> memref<8x128xi32, #tpu.memory_space<hbm>>
          tpu.enqueue_dma source(%dma_start3A_787 : memref<8x128xi32, #tpu.memory_space<hbm>>) target(%arg11 : memref<8x128xi32, #tpu.memory_space<vmem>>) target_semaphore(%run_scoped3A : memref<!tpu.dma_semaphore, #tpu.memory_space<semaphore_mem>>)
          %dma_wait3A_788 = arith.constant 0 : i32
          %dma_wait3A_789 = tpu.memref_slice %arg4[%add3A_703, %dma_wait3A_788] : memref<2560x128xi32, #tpu.memory_space<hbm>> -> memref<8x128xi32, #tpu.memory_space<hbm>>
          %dma_wait3A_790 = arith.constant 0 : i32
          %dma_wait3A_791 = tpu.memref_slice %arg4[%add3A_703, %dma_wait3A_790] : memref<2560x128xi32, #tpu.memory_space<hbm>> -> memref<8x128xi32, #tpu.memory_space<hbm>>
          tpu.wait_dma2 semaphore(%run_scoped3A : memref<!tpu.dma_semaphore, #tpu.memory_space<semaphore_mem>>) src(%dma_wait3A_791 : memref<8x128xi32, #tpu.memory_space<hbm>>) dst(%arg11 : memref<8x128xi32, #tpu.memory_space<vmem>>)
          tpu.yield
        }) : () -> ()
        %dma_start3A_704 = arith.constant 0 : i32
        %dma_start3A_705 = arith.constant 0 : i32
        %dma_start3A_706 = arith.constant 0 : i32
        %dma_start3A_707 = tpu.memref_slice %arg12[%dma_start3A_705, %dma_start3A_706] : memref<1024x16xf32, #tpu.memory_space<vmem>> -> memref<128x16xf32, #tpu.memory_space<vmem>>
        %dma_start3A_708 = arith.constant 0 : i32
        %dma_start3A_709 = tpu.memref_slice %arg10[%dma_start3A_704, %dma_start3A_708] : memref<8x128xi32, #tpu.memory_space<vmem>> -> memref<1x128xi32, #tpu.memory_space<vmem>>
        %dma_start3A_710 = tpu.memref_squeeze %dma_start3A_709 : memref<1x128xi32, #tpu.memory_space<vmem>> -> memref<128xi32, #tpu.memory_space<vmem>>
        %dma_start3A_711 = arith.constant 0 : i32
        %dma_start3A_712 = arith.constant 0 : i32
        %dma_start3A_713 = tpu.memref_slice %arg2[%dma_start3A_711, %dma_start3A_712] : memref<10000x16xf32, #tpu.memory_space<hbm>> -> memref<10000x16xf32, #tpu.memory_space<hbm>>
        tpu.enqueue_indirect_dma source(%dma_start3A_713 : memref<10000x16xf32, #tpu.memory_space<hbm>>) target(%dma_start3A_707 : memref<128x16xf32, #tpu.memory_space<vmem>>) offsets(%dma_start3A_710 : memref<128xi32, #tpu.memory_space<vmem>>) semaphore(%arg15 : memref<!tpu.dma_semaphore, #tpu.memory_space<semaphore_mem>>)
        %dma_start3A_714 = arith.constant 1 : i32
        %dma_start3A_715 = arith.constant 128 : i32
        %dma_start3A_716 = arith.constant 0 : i32
        %dma_start3A_717 = tpu.memref_slice %arg12[%dma_start3A_715, %dma_start3A_716] : memref<1024x16xf32, #tpu.memory_space<vmem>> -> memref<128x16xf32, #tpu.memory_space<vmem>>
        %dma_start3A_718 = arith.constant 0 : i32
        %dma_start3A_719 = tpu.memref_slice %arg10[%dma_start3A_714, %dma_start3A_718] : memref<8x128xi32, #tpu.memory_space<vmem>> -> memref<1x128xi32, #tpu.memory_space<vmem>>
        %dma_start3A_720 = tpu.memref_squeeze %dma_start3A_719 : memref<1x128xi32, #tpu.memory_space<vmem>> -> memref<128xi32, #tpu.memory_space<vmem>>
        %dma_start3A_721 = arith.constant 0 : i32
        %dma_start3A_722 = arith.constant 0 : i32
        %dma_start3A_723 = tpu.memref_slice %arg2[%dma_start3A_721, %dma_start3A_722] : memref<10000x16xf32, #tpu.memory_space<hbm>> -> memref<10000x16xf32, #tpu.memory_space<hbm>>
        tpu.enqueue_indirect_dma source(%dma_start3A_723 : memref<10000x16xf32, #tpu.memory_space<hbm>>) target(%dma_start3A_717 : memref<128x16xf32, #tpu.memory_space<vmem>>) offsets(%dma_start3A_720 : memref<128xi32, #tpu.memory_space<vmem>>) semaphore(%arg15 : memref<!tpu.dma_semaphore, #tpu.memory_space<semaphore_mem>>)
        %dma_start3A_724 = arith.constant 2 : i32
        %dma_start3A_725 = arith.constant 256 : i32
        %dma_start3A_726 = arith.constant 0 : i32
        %dma_start3A_727 = tpu.memref_slice %arg12[%dma_start3A_725, %dma_start3A_726] : memref<1024x16xf32, #tpu.memory_space<vmem>> -> memref<128x16xf32, #tpu.memory_space<vmem>>
        %dma_start3A_728 = arith.constant 0 : i32
        %dma_start3A_729 = tpu.memref_slice %arg10[%dma_start3A_724, %dma_start3A_728] : memref<8x128xi32, #tpu.memory_space<vmem>> -> memref<1x128xi32, #tpu.memory_space<vmem>>
        %dma_start3A_730 = tpu.memref_squeeze %dma_start3A_729 : memref<1x128xi32, #tpu.memory_space<vmem>> -> memref<128xi32, #tpu.memory_space<vmem>>
        %dma_start3A_731 = arith.constant 0 : i32
        %dma_start3A_732 = arith.constant 0 : i32
        %dma_start3A_733 = tpu.memref_slice %arg2[%dma_start3A_731, %dma_start3A_732] : memref<10000x16xf32, #tpu.memory_space<hbm>> -> memref<10000x16xf32, #tpu.memory_space<hbm>>
        tpu.enqueue_indirect_dma source(%dma_start3A_733 : memref<10000x16xf32, #tpu.memory_space<hbm>>) target(%dma_start3A_727 : memref<128x16xf32, #tpu.memory_space<vmem>>) offsets(%dma_start3A_730 : memref<128xi32, #tpu.memory_space<vmem>>) semaphore(%arg15 : memref<!tpu.dma_semaphore, #tpu.memory_space<semaphore_mem>>)
        %dma_start3A_734 = arith.constant 3 : i32
        %dma_start3A_735 = arith.constant 384 : i32
        %dma_start3A_736 = arith.constant 0 : i32
        %dma_start3A_737 = tpu.memref_slice %arg12[%dma_start3A_735, %dma_start3A_736] : memref<1024x16xf32, #tpu.memory_space<vmem>> -> memref<128x16xf32, #tpu.memory_space<vmem>>
        %dma_start3A_738 = arith.constant 0 : i32
        %dma_start3A_739 = tpu.memref_slice %arg10[%dma_start3A_734, %dma_start3A_738] : memref<8x128xi32, #tpu.memory_space<vmem>> -> memref<1x128xi32, #tpu.memory_space<vmem>>
        %dma_start3A_740 = tpu.memref_squeeze %dma_start3A_739 : memref<1x128xi32, #tpu.memory_space<vmem>> -> memref<128xi32, #tpu.memory_space<vmem>>
        %dma_start3A_741 = arith.constant 0 : i32
        %dma_start3A_742 = arith.constant 0 : i32
        %dma_start3A_743 = tpu.memref_slice %arg2[%dma_start3A_741, %dma_start3A_742] : memref<10000x16xf32, #tpu.memory_space<hbm>> -> memref<10000x16xf32, #tpu.memory_space<hbm>>
        tpu.enqueue_indirect_dma source(%dma_start3A_743 : memref<10000x16xf32, #tpu.memory_space<hbm>>) target(%dma_start3A_737 : memref<128x16xf32, #tpu.memory_space<vmem>>) offsets(%dma_start3A_740 : memref<128xi32, #tpu.memory_space<vmem>>) semaphore(%arg15 : memref<!tpu.dma_semaphore, #tpu.memory_space<semaphore_mem>>)
        %dma_start3A_744 = arith.constant 4 : i32
        %dma_start3A_745 = arith.constant 512 : i32
        %dma_start3A_746 = arith.constant 0 : i32
        %dma_start3A_747 = tpu.memref_slice %arg12[%dma_start3A_745, %dma_start3A_746] : memref<1024x16xf32, #tpu.memory_space<vmem>> -> memref<128x16xf32, #tpu.memory_space<vmem>>
        %dma_start3A_748 = arith.constant 0 : i32
        %dma_start3A_749 = tpu.memref_slice %arg10[%dma_start3A_744, %dma_start3A_748] : memref<8x128xi32, #tpu.memory_space<vmem>> -> memref<1x128xi32, #tpu.memory_space<vmem>>
        %dma_start3A_750 = tpu.memref_squeeze %dma_start3A_749 : memref<1x128xi32, #tpu.memory_space<vmem>> -> memref<128xi32, #tpu.memory_space<vmem>>
        %dma_start3A_751 = arith.constant 0 : i32
        %dma_start3A_752 = arith.constant 0 : i32
        %dma_start3A_753 = tpu.memref_slice %arg2[%dma_start3A_751, %dma_start3A_752] : memref<10000x16xf32, #tpu.memory_space<hbm>> -> memref<10000x16xf32, #tpu.memory_space<hbm>>
        tpu.enqueue_indirect_dma source(%dma_start3A_753 : memref<10000x16xf32, #tpu.memory_space<hbm>>) target(%dma_start3A_747 : memref<128x16xf32, #tpu.memory_space<vmem>>) offsets(%dma_start3A_750 : memref<128xi32, #tpu.memory_space<vmem>>) semaphore(%arg15 : memref<!tpu.dma_semaphore, #tpu.memory_space<semaphore_mem>>)
        %dma_start3A_754 = arith.constant 5 : i32
        %dma_start3A_755 = arith.constant 640 : i32
        %dma_start3A_756 = arith.constant 0 : i32
        %dma_start3A_757 = tpu.memref_slice %arg12[%dma_start3A_755, %dma_start3A_756] : memref<1024x16xf32, #tpu.memory_space<vmem>> -> memref<128x16xf32, #tpu.memory_space<vmem>>
        %dma_start3A_758 = arith.constant 0 : i32
        %dma_start3A_759 = tpu.memref_slice %arg10[%dma_start3A_754, %dma_start3A_758] : memref<8x128xi32, #tpu.memory_space<vmem>> -> memref<1x128xi32, #tpu.memory_space<vmem>>
        %dma_start3A_760 = tpu.memref_squeeze %dma_start3A_759 : memref<1x128xi32, #tpu.memory_space<vmem>> -> memref<128xi32, #tpu.memory_space<vmem>>
        %dma_start3A_761 = arith.constant 0 : i32
        %dma_start3A_762 = arith.constant 0 : i32
        %dma_start3A_763 = tpu.memref_slice %arg2[%dma_start3A_761, %dma_start3A_762] : memref<10000x16xf32, #tpu.memory_space<hbm>> -> memref<10000x16xf32, #tpu.memory_space<hbm>>
        tpu.enqueue_indirect_dma source(%dma_start3A_763 : memref<10000x16xf32, #tpu.memory_space<hbm>>) target(%dma_start3A_757 : memref<128x16xf32, #tpu.memory_space<vmem>>) offsets(%dma_start3A_760 : memref<128xi32, #tpu.memory_space<vmem>>) semaphore(%arg15 : memref<!tpu.dma_semaphore, #tpu.memory_space<semaphore_mem>>)
        %dma_start3A_764 = arith.constant 6 : i32
        %dma_start3A_765 = arith.constant 768 : i32
        %dma_start3A_766 = arith.constant 0 : i32
        %dma_start3A_767 = tpu.memref_slice %arg12[%dma_start3A_765, %dma_start3A_766] : memref<1024x16xf32, #tpu.memory_space<vmem>> -> memref<128x16xf32, #tpu.memory_space<vmem>>
        %dma_start3A_768 = arith.constant 0 : i32
        %dma_start3A_769 = tpu.memref_slice %arg10[%dma_start3A_764, %dma_start3A_768] : memref<8x128xi32, #tpu.memory_space<vmem>> -> memref<1x128xi32, #tpu.memory_space<vmem>>
        %dma_start3A_770 = tpu.memref_squeeze %dma_start3A_769 : memref<1x128xi32, #tpu.memory_space<vmem>> -> memref<128xi32, #tpu.memory_space<vmem>>
        %dma_start3A_771 = arith.constant 0 : i32
        %dma_start3A_772 = arith.constant 0 : i32
        %dma_start3A_773 = tpu.memref_slice %arg2[%dma_start3A_771, %dma_start3A_772] : memref<10000x16xf32, #tpu.memory_space<hbm>> -> memref<10000x16xf32, #tpu.memory_space<hbm>>
        tpu.enqueue_indirect_dma source(%dma_start3A_773 : memref<10000x16xf32, #tpu.memory_space<hbm>>) target(%dma_start3A_767 : memref<128x16xf32, #tpu.memory_space<vmem>>) offsets(%dma_start3A_770 : memref<128xi32, #tpu.memory_space<vmem>>) semaphore(%arg15 : memref<!tpu.dma_semaphore, #tpu.memory_space<semaphore_mem>>)
        %dma_start3A_774 = arith.constant 7 : i32
        %dma_start3A_775 = arith.constant 896 : i32
        %dma_start3A_776 = arith.constant 0 : i32
        %dma_start3A_777 = tpu.memref_slice %arg12[%dma_start3A_775, %dma_start3A_776] : memref<1024x16xf32, #tpu.memory_space<vmem>> -> memref<128x16xf32, #tpu.memory_space<vmem>>
        %dma_start3A_778 = arith.constant 0 : i32
        %dma_start3A_779 = tpu.memref_slice %arg10[%dma_start3A_774, %dma_start3A_778] : memref<8x128xi32, #tpu.memory_space<vmem>> -> memref<1x128xi32, #tpu.memory_space<vmem>>
        %dma_start3A_780 = tpu.memref_squeeze %dma_start3A_779 : memref<1x128xi32, #tpu.memory_space<vmem>> -> memref<128xi32, #tpu.memory_space<vmem>>
        %dma_start3A_781 = arith.constant 0 : i32
        %dma_start3A_782 = arith.constant 0 : i32
        %dma_start3A_783 = tpu.memref_slice %arg2[%dma_start3A_781, %dma_start3A_782] : memref<10000x16xf32, #tpu.memory_space<hbm>> -> memref<10000x16xf32, #tpu.memory_space<hbm>>
        tpu.enqueue_indirect_dma source(%dma_start3A_783 : memref<10000x16xf32, #tpu.memory_space<hbm>>) target(%dma_start3A_777 : memref<128x16xf32, #tpu.memory_space<vmem>>) offsets(%dma_start3A_780 : memref<128xi32, #tpu.memory_space<vmem>>) semaphore(%arg15 : memref<!tpu.dma_semaphore, #tpu.memory_space<semaphore_mem>>)
      } else {
      }
    }
    %barrier3A_203 = arith.constant 0 : index
    tpu.barrier barrier_id(%barrier3A_203)
    %mul3A_204 = arith.constant 632 : i32
    %mul3A_205 = arith.muli %arg1, %mul3A_204 : i32
    %mul3A_206 = arith.constant 632 : i32
    %mul3A_207 = arith.muli %arg1, %mul3A_206 : i32
    "tpu.region"() ({
      %run_scoped3A = tpu.sem_alloc : memref<!tpu.dma_semaphore, #tpu.memory_space<semaphore_mem>>
      %dma_start3A_208 = arith.constant 0 : i32
      %dma_start3A_209 = tpu.memref_slice %arg6[%arg0, %mul3A_207, %dma_start3A_208] : memref<2x10112x16xf32, #tpu.memory_space<hbm>> -> memref<1x632x16xf32, #tpu.memory_space<hbm>>
      %dma_start3A_210 = tpu.memref_squeeze %dma_start3A_209 : memref<1x632x16xf32, #tpu.memory_space<hbm>> -> memref<632x16xf32, #tpu.memory_space<hbm>>
      %dma_start3A_211 = arith.constant 0 : i32
      %dma_start3A_212 = tpu.memref_slice %arg13[%mul3A_205, %dma_start3A_211] : memref<10112x16xf32, #tpu.memory_space<vmem_shared>> -> memref<632x16xf32, #tpu.memory_space<vmem_shared>>
      tpu.enqueue_dma source(%dma_start3A_212 : memref<632x16xf32, #tpu.memory_space<vmem_shared>>) target(%dma_start3A_210 : memref<632x16xf32, #tpu.memory_space<hbm>>) target_semaphore(%run_scoped3A : memref<!tpu.dma_semaphore, #tpu.memory_space<semaphore_mem>>)
      %dma_wait3A = arith.constant 0 : i32
      %dma_wait3A_213 = tpu.memref_slice %arg6[%arg0, %mul3A_207, %dma_wait3A] : memref<2x10112x16xf32, #tpu.memory_space<hbm>> -> memref<1x632x16xf32, #tpu.memory_space<hbm>>
      %dma_wait3A_214 = tpu.memref_squeeze %dma_wait3A_213 : memref<1x632x16xf32, #tpu.memory_space<hbm>> -> memref<632x16xf32, #tpu.memory_space<hbm>>
      %dma_wait3A_215 = arith.constant 0 : i32
      %dma_wait3A_216 = tpu.memref_slice %arg13[%mul3A_205, %dma_wait3A_215] : memref<10112x16xf32, #tpu.memory_space<vmem_shared>> -> memref<632x16xf32, #tpu.memory_space<vmem_shared>>
      tpu.wait_dma2 semaphore(%run_scoped3A : memref<!tpu.dma_semaphore, #tpu.memory_space<semaphore_mem>>) src(%dma_wait3A_216 : memref<632x16xf32, #tpu.memory_space<vmem_shared>>) dst(%dma_wait3A_214 : memref<632x16xf32, #tpu.memory_space<hbm>>)
      tpu.yield
    }) : () -> ()
    return
  }
}

#map = affine_map<(d0, d1) -> (0, 0)>
#map1 = affine_map<(d0, d1) -> (0, 0, 0)>
module attributes {stable_mosaic.version = 14 : i64} {
  func.func @body(%arg0: i32, %arg1: i32, %arg2: memref<10000x32xf32, #tpu.memory_space<hbm>>, %arg3: memref<2560x128xi32, #tpu.memory_space<hbm>>, %arg4: memref<2560x128xi32, #tpu.memory_space<hbm>>, %arg5: memref<10112x32xf32, #tpu.memory_space<hbm>>, %arg6: memref<2x10112x32xf32, #tpu.memory_space<hbm>>, %arg7: memref<8x128xi32, #tpu.memory_space<vmem>>, %arg8: memref<8x128xi32, #tpu.memory_space<vmem>>, %arg9: memref<1024x32xf32, #tpu.memory_space<vmem>>, %arg10: memref<8x128xi32, #tpu.memory_space<vmem>>, %arg11: memref<8x128xi32, #tpu.memory_space<vmem>>, %arg12: memref<1024x32xf32, #tpu.memory_space<vmem>>, %arg13: memref<10112x32xf32, #tpu.memory_space<vmem_shared>>, %arg14: memref<!tpu.dma_semaphore, #tpu.memory_space<semaphore_mem>>, %arg15: memref<!tpu.dma_semaphore, #tpu.memory_space<semaphore_mem>>, %arg16: memref<!tpu.dma_semaphore, #tpu.memory_space<semaphore_mem>>, %arg17: memref<!tpu.dma_semaphore, #tpu.memory_space<semaphore_mem>>) attributes {dimension_semantics = [#tpu.dimension_semantics<core_parallel>, #tpu.dimension_semantics<subcore_parallel>], iteration_bounds = array<i64: 2, 16>, scalar_prefetch = 0 : i64, scratch_operands = 11 : i64, tpu.core_type = #tpu.core_type<sc_vector_subcore>, window_params = [{transform_indices = #map}, {transform_indices = #map}, {transform_indices = #map}, {transform_indices = #map}, {transform_indices = #map1}]} {
    %eq3A = arith.constant 0 : i32
    %eq3A_0 = arith.cmpi eq, %arg0, %eq3A : i32
    %jit3A = arith.constant 16 : i32
    %jit3A_1 = arith.constant 4 : i32
    %select_n3A = arith.select %eq3A_0, %jit3A, %jit3A_1 : i32
    %mul3A = arith.constant 632 : i32
    %mul3A_2 = arith.muli %arg1, %mul3A : i32
    %mul3A_3 = arith.constant 632 : i32
    %mul3A_4 = arith.muli %arg1, %mul3A_3 : i32
    "tpu.region"() ({
      %run_scoped3A = tpu.sem_alloc : memref<!tpu.dma_semaphore, #tpu.memory_space<semaphore_mem>>
      %dma_start3A_208 = arith.constant 0 : i32
      %dma_start3A_209 = tpu.memref_slice %arg13[%mul3A_4, %dma_start3A_208] : memref<10112x32xf32, #tpu.memory_space<vmem_shared>> -> memref<632x32xf32, #tpu.memory_space<vmem_shared>>
      %dma_start3A_210 = arith.constant 0 : i32
      %dma_start3A_211 = tpu.memref_slice %arg5[%mul3A_2, %dma_start3A_210] : memref<10112x32xf32, #tpu.memory_space<hbm>> -> memref<632x32xf32, #tpu.memory_space<hbm>>
      tpu.enqueue_dma source(%dma_start3A_211 : memref<632x32xf32, #tpu.memory_space<hbm>>) target(%dma_start3A_209 : memref<632x32xf32, #tpu.memory_space<vmem_shared>>) target_semaphore(%run_scoped3A : memref<!tpu.dma_semaphore, #tpu.memory_space<semaphore_mem>>)
      %dma_wait3A = arith.constant 0 : i32
      %dma_wait3A_212 = tpu.memref_slice %arg13[%mul3A_4, %dma_wait3A] : memref<10112x32xf32, #tpu.memory_space<vmem_shared>> -> memref<632x32xf32, #tpu.memory_space<vmem_shared>>
      %dma_wait3A_213 = arith.constant 0 : i32
      %dma_wait3A_214 = tpu.memref_slice %arg5[%mul3A_2, %dma_wait3A_213] : memref<10112x32xf32, #tpu.memory_space<hbm>> -> memref<632x32xf32, #tpu.memory_space<hbm>>
      tpu.wait_dma2 semaphore(%run_scoped3A : memref<!tpu.dma_semaphore, #tpu.memory_space<semaphore_mem>>) src(%dma_wait3A_214 : memref<632x32xf32, #tpu.memory_space<hbm>>) dst(%dma_wait3A_212 : memref<632x32xf32, #tpu.memory_space<vmem_shared>>)
      tpu.yield
    }) : () -> ()
    %barrier3A = arith.constant 0 : index
    tpu.barrier barrier_id(%barrier3A)
    %eq3A_5 = arith.constant 0 : i32
    %eq3A_6 = arith.cmpi eq, %arg0, %eq3A_5 : i32
    %mul3A_7 = arith.constant 128 : i32
    %mul3A_8 = arith.muli %arg1, %mul3A_7 : i32
    %mul3A_9 = arith.constant 32 : i32
    %mul3A_10 = arith.muli %arg1, %mul3A_9 : i32
    %add3A = arith.constant 2048 : i32
    %add3A_11 = arith.addi %add3A, %mul3A_10 : i32
    %select_n3A_12 = arith.select %eq3A_6, %mul3A_8, %add3A_11 : i32
    %add3A_13 = arith.constant 0 : i32
    %add3A_14 = arith.addi %select_n3A_12, %add3A_13 : i32
    "tpu.region"() ({
      %run_scoped3A = tpu.sem_alloc : memref<!tpu.dma_semaphore, #tpu.memory_space<semaphore_mem>>
      %dma_start3A_208 = arith.constant 0 : i32
      %dma_start3A_209 = tpu.memref_slice %arg3[%add3A_14, %dma_start3A_208] : memref<2560x128xi32, #tpu.memory_space<hbm>> -> memref<8x128xi32, #tpu.memory_space<hbm>>
      %dma_start3A_210 = arith.constant 0 : i32
      %dma_start3A_211 = tpu.memref_slice %arg3[%add3A_14, %dma_start3A_210] : memref<2560x128xi32, #tpu.memory_space<hbm>> -> memref<8x128xi32, #tpu.memory_space<hbm>>
      tpu.enqueue_dma source(%dma_start3A_211 : memref<8x128xi32, #tpu.memory_space<hbm>>) target(%arg7 : memref<8x128xi32, #tpu.memory_space<vmem>>) target_semaphore(%run_scoped3A : memref<!tpu.dma_semaphore, #tpu.memory_space<semaphore_mem>>)
      %dma_wait3A = arith.constant 0 : i32
      %dma_wait3A_212 = tpu.memref_slice %arg3[%add3A_14, %dma_wait3A] : memref<2560x128xi32, #tpu.memory_space<hbm>> -> memref<8x128xi32, #tpu.memory_space<hbm>>
      %dma_wait3A_213 = arith.constant 0 : i32
      %dma_wait3A_214 = tpu.memref_slice %arg3[%add3A_14, %dma_wait3A_213] : memref<2560x128xi32, #tpu.memory_space<hbm>> -> memref<8x128xi32, #tpu.memory_space<hbm>>
      tpu.wait_dma2 semaphore(%run_scoped3A : memref<!tpu.dma_semaphore, #tpu.memory_space<semaphore_mem>>) src(%dma_wait3A_214 : memref<8x128xi32, #tpu.memory_space<hbm>>) dst(%arg7 : memref<8x128xi32, #tpu.memory_space<vmem>>)
      tpu.yield
    }) : () -> ()
    "tpu.region"() ({
      %run_scoped3A = tpu.sem_alloc : memref<!tpu.dma_semaphore, #tpu.memory_space<semaphore_mem>>
      %dma_start3A_208 = arith.constant 0 : i32
      %dma_start3A_209 = tpu.memref_slice %arg4[%add3A_14, %dma_start3A_208] : memref<2560x128xi32, #tpu.memory_space<hbm>> -> memref<8x128xi32, #tpu.memory_space<hbm>>
      %dma_start3A_210 = arith.constant 0 : i32
      %dma_start3A_211 = tpu.memref_slice %arg4[%add3A_14, %dma_start3A_210] : memref<2560x128xi32, #tpu.memory_space<hbm>> -> memref<8x128xi32, #tpu.memory_space<hbm>>
      tpu.enqueue_dma source(%dma_start3A_211 : memref<8x128xi32, #tpu.memory_space<hbm>>) target(%arg8 : memref<8x128xi32, #tpu.memory_space<vmem>>) target_semaphore(%run_scoped3A : memref<!tpu.dma_semaphore, #tpu.memory_space<semaphore_mem>>)
      %dma_wait3A = arith.constant 0 : i32
      %dma_wait3A_212 = tpu.memref_slice %arg4[%add3A_14, %dma_wait3A] : memref<2560x128xi32, #tpu.memory_space<hbm>> -> memref<8x128xi32, #tpu.memory_space<hbm>>
      %dma_wait3A_213 = arith.constant 0 : i32
      %dma_wait3A_214 = tpu.memref_slice %arg4[%add3A_14, %dma_wait3A_213] : memref<2560x128xi32, #tpu.memory_space<hbm>> -> memref<8x128xi32, #tpu.memory_space<hbm>>
      tpu.wait_dma2 semaphore(%run_scoped3A : memref<!tpu.dma_semaphore, #tpu.memory_space<semaphore_mem>>) src(%dma_wait3A_214 : memref<8x128xi32, #tpu.memory_space<hbm>>) dst(%arg8 : memref<8x128xi32, #tpu.memory_space<vmem>>)
      tpu.yield
    }) : () -> ()
    %dma_start3A = arith.constant 0 : i32
    %dma_start3A_15 = arith.constant 0 : i32
    %dma_start3A_16 = arith.constant 0 : i32
    %dma_start3A_17 = tpu.memref_slice %arg9[%dma_start3A_15, %dma_start3A_16] : memref<1024x32xf32, #tpu.memory_space<vmem>> -> memref<128x32xf32, #tpu.memory_space<vmem>>
    %dma_start3A_18 = arith.constant 0 : i32
    %dma_start3A_19 = tpu.memref_slice %arg7[%dma_start3A, %dma_start3A_18] : memref<8x128xi32, #tpu.memory_space<vmem>> -> memref<1x128xi32, #tpu.memory_space<vmem>>
    %dma_start3A_20 = tpu.memref_squeeze %dma_start3A_19 : memref<1x128xi32, #tpu.memory_space<vmem>> -> memref<128xi32, #tpu.memory_space<vmem>>
    %dma_start3A_21 = arith.constant 0 : i32
    %dma_start3A_22 = arith.constant 0 : i32
    %dma_start3A_23 = tpu.memref_slice %arg2[%dma_start3A_21, %dma_start3A_22] : memref<10000x32xf32, #tpu.memory_space<hbm>> -> memref<10000x32xf32, #tpu.memory_space<hbm>>
    tpu.enqueue_indirect_dma source(%dma_start3A_23 : memref<10000x32xf32, #tpu.memory_space<hbm>>) target(%dma_start3A_17 : memref<128x32xf32, #tpu.memory_space<vmem>>) offsets(%dma_start3A_20 : memref<128xi32, #tpu.memory_space<vmem>>) semaphore(%arg14 : memref<!tpu.dma_semaphore, #tpu.memory_space<semaphore_mem>>)
    %dma_start3A_24 = arith.constant 1 : i32
    %dma_start3A_25 = arith.constant 128 : i32
    %dma_start3A_26 = arith.constant 0 : i32
    %dma_start3A_27 = tpu.memref_slice %arg9[%dma_start3A_25, %dma_start3A_26] : memref<1024x32xf32, #tpu.memory_space<vmem>> -> memref<128x32xf32, #tpu.memory_space<vmem>>
    %dma_start3A_28 = arith.constant 0 : i32
    %dma_start3A_29 = tpu.memref_slice %arg7[%dma_start3A_24, %dma_start3A_28] : memref<8x128xi32, #tpu.memory_space<vmem>> -> memref<1x128xi32, #tpu.memory_space<vmem>>
    %dma_start3A_30 = tpu.memref_squeeze %dma_start3A_29 : memref<1x128xi32, #tpu.memory_space<vmem>> -> memref<128xi32, #tpu.memory_space<vmem>>
    %dma_start3A_31 = arith.constant 0 : i32
    %dma_start3A_32 = arith.constant 0 : i32
    %dma_start3A_33 = tpu.memref_slice %arg2[%dma_start3A_31, %dma_start3A_32] : memref<10000x32xf32, #tpu.memory_space<hbm>> -> memref<10000x32xf32, #tpu.memory_space<hbm>>
    tpu.enqueue_indirect_dma source(%dma_start3A_33 : memref<10000x32xf32, #tpu.memory_space<hbm>>) target(%dma_start3A_27 : memref<128x32xf32, #tpu.memory_space<vmem>>) offsets(%dma_start3A_30 : memref<128xi32, #tpu.memory_space<vmem>>) semaphore(%arg14 : memref<!tpu.dma_semaphore, #tpu.memory_space<semaphore_mem>>)
    %dma_start3A_34 = arith.constant 2 : i32
    %dma_start3A_35 = arith.constant 256 : i32
    %dma_start3A_36 = arith.constant 0 : i32
    %dma_start3A_37 = tpu.memref_slice %arg9[%dma_start3A_35, %dma_start3A_36] : memref<1024x32xf32, #tpu.memory_space<vmem>> -> memref<128x32xf32, #tpu.memory_space<vmem>>
    %dma_start3A_38 = arith.constant 0 : i32
    %dma_start3A_39 = tpu.memref_slice %arg7[%dma_start3A_34, %dma_start3A_38] : memref<8x128xi32, #tpu.memory_space<vmem>> -> memref<1x128xi32, #tpu.memory_space<vmem>>
    %dma_start3A_40 = tpu.memref_squeeze %dma_start3A_39 : memref<1x128xi32, #tpu.memory_space<vmem>> -> memref<128xi32, #tpu.memory_space<vmem>>
    %dma_start3A_41 = arith.constant 0 : i32
    %dma_start3A_42 = arith.constant 0 : i32
    %dma_start3A_43 = tpu.memref_slice %arg2[%dma_start3A_41, %dma_start3A_42] : memref<10000x32xf32, #tpu.memory_space<hbm>> -> memref<10000x32xf32, #tpu.memory_space<hbm>>
    tpu.enqueue_indirect_dma source(%dma_start3A_43 : memref<10000x32xf32, #tpu.memory_space<hbm>>) target(%dma_start3A_37 : memref<128x32xf32, #tpu.memory_space<vmem>>) offsets(%dma_start3A_40 : memref<128xi32, #tpu.memory_space<vmem>>) semaphore(%arg14 : memref<!tpu.dma_semaphore, #tpu.memory_space<semaphore_mem>>)
    %dma_start3A_44 = arith.constant 3 : i32
    %dma_start3A_45 = arith.constant 384 : i32
    %dma_start3A_46 = arith.constant 0 : i32
    %dma_start3A_47 = tpu.memref_slice %arg9[%dma_start3A_45, %dma_start3A_46] : memref<1024x32xf32, #tpu.memory_space<vmem>> -> memref<128x32xf32, #tpu.memory_space<vmem>>
    %dma_start3A_48 = arith.constant 0 : i32
    %dma_start3A_49 = tpu.memref_slice %arg7[%dma_start3A_44, %dma_start3A_48] : memref<8x128xi32, #tpu.memory_space<vmem>> -> memref<1x128xi32, #tpu.memory_space<vmem>>
    %dma_start3A_50 = tpu.memref_squeeze %dma_start3A_49 : memref<1x128xi32, #tpu.memory_space<vmem>> -> memref<128xi32, #tpu.memory_space<vmem>>
    %dma_start3A_51 = arith.constant 0 : i32
    %dma_start3A_52 = arith.constant 0 : i32
    %dma_start3A_53 = tpu.memref_slice %arg2[%dma_start3A_51, %dma_start3A_52] : memref<10000x32xf32, #tpu.memory_space<hbm>> -> memref<10000x32xf32, #tpu.memory_space<hbm>>
    tpu.enqueue_indirect_dma source(%dma_start3A_53 : memref<10000x32xf32, #tpu.memory_space<hbm>>) target(%dma_start3A_47 : memref<128x32xf32, #tpu.memory_space<vmem>>) offsets(%dma_start3A_50 : memref<128xi32, #tpu.memory_space<vmem>>) semaphore(%arg14 : memref<!tpu.dma_semaphore, #tpu.memory_space<semaphore_mem>>)
    %dma_start3A_54 = arith.constant 4 : i32
    %dma_start3A_55 = arith.constant 512 : i32
    %dma_start3A_56 = arith.constant 0 : i32
    %dma_start3A_57 = tpu.memref_slice %arg9[%dma_start3A_55, %dma_start3A_56] : memref<1024x32xf32, #tpu.memory_space<vmem>> -> memref<128x32xf32, #tpu.memory_space<vmem>>
    %dma_start3A_58 = arith.constant 0 : i32
    %dma_start3A_59 = tpu.memref_slice %arg7[%dma_start3A_54, %dma_start3A_58] : memref<8x128xi32, #tpu.memory_space<vmem>> -> memref<1x128xi32, #tpu.memory_space<vmem>>
    %dma_start3A_60 = tpu.memref_squeeze %dma_start3A_59 : memref<1x128xi32, #tpu.memory_space<vmem>> -> memref<128xi32, #tpu.memory_space<vmem>>
    %dma_start3A_61 = arith.constant 0 : i32
    %dma_start3A_62 = arith.constant 0 : i32
    %dma_start3A_63 = tpu.memref_slice %arg2[%dma_start3A_61, %dma_start3A_62] : memref<10000x32xf32, #tpu.memory_space<hbm>> -> memref<10000x32xf32, #tpu.memory_space<hbm>>
    tpu.enqueue_indirect_dma source(%dma_start3A_63 : memref<10000x32xf32, #tpu.memory_space<hbm>>) target(%dma_start3A_57 : memref<128x32xf32, #tpu.memory_space<vmem>>) offsets(%dma_start3A_60 : memref<128xi32, #tpu.memory_space<vmem>>) semaphore(%arg14 : memref<!tpu.dma_semaphore, #tpu.memory_space<semaphore_mem>>)
    %dma_start3A_64 = arith.constant 5 : i32
    %dma_start3A_65 = arith.constant 640 : i32
    %dma_start3A_66 = arith.constant 0 : i32
    %dma_start3A_67 = tpu.memref_slice %arg9[%dma_start3A_65, %dma_start3A_66] : memref<1024x32xf32, #tpu.memory_space<vmem>> -> memref<128x32xf32, #tpu.memory_space<vmem>>
    %dma_start3A_68 = arith.constant 0 : i32
    %dma_start3A_69 = tpu.memref_slice %arg7[%dma_start3A_64, %dma_start3A_68] : memref<8x128xi32, #tpu.memory_space<vmem>> -> memref<1x128xi32, #tpu.memory_space<vmem>>
    %dma_start3A_70 = tpu.memref_squeeze %dma_start3A_69 : memref<1x128xi32, #tpu.memory_space<vmem>> -> memref<128xi32, #tpu.memory_space<vmem>>
    %dma_start3A_71 = arith.constant 0 : i32
    %dma_start3A_72 = arith.constant 0 : i32
    %dma_start3A_73 = tpu.memref_slice %arg2[%dma_start3A_71, %dma_start3A_72] : memref<10000x32xf32, #tpu.memory_space<hbm>> -> memref<10000x32xf32, #tpu.memory_space<hbm>>
    tpu.enqueue_indirect_dma source(%dma_start3A_73 : memref<10000x32xf32, #tpu.memory_space<hbm>>) target(%dma_start3A_67 : memref<128x32xf32, #tpu.memory_space<vmem>>) offsets(%dma_start3A_70 : memref<128xi32, #tpu.memory_space<vmem>>) semaphore(%arg14 : memref<!tpu.dma_semaphore, #tpu.memory_space<semaphore_mem>>)
    %dma_start3A_74 = arith.constant 6 : i32
    %dma_start3A_75 = arith.constant 768 : i32
    %dma_start3A_76 = arith.constant 0 : i32
    %dma_start3A_77 = tpu.memref_slice %arg9[%dma_start3A_75, %dma_start3A_76] : memref<1024x32xf32, #tpu.memory_space<vmem>> -> memref<128x32xf32, #tpu.memory_space<vmem>>
    %dma_start3A_78 = arith.constant 0 : i32
    %dma_start3A_79 = tpu.memref_slice %arg7[%dma_start3A_74, %dma_start3A_78] : memref<8x128xi32, #tpu.memory_space<vmem>> -> memref<1x128xi32, #tpu.memory_space<vmem>>
    %dma_start3A_80 = tpu.memref_squeeze %dma_start3A_79 : memref<1x128xi32, #tpu.memory_space<vmem>> -> memref<128xi32, #tpu.memory_space<vmem>>
    %dma_start3A_81 = arith.constant 0 : i32
    %dma_start3A_82 = arith.constant 0 : i32
    %dma_start3A_83 = tpu.memref_slice %arg2[%dma_start3A_81, %dma_start3A_82] : memref<10000x32xf32, #tpu.memory_space<hbm>> -> memref<10000x32xf32, #tpu.memory_space<hbm>>
    tpu.enqueue_indirect_dma source(%dma_start3A_83 : memref<10000x32xf32, #tpu.memory_space<hbm>>) target(%dma_start3A_77 : memref<128x32xf32, #tpu.memory_space<vmem>>) offsets(%dma_start3A_80 : memref<128xi32, #tpu.memory_space<vmem>>) semaphore(%arg14 : memref<!tpu.dma_semaphore, #tpu.memory_space<semaphore_mem>>)
    %dma_start3A_84 = arith.constant 7 : i32
    %dma_start3A_85 = arith.constant 896 : i32
    %dma_start3A_86 = arith.constant 0 : i32
    %dma_start3A_87 = tpu.memref_slice %arg9[%dma_start3A_85, %dma_start3A_86] : memref<1024x32xf32, #tpu.memory_space<vmem>> -> memref<128x32xf32, #tpu.memory_space<vmem>>
    %dma_start3A_88 = arith.constant 0 : i32
    %dma_start3A_89 = tpu.memref_slice %arg7[%dma_start3A_84, %dma_start3A_88] : memref<8x128xi32, #tpu.memory_space<vmem>> -> memref<1x128xi32, #tpu.memory_space<vmem>>
    %dma_start3A_90 = tpu.memref_squeeze %dma_start3A_89 : memref<1x128xi32, #tpu.memory_space<vmem>> -> memref<128xi32, #tpu.memory_space<vmem>>
    %dma_start3A_91 = arith.constant 0 : i32
    %dma_start3A_92 = arith.constant 0 : i32
    %dma_start3A_93 = tpu.memref_slice %arg2[%dma_start3A_91, %dma_start3A_92] : memref<10000x32xf32, #tpu.memory_space<hbm>> -> memref<10000x32xf32, #tpu.memory_space<hbm>>
    tpu.enqueue_indirect_dma source(%dma_start3A_93 : memref<10000x32xf32, #tpu.memory_space<hbm>>) target(%dma_start3A_87 : memref<128x32xf32, #tpu.memory_space<vmem>>) offsets(%dma_start3A_90 : memref<128xi32, #tpu.memory_space<vmem>>) semaphore(%arg14 : memref<!tpu.dma_semaphore, #tpu.memory_space<semaphore_mem>>)
    %add3A_94 = arith.constant 8 : i32
    %add3A_95 = arith.addi %select_n3A_12, %add3A_94 : i32
    "tpu.region"() ({
      %run_scoped3A = tpu.sem_alloc : memref<!tpu.dma_semaphore, #tpu.memory_space<semaphore_mem>>
      %dma_start3A_208 = arith.constant 0 : i32
      %dma_start3A_209 = tpu.memref_slice %arg3[%add3A_95, %dma_start3A_208] : memref<2560x128xi32, #tpu.memory_space<hbm>> -> memref<8x128xi32, #tpu.memory_space<hbm>>
      %dma_start3A_210 = arith.constant 0 : i32
      %dma_start3A_211 = tpu.memref_slice %arg3[%add3A_95, %dma_start3A_210] : memref<2560x128xi32, #tpu.memory_space<hbm>> -> memref<8x128xi32, #tpu.memory_space<hbm>>
      tpu.enqueue_dma source(%dma_start3A_211 : memref<8x128xi32, #tpu.memory_space<hbm>>) target(%arg10 : memref<8x128xi32, #tpu.memory_space<vmem>>) target_semaphore(%run_scoped3A : memref<!tpu.dma_semaphore, #tpu.memory_space<semaphore_mem>>)
      %dma_wait3A = arith.constant 0 : i32
      %dma_wait3A_212 = tpu.memref_slice %arg3[%add3A_95, %dma_wait3A] : memref<2560x128xi32, #tpu.memory_space<hbm>> -> memref<8x128xi32, #tpu.memory_space<hbm>>
      %dma_wait3A_213 = arith.constant 0 : i32
      %dma_wait3A_214 = tpu.memref_slice %arg3[%add3A_95, %dma_wait3A_213] : memref<2560x128xi32, #tpu.memory_space<hbm>> -> memref<8x128xi32, #tpu.memory_space<hbm>>
      tpu.wait_dma2 semaphore(%run_scoped3A : memref<!tpu.dma_semaphore, #tpu.memory_space<semaphore_mem>>) src(%dma_wait3A_214 : memref<8x128xi32, #tpu.memory_space<hbm>>) dst(%arg10 : memref<8x128xi32, #tpu.memory_space<vmem>>)
      tpu.yield
    }) : () -> ()
    "tpu.region"() ({
      %run_scoped3A = tpu.sem_alloc : memref<!tpu.dma_semaphore, #tpu.memory_space<semaphore_mem>>
      %dma_start3A_208 = arith.constant 0 : i32
      %dma_start3A_209 = tpu.memref_slice %arg4[%add3A_95, %dma_start3A_208] : memref<2560x128xi32, #tpu.memory_space<hbm>> -> memref<8x128xi32, #tpu.memory_space<hbm>>
      %dma_start3A_210 = arith.constant 0 : i32
      %dma_start3A_211 = tpu.memref_slice %arg4[%add3A_95, %dma_start3A_210] : memref<2560x128xi32, #tpu.memory_space<hbm>> -> memref<8x128xi32, #tpu.memory_space<hbm>>
      tpu.enqueue_dma source(%dma_start3A_211 : memref<8x128xi32, #tpu.memory_space<hbm>>) target(%arg11 : memref<8x128xi32, #tpu.memory_space<vmem>>) target_semaphore(%run_scoped3A : memref<!tpu.dma_semaphore, #tpu.memory_space<semaphore_mem>>)
      %dma_wait3A = arith.constant 0 : i32
      %dma_wait3A_212 = tpu.memref_slice %arg4[%add3A_95, %dma_wait3A] : memref<2560x128xi32, #tpu.memory_space<hbm>> -> memref<8x128xi32, #tpu.memory_space<hbm>>
      %dma_wait3A_213 = arith.constant 0 : i32
      %dma_wait3A_214 = tpu.memref_slice %arg4[%add3A_95, %dma_wait3A_213] : memref<2560x128xi32, #tpu.memory_space<hbm>> -> memref<8x128xi32, #tpu.memory_space<hbm>>
      tpu.wait_dma2 semaphore(%run_scoped3A : memref<!tpu.dma_semaphore, #tpu.memory_space<semaphore_mem>>) src(%dma_wait3A_214 : memref<8x128xi32, #tpu.memory_space<hbm>>) dst(%arg11 : memref<8x128xi32, #tpu.memory_space<vmem>>)
      tpu.yield
    }) : () -> ()
    %dma_start3A_96 = arith.constant 0 : i32
    %dma_start3A_97 = arith.constant 0 : i32
    %dma_start3A_98 = arith.constant 0 : i32
    %dma_start3A_99 = tpu.memref_slice %arg12[%dma_start3A_97, %dma_start3A_98] : memref<1024x32xf32, #tpu.memory_space<vmem>> -> memref<128x32xf32, #tpu.memory_space<vmem>>
    %dma_start3A_100 = arith.constant 0 : i32
    %dma_start3A_101 = tpu.memref_slice %arg10[%dma_start3A_96, %dma_start3A_100] : memref<8x128xi32, #tpu.memory_space<vmem>> -> memref<1x128xi32, #tpu.memory_space<vmem>>
    %dma_start3A_102 = tpu.memref_squeeze %dma_start3A_101 : memref<1x128xi32, #tpu.memory_space<vmem>> -> memref<128xi32, #tpu.memory_space<vmem>>
    %dma_start3A_103 = arith.constant 0 : i32
    %dma_start3A_104 = arith.constant 0 : i32
    %dma_start3A_105 = tpu.memref_slice %arg2[%dma_start3A_103, %dma_start3A_104] : memref<10000x32xf32, #tpu.memory_space<hbm>> -> memref<10000x32xf32, #tpu.memory_space<hbm>>
    tpu.enqueue_indirect_dma source(%dma_start3A_105 : memref<10000x32xf32, #tpu.memory_space<hbm>>) target(%dma_start3A_99 : memref<128x32xf32, #tpu.memory_space<vmem>>) offsets(%dma_start3A_102 : memref<128xi32, #tpu.memory_space<vmem>>) semaphore(%arg15 : memref<!tpu.dma_semaphore, #tpu.memory_space<semaphore_mem>>)
    %dma_start3A_106 = arith.constant 1 : i32
    %dma_start3A_107 = arith.constant 128 : i32
    %dma_start3A_108 = arith.constant 0 : i32
    %dma_start3A_109 = tpu.memref_slice %arg12[%dma_start3A_107, %dma_start3A_108] : memref<1024x32xf32, #tpu.memory_space<vmem>> -> memref<128x32xf32, #tpu.memory_space<vmem>>
    %dma_start3A_110 = arith.constant 0 : i32
    %dma_start3A_111 = tpu.memref_slice %arg10[%dma_start3A_106, %dma_start3A_110] : memref<8x128xi32, #tpu.memory_space<vmem>> -> memref<1x128xi32, #tpu.memory_space<vmem>>
    %dma_start3A_112 = tpu.memref_squeeze %dma_start3A_111 : memref<1x128xi32, #tpu.memory_space<vmem>> -> memref<128xi32, #tpu.memory_space<vmem>>
    %dma_start3A_113 = arith.constant 0 : i32
    %dma_start3A_114 = arith.constant 0 : i32
    %dma_start3A_115 = tpu.memref_slice %arg2[%dma_start3A_113, %dma_start3A_114] : memref<10000x32xf32, #tpu.memory_space<hbm>> -> memref<10000x32xf32, #tpu.memory_space<hbm>>
    tpu.enqueue_indirect_dma source(%dma_start3A_115 : memref<10000x32xf32, #tpu.memory_space<hbm>>) target(%dma_start3A_109 : memref<128x32xf32, #tpu.memory_space<vmem>>) offsets(%dma_start3A_112 : memref<128xi32, #tpu.memory_space<vmem>>) semaphore(%arg15 : memref<!tpu.dma_semaphore, #tpu.memory_space<semaphore_mem>>)
    %dma_start3A_116 = arith.constant 2 : i32
    %dma_start3A_117 = arith.constant 256 : i32
    %dma_start3A_118 = arith.constant 0 : i32
    %dma_start3A_119 = tpu.memref_slice %arg12[%dma_start3A_117, %dma_start3A_118] : memref<1024x32xf32, #tpu.memory_space<vmem>> -> memref<128x32xf32, #tpu.memory_space<vmem>>
    %dma_start3A_120 = arith.constant 0 : i32
    %dma_start3A_121 = tpu.memref_slice %arg10[%dma_start3A_116, %dma_start3A_120] : memref<8x128xi32, #tpu.memory_space<vmem>> -> memref<1x128xi32, #tpu.memory_space<vmem>>
    %dma_start3A_122 = tpu.memref_squeeze %dma_start3A_121 : memref<1x128xi32, #tpu.memory_space<vmem>> -> memref<128xi32, #tpu.memory_space<vmem>>
    %dma_start3A_123 = arith.constant 0 : i32
    %dma_start3A_124 = arith.constant 0 : i32
    %dma_start3A_125 = tpu.memref_slice %arg2[%dma_start3A_123, %dma_start3A_124] : memref<10000x32xf32, #tpu.memory_space<hbm>> -> memref<10000x32xf32, #tpu.memory_space<hbm>>
    tpu.enqueue_indirect_dma source(%dma_start3A_125 : memref<10000x32xf32, #tpu.memory_space<hbm>>) target(%dma_start3A_119 : memref<128x32xf32, #tpu.memory_space<vmem>>) offsets(%dma_start3A_122 : memref<128xi32, #tpu.memory_space<vmem>>) semaphore(%arg15 : memref<!tpu.dma_semaphore, #tpu.memory_space<semaphore_mem>>)
    %dma_start3A_126 = arith.constant 3 : i32
    %dma_start3A_127 = arith.constant 384 : i32
    %dma_start3A_128 = arith.constant 0 : i32
    %dma_start3A_129 = tpu.memref_slice %arg12[%dma_start3A_127, %dma_start3A_128] : memref<1024x32xf32, #tpu.memory_space<vmem>> -> memref<128x32xf32, #tpu.memory_space<vmem>>
    %dma_start3A_130 = arith.constant 0 : i32
    %dma_start3A_131 = tpu.memref_slice %arg10[%dma_start3A_126, %dma_start3A_130] : memref<8x128xi32, #tpu.memory_space<vmem>> -> memref<1x128xi32, #tpu.memory_space<vmem>>
    %dma_start3A_132 = tpu.memref_squeeze %dma_start3A_131 : memref<1x128xi32, #tpu.memory_space<vmem>> -> memref<128xi32, #tpu.memory_space<vmem>>
    %dma_start3A_133 = arith.constant 0 : i32
    %dma_start3A_134 = arith.constant 0 : i32
    %dma_start3A_135 = tpu.memref_slice %arg2[%dma_start3A_133, %dma_start3A_134] : memref<10000x32xf32, #tpu.memory_space<hbm>> -> memref<10000x32xf32, #tpu.memory_space<hbm>>
    tpu.enqueue_indirect_dma source(%dma_start3A_135 : memref<10000x32xf32, #tpu.memory_space<hbm>>) target(%dma_start3A_129 : memref<128x32xf32, #tpu.memory_space<vmem>>) offsets(%dma_start3A_132 : memref<128xi32, #tpu.memory_space<vmem>>) semaphore(%arg15 : memref<!tpu.dma_semaphore, #tpu.memory_space<semaphore_mem>>)
    %dma_start3A_136 = arith.constant 4 : i32
    %dma_start3A_137 = arith.constant 512 : i32
    %dma_start3A_138 = arith.constant 0 : i32
    %dma_start3A_139 = tpu.memref_slice %arg12[%dma_start3A_137, %dma_start3A_138] : memref<1024x32xf32, #tpu.memory_space<vmem>> -> memref<128x32xf32, #tpu.memory_space<vmem>>
    %dma_start3A_140 = arith.constant 0 : i32
    %dma_start3A_141 = tpu.memref_slice %arg10[%dma_start3A_136, %dma_start3A_140] : memref<8x128xi32, #tpu.memory_space<vmem>> -> memref<1x128xi32, #tpu.memory_space<vmem>>
    %dma_start3A_142 = tpu.memref_squeeze %dma_start3A_141 : memref<1x128xi32, #tpu.memory_space<vmem>> -> memref<128xi32, #tpu.memory_space<vmem>>
    %dma_start3A_143 = arith.constant 0 : i32
    %dma_start3A_144 = arith.constant 0 : i32
    %dma_start3A_145 = tpu.memref_slice %arg2[%dma_start3A_143, %dma_start3A_144] : memref<10000x32xf32, #tpu.memory_space<hbm>> -> memref<10000x32xf32, #tpu.memory_space<hbm>>
    tpu.enqueue_indirect_dma source(%dma_start3A_145 : memref<10000x32xf32, #tpu.memory_space<hbm>>) target(%dma_start3A_139 : memref<128x32xf32, #tpu.memory_space<vmem>>) offsets(%dma_start3A_142 : memref<128xi32, #tpu.memory_space<vmem>>) semaphore(%arg15 : memref<!tpu.dma_semaphore, #tpu.memory_space<semaphore_mem>>)
    %dma_start3A_146 = arith.constant 5 : i32
    %dma_start3A_147 = arith.constant 640 : i32
    %dma_start3A_148 = arith.constant 0 : i32
    %dma_start3A_149 = tpu.memref_slice %arg12[%dma_start3A_147, %dma_start3A_148] : memref<1024x32xf32, #tpu.memory_space<vmem>> -> memref<128x32xf32, #tpu.memory_space<vmem>>
    %dma_start3A_150 = arith.constant 0 : i32
    %dma_start3A_151 = tpu.memref_slice %arg10[%dma_start3A_146, %dma_start3A_150] : memref<8x128xi32, #tpu.memory_space<vmem>> -> memref<1x128xi32, #tpu.memory_space<vmem>>
    %dma_start3A_152 = tpu.memref_squeeze %dma_start3A_151 : memref<1x128xi32, #tpu.memory_space<vmem>> -> memref<128xi32, #tpu.memory_space<vmem>>
    %dma_start3A_153 = arith.constant 0 : i32
    %dma_start3A_154 = arith.constant 0 : i32
    %dma_start3A_155 = tpu.memref_slice %arg2[%dma_start3A_153, %dma_start3A_154] : memref<10000x32xf32, #tpu.memory_space<hbm>> -> memref<10000x32xf32, #tpu.memory_space<hbm>>
    tpu.enqueue_indirect_dma source(%dma_start3A_155 : memref<10000x32xf32, #tpu.memory_space<hbm>>) target(%dma_start3A_149 : memref<128x32xf32, #tpu.memory_space<vmem>>) offsets(%dma_start3A_152 : memref<128xi32, #tpu.memory_space<vmem>>) semaphore(%arg15 : memref<!tpu.dma_semaphore, #tpu.memory_space<semaphore_mem>>)
    %dma_start3A_156 = arith.constant 6 : i32
    %dma_start3A_157 = arith.constant 768 : i32
    %dma_start3A_158 = arith.constant 0 : i32
    %dma_start3A_159 = tpu.memref_slice %arg12[%dma_start3A_157, %dma_start3A_158] : memref<1024x32xf32, #tpu.memory_space<vmem>> -> memref<128x32xf32, #tpu.memory_space<vmem>>
    %dma_start3A_160 = arith.constant 0 : i32
    %dma_start3A_161 = tpu.memref_slice %arg10[%dma_start3A_156, %dma_start3A_160] : memref<8x128xi32, #tpu.memory_space<vmem>> -> memref<1x128xi32, #tpu.memory_space<vmem>>
    %dma_start3A_162 = tpu.memref_squeeze %dma_start3A_161 : memref<1x128xi32, #tpu.memory_space<vmem>> -> memref<128xi32, #tpu.memory_space<vmem>>
    %dma_start3A_163 = arith.constant 0 : i32
    %dma_start3A_164 = arith.constant 0 : i32
    %dma_start3A_165 = tpu.memref_slice %arg2[%dma_start3A_163, %dma_start3A_164] : memref<10000x32xf32, #tpu.memory_space<hbm>> -> memref<10000x32xf32, #tpu.memory_space<hbm>>
    tpu.enqueue_indirect_dma source(%dma_start3A_165 : memref<10000x32xf32, #tpu.memory_space<hbm>>) target(%dma_start3A_159 : memref<128x32xf32, #tpu.memory_space<vmem>>) offsets(%dma_start3A_162 : memref<128xi32, #tpu.memory_space<vmem>>) semaphore(%arg15 : memref<!tpu.dma_semaphore, #tpu.memory_space<semaphore_mem>>)
    %dma_start3A_166 = arith.constant 7 : i32
    %dma_start3A_167 = arith.constant 896 : i32
    %dma_start3A_168 = arith.constant 0 : i32
    %dma_start3A_169 = tpu.memref_slice %arg12[%dma_start3A_167, %dma_start3A_168] : memref<1024x32xf32, #tpu.memory_space<vmem>> -> memref<128x32xf32, #tpu.memory_space<vmem>>
    %dma_start3A_170 = arith.constant 0 : i32
    %dma_start3A_171 = tpu.memref_slice %arg10[%dma_start3A_166, %dma_start3A_170] : memref<8x128xi32, #tpu.memory_space<vmem>> -> memref<1x128xi32, #tpu.memory_space<vmem>>
    %dma_start3A_172 = tpu.memref_squeeze %dma_start3A_171 : memref<1x128xi32, #tpu.memory_space<vmem>> -> memref<128xi32, #tpu.memory_space<vmem>>
    %dma_start3A_173 = arith.constant 0 : i32
    %dma_start3A_174 = arith.constant 0 : i32
    %dma_start3A_175 = tpu.memref_slice %arg2[%dma_start3A_173, %dma_start3A_174] : memref<10000x32xf32, #tpu.memory_space<hbm>> -> memref<10000x32xf32, #tpu.memory_space<hbm>>
    tpu.enqueue_indirect_dma source(%dma_start3A_175 : memref<10000x32xf32, #tpu.memory_space<hbm>>) target(%dma_start3A_169 : memref<128x32xf32, #tpu.memory_space<vmem>>) offsets(%dma_start3A_172 : memref<128xi32, #tpu.memory_space<vmem>>) semaphore(%arg15 : memref<!tpu.dma_semaphore, #tpu.memory_space<semaphore_mem>>)
    %jit3A_176 = arith.constant 2 : i32
    %div3A = arith.divsi %select_n3A, %jit3A_176 : i32
    %sign3A = arith.constant 0 : i32
    %sign3A_177 = arith.cmpi sgt, %select_n3A, %sign3A : i32
    %sign3A_178 = arith.extui %sign3A_177 : i1 to i32
    %sign3A_179 = arith.constant 0 : i32
    %sign3A_180 = arith.cmpi slt, %select_n3A, %sign3A_179 : i32
    %sign3A_181 = arith.extui %sign3A_180 : i1 to i32
    %sign3A_182 = arith.subi %sign3A_178, %sign3A_181 : i32
    %sign3A_183 = arith.constant 0 : i32
    %sign3A_184 = arith.cmpi sgt, %jit3A_176, %sign3A_183 : i32
    %sign3A_185 = arith.extui %sign3A_184 : i1 to i32
    %sign3A_186 = arith.constant 0 : i32
    %sign3A_187 = arith.cmpi slt, %jit3A_176, %sign3A_186 : i32
    %sign3A_188 = arith.extui %sign3A_187 : i1 to i32
    %sign3A_189 = arith.subi %sign3A_185, %sign3A_188 : i32
    %ne3A = arith.cmpi ne, %sign3A_182, %sign3A_189 : i32
    %rem3A = arith.remsi %select_n3A, %jit3A_176 : i32
    %ne3A_190 = arith.constant 0 : i32
    %ne3A_191 = arith.cmpi ne, %rem3A, %ne3A_190 : i32
    %and3A = arith.andi %ne3A, %ne3A_191 : i1
    %sub3A = arith.constant 1 : i32
    %sub3A_192 = arith.subi %div3A, %sub3A : i32
    %select_n3A_193 = arith.select %and3A, %sub3A_192, %div3A : i32
    %while3A = arith.constant 0 : i32
    %while3A_194 = arith.constant 0 : i32
    %while3A_195 = arith.subi %select_n3A_193, %while3A_194 : i32
    %while3A_196 = arith.addi %while3A_194, %while3A_195 : i32
    %while3A_197 = arith.constant 1 : i32
    %while3A_198 = arith.divsi %while3A_195, %while3A_197 : i32
    %while3A_199 = arith.muli %while3A_198, %while3A_197 : i32
    %while3A_200 = arith.addi %while3A_194, %while3A_199 : i32
    %while3A_201 = arith.constant 1 : i32
    scf.for %while3A_208 = %while3A_194 to %while3A_200 step %while3A_201  : i32 {
      %mul3A_209 = arith.constant 2 : i32
      %mul3A_210 = arith.muli %mul3A_209, %while3A_208 : i32
      %dma_wait3A = arith.constant 0 : i32
      %dma_wait3A_211 = arith.constant 0 : i32
      %dma_wait3A_212 = arith.constant 0 : i32
      %dma_wait3A_213 = tpu.memref_slice %arg9[%dma_wait3A_211, %dma_wait3A_212] : memref<1024x32xf32, #tpu.memory_space<vmem>> -> memref<128x32xf32, #tpu.memory_space<vmem>>
      %dma_wait3A_214 = arith.constant 0 : i32
      %dma_wait3A_215 = tpu.memref_slice %arg7[%dma_wait3A, %dma_wait3A_214] : memref<8x128xi32, #tpu.memory_space<vmem>> -> memref<1x128xi32, #tpu.memory_space<vmem>>
      %dma_wait3A_216 = tpu.memref_squeeze %dma_wait3A_215 : memref<1x128xi32, #tpu.memory_space<vmem>> -> memref<128xi32, #tpu.memory_space<vmem>>
      %dma_wait3A_217 = arith.constant 0 : i32
      %dma_wait3A_218 = arith.constant 0 : i32
      %dma_wait3A_219 = tpu.memref_slice %arg2[%dma_wait3A_217, %dma_wait3A_218] : memref<10000x32xf32, #tpu.memory_space<hbm>> -> memref<10000x32xf32, #tpu.memory_space<hbm>>
      tpu.wait_indirect_dma semaphore(%arg14 : memref<!tpu.dma_semaphore, #tpu.memory_space<semaphore_mem>>) src(%dma_wait3A_219 : memref<10000x32xf32, #tpu.memory_space<hbm>>) dst(%dma_wait3A_213 : memref<128x32xf32, #tpu.memory_space<vmem>>)
      %dma_wait3A_220 = arith.constant 1 : i32
      %dma_wait3A_221 = arith.constant 128 : i32
      %dma_wait3A_222 = arith.constant 0 : i32
      %dma_wait3A_223 = tpu.memref_slice %arg9[%dma_wait3A_221, %dma_wait3A_222] : memref<1024x32xf32, #tpu.memory_space<vmem>> -> memref<128x32xf32, #tpu.memory_space<vmem>>
      %dma_wait3A_224 = arith.constant 0 : i32
      %dma_wait3A_225 = tpu.memref_slice %arg7[%dma_wait3A_220, %dma_wait3A_224] : memref<8x128xi32, #tpu.memory_space<vmem>> -> memref<1x128xi32, #tpu.memory_space<vmem>>
      %dma_wait3A_226 = tpu.memref_squeeze %dma_wait3A_225 : memref<1x128xi32, #tpu.memory_space<vmem>> -> memref<128xi32, #tpu.memory_space<vmem>>
      %dma_wait3A_227 = arith.constant 0 : i32
      %dma_wait3A_228 = arith.constant 0 : i32
      %dma_wait3A_229 = tpu.memref_slice %arg2[%dma_wait3A_227, %dma_wait3A_228] : memref<10000x32xf32, #tpu.memory_space<hbm>> -> memref<10000x32xf32, #tpu.memory_space<hbm>>
      tpu.wait_indirect_dma semaphore(%arg14 : memref<!tpu.dma_semaphore, #tpu.memory_space<semaphore_mem>>) src(%dma_wait3A_229 : memref<10000x32xf32, #tpu.memory_space<hbm>>) dst(%dma_wait3A_223 : memref<128x32xf32, #tpu.memory_space<vmem>>)
      %dma_wait3A_230 = arith.constant 2 : i32
      %dma_wait3A_231 = arith.constant 256 : i32
      %dma_wait3A_232 = arith.constant 0 : i32
      %dma_wait3A_233 = tpu.memref_slice %arg9[%dma_wait3A_231, %dma_wait3A_232] : memref<1024x32xf32, #tpu.memory_space<vmem>> -> memref<128x32xf32, #tpu.memory_space<vmem>>
      %dma_wait3A_234 = arith.constant 0 : i32
      %dma_wait3A_235 = tpu.memref_slice %arg7[%dma_wait3A_230, %dma_wait3A_234] : memref<8x128xi32, #tpu.memory_space<vmem>> -> memref<1x128xi32, #tpu.memory_space<vmem>>
      %dma_wait3A_236 = tpu.memref_squeeze %dma_wait3A_235 : memref<1x128xi32, #tpu.memory_space<vmem>> -> memref<128xi32, #tpu.memory_space<vmem>>
      %dma_wait3A_237 = arith.constant 0 : i32
      %dma_wait3A_238 = arith.constant 0 : i32
      %dma_wait3A_239 = tpu.memref_slice %arg2[%dma_wait3A_237, %dma_wait3A_238] : memref<10000x32xf32, #tpu.memory_space<hbm>> -> memref<10000x32xf32, #tpu.memory_space<hbm>>
      tpu.wait_indirect_dma semaphore(%arg14 : memref<!tpu.dma_semaphore, #tpu.memory_space<semaphore_mem>>) src(%dma_wait3A_239 : memref<10000x32xf32, #tpu.memory_space<hbm>>) dst(%dma_wait3A_233 : memref<128x32xf32, #tpu.memory_space<vmem>>)
      %dma_wait3A_240 = arith.constant 3 : i32
      %dma_wait3A_241 = arith.constant 384 : i32
      %dma_wait3A_242 = arith.constant 0 : i32
      %dma_wait3A_243 = tpu.memref_slice %arg9[%dma_wait3A_241, %dma_wait3A_242] : memref<1024x32xf32, #tpu.memory_space<vmem>> -> memref<128x32xf32, #tpu.memory_space<vmem>>
      %dma_wait3A_244 = arith.constant 0 : i32
      %dma_wait3A_245 = tpu.memref_slice %arg7[%dma_wait3A_240, %dma_wait3A_244] : memref<8x128xi32, #tpu.memory_space<vmem>> -> memref<1x128xi32, #tpu.memory_space<vmem>>
      %dma_wait3A_246 = tpu.memref_squeeze %dma_wait3A_245 : memref<1x128xi32, #tpu.memory_space<vmem>> -> memref<128xi32, #tpu.memory_space<vmem>>
      %dma_wait3A_247 = arith.constant 0 : i32
      %dma_wait3A_248 = arith.constant 0 : i32
      %dma_wait3A_249 = tpu.memref_slice %arg2[%dma_wait3A_247, %dma_wait3A_248] : memref<10000x32xf32, #tpu.memory_space<hbm>> -> memref<10000x32xf32, #tpu.memory_space<hbm>>
      tpu.wait_indirect_dma semaphore(%arg14 : memref<!tpu.dma_semaphore, #tpu.memory_space<semaphore_mem>>) src(%dma_wait3A_249 : memref<10000x32xf32, #tpu.memory_space<hbm>>) dst(%dma_wait3A_243 : memref<128x32xf32, #tpu.memory_space<vmem>>)
      %dma_wait3A_250 = arith.constant 4 : i32
      %dma_wait3A_251 = arith.constant 512 : i32
      %dma_wait3A_252 = arith.constant 0 : i32
      %dma_wait3A_253 = tpu.memref_slice %arg9[%dma_wait3A_251, %dma_wait3A_252] : memref<1024x32xf32, #tpu.memory_space<vmem>> -> memref<128x32xf32, #tpu.memory_space<vmem>>
      %dma_wait3A_254 = arith.constant 0 : i32
      %dma_wait3A_255 = tpu.memref_slice %arg7[%dma_wait3A_250, %dma_wait3A_254] : memref<8x128xi32, #tpu.memory_space<vmem>> -> memref<1x128xi32, #tpu.memory_space<vmem>>
      %dma_wait3A_256 = tpu.memref_squeeze %dma_wait3A_255 : memref<1x128xi32, #tpu.memory_space<vmem>> -> memref<128xi32, #tpu.memory_space<vmem>>
      %dma_wait3A_257 = arith.constant 0 : i32
      %dma_wait3A_258 = arith.constant 0 : i32
      %dma_wait3A_259 = tpu.memref_slice %arg2[%dma_wait3A_257, %dma_wait3A_258] : memref<10000x32xf32, #tpu.memory_space<hbm>> -> memref<10000x32xf32, #tpu.memory_space<hbm>>
      tpu.wait_indirect_dma semaphore(%arg14 : memref<!tpu.dma_semaphore, #tpu.memory_space<semaphore_mem>>) src(%dma_wait3A_259 : memref<10000x32xf32, #tpu.memory_space<hbm>>) dst(%dma_wait3A_253 : memref<128x32xf32, #tpu.memory_space<vmem>>)
      %dma_wait3A_260 = arith.constant 5 : i32
      %dma_wait3A_261 = arith.constant 640 : i32
      %dma_wait3A_262 = arith.constant 0 : i32
      %dma_wait3A_263 = tpu.memref_slice %arg9[%dma_wait3A_261, %dma_wait3A_262] : memref<1024x32xf32, #tpu.memory_space<vmem>> -> memref<128x32xf32, #tpu.memory_space<vmem>>
      %dma_wait3A_264 = arith.constant 0 : i32
      %dma_wait3A_265 = tpu.memref_slice %arg7[%dma_wait3A_260, %dma_wait3A_264] : memref<8x128xi32, #tpu.memory_space<vmem>> -> memref<1x128xi32, #tpu.memory_space<vmem>>
      %dma_wait3A_266 = tpu.memref_squeeze %dma_wait3A_265 : memref<1x128xi32, #tpu.memory_space<vmem>> -> memref<128xi32, #tpu.memory_space<vmem>>
      %dma_wait3A_267 = arith.constant 0 : i32
      %dma_wait3A_268 = arith.constant 0 : i32
      %dma_wait3A_269 = tpu.memref_slice %arg2[%dma_wait3A_267, %dma_wait3A_268] : memref<10000x32xf32, #tpu.memory_space<hbm>> -> memref<10000x32xf32, #tpu.memory_space<hbm>>
      tpu.wait_indirect_dma semaphore(%arg14 : memref<!tpu.dma_semaphore, #tpu.memory_space<semaphore_mem>>) src(%dma_wait3A_269 : memref<10000x32xf32, #tpu.memory_space<hbm>>) dst(%dma_wait3A_263 : memref<128x32xf32, #tpu.memory_space<vmem>>)
      %dma_wait3A_270 = arith.constant 6 : i32
      %dma_wait3A_271 = arith.constant 768 : i32
      %dma_wait3A_272 = arith.constant 0 : i32
      %dma_wait3A_273 = tpu.memref_slice %arg9[%dma_wait3A_271, %dma_wait3A_272] : memref<1024x32xf32, #tpu.memory_space<vmem>> -> memref<128x32xf32, #tpu.memory_space<vmem>>
      %dma_wait3A_274 = arith.constant 0 : i32
      %dma_wait3A_275 = tpu.memref_slice %arg7[%dma_wait3A_270, %dma_wait3A_274] : memref<8x128xi32, #tpu.memory_space<vmem>> -> memref<1x128xi32, #tpu.memory_space<vmem>>
      %dma_wait3A_276 = tpu.memref_squeeze %dma_wait3A_275 : memref<1x128xi32, #tpu.memory_space<vmem>> -> memref<128xi32, #tpu.memory_space<vmem>>
      %dma_wait3A_277 = arith.constant 0 : i32
      %dma_wait3A_278 = arith.constant 0 : i32
      %dma_wait3A_279 = tpu.memref_slice %arg2[%dma_wait3A_277, %dma_wait3A_278] : memref<10000x32xf32, #tpu.memory_space<hbm>> -> memref<10000x32xf32, #tpu.memory_space<hbm>>
      tpu.wait_indirect_dma semaphore(%arg14 : memref<!tpu.dma_semaphore, #tpu.memory_space<semaphore_mem>>) src(%dma_wait3A_279 : memref<10000x32xf32, #tpu.memory_space<hbm>>) dst(%dma_wait3A_273 : memref<128x32xf32, #tpu.memory_space<vmem>>)
      %dma_wait3A_280 = arith.constant 7 : i32
      %dma_wait3A_281 = arith.constant 896 : i32
      %dma_wait3A_282 = arith.constant 0 : i32
      %dma_wait3A_283 = tpu.memref_slice %arg9[%dma_wait3A_281, %dma_wait3A_282] : memref<1024x32xf32, #tpu.memory_space<vmem>> -> memref<128x32xf32, #tpu.memory_space<vmem>>
      %dma_wait3A_284 = arith.constant 0 : i32
      %dma_wait3A_285 = tpu.memref_slice %arg7[%dma_wait3A_280, %dma_wait3A_284] : memref<8x128xi32, #tpu.memory_space<vmem>> -> memref<1x128xi32, #tpu.memory_space<vmem>>
      %dma_wait3A_286 = tpu.memref_squeeze %dma_wait3A_285 : memref<1x128xi32, #tpu.memory_space<vmem>> -> memref<128xi32, #tpu.memory_space<vmem>>
      %dma_wait3A_287 = arith.constant 0 : i32
      %dma_wait3A_288 = arith.constant 0 : i32
      %dma_wait3A_289 = tpu.memref_slice %arg2[%dma_wait3A_287, %dma_wait3A_288] : memref<10000x32xf32, #tpu.memory_space<hbm>> -> memref<10000x32xf32, #tpu.memory_space<hbm>>
      tpu.wait_indirect_dma semaphore(%arg14 : memref<!tpu.dma_semaphore, #tpu.memory_space<semaphore_mem>>) src(%dma_wait3A_289 : memref<10000x32xf32, #tpu.memory_space<hbm>>) dst(%dma_wait3A_283 : memref<128x32xf32, #tpu.memory_space<vmem>>)
      %dma_start3A_290 = arith.constant 0 : i32
      %dma_start3A_291 = arith.constant 0 : i32
      %dma_start3A_292 = arith.constant 0 : i32
      %dma_start3A_293 = tpu.memref_slice %arg9[%dma_start3A_291, %dma_start3A_292] : memref<1024x32xf32, #tpu.memory_space<vmem>> -> memref<128x32xf32, #tpu.memory_space<vmem>>
      %dma_start3A_294 = arith.constant 0 : i32
      %dma_start3A_295 = tpu.memref_slice %arg8[%dma_start3A_290, %dma_start3A_294] : memref<8x128xi32, #tpu.memory_space<vmem>> -> memref<1x128xi32, #tpu.memory_space<vmem>>
      %dma_start3A_296 = tpu.memref_squeeze %dma_start3A_295 : memref<1x128xi32, #tpu.memory_space<vmem>> -> memref<128xi32, #tpu.memory_space<vmem>>
      %dma_start3A_297 = arith.constant 0 : i32
      %dma_start3A_298 = arith.constant 0 : i32
      %dma_start3A_299 = tpu.memref_slice %arg13[%dma_start3A_297, %dma_start3A_298] : memref<10112x32xf32, #tpu.memory_space<vmem_shared>> -> memref<10112x32xf32, #tpu.memory_space<vmem_shared>>
      tpu.enqueue_indirect_dma source(%dma_start3A_293 : memref<128x32xf32, #tpu.memory_space<vmem>>) target(%dma_start3A_299 : memref<10112x32xf32, #tpu.memory_space<vmem_shared>>) offsets(%dma_start3A_296 : memref<128xi32, #tpu.memory_space<vmem>>) semaphore(%arg16 : memref<!tpu.dma_semaphore, #tpu.memory_space<semaphore_mem>>) {add = true}
      %dma_start3A_300 = arith.constant 1 : i32
      %dma_start3A_301 = arith.constant 128 : i32
      %dma_start3A_302 = arith.constant 0 : i32
      %dma_start3A_303 = tpu.memref_slice %arg9[%dma_start3A_301, %dma_start3A_302] : memref<1024x32xf32, #tpu.memory_space<vmem>> -> memref<128x32xf32, #tpu.memory_space<vmem>>
      %dma_start3A_304 = arith.constant 0 : i32
      %dma_start3A_305 = tpu.memref_slice %arg8[%dma_start3A_300, %dma_start3A_304] : memref<8x128xi32, #tpu.memory_space<vmem>> -> memref<1x128xi32, #tpu.memory_space<vmem>>
      %dma_start3A_306 = tpu.memref_squeeze %dma_start3A_305 : memref<1x128xi32, #tpu.memory_space<vmem>> -> memref<128xi32, #tpu.memory_space<vmem>>
      %dma_start3A_307 = arith.constant 0 : i32
      %dma_start3A_308 = arith.constant 0 : i32
      %dma_start3A_309 = tpu.memref_slice %arg13[%dma_start3A_307, %dma_start3A_308] : memref<10112x32xf32, #tpu.memory_space<vmem_shared>> -> memref<10112x32xf32, #tpu.memory_space<vmem_shared>>
      tpu.enqueue_indirect_dma source(%dma_start3A_303 : memref<128x32xf32, #tpu.memory_space<vmem>>) target(%dma_start3A_309 : memref<10112x32xf32, #tpu.memory_space<vmem_shared>>) offsets(%dma_start3A_306 : memref<128xi32, #tpu.memory_space<vmem>>) semaphore(%arg16 : memref<!tpu.dma_semaphore, #tpu.memory_space<semaphore_mem>>) {add = true}
      %dma_start3A_310 = arith.constant 2 : i32
      %dma_start3A_311 = arith.constant 256 : i32
      %dma_start3A_312 = arith.constant 0 : i32
      %dma_start3A_313 = tpu.memref_slice %arg9[%dma_start3A_311, %dma_start3A_312] : memref<1024x32xf32, #tpu.memory_space<vmem>> -> memref<128x32xf32, #tpu.memory_space<vmem>>
      %dma_start3A_314 = arith.constant 0 : i32
      %dma_start3A_315 = tpu.memref_slice %arg8[%dma_start3A_310, %dma_start3A_314] : memref<8x128xi32, #tpu.memory_space<vmem>> -> memref<1x128xi32, #tpu.memory_space<vmem>>
      %dma_start3A_316 = tpu.memref_squeeze %dma_start3A_315 : memref<1x128xi32, #tpu.memory_space<vmem>> -> memref<128xi32, #tpu.memory_space<vmem>>
      %dma_start3A_317 = arith.constant 0 : i32
      %dma_start3A_318 = arith.constant 0 : i32
      %dma_start3A_319 = tpu.memref_slice %arg13[%dma_start3A_317, %dma_start3A_318] : memref<10112x32xf32, #tpu.memory_space<vmem_shared>> -> memref<10112x32xf32, #tpu.memory_space<vmem_shared>>
      tpu.enqueue_indirect_dma source(%dma_start3A_313 : memref<128x32xf32, #tpu.memory_space<vmem>>) target(%dma_start3A_319 : memref<10112x32xf32, #tpu.memory_space<vmem_shared>>) offsets(%dma_start3A_316 : memref<128xi32, #tpu.memory_space<vmem>>) semaphore(%arg16 : memref<!tpu.dma_semaphore, #tpu.memory_space<semaphore_mem>>) {add = true}
      %dma_start3A_320 = arith.constant 3 : i32
      %dma_start3A_321 = arith.constant 384 : i32
      %dma_start3A_322 = arith.constant 0 : i32
      %dma_start3A_323 = tpu.memref_slice %arg9[%dma_start3A_321, %dma_start3A_322] : memref<1024x32xf32, #tpu.memory_space<vmem>> -> memref<128x32xf32, #tpu.memory_space<vmem>>
      %dma_start3A_324 = arith.constant 0 : i32
      %dma_start3A_325 = tpu.memref_slice %arg8[%dma_start3A_320, %dma_start3A_324] : memref<8x128xi32, #tpu.memory_space<vmem>> -> memref<1x128xi32, #tpu.memory_space<vmem>>
      %dma_start3A_326 = tpu.memref_squeeze %dma_start3A_325 : memref<1x128xi32, #tpu.memory_space<vmem>> -> memref<128xi32, #tpu.memory_space<vmem>>
      %dma_start3A_327 = arith.constant 0 : i32
      %dma_start3A_328 = arith.constant 0 : i32
      %dma_start3A_329 = tpu.memref_slice %arg13[%dma_start3A_327, %dma_start3A_328] : memref<10112x32xf32, #tpu.memory_space<vmem_shared>> -> memref<10112x32xf32, #tpu.memory_space<vmem_shared>>
      tpu.enqueue_indirect_dma source(%dma_start3A_323 : memref<128x32xf32, #tpu.memory_space<vmem>>) target(%dma_start3A_329 : memref<10112x32xf32, #tpu.memory_space<vmem_shared>>) offsets(%dma_start3A_326 : memref<128xi32, #tpu.memory_space<vmem>>) semaphore(%arg16 : memref<!tpu.dma_semaphore, #tpu.memory_space<semaphore_mem>>) {add = true}
      %dma_start3A_330 = arith.constant 4 : i32
      %dma_start3A_331 = arith.constant 512 : i32
      %dma_start3A_332 = arith.constant 0 : i32
      %dma_start3A_333 = tpu.memref_slice %arg9[%dma_start3A_331, %dma_start3A_332] : memref<1024x32xf32, #tpu.memory_space<vmem>> -> memref<128x32xf32, #tpu.memory_space<vmem>>
      %dma_start3A_334 = arith.constant 0 : i32
      %dma_start3A_335 = tpu.memref_slice %arg8[%dma_start3A_330, %dma_start3A_334] : memref<8x128xi32, #tpu.memory_space<vmem>> -> memref<1x128xi32, #tpu.memory_space<vmem>>
      %dma_start3A_336 = tpu.memref_squeeze %dma_start3A_335 : memref<1x128xi32, #tpu.memory_space<vmem>> -> memref<128xi32, #tpu.memory_space<vmem>>
      %dma_start3A_337 = arith.constant 0 : i32
      %dma_start3A_338 = arith.constant 0 : i32
      %dma_start3A_339 = tpu.memref_slice %arg13[%dma_start3A_337, %dma_start3A_338] : memref<10112x32xf32, #tpu.memory_space<vmem_shared>> -> memref<10112x32xf32, #tpu.memory_space<vmem_shared>>
      tpu.enqueue_indirect_dma source(%dma_start3A_333 : memref<128x32xf32, #tpu.memory_space<vmem>>) target(%dma_start3A_339 : memref<10112x32xf32, #tpu.memory_space<vmem_shared>>) offsets(%dma_start3A_336 : memref<128xi32, #tpu.memory_space<vmem>>) semaphore(%arg16 : memref<!tpu.dma_semaphore, #tpu.memory_space<semaphore_mem>>) {add = true}
      %dma_start3A_340 = arith.constant 5 : i32
      %dma_start3A_341 = arith.constant 640 : i32
      %dma_start3A_342 = arith.constant 0 : i32
      %dma_start3A_343 = tpu.memref_slice %arg9[%dma_start3A_341, %dma_start3A_342] : memref<1024x32xf32, #tpu.memory_space<vmem>> -> memref<128x32xf32, #tpu.memory_space<vmem>>
      %dma_start3A_344 = arith.constant 0 : i32
      %dma_start3A_345 = tpu.memref_slice %arg8[%dma_start3A_340, %dma_start3A_344] : memref<8x128xi32, #tpu.memory_space<vmem>> -> memref<1x128xi32, #tpu.memory_space<vmem>>
      %dma_start3A_346 = tpu.memref_squeeze %dma_start3A_345 : memref<1x128xi32, #tpu.memory_space<vmem>> -> memref<128xi32, #tpu.memory_space<vmem>>
      %dma_start3A_347 = arith.constant 0 : i32
      %dma_start3A_348 = arith.constant 0 : i32
      %dma_start3A_349 = tpu.memref_slice %arg13[%dma_start3A_347, %dma_start3A_348] : memref<10112x32xf32, #tpu.memory_space<vmem_shared>> -> memref<10112x32xf32, #tpu.memory_space<vmem_shared>>
      tpu.enqueue_indirect_dma source(%dma_start3A_343 : memref<128x32xf32, #tpu.memory_space<vmem>>) target(%dma_start3A_349 : memref<10112x32xf32, #tpu.memory_space<vmem_shared>>) offsets(%dma_start3A_346 : memref<128xi32, #tpu.memory_space<vmem>>) semaphore(%arg16 : memref<!tpu.dma_semaphore, #tpu.memory_space<semaphore_mem>>) {add = true}
      %dma_start3A_350 = arith.constant 6 : i32
      %dma_start3A_351 = arith.constant 768 : i32
      %dma_start3A_352 = arith.constant 0 : i32
      %dma_start3A_353 = tpu.memref_slice %arg9[%dma_start3A_351, %dma_start3A_352] : memref<1024x32xf32, #tpu.memory_space<vmem>> -> memref<128x32xf32, #tpu.memory_space<vmem>>
      %dma_start3A_354 = arith.constant 0 : i32
      %dma_start3A_355 = tpu.memref_slice %arg8[%dma_start3A_350, %dma_start3A_354] : memref<8x128xi32, #tpu.memory_space<vmem>> -> memref<1x128xi32, #tpu.memory_space<vmem>>
      %dma_start3A_356 = tpu.memref_squeeze %dma_start3A_355 : memref<1x128xi32, #tpu.memory_space<vmem>> -> memref<128xi32, #tpu.memory_space<vmem>>
      %dma_start3A_357 = arith.constant 0 : i32
      %dma_start3A_358 = arith.constant 0 : i32
      %dma_start3A_359 = tpu.memref_slice %arg13[%dma_start3A_357, %dma_start3A_358] : memref<10112x32xf32, #tpu.memory_space<vmem_shared>> -> memref<10112x32xf32, #tpu.memory_space<vmem_shared>>
      tpu.enqueue_indirect_dma source(%dma_start3A_353 : memref<128x32xf32, #tpu.memory_space<vmem>>) target(%dma_start3A_359 : memref<10112x32xf32, #tpu.memory_space<vmem_shared>>) offsets(%dma_start3A_356 : memref<128xi32, #tpu.memory_space<vmem>>) semaphore(%arg16 : memref<!tpu.dma_semaphore, #tpu.memory_space<semaphore_mem>>) {add = true}
      %dma_start3A_360 = arith.constant 7 : i32
      %dma_start3A_361 = arith.constant 896 : i32
      %dma_start3A_362 = arith.constant 0 : i32
      %dma_start3A_363 = tpu.memref_slice %arg9[%dma_start3A_361, %dma_start3A_362] : memref<1024x32xf32, #tpu.memory_space<vmem>> -> memref<128x32xf32, #tpu.memory_space<vmem>>
      %dma_start3A_364 = arith.constant 0 : i32
      %dma_start3A_365 = tpu.memref_slice %arg8[%dma_start3A_360, %dma_start3A_364] : memref<8x128xi32, #tpu.memory_space<vmem>> -> memref<1x128xi32, #tpu.memory_space<vmem>>
      %dma_start3A_366 = tpu.memref_squeeze %dma_start3A_365 : memref<1x128xi32, #tpu.memory_space<vmem>> -> memref<128xi32, #tpu.memory_space<vmem>>
      %dma_start3A_367 = arith.constant 0 : i32
      %dma_start3A_368 = arith.constant 0 : i32
      %dma_start3A_369 = tpu.memref_slice %arg13[%dma_start3A_367, %dma_start3A_368] : memref<10112x32xf32, #tpu.memory_space<vmem_shared>> -> memref<10112x32xf32, #tpu.memory_space<vmem_shared>>
      tpu.enqueue_indirect_dma source(%dma_start3A_363 : memref<128x32xf32, #tpu.memory_space<vmem>>) target(%dma_start3A_369 : memref<10112x32xf32, #tpu.memory_space<vmem_shared>>) offsets(%dma_start3A_366 : memref<128xi32, #tpu.memory_space<vmem>>) semaphore(%arg16 : memref<!tpu.dma_semaphore, #tpu.memory_space<semaphore_mem>>) {add = true}
      %dma_wait3A_370 = arith.constant 0 : i32
      %dma_wait3A_371 = arith.constant 0 : i32
      %dma_wait3A_372 = arith.constant 0 : i32
      %dma_wait3A_373 = tpu.memref_slice %arg12[%dma_wait3A_371, %dma_wait3A_372] : memref<1024x32xf32, #tpu.memory_space<vmem>> -> memref<128x32xf32, #tpu.memory_space<vmem>>
      %dma_wait3A_374 = arith.constant 0 : i32
      %dma_wait3A_375 = tpu.memref_slice %arg10[%dma_wait3A_370, %dma_wait3A_374] : memref<8x128xi32, #tpu.memory_space<vmem>> -> memref<1x128xi32, #tpu.memory_space<vmem>>
      %dma_wait3A_376 = tpu.memref_squeeze %dma_wait3A_375 : memref<1x128xi32, #tpu.memory_space<vmem>> -> memref<128xi32, #tpu.memory_space<vmem>>
      %dma_wait3A_377 = arith.constant 0 : i32
      %dma_wait3A_378 = arith.constant 0 : i32
      %dma_wait3A_379 = tpu.memref_slice %arg2[%dma_wait3A_377, %dma_wait3A_378] : memref<10000x32xf32, #tpu.memory_space<hbm>> -> memref<10000x32xf32, #tpu.memory_space<hbm>>
      tpu.wait_indirect_dma semaphore(%arg15 : memref<!tpu.dma_semaphore, #tpu.memory_space<semaphore_mem>>) src(%dma_wait3A_379 : memref<10000x32xf32, #tpu.memory_space<hbm>>) dst(%dma_wait3A_373 : memref<128x32xf32, #tpu.memory_space<vmem>>)
      %dma_wait3A_380 = arith.constant 1 : i32
      %dma_wait3A_381 = arith.constant 128 : i32
      %dma_wait3A_382 = arith.constant 0 : i32
      %dma_wait3A_383 = tpu.memref_slice %arg12[%dma_wait3A_381, %dma_wait3A_382] : memref<1024x32xf32, #tpu.memory_space<vmem>> -> memref<128x32xf32, #tpu.memory_space<vmem>>
      %dma_wait3A_384 = arith.constant 0 : i32
      %dma_wait3A_385 = tpu.memref_slice %arg10[%dma_wait3A_380, %dma_wait3A_384] : memref<8x128xi32, #tpu.memory_space<vmem>> -> memref<1x128xi32, #tpu.memory_space<vmem>>
      %dma_wait3A_386 = tpu.memref_squeeze %dma_wait3A_385 : memref<1x128xi32, #tpu.memory_space<vmem>> -> memref<128xi32, #tpu.memory_space<vmem>>
      %dma_wait3A_387 = arith.constant 0 : i32
      %dma_wait3A_388 = arith.constant 0 : i32
      %dma_wait3A_389 = tpu.memref_slice %arg2[%dma_wait3A_387, %dma_wait3A_388] : memref<10000x32xf32, #tpu.memory_space<hbm>> -> memref<10000x32xf32, #tpu.memory_space<hbm>>
      tpu.wait_indirect_dma semaphore(%arg15 : memref<!tpu.dma_semaphore, #tpu.memory_space<semaphore_mem>>) src(%dma_wait3A_389 : memref<10000x32xf32, #tpu.memory_space<hbm>>) dst(%dma_wait3A_383 : memref<128x32xf32, #tpu.memory_space<vmem>>)
      %dma_wait3A_390 = arith.constant 2 : i32
      %dma_wait3A_391 = arith.constant 256 : i32
      %dma_wait3A_392 = arith.constant 0 : i32
      %dma_wait3A_393 = tpu.memref_slice %arg12[%dma_wait3A_391, %dma_wait3A_392] : memref<1024x32xf32, #tpu.memory_space<vmem>> -> memref<128x32xf32, #tpu.memory_space<vmem>>
      %dma_wait3A_394 = arith.constant 0 : i32
      %dma_wait3A_395 = tpu.memref_slice %arg10[%dma_wait3A_390, %dma_wait3A_394] : memref<8x128xi32, #tpu.memory_space<vmem>> -> memref<1x128xi32, #tpu.memory_space<vmem>>
      %dma_wait3A_396 = tpu.memref_squeeze %dma_wait3A_395 : memref<1x128xi32, #tpu.memory_space<vmem>> -> memref<128xi32, #tpu.memory_space<vmem>>
      %dma_wait3A_397 = arith.constant 0 : i32
      %dma_wait3A_398 = arith.constant 0 : i32
      %dma_wait3A_399 = tpu.memref_slice %arg2[%dma_wait3A_397, %dma_wait3A_398] : memref<10000x32xf32, #tpu.memory_space<hbm>> -> memref<10000x32xf32, #tpu.memory_space<hbm>>
      tpu.wait_indirect_dma semaphore(%arg15 : memref<!tpu.dma_semaphore, #tpu.memory_space<semaphore_mem>>) src(%dma_wait3A_399 : memref<10000x32xf32, #tpu.memory_space<hbm>>) dst(%dma_wait3A_393 : memref<128x32xf32, #tpu.memory_space<vmem>>)
      %dma_wait3A_400 = arith.constant 3 : i32
      %dma_wait3A_401 = arith.constant 384 : i32
      %dma_wait3A_402 = arith.constant 0 : i32
      %dma_wait3A_403 = tpu.memref_slice %arg12[%dma_wait3A_401, %dma_wait3A_402] : memref<1024x32xf32, #tpu.memory_space<vmem>> -> memref<128x32xf32, #tpu.memory_space<vmem>>
      %dma_wait3A_404 = arith.constant 0 : i32
      %dma_wait3A_405 = tpu.memref_slice %arg10[%dma_wait3A_400, %dma_wait3A_404] : memref<8x128xi32, #tpu.memory_space<vmem>> -> memref<1x128xi32, #tpu.memory_space<vmem>>
      %dma_wait3A_406 = tpu.memref_squeeze %dma_wait3A_405 : memref<1x128xi32, #tpu.memory_space<vmem>> -> memref<128xi32, #tpu.memory_space<vmem>>
      %dma_wait3A_407 = arith.constant 0 : i32
      %dma_wait3A_408 = arith.constant 0 : i32
      %dma_wait3A_409 = tpu.memref_slice %arg2[%dma_wait3A_407, %dma_wait3A_408] : memref<10000x32xf32, #tpu.memory_space<hbm>> -> memref<10000x32xf32, #tpu.memory_space<hbm>>
      tpu.wait_indirect_dma semaphore(%arg15 : memref<!tpu.dma_semaphore, #tpu.memory_space<semaphore_mem>>) src(%dma_wait3A_409 : memref<10000x32xf32, #tpu.memory_space<hbm>>) dst(%dma_wait3A_403 : memref<128x32xf32, #tpu.memory_space<vmem>>)
      %dma_wait3A_410 = arith.constant 4 : i32
      %dma_wait3A_411 = arith.constant 512 : i32
      %dma_wait3A_412 = arith.constant 0 : i32
      %dma_wait3A_413 = tpu.memref_slice %arg12[%dma_wait3A_411, %dma_wait3A_412] : memref<1024x32xf32, #tpu.memory_space<vmem>> -> memref<128x32xf32, #tpu.memory_space<vmem>>
      %dma_wait3A_414 = arith.constant 0 : i32
      %dma_wait3A_415 = tpu.memref_slice %arg10[%dma_wait3A_410, %dma_wait3A_414] : memref<8x128xi32, #tpu.memory_space<vmem>> -> memref<1x128xi32, #tpu.memory_space<vmem>>
      %dma_wait3A_416 = tpu.memref_squeeze %dma_wait3A_415 : memref<1x128xi32, #tpu.memory_space<vmem>> -> memref<128xi32, #tpu.memory_space<vmem>>
      %dma_wait3A_417 = arith.constant 0 : i32
      %dma_wait3A_418 = arith.constant 0 : i32
      %dma_wait3A_419 = tpu.memref_slice %arg2[%dma_wait3A_417, %dma_wait3A_418] : memref<10000x32xf32, #tpu.memory_space<hbm>> -> memref<10000x32xf32, #tpu.memory_space<hbm>>
      tpu.wait_indirect_dma semaphore(%arg15 : memref<!tpu.dma_semaphore, #tpu.memory_space<semaphore_mem>>) src(%dma_wait3A_419 : memref<10000x32xf32, #tpu.memory_space<hbm>>) dst(%dma_wait3A_413 : memref<128x32xf32, #tpu.memory_space<vmem>>)
      %dma_wait3A_420 = arith.constant 5 : i32
      %dma_wait3A_421 = arith.constant 640 : i32
      %dma_wait3A_422 = arith.constant 0 : i32
      %dma_wait3A_423 = tpu.memref_slice %arg12[%dma_wait3A_421, %dma_wait3A_422] : memref<1024x32xf32, #tpu.memory_space<vmem>> -> memref<128x32xf32, #tpu.memory_space<vmem>>
      %dma_wait3A_424 = arith.constant 0 : i32
      %dma_wait3A_425 = tpu.memref_slice %arg10[%dma_wait3A_420, %dma_wait3A_424] : memref<8x128xi32, #tpu.memory_space<vmem>> -> memref<1x128xi32, #tpu.memory_space<vmem>>
      %dma_wait3A_426 = tpu.memref_squeeze %dma_wait3A_425 : memref<1x128xi32, #tpu.memory_space<vmem>> -> memref<128xi32, #tpu.memory_space<vmem>>
      %dma_wait3A_427 = arith.constant 0 : i32
      %dma_wait3A_428 = arith.constant 0 : i32
      %dma_wait3A_429 = tpu.memref_slice %arg2[%dma_wait3A_427, %dma_wait3A_428] : memref<10000x32xf32, #tpu.memory_space<hbm>> -> memref<10000x32xf32, #tpu.memory_space<hbm>>
      tpu.wait_indirect_dma semaphore(%arg15 : memref<!tpu.dma_semaphore, #tpu.memory_space<semaphore_mem>>) src(%dma_wait3A_429 : memref<10000x32xf32, #tpu.memory_space<hbm>>) dst(%dma_wait3A_423 : memref<128x32xf32, #tpu.memory_space<vmem>>)
      %dma_wait3A_430 = arith.constant 6 : i32
      %dma_wait3A_431 = arith.constant 768 : i32
      %dma_wait3A_432 = arith.constant 0 : i32
      %dma_wait3A_433 = tpu.memref_slice %arg12[%dma_wait3A_431, %dma_wait3A_432] : memref<1024x32xf32, #tpu.memory_space<vmem>> -> memref<128x32xf32, #tpu.memory_space<vmem>>
      %dma_wait3A_434 = arith.constant 0 : i32
      %dma_wait3A_435 = tpu.memref_slice %arg10[%dma_wait3A_430, %dma_wait3A_434] : memref<8x128xi32, #tpu.memory_space<vmem>> -> memref<1x128xi32, #tpu.memory_space<vmem>>
      %dma_wait3A_436 = tpu.memref_squeeze %dma_wait3A_435 : memref<1x128xi32, #tpu.memory_space<vmem>> -> memref<128xi32, #tpu.memory_space<vmem>>
      %dma_wait3A_437 = arith.constant 0 : i32
      %dma_wait3A_438 = arith.constant 0 : i32
      %dma_wait3A_439 = tpu.memref_slice %arg2[%dma_wait3A_437, %dma_wait3A_438] : memref<10000x32xf32, #tpu.memory_space<hbm>> -> memref<10000x32xf32, #tpu.memory_space<hbm>>
      tpu.wait_indirect_dma semaphore(%arg15 : memref<!tpu.dma_semaphore, #tpu.memory_space<semaphore_mem>>) src(%dma_wait3A_439 : memref<10000x32xf32, #tpu.memory_space<hbm>>) dst(%dma_wait3A_433 : memref<128x32xf32, #tpu.memory_space<vmem>>)
      %dma_wait3A_440 = arith.constant 7 : i32
      %dma_wait3A_441 = arith.constant 896 : i32
      %dma_wait3A_442 = arith.constant 0 : i32
      %dma_wait3A_443 = tpu.memref_slice %arg12[%dma_wait3A_441, %dma_wait3A_442] : memref<1024x32xf32, #tpu.memory_space<vmem>> -> memref<128x32xf32, #tpu.memory_space<vmem>>
      %dma_wait3A_444 = arith.constant 0 : i32
      %dma_wait3A_445 = tpu.memref_slice %arg10[%dma_wait3A_440, %dma_wait3A_444] : memref<8x128xi32, #tpu.memory_space<vmem>> -> memref<1x128xi32, #tpu.memory_space<vmem>>
      %dma_wait3A_446 = tpu.memref_squeeze %dma_wait3A_445 : memref<1x128xi32, #tpu.memory_space<vmem>> -> memref<128xi32, #tpu.memory_space<vmem>>
      %dma_wait3A_447 = arith.constant 0 : i32
      %dma_wait3A_448 = arith.constant 0 : i32
      %dma_wait3A_449 = tpu.memref_slice %arg2[%dma_wait3A_447, %dma_wait3A_448] : memref<10000x32xf32, #tpu.memory_space<hbm>> -> memref<10000x32xf32, #tpu.memory_space<hbm>>
      tpu.wait_indirect_dma semaphore(%arg15 : memref<!tpu.dma_semaphore, #tpu.memory_space<semaphore_mem>>) src(%dma_wait3A_449 : memref<10000x32xf32, #tpu.memory_space<hbm>>) dst(%dma_wait3A_443 : memref<128x32xf32, #tpu.memory_space<vmem>>)
      %dma_start3A_450 = arith.constant 0 : i32
      %dma_start3A_451 = arith.constant 0 : i32
      %dma_start3A_452 = arith.constant 0 : i32
      %dma_start3A_453 = tpu.memref_slice %arg12[%dma_start3A_451, %dma_start3A_452] : memref<1024x32xf32, #tpu.memory_space<vmem>> -> memref<128x32xf32, #tpu.memory_space<vmem>>
      %dma_start3A_454 = arith.constant 0 : i32
      %dma_start3A_455 = tpu.memref_slice %arg11[%dma_start3A_450, %dma_start3A_454] : memref<8x128xi32, #tpu.memory_space<vmem>> -> memref<1x128xi32, #tpu.memory_space<vmem>>
      %dma_start3A_456 = tpu.memref_squeeze %dma_start3A_455 : memref<1x128xi32, #tpu.memory_space<vmem>> -> memref<128xi32, #tpu.memory_space<vmem>>
      %dma_start3A_457 = arith.constant 0 : i32
      %dma_start3A_458 = arith.constant 0 : i32
      %dma_start3A_459 = tpu.memref_slice %arg13[%dma_start3A_457, %dma_start3A_458] : memref<10112x32xf32, #tpu.memory_space<vmem_shared>> -> memref<10112x32xf32, #tpu.memory_space<vmem_shared>>
      tpu.enqueue_indirect_dma source(%dma_start3A_453 : memref<128x32xf32, #tpu.memory_space<vmem>>) target(%dma_start3A_459 : memref<10112x32xf32, #tpu.memory_space<vmem_shared>>) offsets(%dma_start3A_456 : memref<128xi32, #tpu.memory_space<vmem>>) semaphore(%arg17 : memref<!tpu.dma_semaphore, #tpu.memory_space<semaphore_mem>>) {add = true}
      %dma_start3A_460 = arith.constant 1 : i32
      %dma_start3A_461 = arith.constant 128 : i32
      %dma_start3A_462 = arith.constant 0 : i32
      %dma_start3A_463 = tpu.memref_slice %arg12[%dma_start3A_461, %dma_start3A_462] : memref<1024x32xf32, #tpu.memory_space<vmem>> -> memref<128x32xf32, #tpu.memory_space<vmem>>
      %dma_start3A_464 = arith.constant 0 : i32
      %dma_start3A_465 = tpu.memref_slice %arg11[%dma_start3A_460, %dma_start3A_464] : memref<8x128xi32, #tpu.memory_space<vmem>> -> memref<1x128xi32, #tpu.memory_space<vmem>>
      %dma_start3A_466 = tpu.memref_squeeze %dma_start3A_465 : memref<1x128xi32, #tpu.memory_space<vmem>> -> memref<128xi32, #tpu.memory_space<vmem>>
      %dma_start3A_467 = arith.constant 0 : i32
      %dma_start3A_468 = arith.constant 0 : i32
      %dma_start3A_469 = tpu.memref_slice %arg13[%dma_start3A_467, %dma_start3A_468] : memref<10112x32xf32, #tpu.memory_space<vmem_shared>> -> memref<10112x32xf32, #tpu.memory_space<vmem_shared>>
      tpu.enqueue_indirect_dma source(%dma_start3A_463 : memref<128x32xf32, #tpu.memory_space<vmem>>) target(%dma_start3A_469 : memref<10112x32xf32, #tpu.memory_space<vmem_shared>>) offsets(%dma_start3A_466 : memref<128xi32, #tpu.memory_space<vmem>>) semaphore(%arg17 : memref<!tpu.dma_semaphore, #tpu.memory_space<semaphore_mem>>) {add = true}
      %dma_start3A_470 = arith.constant 2 : i32
      %dma_start3A_471 = arith.constant 256 : i32
      %dma_start3A_472 = arith.constant 0 : i32
      %dma_start3A_473 = tpu.memref_slice %arg12[%dma_start3A_471, %dma_start3A_472] : memref<1024x32xf32, #tpu.memory_space<vmem>> -> memref<128x32xf32, #tpu.memory_space<vmem>>
      %dma_start3A_474 = arith.constant 0 : i32
      %dma_start3A_475 = tpu.memref_slice %arg11[%dma_start3A_470, %dma_start3A_474] : memref<8x128xi32, #tpu.memory_space<vmem>> -> memref<1x128xi32, #tpu.memory_space<vmem>>
      %dma_start3A_476 = tpu.memref_squeeze %dma_start3A_475 : memref<1x128xi32, #tpu.memory_space<vmem>> -> memref<128xi32, #tpu.memory_space<vmem>>
      %dma_start3A_477 = arith.constant 0 : i32
      %dma_start3A_478 = arith.constant 0 : i32
      %dma_start3A_479 = tpu.memref_slice %arg13[%dma_start3A_477, %dma_start3A_478] : memref<10112x32xf32, #tpu.memory_space<vmem_shared>> -> memref<10112x32xf32, #tpu.memory_space<vmem_shared>>
      tpu.enqueue_indirect_dma source(%dma_start3A_473 : memref<128x32xf32, #tpu.memory_space<vmem>>) target(%dma_start3A_479 : memref<10112x32xf32, #tpu.memory_space<vmem_shared>>) offsets(%dma_start3A_476 : memref<128xi32, #tpu.memory_space<vmem>>) semaphore(%arg17 : memref<!tpu.dma_semaphore, #tpu.memory_space<semaphore_mem>>) {add = true}
      %dma_start3A_480 = arith.constant 3 : i32
      %dma_start3A_481 = arith.constant 384 : i32
      %dma_start3A_482 = arith.constant 0 : i32
      %dma_start3A_483 = tpu.memref_slice %arg12[%dma_start3A_481, %dma_start3A_482] : memref<1024x32xf32, #tpu.memory_space<vmem>> -> memref<128x32xf32, #tpu.memory_space<vmem>>
      %dma_start3A_484 = arith.constant 0 : i32
      %dma_start3A_485 = tpu.memref_slice %arg11[%dma_start3A_480, %dma_start3A_484] : memref<8x128xi32, #tpu.memory_space<vmem>> -> memref<1x128xi32, #tpu.memory_space<vmem>>
      %dma_start3A_486 = tpu.memref_squeeze %dma_start3A_485 : memref<1x128xi32, #tpu.memory_space<vmem>> -> memref<128xi32, #tpu.memory_space<vmem>>
      %dma_start3A_487 = arith.constant 0 : i32
      %dma_start3A_488 = arith.constant 0 : i32
      %dma_start3A_489 = tpu.memref_slice %arg13[%dma_start3A_487, %dma_start3A_488] : memref<10112x32xf32, #tpu.memory_space<vmem_shared>> -> memref<10112x32xf32, #tpu.memory_space<vmem_shared>>
      tpu.enqueue_indirect_dma source(%dma_start3A_483 : memref<128x32xf32, #tpu.memory_space<vmem>>) target(%dma_start3A_489 : memref<10112x32xf32, #tpu.memory_space<vmem_shared>>) offsets(%dma_start3A_486 : memref<128xi32, #tpu.memory_space<vmem>>) semaphore(%arg17 : memref<!tpu.dma_semaphore, #tpu.memory_space<semaphore_mem>>) {add = true}
      %dma_start3A_490 = arith.constant 4 : i32
      %dma_start3A_491 = arith.constant 512 : i32
      %dma_start3A_492 = arith.constant 0 : i32
      %dma_start3A_493 = tpu.memref_slice %arg12[%dma_start3A_491, %dma_start3A_492] : memref<1024x32xf32, #tpu.memory_space<vmem>> -> memref<128x32xf32, #tpu.memory_space<vmem>>
      %dma_start3A_494 = arith.constant 0 : i32
      %dma_start3A_495 = tpu.memref_slice %arg11[%dma_start3A_490, %dma_start3A_494] : memref<8x128xi32, #tpu.memory_space<vmem>> -> memref<1x128xi32, #tpu.memory_space<vmem>>
      %dma_start3A_496 = tpu.memref_squeeze %dma_start3A_495 : memref<1x128xi32, #tpu.memory_space<vmem>> -> memref<128xi32, #tpu.memory_space<vmem>>
      %dma_start3A_497 = arith.constant 0 : i32
      %dma_start3A_498 = arith.constant 0 : i32
      %dma_start3A_499 = tpu.memref_slice %arg13[%dma_start3A_497, %dma_start3A_498] : memref<10112x32xf32, #tpu.memory_space<vmem_shared>> -> memref<10112x32xf32, #tpu.memory_space<vmem_shared>>
      tpu.enqueue_indirect_dma source(%dma_start3A_493 : memref<128x32xf32, #tpu.memory_space<vmem>>) target(%dma_start3A_499 : memref<10112x32xf32, #tpu.memory_space<vmem_shared>>) offsets(%dma_start3A_496 : memref<128xi32, #tpu.memory_space<vmem>>) semaphore(%arg17 : memref<!tpu.dma_semaphore, #tpu.memory_space<semaphore_mem>>) {add = true}
      %dma_start3A_500 = arith.constant 5 : i32
      %dma_start3A_501 = arith.constant 640 : i32
      %dma_start3A_502 = arith.constant 0 : i32
      %dma_start3A_503 = tpu.memref_slice %arg12[%dma_start3A_501, %dma_start3A_502] : memref<1024x32xf32, #tpu.memory_space<vmem>> -> memref<128x32xf32, #tpu.memory_space<vmem>>
      %dma_start3A_504 = arith.constant 0 : i32
      %dma_start3A_505 = tpu.memref_slice %arg11[%dma_start3A_500, %dma_start3A_504] : memref<8x128xi32, #tpu.memory_space<vmem>> -> memref<1x128xi32, #tpu.memory_space<vmem>>
      %dma_start3A_506 = tpu.memref_squeeze %dma_start3A_505 : memref<1x128xi32, #tpu.memory_space<vmem>> -> memref<128xi32, #tpu.memory_space<vmem>>
      %dma_start3A_507 = arith.constant 0 : i32
      %dma_start3A_508 = arith.constant 0 : i32
      %dma_start3A_509 = tpu.memref_slice %arg13[%dma_start3A_507, %dma_start3A_508] : memref<10112x32xf32, #tpu.memory_space<vmem_shared>> -> memref<10112x32xf32, #tpu.memory_space<vmem_shared>>
      tpu.enqueue_indirect_dma source(%dma_start3A_503 : memref<128x32xf32, #tpu.memory_space<vmem>>) target(%dma_start3A_509 : memref<10112x32xf32, #tpu.memory_space<vmem_shared>>) offsets(%dma_start3A_506 : memref<128xi32, #tpu.memory_space<vmem>>) semaphore(%arg17 : memref<!tpu.dma_semaphore, #tpu.memory_space<semaphore_mem>>) {add = true}
      %dma_start3A_510 = arith.constant 6 : i32
      %dma_start3A_511 = arith.constant 768 : i32
      %dma_start3A_512 = arith.constant 0 : i32
      %dma_start3A_513 = tpu.memref_slice %arg12[%dma_start3A_511, %dma_start3A_512] : memref<1024x32xf32, #tpu.memory_space<vmem>> -> memref<128x32xf32, #tpu.memory_space<vmem>>
      %dma_start3A_514 = arith.constant 0 : i32
      %dma_start3A_515 = tpu.memref_slice %arg11[%dma_start3A_510, %dma_start3A_514] : memref<8x128xi32, #tpu.memory_space<vmem>> -> memref<1x128xi32, #tpu.memory_space<vmem>>
      %dma_start3A_516 = tpu.memref_squeeze %dma_start3A_515 : memref<1x128xi32, #tpu.memory_space<vmem>> -> memref<128xi32, #tpu.memory_space<vmem>>
      %dma_start3A_517 = arith.constant 0 : i32
      %dma_start3A_518 = arith.constant 0 : i32
      %dma_start3A_519 = tpu.memref_slice %arg13[%dma_start3A_517, %dma_start3A_518] : memref<10112x32xf32, #tpu.memory_space<vmem_shared>> -> memref<10112x32xf32, #tpu.memory_space<vmem_shared>>
      tpu.enqueue_indirect_dma source(%dma_start3A_513 : memref<128x32xf32, #tpu.memory_space<vmem>>) target(%dma_start3A_519 : memref<10112x32xf32, #tpu.memory_space<vmem_shared>>) offsets(%dma_start3A_516 : memref<128xi32, #tpu.memory_space<vmem>>) semaphore(%arg17 : memref<!tpu.dma_semaphore, #tpu.memory_space<semaphore_mem>>) {add = true}
      %dma_start3A_520 = arith.constant 7 : i32
      %dma_start3A_521 = arith.constant 896 : i32
      %dma_start3A_522 = arith.constant 0 : i32
      %dma_start3A_523 = tpu.memref_slice %arg12[%dma_start3A_521, %dma_start3A_522] : memref<1024x32xf32, #tpu.memory_space<vmem>> -> memref<128x32xf32, #tpu.memory_space<vmem>>
      %dma_start3A_524 = arith.constant 0 : i32
      %dma_start3A_525 = tpu.memref_slice %arg11[%dma_start3A_520, %dma_start3A_524] : memref<8x128xi32, #tpu.memory_space<vmem>> -> memref<1x128xi32, #tpu.memory_space<vmem>>
      %dma_start3A_526 = tpu.memref_squeeze %dma_start3A_525 : memref<1x128xi32, #tpu.memory_space<vmem>> -> memref<128xi32, #tpu.memory_space<vmem>>
      %dma_start3A_527 = arith.constant 0 : i32
      %dma_start3A_528 = arith.constant 0 : i32
      %dma_start3A_529 = tpu.memref_slice %arg13[%dma_start3A_527, %dma_start3A_528] : memref<10112x32xf32, #tpu.memory_space<vmem_shared>> -> memref<10112x32xf32, #tpu.memory_space<vmem_shared>>
      tpu.enqueue_indirect_dma source(%dma_start3A_523 : memref<128x32xf32, #tpu.memory_space<vmem>>) target(%dma_start3A_529 : memref<10112x32xf32, #tpu.memory_space<vmem_shared>>) offsets(%dma_start3A_526 : memref<128xi32, #tpu.memory_space<vmem>>) semaphore(%arg17 : memref<!tpu.dma_semaphore, #tpu.memory_space<semaphore_mem>>) {add = true}
      %dma_wait3A_530 = arith.constant 0 : i32
      %dma_wait3A_531 = arith.constant 0 : i32
      %dma_wait3A_532 = arith.constant 0 : i32
      %dma_wait3A_533 = tpu.memref_slice %arg9[%dma_wait3A_531, %dma_wait3A_532] : memref<1024x32xf32, #tpu.memory_space<vmem>> -> memref<128x32xf32, #tpu.memory_space<vmem>>
      %dma_wait3A_534 = arith.constant 0 : i32
      %dma_wait3A_535 = tpu.memref_slice %arg8[%dma_wait3A_530, %dma_wait3A_534] : memref<8x128xi32, #tpu.memory_space<vmem>> -> memref<1x128xi32, #tpu.memory_space<vmem>>
      %dma_wait3A_536 = tpu.memref_squeeze %dma_wait3A_535 : memref<1x128xi32, #tpu.memory_space<vmem>> -> memref<128xi32, #tpu.memory_space<vmem>>
      %dma_wait3A_537 = arith.constant 0 : i32
      %dma_wait3A_538 = arith.constant 0 : i32
      %dma_wait3A_539 = tpu.memref_slice %arg13[%dma_wait3A_537, %dma_wait3A_538] : memref<10112x32xf32, #tpu.memory_space<vmem_shared>> -> memref<10112x32xf32, #tpu.memory_space<vmem_shared>>
      tpu.wait_indirect_dma semaphore(%arg16 : memref<!tpu.dma_semaphore, #tpu.memory_space<semaphore_mem>>) src(%dma_wait3A_533 : memref<128x32xf32, #tpu.memory_space<vmem>>) dst(%dma_wait3A_539 : memref<10112x32xf32, #tpu.memory_space<vmem_shared>>)
      %dma_wait3A_540 = arith.constant 1 : i32
      %dma_wait3A_541 = arith.constant 128 : i32
      %dma_wait3A_542 = arith.constant 0 : i32
      %dma_wait3A_543 = tpu.memref_slice %arg9[%dma_wait3A_541, %dma_wait3A_542] : memref<1024x32xf32, #tpu.memory_space<vmem>> -> memref<128x32xf32, #tpu.memory_space<vmem>>
      %dma_wait3A_544 = arith.constant 0 : i32
      %dma_wait3A_545 = tpu.memref_slice %arg8[%dma_wait3A_540, %dma_wait3A_544] : memref<8x128xi32, #tpu.memory_space<vmem>> -> memref<1x128xi32, #tpu.memory_space<vmem>>
      %dma_wait3A_546 = tpu.memref_squeeze %dma_wait3A_545 : memref<1x128xi32, #tpu.memory_space<vmem>> -> memref<128xi32, #tpu.memory_space<vmem>>
      %dma_wait3A_547 = arith.constant 0 : i32
      %dma_wait3A_548 = arith.constant 0 : i32
      %dma_wait3A_549 = tpu.memref_slice %arg13[%dma_wait3A_547, %dma_wait3A_548] : memref<10112x32xf32, #tpu.memory_space<vmem_shared>> -> memref<10112x32xf32, #tpu.memory_space<vmem_shared>>
      tpu.wait_indirect_dma semaphore(%arg16 : memref<!tpu.dma_semaphore, #tpu.memory_space<semaphore_mem>>) src(%dma_wait3A_543 : memref<128x32xf32, #tpu.memory_space<vmem>>) dst(%dma_wait3A_549 : memref<10112x32xf32, #tpu.memory_space<vmem_shared>>)
      %dma_wait3A_550 = arith.constant 2 : i32
      %dma_wait3A_551 = arith.constant 256 : i32
      %dma_wait3A_552 = arith.constant 0 : i32
      %dma_wait3A_553 = tpu.memref_slice %arg9[%dma_wait3A_551, %dma_wait3A_552] : memref<1024x32xf32, #tpu.memory_space<vmem>> -> memref<128x32xf32, #tpu.memory_space<vmem>>
      %dma_wait3A_554 = arith.constant 0 : i32
      %dma_wait3A_555 = tpu.memref_slice %arg8[%dma_wait3A_550, %dma_wait3A_554] : memref<8x128xi32, #tpu.memory_space<vmem>> -> memref<1x128xi32, #tpu.memory_space<vmem>>
      %dma_wait3A_556 = tpu.memref_squeeze %dma_wait3A_555 : memref<1x128xi32, #tpu.memory_space<vmem>> -> memref<128xi32, #tpu.memory_space<vmem>>
      %dma_wait3A_557 = arith.constant 0 : i32
      %dma_wait3A_558 = arith.constant 0 : i32
      %dma_wait3A_559 = tpu.memref_slice %arg13[%dma_wait3A_557, %dma_wait3A_558] : memref<10112x32xf32, #tpu.memory_space<vmem_shared>> -> memref<10112x32xf32, #tpu.memory_space<vmem_shared>>
      tpu.wait_indirect_dma semaphore(%arg16 : memref<!tpu.dma_semaphore, #tpu.memory_space<semaphore_mem>>) src(%dma_wait3A_553 : memref<128x32xf32, #tpu.memory_space<vmem>>) dst(%dma_wait3A_559 : memref<10112x32xf32, #tpu.memory_space<vmem_shared>>)
      %dma_wait3A_560 = arith.constant 3 : i32
      %dma_wait3A_561 = arith.constant 384 : i32
      %dma_wait3A_562 = arith.constant 0 : i32
      %dma_wait3A_563 = tpu.memref_slice %arg9[%dma_wait3A_561, %dma_wait3A_562] : memref<1024x32xf32, #tpu.memory_space<vmem>> -> memref<128x32xf32, #tpu.memory_space<vmem>>
      %dma_wait3A_564 = arith.constant 0 : i32
      %dma_wait3A_565 = tpu.memref_slice %arg8[%dma_wait3A_560, %dma_wait3A_564] : memref<8x128xi32, #tpu.memory_space<vmem>> -> memref<1x128xi32, #tpu.memory_space<vmem>>
      %dma_wait3A_566 = tpu.memref_squeeze %dma_wait3A_565 : memref<1x128xi32, #tpu.memory_space<vmem>> -> memref<128xi32, #tpu.memory_space<vmem>>
      %dma_wait3A_567 = arith.constant 0 : i32
      %dma_wait3A_568 = arith.constant 0 : i32
      %dma_wait3A_569 = tpu.memref_slice %arg13[%dma_wait3A_567, %dma_wait3A_568] : memref<10112x32xf32, #tpu.memory_space<vmem_shared>> -> memref<10112x32xf32, #tpu.memory_space<vmem_shared>>
      tpu.wait_indirect_dma semaphore(%arg16 : memref<!tpu.dma_semaphore, #tpu.memory_space<semaphore_mem>>) src(%dma_wait3A_563 : memref<128x32xf32, #tpu.memory_space<vmem>>) dst(%dma_wait3A_569 : memref<10112x32xf32, #tpu.memory_space<vmem_shared>>)
      %dma_wait3A_570 = arith.constant 4 : i32
      %dma_wait3A_571 = arith.constant 512 : i32
      %dma_wait3A_572 = arith.constant 0 : i32
      %dma_wait3A_573 = tpu.memref_slice %arg9[%dma_wait3A_571, %dma_wait3A_572] : memref<1024x32xf32, #tpu.memory_space<vmem>> -> memref<128x32xf32, #tpu.memory_space<vmem>>
      %dma_wait3A_574 = arith.constant 0 : i32
      %dma_wait3A_575 = tpu.memref_slice %arg8[%dma_wait3A_570, %dma_wait3A_574] : memref<8x128xi32, #tpu.memory_space<vmem>> -> memref<1x128xi32, #tpu.memory_space<vmem>>
      %dma_wait3A_576 = tpu.memref_squeeze %dma_wait3A_575 : memref<1x128xi32, #tpu.memory_space<vmem>> -> memref<128xi32, #tpu.memory_space<vmem>>
      %dma_wait3A_577 = arith.constant 0 : i32
      %dma_wait3A_578 = arith.constant 0 : i32
      %dma_wait3A_579 = tpu.memref_slice %arg13[%dma_wait3A_577, %dma_wait3A_578] : memref<10112x32xf32, #tpu.memory_space<vmem_shared>> -> memref<10112x32xf32, #tpu.memory_space<vmem_shared>>
      tpu.wait_indirect_dma semaphore(%arg16 : memref<!tpu.dma_semaphore, #tpu.memory_space<semaphore_mem>>) src(%dma_wait3A_573 : memref<128x32xf32, #tpu.memory_space<vmem>>) dst(%dma_wait3A_579 : memref<10112x32xf32, #tpu.memory_space<vmem_shared>>)
      %dma_wait3A_580 = arith.constant 5 : i32
      %dma_wait3A_581 = arith.constant 640 : i32
      %dma_wait3A_582 = arith.constant 0 : i32
      %dma_wait3A_583 = tpu.memref_slice %arg9[%dma_wait3A_581, %dma_wait3A_582] : memref<1024x32xf32, #tpu.memory_space<vmem>> -> memref<128x32xf32, #tpu.memory_space<vmem>>
      %dma_wait3A_584 = arith.constant 0 : i32
      %dma_wait3A_585 = tpu.memref_slice %arg8[%dma_wait3A_580, %dma_wait3A_584] : memref<8x128xi32, #tpu.memory_space<vmem>> -> memref<1x128xi32, #tpu.memory_space<vmem>>
      %dma_wait3A_586 = tpu.memref_squeeze %dma_wait3A_585 : memref<1x128xi32, #tpu.memory_space<vmem>> -> memref<128xi32, #tpu.memory_space<vmem>>
      %dma_wait3A_587 = arith.constant 0 : i32
      %dma_wait3A_588 = arith.constant 0 : i32
      %dma_wait3A_589 = tpu.memref_slice %arg13[%dma_wait3A_587, %dma_wait3A_588] : memref<10112x32xf32, #tpu.memory_space<vmem_shared>> -> memref<10112x32xf32, #tpu.memory_space<vmem_shared>>
      tpu.wait_indirect_dma semaphore(%arg16 : memref<!tpu.dma_semaphore, #tpu.memory_space<semaphore_mem>>) src(%dma_wait3A_583 : memref<128x32xf32, #tpu.memory_space<vmem>>) dst(%dma_wait3A_589 : memref<10112x32xf32, #tpu.memory_space<vmem_shared>>)
      %dma_wait3A_590 = arith.constant 6 : i32
      %dma_wait3A_591 = arith.constant 768 : i32
      %dma_wait3A_592 = arith.constant 0 : i32
      %dma_wait3A_593 = tpu.memref_slice %arg9[%dma_wait3A_591, %dma_wait3A_592] : memref<1024x32xf32, #tpu.memory_space<vmem>> -> memref<128x32xf32, #tpu.memory_space<vmem>>
      %dma_wait3A_594 = arith.constant 0 : i32
      %dma_wait3A_595 = tpu.memref_slice %arg8[%dma_wait3A_590, %dma_wait3A_594] : memref<8x128xi32, #tpu.memory_space<vmem>> -> memref<1x128xi32, #tpu.memory_space<vmem>>
      %dma_wait3A_596 = tpu.memref_squeeze %dma_wait3A_595 : memref<1x128xi32, #tpu.memory_space<vmem>> -> memref<128xi32, #tpu.memory_space<vmem>>
      %dma_wait3A_597 = arith.constant 0 : i32
      %dma_wait3A_598 = arith.constant 0 : i32
      %dma_wait3A_599 = tpu.memref_slice %arg13[%dma_wait3A_597, %dma_wait3A_598] : memref<10112x32xf32, #tpu.memory_space<vmem_shared>> -> memref<10112x32xf32, #tpu.memory_space<vmem_shared>>
      tpu.wait_indirect_dma semaphore(%arg16 : memref<!tpu.dma_semaphore, #tpu.memory_space<semaphore_mem>>) src(%dma_wait3A_593 : memref<128x32xf32, #tpu.memory_space<vmem>>) dst(%dma_wait3A_599 : memref<10112x32xf32, #tpu.memory_space<vmem_shared>>)
      %dma_wait3A_600 = arith.constant 7 : i32
      %dma_wait3A_601 = arith.constant 896 : i32
      %dma_wait3A_602 = arith.constant 0 : i32
      %dma_wait3A_603 = tpu.memref_slice %arg9[%dma_wait3A_601, %dma_wait3A_602] : memref<1024x32xf32, #tpu.memory_space<vmem>> -> memref<128x32xf32, #tpu.memory_space<vmem>>
      %dma_wait3A_604 = arith.constant 0 : i32
      %dma_wait3A_605 = tpu.memref_slice %arg8[%dma_wait3A_600, %dma_wait3A_604] : memref<8x128xi32, #tpu.memory_space<vmem>> -> memref<1x128xi32, #tpu.memory_space<vmem>>
      %dma_wait3A_606 = tpu.memref_squeeze %dma_wait3A_605 : memref<1x128xi32, #tpu.memory_space<vmem>> -> memref<128xi32, #tpu.memory_space<vmem>>
      %dma_wait3A_607 = arith.constant 0 : i32
      %dma_wait3A_608 = arith.constant 0 : i32
      %dma_wait3A_609 = tpu.memref_slice %arg13[%dma_wait3A_607, %dma_wait3A_608] : memref<10112x32xf32, #tpu.memory_space<vmem_shared>> -> memref<10112x32xf32, #tpu.memory_space<vmem_shared>>
      tpu.wait_indirect_dma semaphore(%arg16 : memref<!tpu.dma_semaphore, #tpu.memory_space<semaphore_mem>>) src(%dma_wait3A_603 : memref<128x32xf32, #tpu.memory_space<vmem>>) dst(%dma_wait3A_609 : memref<10112x32xf32, #tpu.memory_space<vmem_shared>>)
      %add3A_610 = arith.constant 2 : i32
      %add3A_611 = arith.addi %mul3A_210, %add3A_610 : i32
      %lt3A = arith.cmpi slt, %add3A_611, %select_n3A : i32
      %convert_element_type3A = arith.extui %lt3A : i1 to i32
      %cond3A = arith.constant 0 : i32
      %cond3A_612 = arith.cmpi ne, %convert_element_type3A, %cond3A : i32
      scf.if %cond3A_612 {
        %add3A_699 = arith.constant 2 : i32
        %add3A_700 = arith.addi %mul3A_210, %add3A_699 : i32
        %mul3A_701 = arith.constant 8 : i32
        %mul3A_702 = arith.muli %add3A_700, %mul3A_701 : i32
        %add3A_703 = arith.addi %select_n3A_12, %mul3A_702 : i32
        "tpu.region"() ({
          %run_scoped3A = tpu.sem_alloc : memref<!tpu.dma_semaphore, #tpu.memory_space<semaphore_mem>>
          %dma_start3A_784 = arith.constant 0 : i32
          %dma_start3A_785 = tpu.memref_slice %arg3[%add3A_703, %dma_start3A_784] : memref<2560x128xi32, #tpu.memory_space<hbm>> -> memref<8x128xi32, #tpu.memory_space<hbm>>
          %dma_start3A_786 = arith.constant 0 : i32
          %dma_start3A_787 = tpu.memref_slice %arg3[%add3A_703, %dma_start3A_786] : memref<2560x128xi32, #tpu.memory_space<hbm>> -> memref<8x128xi32, #tpu.memory_space<hbm>>
          tpu.enqueue_dma source(%dma_start3A_787 : memref<8x128xi32, #tpu.memory_space<hbm>>) target(%arg7 : memref<8x128xi32, #tpu.memory_space<vmem>>) target_semaphore(%run_scoped3A : memref<!tpu.dma_semaphore, #tpu.memory_space<semaphore_mem>>)
          %dma_wait3A_788 = arith.constant 0 : i32
          %dma_wait3A_789 = tpu.memref_slice %arg3[%add3A_703, %dma_wait3A_788] : memref<2560x128xi32, #tpu.memory_space<hbm>> -> memref<8x128xi32, #tpu.memory_space<hbm>>
          %dma_wait3A_790 = arith.constant 0 : i32
          %dma_wait3A_791 = tpu.memref_slice %arg3[%add3A_703, %dma_wait3A_790] : memref<2560x128xi32, #tpu.memory_space<hbm>> -> memref<8x128xi32, #tpu.memory_space<hbm>>
          tpu.wait_dma2 semaphore(%run_scoped3A : memref<!tpu.dma_semaphore, #tpu.memory_space<semaphore_mem>>) src(%dma_wait3A_791 : memref<8x128xi32, #tpu.memory_space<hbm>>) dst(%arg7 : memref<8x128xi32, #tpu.memory_space<vmem>>)
          tpu.yield
        }) : () -> ()
        "tpu.region"() ({
          %run_scoped3A = tpu.sem_alloc : memref<!tpu.dma_semaphore, #tpu.memory_space<semaphore_mem>>
          %dma_start3A_784 = arith.constant 0 : i32
          %dma_start3A_785 = tpu.memref_slice %arg4[%add3A_703, %dma_start3A_784] : memref<2560x128xi32, #tpu.memory_space<hbm>> -> memref<8x128xi32, #tpu.memory_space<hbm>>
          %dma_start3A_786 = arith.constant 0 : i32
          %dma_start3A_787 = tpu.memref_slice %arg4[%add3A_703, %dma_start3A_786] : memref<2560x128xi32, #tpu.memory_space<hbm>> -> memref<8x128xi32, #tpu.memory_space<hbm>>
          tpu.enqueue_dma source(%dma_start3A_787 : memref<8x128xi32, #tpu.memory_space<hbm>>) target(%arg8 : memref<8x128xi32, #tpu.memory_space<vmem>>) target_semaphore(%run_scoped3A : memref<!tpu.dma_semaphore, #tpu.memory_space<semaphore_mem>>)
          %dma_wait3A_788 = arith.constant 0 : i32
          %dma_wait3A_789 = tpu.memref_slice %arg4[%add3A_703, %dma_wait3A_788] : memref<2560x128xi32, #tpu.memory_space<hbm>> -> memref<8x128xi32, #tpu.memory_space<hbm>>
          %dma_wait3A_790 = arith.constant 0 : i32
          %dma_wait3A_791 = tpu.memref_slice %arg4[%add3A_703, %dma_wait3A_790] : memref<2560x128xi32, #tpu.memory_space<hbm>> -> memref<8x128xi32, #tpu.memory_space<hbm>>
          tpu.wait_dma2 semaphore(%run_scoped3A : memref<!tpu.dma_semaphore, #tpu.memory_space<semaphore_mem>>) src(%dma_wait3A_791 : memref<8x128xi32, #tpu.memory_space<hbm>>) dst(%arg8 : memref<8x128xi32, #tpu.memory_space<vmem>>)
          tpu.yield
        }) : () -> ()
        %dma_start3A_704 = arith.constant 0 : i32
        %dma_start3A_705 = arith.constant 0 : i32
        %dma_start3A_706 = arith.constant 0 : i32
        %dma_start3A_707 = tpu.memref_slice %arg9[%dma_start3A_705, %dma_start3A_706] : memref<1024x32xf32, #tpu.memory_space<vmem>> -> memref<128x32xf32, #tpu.memory_space<vmem>>
        %dma_start3A_708 = arith.constant 0 : i32
        %dma_start3A_709 = tpu.memref_slice %arg7[%dma_start3A_704, %dma_start3A_708] : memref<8x128xi32, #tpu.memory_space<vmem>> -> memref<1x128xi32, #tpu.memory_space<vmem>>
        %dma_start3A_710 = tpu.memref_squeeze %dma_start3A_709 : memref<1x128xi32, #tpu.memory_space<vmem>> -> memref<128xi32, #tpu.memory_space<vmem>>
        %dma_start3A_711 = arith.constant 0 : i32
        %dma_start3A_712 = arith.constant 0 : i32
        %dma_start3A_713 = tpu.memref_slice %arg2[%dma_start3A_711, %dma_start3A_712] : memref<10000x32xf32, #tpu.memory_space<hbm>> -> memref<10000x32xf32, #tpu.memory_space<hbm>>
        tpu.enqueue_indirect_dma source(%dma_start3A_713 : memref<10000x32xf32, #tpu.memory_space<hbm>>) target(%dma_start3A_707 : memref<128x32xf32, #tpu.memory_space<vmem>>) offsets(%dma_start3A_710 : memref<128xi32, #tpu.memory_space<vmem>>) semaphore(%arg14 : memref<!tpu.dma_semaphore, #tpu.memory_space<semaphore_mem>>)
        %dma_start3A_714 = arith.constant 1 : i32
        %dma_start3A_715 = arith.constant 128 : i32
        %dma_start3A_716 = arith.constant 0 : i32
        %dma_start3A_717 = tpu.memref_slice %arg9[%dma_start3A_715, %dma_start3A_716] : memref<1024x32xf32, #tpu.memory_space<vmem>> -> memref<128x32xf32, #tpu.memory_space<vmem>>
        %dma_start3A_718 = arith.constant 0 : i32
        %dma_start3A_719 = tpu.memref_slice %arg7[%dma_start3A_714, %dma_start3A_718] : memref<8x128xi32, #tpu.memory_space<vmem>> -> memref<1x128xi32, #tpu.memory_space<vmem>>
        %dma_start3A_720 = tpu.memref_squeeze %dma_start3A_719 : memref<1x128xi32, #tpu.memory_space<vmem>> -> memref<128xi32, #tpu.memory_space<vmem>>
        %dma_start3A_721 = arith.constant 0 : i32
        %dma_start3A_722 = arith.constant 0 : i32
        %dma_start3A_723 = tpu.memref_slice %arg2[%dma_start3A_721, %dma_start3A_722] : memref<10000x32xf32, #tpu.memory_space<hbm>> -> memref<10000x32xf32, #tpu.memory_space<hbm>>
        tpu.enqueue_indirect_dma source(%dma_start3A_723 : memref<10000x32xf32, #tpu.memory_space<hbm>>) target(%dma_start3A_717 : memref<128x32xf32, #tpu.memory_space<vmem>>) offsets(%dma_start3A_720 : memref<128xi32, #tpu.memory_space<vmem>>) semaphore(%arg14 : memref<!tpu.dma_semaphore, #tpu.memory_space<semaphore_mem>>)
        %dma_start3A_724 = arith.constant 2 : i32
        %dma_start3A_725 = arith.constant 256 : i32
        %dma_start3A_726 = arith.constant 0 : i32
        %dma_start3A_727 = tpu.memref_slice %arg9[%dma_start3A_725, %dma_start3A_726] : memref<1024x32xf32, #tpu.memory_space<vmem>> -> memref<128x32xf32, #tpu.memory_space<vmem>>
        %dma_start3A_728 = arith.constant 0 : i32
        %dma_start3A_729 = tpu.memref_slice %arg7[%dma_start3A_724, %dma_start3A_728] : memref<8x128xi32, #tpu.memory_space<vmem>> -> memref<1x128xi32, #tpu.memory_space<vmem>>
        %dma_start3A_730 = tpu.memref_squeeze %dma_start3A_729 : memref<1x128xi32, #tpu.memory_space<vmem>> -> memref<128xi32, #tpu.memory_space<vmem>>
        %dma_start3A_731 = arith.constant 0 : i32
        %dma_start3A_732 = arith.constant 0 : i32
        %dma_start3A_733 = tpu.memref_slice %arg2[%dma_start3A_731, %dma_start3A_732] : memref<10000x32xf32, #tpu.memory_space<hbm>> -> memref<10000x32xf32, #tpu.memory_space<hbm>>
        tpu.enqueue_indirect_dma source(%dma_start3A_733 : memref<10000x32xf32, #tpu.memory_space<hbm>>) target(%dma_start3A_727 : memref<128x32xf32, #tpu.memory_space<vmem>>) offsets(%dma_start3A_730 : memref<128xi32, #tpu.memory_space<vmem>>) semaphore(%arg14 : memref<!tpu.dma_semaphore, #tpu.memory_space<semaphore_mem>>)
        %dma_start3A_734 = arith.constant 3 : i32
        %dma_start3A_735 = arith.constant 384 : i32
        %dma_start3A_736 = arith.constant 0 : i32
        %dma_start3A_737 = tpu.memref_slice %arg9[%dma_start3A_735, %dma_start3A_736] : memref<1024x32xf32, #tpu.memory_space<vmem>> -> memref<128x32xf32, #tpu.memory_space<vmem>>
        %dma_start3A_738 = arith.constant 0 : i32
        %dma_start3A_739 = tpu.memref_slice %arg7[%dma_start3A_734, %dma_start3A_738] : memref<8x128xi32, #tpu.memory_space<vmem>> -> memref<1x128xi32, #tpu.memory_space<vmem>>
        %dma_start3A_740 = tpu.memref_squeeze %dma_start3A_739 : memref<1x128xi32, #tpu.memory_space<vmem>> -> memref<128xi32, #tpu.memory_space<vmem>>
        %dma_start3A_741 = arith.constant 0 : i32
        %dma_start3A_742 = arith.constant 0 : i32
        %dma_start3A_743 = tpu.memref_slice %arg2[%dma_start3A_741, %dma_start3A_742] : memref<10000x32xf32, #tpu.memory_space<hbm>> -> memref<10000x32xf32, #tpu.memory_space<hbm>>
        tpu.enqueue_indirect_dma source(%dma_start3A_743 : memref<10000x32xf32, #tpu.memory_space<hbm>>) target(%dma_start3A_737 : memref<128x32xf32, #tpu.memory_space<vmem>>) offsets(%dma_start3A_740 : memref<128xi32, #tpu.memory_space<vmem>>) semaphore(%arg14 : memref<!tpu.dma_semaphore, #tpu.memory_space<semaphore_mem>>)
        %dma_start3A_744 = arith.constant 4 : i32
        %dma_start3A_745 = arith.constant 512 : i32
        %dma_start3A_746 = arith.constant 0 : i32
        %dma_start3A_747 = tpu.memref_slice %arg9[%dma_start3A_745, %dma_start3A_746] : memref<1024x32xf32, #tpu.memory_space<vmem>> -> memref<128x32xf32, #tpu.memory_space<vmem>>
        %dma_start3A_748 = arith.constant 0 : i32
        %dma_start3A_749 = tpu.memref_slice %arg7[%dma_start3A_744, %dma_start3A_748] : memref<8x128xi32, #tpu.memory_space<vmem>> -> memref<1x128xi32, #tpu.memory_space<vmem>>
        %dma_start3A_750 = tpu.memref_squeeze %dma_start3A_749 : memref<1x128xi32, #tpu.memory_space<vmem>> -> memref<128xi32, #tpu.memory_space<vmem>>
        %dma_start3A_751 = arith.constant 0 : i32
        %dma_start3A_752 = arith.constant 0 : i32
        %dma_start3A_753 = tpu.memref_slice %arg2[%dma_start3A_751, %dma_start3A_752] : memref<10000x32xf32, #tpu.memory_space<hbm>> -> memref<10000x32xf32, #tpu.memory_space<hbm>>
        tpu.enqueue_indirect_dma source(%dma_start3A_753 : memref<10000x32xf32, #tpu.memory_space<hbm>>) target(%dma_start3A_747 : memref<128x32xf32, #tpu.memory_space<vmem>>) offsets(%dma_start3A_750 : memref<128xi32, #tpu.memory_space<vmem>>) semaphore(%arg14 : memref<!tpu.dma_semaphore, #tpu.memory_space<semaphore_mem>>)
        %dma_start3A_754 = arith.constant 5 : i32
        %dma_start3A_755 = arith.constant 640 : i32
        %dma_start3A_756 = arith.constant 0 : i32
        %dma_start3A_757 = tpu.memref_slice %arg9[%dma_start3A_755, %dma_start3A_756] : memref<1024x32xf32, #tpu.memory_space<vmem>> -> memref<128x32xf32, #tpu.memory_space<vmem>>
        %dma_start3A_758 = arith.constant 0 : i32
        %dma_start3A_759 = tpu.memref_slice %arg7[%dma_start3A_754, %dma_start3A_758] : memref<8x128xi32, #tpu.memory_space<vmem>> -> memref<1x128xi32, #tpu.memory_space<vmem>>
        %dma_start3A_760 = tpu.memref_squeeze %dma_start3A_759 : memref<1x128xi32, #tpu.memory_space<vmem>> -> memref<128xi32, #tpu.memory_space<vmem>>
        %dma_start3A_761 = arith.constant 0 : i32
        %dma_start3A_762 = arith.constant 0 : i32
        %dma_start3A_763 = tpu.memref_slice %arg2[%dma_start3A_761, %dma_start3A_762] : memref<10000x32xf32, #tpu.memory_space<hbm>> -> memref<10000x32xf32, #tpu.memory_space<hbm>>
        tpu.enqueue_indirect_dma source(%dma_start3A_763 : memref<10000x32xf32, #tpu.memory_space<hbm>>) target(%dma_start3A_757 : memref<128x32xf32, #tpu.memory_space<vmem>>) offsets(%dma_start3A_760 : memref<128xi32, #tpu.memory_space<vmem>>) semaphore(%arg14 : memref<!tpu.dma_semaphore, #tpu.memory_space<semaphore_mem>>)
        %dma_start3A_764 = arith.constant 6 : i32
        %dma_start3A_765 = arith.constant 768 : i32
        %dma_start3A_766 = arith.constant 0 : i32
        %dma_start3A_767 = tpu.memref_slice %arg9[%dma_start3A_765, %dma_start3A_766] : memref<1024x32xf32, #tpu.memory_space<vmem>> -> memref<128x32xf32, #tpu.memory_space<vmem>>
        %dma_start3A_768 = arith.constant 0 : i32
        %dma_start3A_769 = tpu.memref_slice %arg7[%dma_start3A_764, %dma_start3A_768] : memref<8x128xi32, #tpu.memory_space<vmem>> -> memref<1x128xi32, #tpu.memory_space<vmem>>
        %dma_start3A_770 = tpu.memref_squeeze %dma_start3A_769 : memref<1x128xi32, #tpu.memory_space<vmem>> -> memref<128xi32, #tpu.memory_space<vmem>>
        %dma_start3A_771 = arith.constant 0 : i32
        %dma_start3A_772 = arith.constant 0 : i32
        %dma_start3A_773 = tpu.memref_slice %arg2[%dma_start3A_771, %dma_start3A_772] : memref<10000x32xf32, #tpu.memory_space<hbm>> -> memref<10000x32xf32, #tpu.memory_space<hbm>>
        tpu.enqueue_indirect_dma source(%dma_start3A_773 : memref<10000x32xf32, #tpu.memory_space<hbm>>) target(%dma_start3A_767 : memref<128x32xf32, #tpu.memory_space<vmem>>) offsets(%dma_start3A_770 : memref<128xi32, #tpu.memory_space<vmem>>) semaphore(%arg14 : memref<!tpu.dma_semaphore, #tpu.memory_space<semaphore_mem>>)
        %dma_start3A_774 = arith.constant 7 : i32
        %dma_start3A_775 = arith.constant 896 : i32
        %dma_start3A_776 = arith.constant 0 : i32
        %dma_start3A_777 = tpu.memref_slice %arg9[%dma_start3A_775, %dma_start3A_776] : memref<1024x32xf32, #tpu.memory_space<vmem>> -> memref<128x32xf32, #tpu.memory_space<vmem>>
        %dma_start3A_778 = arith.constant 0 : i32
        %dma_start3A_779 = tpu.memref_slice %arg7[%dma_start3A_774, %dma_start3A_778] : memref<8x128xi32, #tpu.memory_space<vmem>> -> memref<1x128xi32, #tpu.memory_space<vmem>>
        %dma_start3A_780 = tpu.memref_squeeze %dma_start3A_779 : memref<1x128xi32, #tpu.memory_space<vmem>> -> memref<128xi32, #tpu.memory_space<vmem>>
        %dma_start3A_781 = arith.constant 0 : i32
        %dma_start3A_782 = arith.constant 0 : i32
        %dma_start3A_783 = tpu.memref_slice %arg2[%dma_start3A_781, %dma_start3A_782] : memref<10000x32xf32, #tpu.memory_space<hbm>> -> memref<10000x32xf32, #tpu.memory_space<hbm>>
        tpu.enqueue_indirect_dma source(%dma_start3A_783 : memref<10000x32xf32, #tpu.memory_space<hbm>>) target(%dma_start3A_777 : memref<128x32xf32, #tpu.memory_space<vmem>>) offsets(%dma_start3A_780 : memref<128xi32, #tpu.memory_space<vmem>>) semaphore(%arg14 : memref<!tpu.dma_semaphore, #tpu.memory_space<semaphore_mem>>)
      } else {
      }
      %dma_wait3A_613 = arith.constant 0 : i32
      %dma_wait3A_614 = arith.constant 0 : i32
      %dma_wait3A_615 = arith.constant 0 : i32
      %dma_wait3A_616 = tpu.memref_slice %arg12[%dma_wait3A_614, %dma_wait3A_615] : memref<1024x32xf32, #tpu.memory_space<vmem>> -> memref<128x32xf32, #tpu.memory_space<vmem>>
      %dma_wait3A_617 = arith.constant 0 : i32
      %dma_wait3A_618 = tpu.memref_slice %arg11[%dma_wait3A_613, %dma_wait3A_617] : memref<8x128xi32, #tpu.memory_space<vmem>> -> memref<1x128xi32, #tpu.memory_space<vmem>>
      %dma_wait3A_619 = tpu.memref_squeeze %dma_wait3A_618 : memref<1x128xi32, #tpu.memory_space<vmem>> -> memref<128xi32, #tpu.memory_space<vmem>>
      %dma_wait3A_620 = arith.constant 0 : i32
      %dma_wait3A_621 = arith.constant 0 : i32
      %dma_wait3A_622 = tpu.memref_slice %arg13[%dma_wait3A_620, %dma_wait3A_621] : memref<10112x32xf32, #tpu.memory_space<vmem_shared>> -> memref<10112x32xf32, #tpu.memory_space<vmem_shared>>
      tpu.wait_indirect_dma semaphore(%arg17 : memref<!tpu.dma_semaphore, #tpu.memory_space<semaphore_mem>>) src(%dma_wait3A_616 : memref<128x32xf32, #tpu.memory_space<vmem>>) dst(%dma_wait3A_622 : memref<10112x32xf32, #tpu.memory_space<vmem_shared>>)
      %dma_wait3A_623 = arith.constant 1 : i32
      %dma_wait3A_624 = arith.constant 128 : i32
      %dma_wait3A_625 = arith.constant 0 : i32
      %dma_wait3A_626 = tpu.memref_slice %arg12[%dma_wait3A_624, %dma_wait3A_625] : memref<1024x32xf32, #tpu.memory_space<vmem>> -> memref<128x32xf32, #tpu.memory_space<vmem>>
      %dma_wait3A_627 = arith.constant 0 : i32
      %dma_wait3A_628 = tpu.memref_slice %arg11[%dma_wait3A_623, %dma_wait3A_627] : memref<8x128xi32, #tpu.memory_space<vmem>> -> memref<1x128xi32, #tpu.memory_space<vmem>>
      %dma_wait3A_629 = tpu.memref_squeeze %dma_wait3A_628 : memref<1x128xi32, #tpu.memory_space<vmem>> -> memref<128xi32, #tpu.memory_space<vmem>>
      %dma_wait3A_630 = arith.constant 0 : i32
      %dma_wait3A_631 = arith.constant 0 : i32
      %dma_wait3A_632 = tpu.memref_slice %arg13[%dma_wait3A_630, %dma_wait3A_631] : memref<10112x32xf32, #tpu.memory_space<vmem_shared>> -> memref<10112x32xf32, #tpu.memory_space<vmem_shared>>
      tpu.wait_indirect_dma semaphore(%arg17 : memref<!tpu.dma_semaphore, #tpu.memory_space<semaphore_mem>>) src(%dma_wait3A_626 : memref<128x32xf32, #tpu.memory_space<vmem>>) dst(%dma_wait3A_632 : memref<10112x32xf32, #tpu.memory_space<vmem_shared>>)
      %dma_wait3A_633 = arith.constant 2 : i32
      %dma_wait3A_634 = arith.constant 256 : i32
      %dma_wait3A_635 = arith.constant 0 : i32
      %dma_wait3A_636 = tpu.memref_slice %arg12[%dma_wait3A_634, %dma_wait3A_635] : memref<1024x32xf32, #tpu.memory_space<vmem>> -> memref<128x32xf32, #tpu.memory_space<vmem>>
      %dma_wait3A_637 = arith.constant 0 : i32
      %dma_wait3A_638 = tpu.memref_slice %arg11[%dma_wait3A_633, %dma_wait3A_637] : memref<8x128xi32, #tpu.memory_space<vmem>> -> memref<1x128xi32, #tpu.memory_space<vmem>>
      %dma_wait3A_639 = tpu.memref_squeeze %dma_wait3A_638 : memref<1x128xi32, #tpu.memory_space<vmem>> -> memref<128xi32, #tpu.memory_space<vmem>>
      %dma_wait3A_640 = arith.constant 0 : i32
      %dma_wait3A_641 = arith.constant 0 : i32
      %dma_wait3A_642 = tpu.memref_slice %arg13[%dma_wait3A_640, %dma_wait3A_641] : memref<10112x32xf32, #tpu.memory_space<vmem_shared>> -> memref<10112x32xf32, #tpu.memory_space<vmem_shared>>
      tpu.wait_indirect_dma semaphore(%arg17 : memref<!tpu.dma_semaphore, #tpu.memory_space<semaphore_mem>>) src(%dma_wait3A_636 : memref<128x32xf32, #tpu.memory_space<vmem>>) dst(%dma_wait3A_642 : memref<10112x32xf32, #tpu.memory_space<vmem_shared>>)
      %dma_wait3A_643 = arith.constant 3 : i32
      %dma_wait3A_644 = arith.constant 384 : i32
      %dma_wait3A_645 = arith.constant 0 : i32
      %dma_wait3A_646 = tpu.memref_slice %arg12[%dma_wait3A_644, %dma_wait3A_645] : memref<1024x32xf32, #tpu.memory_space<vmem>> -> memref<128x32xf32, #tpu.memory_space<vmem>>
      %dma_wait3A_647 = arith.constant 0 : i32
      %dma_wait3A_648 = tpu.memref_slice %arg11[%dma_wait3A_643, %dma_wait3A_647] : memref<8x128xi32, #tpu.memory_space<vmem>> -> memref<1x128xi32, #tpu.memory_space<vmem>>
      %dma_wait3A_649 = tpu.memref_squeeze %dma_wait3A_648 : memref<1x128xi32, #tpu.memory_space<vmem>> -> memref<128xi32, #tpu.memory_space<vmem>>
      %dma_wait3A_650 = arith.constant 0 : i32
      %dma_wait3A_651 = arith.constant 0 : i32
      %dma_wait3A_652 = tpu.memref_slice %arg13[%dma_wait3A_650, %dma_wait3A_651] : memref<10112x32xf32, #tpu.memory_space<vmem_shared>> -> memref<10112x32xf32, #tpu.memory_space<vmem_shared>>
      tpu.wait_indirect_dma semaphore(%arg17 : memref<!tpu.dma_semaphore, #tpu.memory_space<semaphore_mem>>) src(%dma_wait3A_646 : memref<128x32xf32, #tpu.memory_space<vmem>>) dst(%dma_wait3A_652 : memref<10112x32xf32, #tpu.memory_space<vmem_shared>>)
      %dma_wait3A_653 = arith.constant 4 : i32
      %dma_wait3A_654 = arith.constant 512 : i32
      %dma_wait3A_655 = arith.constant 0 : i32
      %dma_wait3A_656 = tpu.memref_slice %arg12[%dma_wait3A_654, %dma_wait3A_655] : memref<1024x32xf32, #tpu.memory_space<vmem>> -> memref<128x32xf32, #tpu.memory_space<vmem>>
      %dma_wait3A_657 = arith.constant 0 : i32
      %dma_wait3A_658 = tpu.memref_slice %arg11[%dma_wait3A_653, %dma_wait3A_657] : memref<8x128xi32, #tpu.memory_space<vmem>> -> memref<1x128xi32, #tpu.memory_space<vmem>>
      %dma_wait3A_659 = tpu.memref_squeeze %dma_wait3A_658 : memref<1x128xi32, #tpu.memory_space<vmem>> -> memref<128xi32, #tpu.memory_space<vmem>>
      %dma_wait3A_660 = arith.constant 0 : i32
      %dma_wait3A_661 = arith.constant 0 : i32
      %dma_wait3A_662 = tpu.memref_slice %arg13[%dma_wait3A_660, %dma_wait3A_661] : memref<10112x32xf32, #tpu.memory_space<vmem_shared>> -> memref<10112x32xf32, #tpu.memory_space<vmem_shared>>
      tpu.wait_indirect_dma semaphore(%arg17 : memref<!tpu.dma_semaphore, #tpu.memory_space<semaphore_mem>>) src(%dma_wait3A_656 : memref<128x32xf32, #tpu.memory_space<vmem>>) dst(%dma_wait3A_662 : memref<10112x32xf32, #tpu.memory_space<vmem_shared>>)
      %dma_wait3A_663 = arith.constant 5 : i32
      %dma_wait3A_664 = arith.constant 640 : i32
      %dma_wait3A_665 = arith.constant 0 : i32
      %dma_wait3A_666 = tpu.memref_slice %arg12[%dma_wait3A_664, %dma_wait3A_665] : memref<1024x32xf32, #tpu.memory_space<vmem>> -> memref<128x32xf32, #tpu.memory_space<vmem>>
      %dma_wait3A_667 = arith.constant 0 : i32
      %dma_wait3A_668 = tpu.memref_slice %arg11[%dma_wait3A_663, %dma_wait3A_667] : memref<8x128xi32, #tpu.memory_space<vmem>> -> memref<1x128xi32, #tpu.memory_space<vmem>>
      %dma_wait3A_669 = tpu.memref_squeeze %dma_wait3A_668 : memref<1x128xi32, #tpu.memory_space<vmem>> -> memref<128xi32, #tpu.memory_space<vmem>>
      %dma_wait3A_670 = arith.constant 0 : i32
      %dma_wait3A_671 = arith.constant 0 : i32
      %dma_wait3A_672 = tpu.memref_slice %arg13[%dma_wait3A_670, %dma_wait3A_671] : memref<10112x32xf32, #tpu.memory_space<vmem_shared>> -> memref<10112x32xf32, #tpu.memory_space<vmem_shared>>
      tpu.wait_indirect_dma semaphore(%arg17 : memref<!tpu.dma_semaphore, #tpu.memory_space<semaphore_mem>>) src(%dma_wait3A_666 : memref<128x32xf32, #tpu.memory_space<vmem>>) dst(%dma_wait3A_672 : memref<10112x32xf32, #tpu.memory_space<vmem_shared>>)
      %dma_wait3A_673 = arith.constant 6 : i32
      %dma_wait3A_674 = arith.constant 768 : i32
      %dma_wait3A_675 = arith.constant 0 : i32
      %dma_wait3A_676 = tpu.memref_slice %arg12[%dma_wait3A_674, %dma_wait3A_675] : memref<1024x32xf32, #tpu.memory_space<vmem>> -> memref<128x32xf32, #tpu.memory_space<vmem>>
      %dma_wait3A_677 = arith.constant 0 : i32
      %dma_wait3A_678 = tpu.memref_slice %arg11[%dma_wait3A_673, %dma_wait3A_677] : memref<8x128xi32, #tpu.memory_space<vmem>> -> memref<1x128xi32, #tpu.memory_space<vmem>>
      %dma_wait3A_679 = tpu.memref_squeeze %dma_wait3A_678 : memref<1x128xi32, #tpu.memory_space<vmem>> -> memref<128xi32, #tpu.memory_space<vmem>>
      %dma_wait3A_680 = arith.constant 0 : i32
      %dma_wait3A_681 = arith.constant 0 : i32
      %dma_wait3A_682 = tpu.memref_slice %arg13[%dma_wait3A_680, %dma_wait3A_681] : memref<10112x32xf32, #tpu.memory_space<vmem_shared>> -> memref<10112x32xf32, #tpu.memory_space<vmem_shared>>
      tpu.wait_indirect_dma semaphore(%arg17 : memref<!tpu.dma_semaphore, #tpu.memory_space<semaphore_mem>>) src(%dma_wait3A_676 : memref<128x32xf32, #tpu.memory_space<vmem>>) dst(%dma_wait3A_682 : memref<10112x32xf32, #tpu.memory_space<vmem_shared>>)
      %dma_wait3A_683 = arith.constant 7 : i32
      %dma_wait3A_684 = arith.constant 896 : i32
      %dma_wait3A_685 = arith.constant 0 : i32
      %dma_wait3A_686 = tpu.memref_slice %arg12[%dma_wait3A_684, %dma_wait3A_685] : memref<1024x32xf32, #tpu.memory_space<vmem>> -> memref<128x32xf32, #tpu.memory_space<vmem>>
      %dma_wait3A_687 = arith.constant 0 : i32
      %dma_wait3A_688 = tpu.memref_slice %arg11[%dma_wait3A_683, %dma_wait3A_687] : memref<8x128xi32, #tpu.memory_space<vmem>> -> memref<1x128xi32, #tpu.memory_space<vmem>>
      %dma_wait3A_689 = tpu.memref_squeeze %dma_wait3A_688 : memref<1x128xi32, #tpu.memory_space<vmem>> -> memref<128xi32, #tpu.memory_space<vmem>>
      %dma_wait3A_690 = arith.constant 0 : i32
      %dma_wait3A_691 = arith.constant 0 : i32
      %dma_wait3A_692 = tpu.memref_slice %arg13[%dma_wait3A_690, %dma_wait3A_691] : memref<10112x32xf32, #tpu.memory_space<vmem_shared>> -> memref<10112x32xf32, #tpu.memory_space<vmem_shared>>
      tpu.wait_indirect_dma semaphore(%arg17 : memref<!tpu.dma_semaphore, #tpu.memory_space<semaphore_mem>>) src(%dma_wait3A_686 : memref<128x32xf32, #tpu.memory_space<vmem>>) dst(%dma_wait3A_692 : memref<10112x32xf32, #tpu.memory_space<vmem_shared>>)
      %add3A_693 = arith.constant 3 : i32
      %add3A_694 = arith.addi %mul3A_210, %add3A_693 : i32
      %lt3A_695 = arith.cmpi slt, %add3A_694, %select_n3A : i32
      %convert_element_type3A_696 = arith.extui %lt3A_695 : i1 to i32
      %cond3A_697 = arith.constant 0 : i32
      %cond3A_698 = arith.cmpi ne, %convert_element_type3A_696, %cond3A_697 : i32
      scf.if %cond3A_698 {
        %add3A_699 = arith.constant 3 : i32
        %add3A_700 = arith.addi %mul3A_210, %add3A_699 : i32
        %mul3A_701 = arith.constant 8 : i32
        %mul3A_702 = arith.muli %add3A_700, %mul3A_701 : i32
        %add3A_703 = arith.addi %select_n3A_12, %mul3A_702 : i32
        "tpu.region"() ({
          %run_scoped3A = tpu.sem_alloc : memref<!tpu.dma_semaphore, #tpu.memory_space<semaphore_mem>>
          %dma_start3A_784 = arith.constant 0 : i32
          %dma_start3A_785 = tpu.memref_slice %arg3[%add3A_703, %dma_start3A_784] : memref<2560x128xi32, #tpu.memory_space<hbm>> -> memref<8x128xi32, #tpu.memory_space<hbm>>
          %dma_start3A_786 = arith.constant 0 : i32
          %dma_start3A_787 = tpu.memref_slice %arg3[%add3A_703, %dma_start3A_786] : memref<2560x128xi32, #tpu.memory_space<hbm>> -> memref<8x128xi32, #tpu.memory_space<hbm>>
          tpu.enqueue_dma source(%dma_start3A_787 : memref<8x128xi32, #tpu.memory_space<hbm>>) target(%arg10 : memref<8x128xi32, #tpu.memory_space<vmem>>) target_semaphore(%run_scoped3A : memref<!tpu.dma_semaphore, #tpu.memory_space<semaphore_mem>>)
          %dma_wait3A_788 = arith.constant 0 : i32
          %dma_wait3A_789 = tpu.memref_slice %arg3[%add3A_703, %dma_wait3A_788] : memref<2560x128xi32, #tpu.memory_space<hbm>> -> memref<8x128xi32, #tpu.memory_space<hbm>>
          %dma_wait3A_790 = arith.constant 0 : i32
          %dma_wait3A_791 = tpu.memref_slice %arg3[%add3A_703, %dma_wait3A_790] : memref<2560x128xi32, #tpu.memory_space<hbm>> -> memref<8x128xi32, #tpu.memory_space<hbm>>
          tpu.wait_dma2 semaphore(%run_scoped3A : memref<!tpu.dma_semaphore, #tpu.memory_space<semaphore_mem>>) src(%dma_wait3A_791 : memref<8x128xi32, #tpu.memory_space<hbm>>) dst(%arg10 : memref<8x128xi32, #tpu.memory_space<vmem>>)
          tpu.yield
        }) : () -> ()
        "tpu.region"() ({
          %run_scoped3A = tpu.sem_alloc : memref<!tpu.dma_semaphore, #tpu.memory_space<semaphore_mem>>
          %dma_start3A_784 = arith.constant 0 : i32
          %dma_start3A_785 = tpu.memref_slice %arg4[%add3A_703, %dma_start3A_784] : memref<2560x128xi32, #tpu.memory_space<hbm>> -> memref<8x128xi32, #tpu.memory_space<hbm>>
          %dma_start3A_786 = arith.constant 0 : i32
          %dma_start3A_787 = tpu.memref_slice %arg4[%add3A_703, %dma_start3A_786] : memref<2560x128xi32, #tpu.memory_space<hbm>> -> memref<8x128xi32, #tpu.memory_space<hbm>>
          tpu.enqueue_dma source(%dma_start3A_787 : memref<8x128xi32, #tpu.memory_space<hbm>>) target(%arg11 : memref<8x128xi32, #tpu.memory_space<vmem>>) target_semaphore(%run_scoped3A : memref<!tpu.dma_semaphore, #tpu.memory_space<semaphore_mem>>)
          %dma_wait3A_788 = arith.constant 0 : i32
          %dma_wait3A_789 = tpu.memref_slice %arg4[%add3A_703, %dma_wait3A_788] : memref<2560x128xi32, #tpu.memory_space<hbm>> -> memref<8x128xi32, #tpu.memory_space<hbm>>
          %dma_wait3A_790 = arith.constant 0 : i32
          %dma_wait3A_791 = tpu.memref_slice %arg4[%add3A_703, %dma_wait3A_790] : memref<2560x128xi32, #tpu.memory_space<hbm>> -> memref<8x128xi32, #tpu.memory_space<hbm>>
          tpu.wait_dma2 semaphore(%run_scoped3A : memref<!tpu.dma_semaphore, #tpu.memory_space<semaphore_mem>>) src(%dma_wait3A_791 : memref<8x128xi32, #tpu.memory_space<hbm>>) dst(%arg11 : memref<8x128xi32, #tpu.memory_space<vmem>>)
          tpu.yield
        }) : () -> ()
        %dma_start3A_704 = arith.constant 0 : i32
        %dma_start3A_705 = arith.constant 0 : i32
        %dma_start3A_706 = arith.constant 0 : i32
        %dma_start3A_707 = tpu.memref_slice %arg12[%dma_start3A_705, %dma_start3A_706] : memref<1024x32xf32, #tpu.memory_space<vmem>> -> memref<128x32xf32, #tpu.memory_space<vmem>>
        %dma_start3A_708 = arith.constant 0 : i32
        %dma_start3A_709 = tpu.memref_slice %arg10[%dma_start3A_704, %dma_start3A_708] : memref<8x128xi32, #tpu.memory_space<vmem>> -> memref<1x128xi32, #tpu.memory_space<vmem>>
        %dma_start3A_710 = tpu.memref_squeeze %dma_start3A_709 : memref<1x128xi32, #tpu.memory_space<vmem>> -> memref<128xi32, #tpu.memory_space<vmem>>
        %dma_start3A_711 = arith.constant 0 : i32
        %dma_start3A_712 = arith.constant 0 : i32
        %dma_start3A_713 = tpu.memref_slice %arg2[%dma_start3A_711, %dma_start3A_712] : memref<10000x32xf32, #tpu.memory_space<hbm>> -> memref<10000x32xf32, #tpu.memory_space<hbm>>
        tpu.enqueue_indirect_dma source(%dma_start3A_713 : memref<10000x32xf32, #tpu.memory_space<hbm>>) target(%dma_start3A_707 : memref<128x32xf32, #tpu.memory_space<vmem>>) offsets(%dma_start3A_710 : memref<128xi32, #tpu.memory_space<vmem>>) semaphore(%arg15 : memref<!tpu.dma_semaphore, #tpu.memory_space<semaphore_mem>>)
        %dma_start3A_714 = arith.constant 1 : i32
        %dma_start3A_715 = arith.constant 128 : i32
        %dma_start3A_716 = arith.constant 0 : i32
        %dma_start3A_717 = tpu.memref_slice %arg12[%dma_start3A_715, %dma_start3A_716] : memref<1024x32xf32, #tpu.memory_space<vmem>> -> memref<128x32xf32, #tpu.memory_space<vmem>>
        %dma_start3A_718 = arith.constant 0 : i32
        %dma_start3A_719 = tpu.memref_slice %arg10[%dma_start3A_714, %dma_start3A_718] : memref<8x128xi32, #tpu.memory_space<vmem>> -> memref<1x128xi32, #tpu.memory_space<vmem>>
        %dma_start3A_720 = tpu.memref_squeeze %dma_start3A_719 : memref<1x128xi32, #tpu.memory_space<vmem>> -> memref<128xi32, #tpu.memory_space<vmem>>
        %dma_start3A_721 = arith.constant 0 : i32
        %dma_start3A_722 = arith.constant 0 : i32
        %dma_start3A_723 = tpu.memref_slice %arg2[%dma_start3A_721, %dma_start3A_722] : memref<10000x32xf32, #tpu.memory_space<hbm>> -> memref<10000x32xf32, #tpu.memory_space<hbm>>
        tpu.enqueue_indirect_dma source(%dma_start3A_723 : memref<10000x32xf32, #tpu.memory_space<hbm>>) target(%dma_start3A_717 : memref<128x32xf32, #tpu.memory_space<vmem>>) offsets(%dma_start3A_720 : memref<128xi32, #tpu.memory_space<vmem>>) semaphore(%arg15 : memref<!tpu.dma_semaphore, #tpu.memory_space<semaphore_mem>>)
        %dma_start3A_724 = arith.constant 2 : i32
        %dma_start3A_725 = arith.constant 256 : i32
        %dma_start3A_726 = arith.constant 0 : i32
        %dma_start3A_727 = tpu.memref_slice %arg12[%dma_start3A_725, %dma_start3A_726] : memref<1024x32xf32, #tpu.memory_space<vmem>> -> memref<128x32xf32, #tpu.memory_space<vmem>>
        %dma_start3A_728 = arith.constant 0 : i32
        %dma_start3A_729 = tpu.memref_slice %arg10[%dma_start3A_724, %dma_start3A_728] : memref<8x128xi32, #tpu.memory_space<vmem>> -> memref<1x128xi32, #tpu.memory_space<vmem>>
        %dma_start3A_730 = tpu.memref_squeeze %dma_start3A_729 : memref<1x128xi32, #tpu.memory_space<vmem>> -> memref<128xi32, #tpu.memory_space<vmem>>
        %dma_start3A_731 = arith.constant 0 : i32
        %dma_start3A_732 = arith.constant 0 : i32
        %dma_start3A_733 = tpu.memref_slice %arg2[%dma_start3A_731, %dma_start3A_732] : memref<10000x32xf32, #tpu.memory_space<hbm>> -> memref<10000x32xf32, #tpu.memory_space<hbm>>
        tpu.enqueue_indirect_dma source(%dma_start3A_733 : memref<10000x32xf32, #tpu.memory_space<hbm>>) target(%dma_start3A_727 : memref<128x32xf32, #tpu.memory_space<vmem>>) offsets(%dma_start3A_730 : memref<128xi32, #tpu.memory_space<vmem>>) semaphore(%arg15 : memref<!tpu.dma_semaphore, #tpu.memory_space<semaphore_mem>>)
        %dma_start3A_734 = arith.constant 3 : i32
        %dma_start3A_735 = arith.constant 384 : i32
        %dma_start3A_736 = arith.constant 0 : i32
        %dma_start3A_737 = tpu.memref_slice %arg12[%dma_start3A_735, %dma_start3A_736] : memref<1024x32xf32, #tpu.memory_space<vmem>> -> memref<128x32xf32, #tpu.memory_space<vmem>>
        %dma_start3A_738 = arith.constant 0 : i32
        %dma_start3A_739 = tpu.memref_slice %arg10[%dma_start3A_734, %dma_start3A_738] : memref<8x128xi32, #tpu.memory_space<vmem>> -> memref<1x128xi32, #tpu.memory_space<vmem>>
        %dma_start3A_740 = tpu.memref_squeeze %dma_start3A_739 : memref<1x128xi32, #tpu.memory_space<vmem>> -> memref<128xi32, #tpu.memory_space<vmem>>
        %dma_start3A_741 = arith.constant 0 : i32
        %dma_start3A_742 = arith.constant 0 : i32
        %dma_start3A_743 = tpu.memref_slice %arg2[%dma_start3A_741, %dma_start3A_742] : memref<10000x32xf32, #tpu.memory_space<hbm>> -> memref<10000x32xf32, #tpu.memory_space<hbm>>
        tpu.enqueue_indirect_dma source(%dma_start3A_743 : memref<10000x32xf32, #tpu.memory_space<hbm>>) target(%dma_start3A_737 : memref<128x32xf32, #tpu.memory_space<vmem>>) offsets(%dma_start3A_740 : memref<128xi32, #tpu.memory_space<vmem>>) semaphore(%arg15 : memref<!tpu.dma_semaphore, #tpu.memory_space<semaphore_mem>>)
        %dma_start3A_744 = arith.constant 4 : i32
        %dma_start3A_745 = arith.constant 512 : i32
        %dma_start3A_746 = arith.constant 0 : i32
        %dma_start3A_747 = tpu.memref_slice %arg12[%dma_start3A_745, %dma_start3A_746] : memref<1024x32xf32, #tpu.memory_space<vmem>> -> memref<128x32xf32, #tpu.memory_space<vmem>>
        %dma_start3A_748 = arith.constant 0 : i32
        %dma_start3A_749 = tpu.memref_slice %arg10[%dma_start3A_744, %dma_start3A_748] : memref<8x128xi32, #tpu.memory_space<vmem>> -> memref<1x128xi32, #tpu.memory_space<vmem>>
        %dma_start3A_750 = tpu.memref_squeeze %dma_start3A_749 : memref<1x128xi32, #tpu.memory_space<vmem>> -> memref<128xi32, #tpu.memory_space<vmem>>
        %dma_start3A_751 = arith.constant 0 : i32
        %dma_start3A_752 = arith.constant 0 : i32
        %dma_start3A_753 = tpu.memref_slice %arg2[%dma_start3A_751, %dma_start3A_752] : memref<10000x32xf32, #tpu.memory_space<hbm>> -> memref<10000x32xf32, #tpu.memory_space<hbm>>
        tpu.enqueue_indirect_dma source(%dma_start3A_753 : memref<10000x32xf32, #tpu.memory_space<hbm>>) target(%dma_start3A_747 : memref<128x32xf32, #tpu.memory_space<vmem>>) offsets(%dma_start3A_750 : memref<128xi32, #tpu.memory_space<vmem>>) semaphore(%arg15 : memref<!tpu.dma_semaphore, #tpu.memory_space<semaphore_mem>>)
        %dma_start3A_754 = arith.constant 5 : i32
        %dma_start3A_755 = arith.constant 640 : i32
        %dma_start3A_756 = arith.constant 0 : i32
        %dma_start3A_757 = tpu.memref_slice %arg12[%dma_start3A_755, %dma_start3A_756] : memref<1024x32xf32, #tpu.memory_space<vmem>> -> memref<128x32xf32, #tpu.memory_space<vmem>>
        %dma_start3A_758 = arith.constant 0 : i32
        %dma_start3A_759 = tpu.memref_slice %arg10[%dma_start3A_754, %dma_start3A_758] : memref<8x128xi32, #tpu.memory_space<vmem>> -> memref<1x128xi32, #tpu.memory_space<vmem>>
        %dma_start3A_760 = tpu.memref_squeeze %dma_start3A_759 : memref<1x128xi32, #tpu.memory_space<vmem>> -> memref<128xi32, #tpu.memory_space<vmem>>
        %dma_start3A_761 = arith.constant 0 : i32
        %dma_start3A_762 = arith.constant 0 : i32
        %dma_start3A_763 = tpu.memref_slice %arg2[%dma_start3A_761, %dma_start3A_762] : memref<10000x32xf32, #tpu.memory_space<hbm>> -> memref<10000x32xf32, #tpu.memory_space<hbm>>
        tpu.enqueue_indirect_dma source(%dma_start3A_763 : memref<10000x32xf32, #tpu.memory_space<hbm>>) target(%dma_start3A_757 : memref<128x32xf32, #tpu.memory_space<vmem>>) offsets(%dma_start3A_760 : memref<128xi32, #tpu.memory_space<vmem>>) semaphore(%arg15 : memref<!tpu.dma_semaphore, #tpu.memory_space<semaphore_mem>>)
        %dma_start3A_764 = arith.constant 6 : i32
        %dma_start3A_765 = arith.constant 768 : i32
        %dma_start3A_766 = arith.constant 0 : i32
        %dma_start3A_767 = tpu.memref_slice %arg12[%dma_start3A_765, %dma_start3A_766] : memref<1024x32xf32, #tpu.memory_space<vmem>> -> memref<128x32xf32, #tpu.memory_space<vmem>>
        %dma_start3A_768 = arith.constant 0 : i32
        %dma_start3A_769 = tpu.memref_slice %arg10[%dma_start3A_764, %dma_start3A_768] : memref<8x128xi32, #tpu.memory_space<vmem>> -> memref<1x128xi32, #tpu.memory_space<vmem>>
        %dma_start3A_770 = tpu.memref_squeeze %dma_start3A_769 : memref<1x128xi32, #tpu.memory_space<vmem>> -> memref<128xi32, #tpu.memory_space<vmem>>
        %dma_start3A_771 = arith.constant 0 : i32
        %dma_start3A_772 = arith.constant 0 : i32
        %dma_start3A_773 = tpu.memref_slice %arg2[%dma_start3A_771, %dma_start3A_772] : memref<10000x32xf32, #tpu.memory_space<hbm>> -> memref<10000x32xf32, #tpu.memory_space<hbm>>
        tpu.enqueue_indirect_dma source(%dma_start3A_773 : memref<10000x32xf32, #tpu.memory_space<hbm>>) target(%dma_start3A_767 : memref<128x32xf32, #tpu.memory_space<vmem>>) offsets(%dma_start3A_770 : memref<128xi32, #tpu.memory_space<vmem>>) semaphore(%arg15 : memref<!tpu.dma_semaphore, #tpu.memory_space<semaphore_mem>>)
        %dma_start3A_774 = arith.constant 7 : i32
        %dma_start3A_775 = arith.constant 896 : i32
        %dma_start3A_776 = arith.constant 0 : i32
        %dma_start3A_777 = tpu.memref_slice %arg12[%dma_start3A_775, %dma_start3A_776] : memref<1024x32xf32, #tpu.memory_space<vmem>> -> memref<128x32xf32, #tpu.memory_space<vmem>>
        %dma_start3A_778 = arith.constant 0 : i32
        %dma_start3A_779 = tpu.memref_slice %arg10[%dma_start3A_774, %dma_start3A_778] : memref<8x128xi32, #tpu.memory_space<vmem>> -> memref<1x128xi32, #tpu.memory_space<vmem>>
        %dma_start3A_780 = tpu.memref_squeeze %dma_start3A_779 : memref<1x128xi32, #tpu.memory_space<vmem>> -> memref<128xi32, #tpu.memory_space<vmem>>
        %dma_start3A_781 = arith.constant 0 : i32
        %dma_start3A_782 = arith.constant 0 : i32
        %dma_start3A_783 = tpu.memref_slice %arg2[%dma_start3A_781, %dma_start3A_782] : memref<10000x32xf32, #tpu.memory_space<hbm>> -> memref<10000x32xf32, #tpu.memory_space<hbm>>
        tpu.enqueue_indirect_dma source(%dma_start3A_783 : memref<10000x32xf32, #tpu.memory_space<hbm>>) target(%dma_start3A_777 : memref<128x32xf32, #tpu.memory_space<vmem>>) offsets(%dma_start3A_780 : memref<128xi32, #tpu.memory_space<vmem>>) semaphore(%arg15 : memref<!tpu.dma_semaphore, #tpu.memory_space<semaphore_mem>>)
      } else {
      }
    }
    %while3A_202 = arith.constant 1 : i32
    scf.for %while3A_208 = %while3A_200 to %while3A_196 step %while3A_202  : i32 {
      %mul3A_209 = arith.constant 2 : i32
      %mul3A_210 = arith.muli %mul3A_209, %while3A_208 : i32
      %dma_wait3A = arith.constant 0 : i32
      %dma_wait3A_211 = arith.constant 0 : i32
      %dma_wait3A_212 = arith.constant 0 : i32
      %dma_wait3A_213 = tpu.memref_slice %arg9[%dma_wait3A_211, %dma_wait3A_212] : memref<1024x32xf32, #tpu.memory_space<vmem>> -> memref<128x32xf32, #tpu.memory_space<vmem>>
      %dma_wait3A_214 = arith.constant 0 : i32
      %dma_wait3A_215 = tpu.memref_slice %arg7[%dma_wait3A, %dma_wait3A_214] : memref<8x128xi32, #tpu.memory_space<vmem>> -> memref<1x128xi32, #tpu.memory_space<vmem>>
      %dma_wait3A_216 = tpu.memref_squeeze %dma_wait3A_215 : memref<1x128xi32, #tpu.memory_space<vmem>> -> memref<128xi32, #tpu.memory_space<vmem>>
      %dma_wait3A_217 = arith.constant 0 : i32
      %dma_wait3A_218 = arith.constant 0 : i32
      %dma_wait3A_219 = tpu.memref_slice %arg2[%dma_wait3A_217, %dma_wait3A_218] : memref<10000x32xf32, #tpu.memory_space<hbm>> -> memref<10000x32xf32, #tpu.memory_space<hbm>>
      tpu.wait_indirect_dma semaphore(%arg14 : memref<!tpu.dma_semaphore, #tpu.memory_space<semaphore_mem>>) src(%dma_wait3A_219 : memref<10000x32xf32, #tpu.memory_space<hbm>>) dst(%dma_wait3A_213 : memref<128x32xf32, #tpu.memory_space<vmem>>)
      %dma_wait3A_220 = arith.constant 1 : i32
      %dma_wait3A_221 = arith.constant 128 : i32
      %dma_wait3A_222 = arith.constant 0 : i32
      %dma_wait3A_223 = tpu.memref_slice %arg9[%dma_wait3A_221, %dma_wait3A_222] : memref<1024x32xf32, #tpu.memory_space<vmem>> -> memref<128x32xf32, #tpu.memory_space<vmem>>
      %dma_wait3A_224 = arith.constant 0 : i32
      %dma_wait3A_225 = tpu.memref_slice %arg7[%dma_wait3A_220, %dma_wait3A_224] : memref<8x128xi32, #tpu.memory_space<vmem>> -> memref<1x128xi32, #tpu.memory_space<vmem>>
      %dma_wait3A_226 = tpu.memref_squeeze %dma_wait3A_225 : memref<1x128xi32, #tpu.memory_space<vmem>> -> memref<128xi32, #tpu.memory_space<vmem>>
      %dma_wait3A_227 = arith.constant 0 : i32
      %dma_wait3A_228 = arith.constant 0 : i32
      %dma_wait3A_229 = tpu.memref_slice %arg2[%dma_wait3A_227, %dma_wait3A_228] : memref<10000x32xf32, #tpu.memory_space<hbm>> -> memref<10000x32xf32, #tpu.memory_space<hbm>>
      tpu.wait_indirect_dma semaphore(%arg14 : memref<!tpu.dma_semaphore, #tpu.memory_space<semaphore_mem>>) src(%dma_wait3A_229 : memref<10000x32xf32, #tpu.memory_space<hbm>>) dst(%dma_wait3A_223 : memref<128x32xf32, #tpu.memory_space<vmem>>)
      %dma_wait3A_230 = arith.constant 2 : i32
      %dma_wait3A_231 = arith.constant 256 : i32
      %dma_wait3A_232 = arith.constant 0 : i32
      %dma_wait3A_233 = tpu.memref_slice %arg9[%dma_wait3A_231, %dma_wait3A_232] : memref<1024x32xf32, #tpu.memory_space<vmem>> -> memref<128x32xf32, #tpu.memory_space<vmem>>
      %dma_wait3A_234 = arith.constant 0 : i32
      %dma_wait3A_235 = tpu.memref_slice %arg7[%dma_wait3A_230, %dma_wait3A_234] : memref<8x128xi32, #tpu.memory_space<vmem>> -> memref<1x128xi32, #tpu.memory_space<vmem>>
      %dma_wait3A_236 = tpu.memref_squeeze %dma_wait3A_235 : memref<1x128xi32, #tpu.memory_space<vmem>> -> memref<128xi32, #tpu.memory_space<vmem>>
      %dma_wait3A_237 = arith.constant 0 : i32
      %dma_wait3A_238 = arith.constant 0 : i32
      %dma_wait3A_239 = tpu.memref_slice %arg2[%dma_wait3A_237, %dma_wait3A_238] : memref<10000x32xf32, #tpu.memory_space<hbm>> -> memref<10000x32xf32, #tpu.memory_space<hbm>>
      tpu.wait_indirect_dma semaphore(%arg14 : memref<!tpu.dma_semaphore, #tpu.memory_space<semaphore_mem>>) src(%dma_wait3A_239 : memref<10000x32xf32, #tpu.memory_space<hbm>>) dst(%dma_wait3A_233 : memref<128x32xf32, #tpu.memory_space<vmem>>)
      %dma_wait3A_240 = arith.constant 3 : i32
      %dma_wait3A_241 = arith.constant 384 : i32
      %dma_wait3A_242 = arith.constant 0 : i32
      %dma_wait3A_243 = tpu.memref_slice %arg9[%dma_wait3A_241, %dma_wait3A_242] : memref<1024x32xf32, #tpu.memory_space<vmem>> -> memref<128x32xf32, #tpu.memory_space<vmem>>
      %dma_wait3A_244 = arith.constant 0 : i32
      %dma_wait3A_245 = tpu.memref_slice %arg7[%dma_wait3A_240, %dma_wait3A_244] : memref<8x128xi32, #tpu.memory_space<vmem>> -> memref<1x128xi32, #tpu.memory_space<vmem>>
      %dma_wait3A_246 = tpu.memref_squeeze %dma_wait3A_245 : memref<1x128xi32, #tpu.memory_space<vmem>> -> memref<128xi32, #tpu.memory_space<vmem>>
      %dma_wait3A_247 = arith.constant 0 : i32
      %dma_wait3A_248 = arith.constant 0 : i32
      %dma_wait3A_249 = tpu.memref_slice %arg2[%dma_wait3A_247, %dma_wait3A_248] : memref<10000x32xf32, #tpu.memory_space<hbm>> -> memref<10000x32xf32, #tpu.memory_space<hbm>>
      tpu.wait_indirect_dma semaphore(%arg14 : memref<!tpu.dma_semaphore, #tpu.memory_space<semaphore_mem>>) src(%dma_wait3A_249 : memref<10000x32xf32, #tpu.memory_space<hbm>>) dst(%dma_wait3A_243 : memref<128x32xf32, #tpu.memory_space<vmem>>)
      %dma_wait3A_250 = arith.constant 4 : i32
      %dma_wait3A_251 = arith.constant 512 : i32
      %dma_wait3A_252 = arith.constant 0 : i32
      %dma_wait3A_253 = tpu.memref_slice %arg9[%dma_wait3A_251, %dma_wait3A_252] : memref<1024x32xf32, #tpu.memory_space<vmem>> -> memref<128x32xf32, #tpu.memory_space<vmem>>
      %dma_wait3A_254 = arith.constant 0 : i32
      %dma_wait3A_255 = tpu.memref_slice %arg7[%dma_wait3A_250, %dma_wait3A_254] : memref<8x128xi32, #tpu.memory_space<vmem>> -> memref<1x128xi32, #tpu.memory_space<vmem>>
      %dma_wait3A_256 = tpu.memref_squeeze %dma_wait3A_255 : memref<1x128xi32, #tpu.memory_space<vmem>> -> memref<128xi32, #tpu.memory_space<vmem>>
      %dma_wait3A_257 = arith.constant 0 : i32
      %dma_wait3A_258 = arith.constant 0 : i32
      %dma_wait3A_259 = tpu.memref_slice %arg2[%dma_wait3A_257, %dma_wait3A_258] : memref<10000x32xf32, #tpu.memory_space<hbm>> -> memref<10000x32xf32, #tpu.memory_space<hbm>>
      tpu.wait_indirect_dma semaphore(%arg14 : memref<!tpu.dma_semaphore, #tpu.memory_space<semaphore_mem>>) src(%dma_wait3A_259 : memref<10000x32xf32, #tpu.memory_space<hbm>>) dst(%dma_wait3A_253 : memref<128x32xf32, #tpu.memory_space<vmem>>)
      %dma_wait3A_260 = arith.constant 5 : i32
      %dma_wait3A_261 = arith.constant 640 : i32
      %dma_wait3A_262 = arith.constant 0 : i32
      %dma_wait3A_263 = tpu.memref_slice %arg9[%dma_wait3A_261, %dma_wait3A_262] : memref<1024x32xf32, #tpu.memory_space<vmem>> -> memref<128x32xf32, #tpu.memory_space<vmem>>
      %dma_wait3A_264 = arith.constant 0 : i32
      %dma_wait3A_265 = tpu.memref_slice %arg7[%dma_wait3A_260, %dma_wait3A_264] : memref<8x128xi32, #tpu.memory_space<vmem>> -> memref<1x128xi32, #tpu.memory_space<vmem>>
      %dma_wait3A_266 = tpu.memref_squeeze %dma_wait3A_265 : memref<1x128xi32, #tpu.memory_space<vmem>> -> memref<128xi32, #tpu.memory_space<vmem>>
      %dma_wait3A_267 = arith.constant 0 : i32
      %dma_wait3A_268 = arith.constant 0 : i32
      %dma_wait3A_269 = tpu.memref_slice %arg2[%dma_wait3A_267, %dma_wait3A_268] : memref<10000x32xf32, #tpu.memory_space<hbm>> -> memref<10000x32xf32, #tpu.memory_space<hbm>>
      tpu.wait_indirect_dma semaphore(%arg14 : memref<!tpu.dma_semaphore, #tpu.memory_space<semaphore_mem>>) src(%dma_wait3A_269 : memref<10000x32xf32, #tpu.memory_space<hbm>>) dst(%dma_wait3A_263 : memref<128x32xf32, #tpu.memory_space<vmem>>)
      %dma_wait3A_270 = arith.constant 6 : i32
      %dma_wait3A_271 = arith.constant 768 : i32
      %dma_wait3A_272 = arith.constant 0 : i32
      %dma_wait3A_273 = tpu.memref_slice %arg9[%dma_wait3A_271, %dma_wait3A_272] : memref<1024x32xf32, #tpu.memory_space<vmem>> -> memref<128x32xf32, #tpu.memory_space<vmem>>
      %dma_wait3A_274 = arith.constant 0 : i32
      %dma_wait3A_275 = tpu.memref_slice %arg7[%dma_wait3A_270, %dma_wait3A_274] : memref<8x128xi32, #tpu.memory_space<vmem>> -> memref<1x128xi32, #tpu.memory_space<vmem>>
      %dma_wait3A_276 = tpu.memref_squeeze %dma_wait3A_275 : memref<1x128xi32, #tpu.memory_space<vmem>> -> memref<128xi32, #tpu.memory_space<vmem>>
      %dma_wait3A_277 = arith.constant 0 : i32
      %dma_wait3A_278 = arith.constant 0 : i32
      %dma_wait3A_279 = tpu.memref_slice %arg2[%dma_wait3A_277, %dma_wait3A_278] : memref<10000x32xf32, #tpu.memory_space<hbm>> -> memref<10000x32xf32, #tpu.memory_space<hbm>>
      tpu.wait_indirect_dma semaphore(%arg14 : memref<!tpu.dma_semaphore, #tpu.memory_space<semaphore_mem>>) src(%dma_wait3A_279 : memref<10000x32xf32, #tpu.memory_space<hbm>>) dst(%dma_wait3A_273 : memref<128x32xf32, #tpu.memory_space<vmem>>)
      %dma_wait3A_280 = arith.constant 7 : i32
      %dma_wait3A_281 = arith.constant 896 : i32
      %dma_wait3A_282 = arith.constant 0 : i32
      %dma_wait3A_283 = tpu.memref_slice %arg9[%dma_wait3A_281, %dma_wait3A_282] : memref<1024x32xf32, #tpu.memory_space<vmem>> -> memref<128x32xf32, #tpu.memory_space<vmem>>
      %dma_wait3A_284 = arith.constant 0 : i32
      %dma_wait3A_285 = tpu.memref_slice %arg7[%dma_wait3A_280, %dma_wait3A_284] : memref<8x128xi32, #tpu.memory_space<vmem>> -> memref<1x128xi32, #tpu.memory_space<vmem>>
      %dma_wait3A_286 = tpu.memref_squeeze %dma_wait3A_285 : memref<1x128xi32, #tpu.memory_space<vmem>> -> memref<128xi32, #tpu.memory_space<vmem>>
      %dma_wait3A_287 = arith.constant 0 : i32
      %dma_wait3A_288 = arith.constant 0 : i32
      %dma_wait3A_289 = tpu.memref_slice %arg2[%dma_wait3A_287, %dma_wait3A_288] : memref<10000x32xf32, #tpu.memory_space<hbm>> -> memref<10000x32xf32, #tpu.memory_space<hbm>>
      tpu.wait_indirect_dma semaphore(%arg14 : memref<!tpu.dma_semaphore, #tpu.memory_space<semaphore_mem>>) src(%dma_wait3A_289 : memref<10000x32xf32, #tpu.memory_space<hbm>>) dst(%dma_wait3A_283 : memref<128x32xf32, #tpu.memory_space<vmem>>)
      %dma_start3A_290 = arith.constant 0 : i32
      %dma_start3A_291 = arith.constant 0 : i32
      %dma_start3A_292 = arith.constant 0 : i32
      %dma_start3A_293 = tpu.memref_slice %arg9[%dma_start3A_291, %dma_start3A_292] : memref<1024x32xf32, #tpu.memory_space<vmem>> -> memref<128x32xf32, #tpu.memory_space<vmem>>
      %dma_start3A_294 = arith.constant 0 : i32
      %dma_start3A_295 = tpu.memref_slice %arg8[%dma_start3A_290, %dma_start3A_294] : memref<8x128xi32, #tpu.memory_space<vmem>> -> memref<1x128xi32, #tpu.memory_space<vmem>>
      %dma_start3A_296 = tpu.memref_squeeze %dma_start3A_295 : memref<1x128xi32, #tpu.memory_space<vmem>> -> memref<128xi32, #tpu.memory_space<vmem>>
      %dma_start3A_297 = arith.constant 0 : i32
      %dma_start3A_298 = arith.constant 0 : i32
      %dma_start3A_299 = tpu.memref_slice %arg13[%dma_start3A_297, %dma_start3A_298] : memref<10112x32xf32, #tpu.memory_space<vmem_shared>> -> memref<10112x32xf32, #tpu.memory_space<vmem_shared>>
      tpu.enqueue_indirect_dma source(%dma_start3A_293 : memref<128x32xf32, #tpu.memory_space<vmem>>) target(%dma_start3A_299 : memref<10112x32xf32, #tpu.memory_space<vmem_shared>>) offsets(%dma_start3A_296 : memref<128xi32, #tpu.memory_space<vmem>>) semaphore(%arg16 : memref<!tpu.dma_semaphore, #tpu.memory_space<semaphore_mem>>) {add = true}
      %dma_start3A_300 = arith.constant 1 : i32
      %dma_start3A_301 = arith.constant 128 : i32
      %dma_start3A_302 = arith.constant 0 : i32
      %dma_start3A_303 = tpu.memref_slice %arg9[%dma_start3A_301, %dma_start3A_302] : memref<1024x32xf32, #tpu.memory_space<vmem>> -> memref<128x32xf32, #tpu.memory_space<vmem>>
      %dma_start3A_304 = arith.constant 0 : i32
      %dma_start3A_305 = tpu.memref_slice %arg8[%dma_start3A_300, %dma_start3A_304] : memref<8x128xi32, #tpu.memory_space<vmem>> -> memref<1x128xi32, #tpu.memory_space<vmem>>
      %dma_start3A_306 = tpu.memref_squeeze %dma_start3A_305 : memref<1x128xi32, #tpu.memory_space<vmem>> -> memref<128xi32, #tpu.memory_space<vmem>>
      %dma_start3A_307 = arith.constant 0 : i32
      %dma_start3A_308 = arith.constant 0 : i32
      %dma_start3A_309 = tpu.memref_slice %arg13[%dma_start3A_307, %dma_start3A_308] : memref<10112x32xf32, #tpu.memory_space<vmem_shared>> -> memref<10112x32xf32, #tpu.memory_space<vmem_shared>>
      tpu.enqueue_indirect_dma source(%dma_start3A_303 : memref<128x32xf32, #tpu.memory_space<vmem>>) target(%dma_start3A_309 : memref<10112x32xf32, #tpu.memory_space<vmem_shared>>) offsets(%dma_start3A_306 : memref<128xi32, #tpu.memory_space<vmem>>) semaphore(%arg16 : memref<!tpu.dma_semaphore, #tpu.memory_space<semaphore_mem>>) {add = true}
      %dma_start3A_310 = arith.constant 2 : i32
      %dma_start3A_311 = arith.constant 256 : i32
      %dma_start3A_312 = arith.constant 0 : i32
      %dma_start3A_313 = tpu.memref_slice %arg9[%dma_start3A_311, %dma_start3A_312] : memref<1024x32xf32, #tpu.memory_space<vmem>> -> memref<128x32xf32, #tpu.memory_space<vmem>>
      %dma_start3A_314 = arith.constant 0 : i32
      %dma_start3A_315 = tpu.memref_slice %arg8[%dma_start3A_310, %dma_start3A_314] : memref<8x128xi32, #tpu.memory_space<vmem>> -> memref<1x128xi32, #tpu.memory_space<vmem>>
      %dma_start3A_316 = tpu.memref_squeeze %dma_start3A_315 : memref<1x128xi32, #tpu.memory_space<vmem>> -> memref<128xi32, #tpu.memory_space<vmem>>
      %dma_start3A_317 = arith.constant 0 : i32
      %dma_start3A_318 = arith.constant 0 : i32
      %dma_start3A_319 = tpu.memref_slice %arg13[%dma_start3A_317, %dma_start3A_318] : memref<10112x32xf32, #tpu.memory_space<vmem_shared>> -> memref<10112x32xf32, #tpu.memory_space<vmem_shared>>
      tpu.enqueue_indirect_dma source(%dma_start3A_313 : memref<128x32xf32, #tpu.memory_space<vmem>>) target(%dma_start3A_319 : memref<10112x32xf32, #tpu.memory_space<vmem_shared>>) offsets(%dma_start3A_316 : memref<128xi32, #tpu.memory_space<vmem>>) semaphore(%arg16 : memref<!tpu.dma_semaphore, #tpu.memory_space<semaphore_mem>>) {add = true}
      %dma_start3A_320 = arith.constant 3 : i32
      %dma_start3A_321 = arith.constant 384 : i32
      %dma_start3A_322 = arith.constant 0 : i32
      %dma_start3A_323 = tpu.memref_slice %arg9[%dma_start3A_321, %dma_start3A_322] : memref<1024x32xf32, #tpu.memory_space<vmem>> -> memref<128x32xf32, #tpu.memory_space<vmem>>
      %dma_start3A_324 = arith.constant 0 : i32
      %dma_start3A_325 = tpu.memref_slice %arg8[%dma_start3A_320, %dma_start3A_324] : memref<8x128xi32, #tpu.memory_space<vmem>> -> memref<1x128xi32, #tpu.memory_space<vmem>>
      %dma_start3A_326 = tpu.memref_squeeze %dma_start3A_325 : memref<1x128xi32, #tpu.memory_space<vmem>> -> memref<128xi32, #tpu.memory_space<vmem>>
      %dma_start3A_327 = arith.constant 0 : i32
      %dma_start3A_328 = arith.constant 0 : i32
      %dma_start3A_329 = tpu.memref_slice %arg13[%dma_start3A_327, %dma_start3A_328] : memref<10112x32xf32, #tpu.memory_space<vmem_shared>> -> memref<10112x32xf32, #tpu.memory_space<vmem_shared>>
      tpu.enqueue_indirect_dma source(%dma_start3A_323 : memref<128x32xf32, #tpu.memory_space<vmem>>) target(%dma_start3A_329 : memref<10112x32xf32, #tpu.memory_space<vmem_shared>>) offsets(%dma_start3A_326 : memref<128xi32, #tpu.memory_space<vmem>>) semaphore(%arg16 : memref<!tpu.dma_semaphore, #tpu.memory_space<semaphore_mem>>) {add = true}
      %dma_start3A_330 = arith.constant 4 : i32
      %dma_start3A_331 = arith.constant 512 : i32
      %dma_start3A_332 = arith.constant 0 : i32
      %dma_start3A_333 = tpu.memref_slice %arg9[%dma_start3A_331, %dma_start3A_332] : memref<1024x32xf32, #tpu.memory_space<vmem>> -> memref<128x32xf32, #tpu.memory_space<vmem>>
      %dma_start3A_334 = arith.constant 0 : i32
      %dma_start3A_335 = tpu.memref_slice %arg8[%dma_start3A_330, %dma_start3A_334] : memref<8x128xi32, #tpu.memory_space<vmem>> -> memref<1x128xi32, #tpu.memory_space<vmem>>
      %dma_start3A_336 = tpu.memref_squeeze %dma_start3A_335 : memref<1x128xi32, #tpu.memory_space<vmem>> -> memref<128xi32, #tpu.memory_space<vmem>>
      %dma_start3A_337 = arith.constant 0 : i32
      %dma_start3A_338 = arith.constant 0 : i32
      %dma_start3A_339 = tpu.memref_slice %arg13[%dma_start3A_337, %dma_start3A_338] : memref<10112x32xf32, #tpu.memory_space<vmem_shared>> -> memref<10112x32xf32, #tpu.memory_space<vmem_shared>>
      tpu.enqueue_indirect_dma source(%dma_start3A_333 : memref<128x32xf32, #tpu.memory_space<vmem>>) target(%dma_start3A_339 : memref<10112x32xf32, #tpu.memory_space<vmem_shared>>) offsets(%dma_start3A_336 : memref<128xi32, #tpu.memory_space<vmem>>) semaphore(%arg16 : memref<!tpu.dma_semaphore, #tpu.memory_space<semaphore_mem>>) {add = true}
      %dma_start3A_340 = arith.constant 5 : i32
      %dma_start3A_341 = arith.constant 640 : i32
      %dma_start3A_342 = arith.constant 0 : i32
      %dma_start3A_343 = tpu.memref_slice %arg9[%dma_start3A_341, %dma_start3A_342] : memref<1024x32xf32, #tpu.memory_space<vmem>> -> memref<128x32xf32, #tpu.memory_space<vmem>>
      %dma_start3A_344 = arith.constant 0 : i32
      %dma_start3A_345 = tpu.memref_slice %arg8[%dma_start3A_340, %dma_start3A_344] : memref<8x128xi32, #tpu.memory_space<vmem>> -> memref<1x128xi32, #tpu.memory_space<vmem>>
      %dma_start3A_346 = tpu.memref_squeeze %dma_start3A_345 : memref<1x128xi32, #tpu.memory_space<vmem>> -> memref<128xi32, #tpu.memory_space<vmem>>
      %dma_start3A_347 = arith.constant 0 : i32
      %dma_start3A_348 = arith.constant 0 : i32
      %dma_start3A_349 = tpu.memref_slice %arg13[%dma_start3A_347, %dma_start3A_348] : memref<10112x32xf32, #tpu.memory_space<vmem_shared>> -> memref<10112x32xf32, #tpu.memory_space<vmem_shared>>
      tpu.enqueue_indirect_dma source(%dma_start3A_343 : memref<128x32xf32, #tpu.memory_space<vmem>>) target(%dma_start3A_349 : memref<10112x32xf32, #tpu.memory_space<vmem_shared>>) offsets(%dma_start3A_346 : memref<128xi32, #tpu.memory_space<vmem>>) semaphore(%arg16 : memref<!tpu.dma_semaphore, #tpu.memory_space<semaphore_mem>>) {add = true}
      %dma_start3A_350 = arith.constant 6 : i32
      %dma_start3A_351 = arith.constant 768 : i32
      %dma_start3A_352 = arith.constant 0 : i32
      %dma_start3A_353 = tpu.memref_slice %arg9[%dma_start3A_351, %dma_start3A_352] : memref<1024x32xf32, #tpu.memory_space<vmem>> -> memref<128x32xf32, #tpu.memory_space<vmem>>
      %dma_start3A_354 = arith.constant 0 : i32
      %dma_start3A_355 = tpu.memref_slice %arg8[%dma_start3A_350, %dma_start3A_354] : memref<8x128xi32, #tpu.memory_space<vmem>> -> memref<1x128xi32, #tpu.memory_space<vmem>>
      %dma_start3A_356 = tpu.memref_squeeze %dma_start3A_355 : memref<1x128xi32, #tpu.memory_space<vmem>> -> memref<128xi32, #tpu.memory_space<vmem>>
      %dma_start3A_357 = arith.constant 0 : i32
      %dma_start3A_358 = arith.constant 0 : i32
      %dma_start3A_359 = tpu.memref_slice %arg13[%dma_start3A_357, %dma_start3A_358] : memref<10112x32xf32, #tpu.memory_space<vmem_shared>> -> memref<10112x32xf32, #tpu.memory_space<vmem_shared>>
      tpu.enqueue_indirect_dma source(%dma_start3A_353 : memref<128x32xf32, #tpu.memory_space<vmem>>) target(%dma_start3A_359 : memref<10112x32xf32, #tpu.memory_space<vmem_shared>>) offsets(%dma_start3A_356 : memref<128xi32, #tpu.memory_space<vmem>>) semaphore(%arg16 : memref<!tpu.dma_semaphore, #tpu.memory_space<semaphore_mem>>) {add = true}
      %dma_start3A_360 = arith.constant 7 : i32
      %dma_start3A_361 = arith.constant 896 : i32
      %dma_start3A_362 = arith.constant 0 : i32
      %dma_start3A_363 = tpu.memref_slice %arg9[%dma_start3A_361, %dma_start3A_362] : memref<1024x32xf32, #tpu.memory_space<vmem>> -> memref<128x32xf32, #tpu.memory_space<vmem>>
      %dma_start3A_364 = arith.constant 0 : i32
      %dma_start3A_365 = tpu.memref_slice %arg8[%dma_start3A_360, %dma_start3A_364] : memref<8x128xi32, #tpu.memory_space<vmem>> -> memref<1x128xi32, #tpu.memory_space<vmem>>
      %dma_start3A_366 = tpu.memref_squeeze %dma_start3A_365 : memref<1x128xi32, #tpu.memory_space<vmem>> -> memref<128xi32, #tpu.memory_space<vmem>>
      %dma_start3A_367 = arith.constant 0 : i32
      %dma_start3A_368 = arith.constant 0 : i32
      %dma_start3A_369 = tpu.memref_slice %arg13[%dma_start3A_367, %dma_start3A_368] : memref<10112x32xf32, #tpu.memory_space<vmem_shared>> -> memref<10112x32xf32, #tpu.memory_space<vmem_shared>>
      tpu.enqueue_indirect_dma source(%dma_start3A_363 : memref<128x32xf32, #tpu.memory_space<vmem>>) target(%dma_start3A_369 : memref<10112x32xf32, #tpu.memory_space<vmem_shared>>) offsets(%dma_start3A_366 : memref<128xi32, #tpu.memory_space<vmem>>) semaphore(%arg16 : memref<!tpu.dma_semaphore, #tpu.memory_space<semaphore_mem>>) {add = true}
      %dma_wait3A_370 = arith.constant 0 : i32
      %dma_wait3A_371 = arith.constant 0 : i32
      %dma_wait3A_372 = arith.constant 0 : i32
      %dma_wait3A_373 = tpu.memref_slice %arg12[%dma_wait3A_371, %dma_wait3A_372] : memref<1024x32xf32, #tpu.memory_space<vmem>> -> memref<128x32xf32, #tpu.memory_space<vmem>>
      %dma_wait3A_374 = arith.constant 0 : i32
      %dma_wait3A_375 = tpu.memref_slice %arg10[%dma_wait3A_370, %dma_wait3A_374] : memref<8x128xi32, #tpu.memory_space<vmem>> -> memref<1x128xi32, #tpu.memory_space<vmem>>
      %dma_wait3A_376 = tpu.memref_squeeze %dma_wait3A_375 : memref<1x128xi32, #tpu.memory_space<vmem>> -> memref<128xi32, #tpu.memory_space<vmem>>
      %dma_wait3A_377 = arith.constant 0 : i32
      %dma_wait3A_378 = arith.constant 0 : i32
      %dma_wait3A_379 = tpu.memref_slice %arg2[%dma_wait3A_377, %dma_wait3A_378] : memref<10000x32xf32, #tpu.memory_space<hbm>> -> memref<10000x32xf32, #tpu.memory_space<hbm>>
      tpu.wait_indirect_dma semaphore(%arg15 : memref<!tpu.dma_semaphore, #tpu.memory_space<semaphore_mem>>) src(%dma_wait3A_379 : memref<10000x32xf32, #tpu.memory_space<hbm>>) dst(%dma_wait3A_373 : memref<128x32xf32, #tpu.memory_space<vmem>>)
      %dma_wait3A_380 = arith.constant 1 : i32
      %dma_wait3A_381 = arith.constant 128 : i32
      %dma_wait3A_382 = arith.constant 0 : i32
      %dma_wait3A_383 = tpu.memref_slice %arg12[%dma_wait3A_381, %dma_wait3A_382] : memref<1024x32xf32, #tpu.memory_space<vmem>> -> memref<128x32xf32, #tpu.memory_space<vmem>>
      %dma_wait3A_384 = arith.constant 0 : i32
      %dma_wait3A_385 = tpu.memref_slice %arg10[%dma_wait3A_380, %dma_wait3A_384] : memref<8x128xi32, #tpu.memory_space<vmem>> -> memref<1x128xi32, #tpu.memory_space<vmem>>
      %dma_wait3A_386 = tpu.memref_squeeze %dma_wait3A_385 : memref<1x128xi32, #tpu.memory_space<vmem>> -> memref<128xi32, #tpu.memory_space<vmem>>
      %dma_wait3A_387 = arith.constant 0 : i32
      %dma_wait3A_388 = arith.constant 0 : i32
      %dma_wait3A_389 = tpu.memref_slice %arg2[%dma_wait3A_387, %dma_wait3A_388] : memref<10000x32xf32, #tpu.memory_space<hbm>> -> memref<10000x32xf32, #tpu.memory_space<hbm>>
      tpu.wait_indirect_dma semaphore(%arg15 : memref<!tpu.dma_semaphore, #tpu.memory_space<semaphore_mem>>) src(%dma_wait3A_389 : memref<10000x32xf32, #tpu.memory_space<hbm>>) dst(%dma_wait3A_383 : memref<128x32xf32, #tpu.memory_space<vmem>>)
      %dma_wait3A_390 = arith.constant 2 : i32
      %dma_wait3A_391 = arith.constant 256 : i32
      %dma_wait3A_392 = arith.constant 0 : i32
      %dma_wait3A_393 = tpu.memref_slice %arg12[%dma_wait3A_391, %dma_wait3A_392] : memref<1024x32xf32, #tpu.memory_space<vmem>> -> memref<128x32xf32, #tpu.memory_space<vmem>>
      %dma_wait3A_394 = arith.constant 0 : i32
      %dma_wait3A_395 = tpu.memref_slice %arg10[%dma_wait3A_390, %dma_wait3A_394] : memref<8x128xi32, #tpu.memory_space<vmem>> -> memref<1x128xi32, #tpu.memory_space<vmem>>
      %dma_wait3A_396 = tpu.memref_squeeze %dma_wait3A_395 : memref<1x128xi32, #tpu.memory_space<vmem>> -> memref<128xi32, #tpu.memory_space<vmem>>
      %dma_wait3A_397 = arith.constant 0 : i32
      %dma_wait3A_398 = arith.constant 0 : i32
      %dma_wait3A_399 = tpu.memref_slice %arg2[%dma_wait3A_397, %dma_wait3A_398] : memref<10000x32xf32, #tpu.memory_space<hbm>> -> memref<10000x32xf32, #tpu.memory_space<hbm>>
      tpu.wait_indirect_dma semaphore(%arg15 : memref<!tpu.dma_semaphore, #tpu.memory_space<semaphore_mem>>) src(%dma_wait3A_399 : memref<10000x32xf32, #tpu.memory_space<hbm>>) dst(%dma_wait3A_393 : memref<128x32xf32, #tpu.memory_space<vmem>>)
      %dma_wait3A_400 = arith.constant 3 : i32
      %dma_wait3A_401 = arith.constant 384 : i32
      %dma_wait3A_402 = arith.constant 0 : i32
      %dma_wait3A_403 = tpu.memref_slice %arg12[%dma_wait3A_401, %dma_wait3A_402] : memref<1024x32xf32, #tpu.memory_space<vmem>> -> memref<128x32xf32, #tpu.memory_space<vmem>>
      %dma_wait3A_404 = arith.constant 0 : i32
      %dma_wait3A_405 = tpu.memref_slice %arg10[%dma_wait3A_400, %dma_wait3A_404] : memref<8x128xi32, #tpu.memory_space<vmem>> -> memref<1x128xi32, #tpu.memory_space<vmem>>
      %dma_wait3A_406 = tpu.memref_squeeze %dma_wait3A_405 : memref<1x128xi32, #tpu.memory_space<vmem>> -> memref<128xi32, #tpu.memory_space<vmem>>
      %dma_wait3A_407 = arith.constant 0 : i32
      %dma_wait3A_408 = arith.constant 0 : i32
      %dma_wait3A_409 = tpu.memref_slice %arg2[%dma_wait3A_407, %dma_wait3A_408] : memref<10000x32xf32, #tpu.memory_space<hbm>> -> memref<10000x32xf32, #tpu.memory_space<hbm>>
      tpu.wait_indirect_dma semaphore(%arg15 : memref<!tpu.dma_semaphore, #tpu.memory_space<semaphore_mem>>) src(%dma_wait3A_409 : memref<10000x32xf32, #tpu.memory_space<hbm>>) dst(%dma_wait3A_403 : memref<128x32xf32, #tpu.memory_space<vmem>>)
      %dma_wait3A_410 = arith.constant 4 : i32
      %dma_wait3A_411 = arith.constant 512 : i32
      %dma_wait3A_412 = arith.constant 0 : i32
      %dma_wait3A_413 = tpu.memref_slice %arg12[%dma_wait3A_411, %dma_wait3A_412] : memref<1024x32xf32, #tpu.memory_space<vmem>> -> memref<128x32xf32, #tpu.memory_space<vmem>>
      %dma_wait3A_414 = arith.constant 0 : i32
      %dma_wait3A_415 = tpu.memref_slice %arg10[%dma_wait3A_410, %dma_wait3A_414] : memref<8x128xi32, #tpu.memory_space<vmem>> -> memref<1x128xi32, #tpu.memory_space<vmem>>
      %dma_wait3A_416 = tpu.memref_squeeze %dma_wait3A_415 : memref<1x128xi32, #tpu.memory_space<vmem>> -> memref<128xi32, #tpu.memory_space<vmem>>
      %dma_wait3A_417 = arith.constant 0 : i32
      %dma_wait3A_418 = arith.constant 0 : i32
      %dma_wait3A_419 = tpu.memref_slice %arg2[%dma_wait3A_417, %dma_wait3A_418] : memref<10000x32xf32, #tpu.memory_space<hbm>> -> memref<10000x32xf32, #tpu.memory_space<hbm>>
      tpu.wait_indirect_dma semaphore(%arg15 : memref<!tpu.dma_semaphore, #tpu.memory_space<semaphore_mem>>) src(%dma_wait3A_419 : memref<10000x32xf32, #tpu.memory_space<hbm>>) dst(%dma_wait3A_413 : memref<128x32xf32, #tpu.memory_space<vmem>>)
      %dma_wait3A_420 = arith.constant 5 : i32
      %dma_wait3A_421 = arith.constant 640 : i32
      %dma_wait3A_422 = arith.constant 0 : i32
      %dma_wait3A_423 = tpu.memref_slice %arg12[%dma_wait3A_421, %dma_wait3A_422] : memref<1024x32xf32, #tpu.memory_space<vmem>> -> memref<128x32xf32, #tpu.memory_space<vmem>>
      %dma_wait3A_424 = arith.constant 0 : i32
      %dma_wait3A_425 = tpu.memref_slice %arg10[%dma_wait3A_420, %dma_wait3A_424] : memref<8x128xi32, #tpu.memory_space<vmem>> -> memref<1x128xi32, #tpu.memory_space<vmem>>
      %dma_wait3A_426 = tpu.memref_squeeze %dma_wait3A_425 : memref<1x128xi32, #tpu.memory_space<vmem>> -> memref<128xi32, #tpu.memory_space<vmem>>
      %dma_wait3A_427 = arith.constant 0 : i32
      %dma_wait3A_428 = arith.constant 0 : i32
      %dma_wait3A_429 = tpu.memref_slice %arg2[%dma_wait3A_427, %dma_wait3A_428] : memref<10000x32xf32, #tpu.memory_space<hbm>> -> memref<10000x32xf32, #tpu.memory_space<hbm>>
      tpu.wait_indirect_dma semaphore(%arg15 : memref<!tpu.dma_semaphore, #tpu.memory_space<semaphore_mem>>) src(%dma_wait3A_429 : memref<10000x32xf32, #tpu.memory_space<hbm>>) dst(%dma_wait3A_423 : memref<128x32xf32, #tpu.memory_space<vmem>>)
      %dma_wait3A_430 = arith.constant 6 : i32
      %dma_wait3A_431 = arith.constant 768 : i32
      %dma_wait3A_432 = arith.constant 0 : i32
      %dma_wait3A_433 = tpu.memref_slice %arg12[%dma_wait3A_431, %dma_wait3A_432] : memref<1024x32xf32, #tpu.memory_space<vmem>> -> memref<128x32xf32, #tpu.memory_space<vmem>>
      %dma_wait3A_434 = arith.constant 0 : i32
      %dma_wait3A_435 = tpu.memref_slice %arg10[%dma_wait3A_430, %dma_wait3A_434] : memref<8x128xi32, #tpu.memory_space<vmem>> -> memref<1x128xi32, #tpu.memory_space<vmem>>
      %dma_wait3A_436 = tpu.memref_squeeze %dma_wait3A_435 : memref<1x128xi32, #tpu.memory_space<vmem>> -> memref<128xi32, #tpu.memory_space<vmem>>
      %dma_wait3A_437 = arith.constant 0 : i32
      %dma_wait3A_438 = arith.constant 0 : i32
      %dma_wait3A_439 = tpu.memref_slice %arg2[%dma_wait3A_437, %dma_wait3A_438] : memref<10000x32xf32, #tpu.memory_space<hbm>> -> memref<10000x32xf32, #tpu.memory_space<hbm>>
      tpu.wait_indirect_dma semaphore(%arg15 : memref<!tpu.dma_semaphore, #tpu.memory_space<semaphore_mem>>) src(%dma_wait3A_439 : memref<10000x32xf32, #tpu.memory_space<hbm>>) dst(%dma_wait3A_433 : memref<128x32xf32, #tpu.memory_space<vmem>>)
      %dma_wait3A_440 = arith.constant 7 : i32
      %dma_wait3A_441 = arith.constant 896 : i32
      %dma_wait3A_442 = arith.constant 0 : i32
      %dma_wait3A_443 = tpu.memref_slice %arg12[%dma_wait3A_441, %dma_wait3A_442] : memref<1024x32xf32, #tpu.memory_space<vmem>> -> memref<128x32xf32, #tpu.memory_space<vmem>>
      %dma_wait3A_444 = arith.constant 0 : i32
      %dma_wait3A_445 = tpu.memref_slice %arg10[%dma_wait3A_440, %dma_wait3A_444] : memref<8x128xi32, #tpu.memory_space<vmem>> -> memref<1x128xi32, #tpu.memory_space<vmem>>
      %dma_wait3A_446 = tpu.memref_squeeze %dma_wait3A_445 : memref<1x128xi32, #tpu.memory_space<vmem>> -> memref<128xi32, #tpu.memory_space<vmem>>
      %dma_wait3A_447 = arith.constant 0 : i32
      %dma_wait3A_448 = arith.constant 0 : i32
      %dma_wait3A_449 = tpu.memref_slice %arg2[%dma_wait3A_447, %dma_wait3A_448] : memref<10000x32xf32, #tpu.memory_space<hbm>> -> memref<10000x32xf32, #tpu.memory_space<hbm>>
      tpu.wait_indirect_dma semaphore(%arg15 : memref<!tpu.dma_semaphore, #tpu.memory_space<semaphore_mem>>) src(%dma_wait3A_449 : memref<10000x32xf32, #tpu.memory_space<hbm>>) dst(%dma_wait3A_443 : memref<128x32xf32, #tpu.memory_space<vmem>>)
      %dma_start3A_450 = arith.constant 0 : i32
      %dma_start3A_451 = arith.constant 0 : i32
      %dma_start3A_452 = arith.constant 0 : i32
      %dma_start3A_453 = tpu.memref_slice %arg12[%dma_start3A_451, %dma_start3A_452] : memref<1024x32xf32, #tpu.memory_space<vmem>> -> memref<128x32xf32, #tpu.memory_space<vmem>>
      %dma_start3A_454 = arith.constant 0 : i32
      %dma_start3A_455 = tpu.memref_slice %arg11[%dma_start3A_450, %dma_start3A_454] : memref<8x128xi32, #tpu.memory_space<vmem>> -> memref<1x128xi32, #tpu.memory_space<vmem>>
      %dma_start3A_456 = tpu.memref_squeeze %dma_start3A_455 : memref<1x128xi32, #tpu.memory_space<vmem>> -> memref<128xi32, #tpu.memory_space<vmem>>
      %dma_start3A_457 = arith.constant 0 : i32
      %dma_start3A_458 = arith.constant 0 : i32
      %dma_start3A_459 = tpu.memref_slice %arg13[%dma_start3A_457, %dma_start3A_458] : memref<10112x32xf32, #tpu.memory_space<vmem_shared>> -> memref<10112x32xf32, #tpu.memory_space<vmem_shared>>
      tpu.enqueue_indirect_dma source(%dma_start3A_453 : memref<128x32xf32, #tpu.memory_space<vmem>>) target(%dma_start3A_459 : memref<10112x32xf32, #tpu.memory_space<vmem_shared>>) offsets(%dma_start3A_456 : memref<128xi32, #tpu.memory_space<vmem>>) semaphore(%arg17 : memref<!tpu.dma_semaphore, #tpu.memory_space<semaphore_mem>>) {add = true}
      %dma_start3A_460 = arith.constant 1 : i32
      %dma_start3A_461 = arith.constant 128 : i32
      %dma_start3A_462 = arith.constant 0 : i32
      %dma_start3A_463 = tpu.memref_slice %arg12[%dma_start3A_461, %dma_start3A_462] : memref<1024x32xf32, #tpu.memory_space<vmem>> -> memref<128x32xf32, #tpu.memory_space<vmem>>
      %dma_start3A_464 = arith.constant 0 : i32
      %dma_start3A_465 = tpu.memref_slice %arg11[%dma_start3A_460, %dma_start3A_464] : memref<8x128xi32, #tpu.memory_space<vmem>> -> memref<1x128xi32, #tpu.memory_space<vmem>>
      %dma_start3A_466 = tpu.memref_squeeze %dma_start3A_465 : memref<1x128xi32, #tpu.memory_space<vmem>> -> memref<128xi32, #tpu.memory_space<vmem>>
      %dma_start3A_467 = arith.constant 0 : i32
      %dma_start3A_468 = arith.constant 0 : i32
      %dma_start3A_469 = tpu.memref_slice %arg13[%dma_start3A_467, %dma_start3A_468] : memref<10112x32xf32, #tpu.memory_space<vmem_shared>> -> memref<10112x32xf32, #tpu.memory_space<vmem_shared>>
      tpu.enqueue_indirect_dma source(%dma_start3A_463 : memref<128x32xf32, #tpu.memory_space<vmem>>) target(%dma_start3A_469 : memref<10112x32xf32, #tpu.memory_space<vmem_shared>>) offsets(%dma_start3A_466 : memref<128xi32, #tpu.memory_space<vmem>>) semaphore(%arg17 : memref<!tpu.dma_semaphore, #tpu.memory_space<semaphore_mem>>) {add = true}
      %dma_start3A_470 = arith.constant 2 : i32
      %dma_start3A_471 = arith.constant 256 : i32
      %dma_start3A_472 = arith.constant 0 : i32
      %dma_start3A_473 = tpu.memref_slice %arg12[%dma_start3A_471, %dma_start3A_472] : memref<1024x32xf32, #tpu.memory_space<vmem>> -> memref<128x32xf32, #tpu.memory_space<vmem>>
      %dma_start3A_474 = arith.constant 0 : i32
      %dma_start3A_475 = tpu.memref_slice %arg11[%dma_start3A_470, %dma_start3A_474] : memref<8x128xi32, #tpu.memory_space<vmem>> -> memref<1x128xi32, #tpu.memory_space<vmem>>
      %dma_start3A_476 = tpu.memref_squeeze %dma_start3A_475 : memref<1x128xi32, #tpu.memory_space<vmem>> -> memref<128xi32, #tpu.memory_space<vmem>>
      %dma_start3A_477 = arith.constant 0 : i32
      %dma_start3A_478 = arith.constant 0 : i32
      %dma_start3A_479 = tpu.memref_slice %arg13[%dma_start3A_477, %dma_start3A_478] : memref<10112x32xf32, #tpu.memory_space<vmem_shared>> -> memref<10112x32xf32, #tpu.memory_space<vmem_shared>>
      tpu.enqueue_indirect_dma source(%dma_start3A_473 : memref<128x32xf32, #tpu.memory_space<vmem>>) target(%dma_start3A_479 : memref<10112x32xf32, #tpu.memory_space<vmem_shared>>) offsets(%dma_start3A_476 : memref<128xi32, #tpu.memory_space<vmem>>) semaphore(%arg17 : memref<!tpu.dma_semaphore, #tpu.memory_space<semaphore_mem>>) {add = true}
      %dma_start3A_480 = arith.constant 3 : i32
      %dma_start3A_481 = arith.constant 384 : i32
      %dma_start3A_482 = arith.constant 0 : i32
      %dma_start3A_483 = tpu.memref_slice %arg12[%dma_start3A_481, %dma_start3A_482] : memref<1024x32xf32, #tpu.memory_space<vmem>> -> memref<128x32xf32, #tpu.memory_space<vmem>>
      %dma_start3A_484 = arith.constant 0 : i32
      %dma_start3A_485 = tpu.memref_slice %arg11[%dma_start3A_480, %dma_start3A_484] : memref<8x128xi32, #tpu.memory_space<vmem>> -> memref<1x128xi32, #tpu.memory_space<vmem>>
      %dma_start3A_486 = tpu.memref_squeeze %dma_start3A_485 : memref<1x128xi32, #tpu.memory_space<vmem>> -> memref<128xi32, #tpu.memory_space<vmem>>
      %dma_start3A_487 = arith.constant 0 : i32
      %dma_start3A_488 = arith.constant 0 : i32
      %dma_start3A_489 = tpu.memref_slice %arg13[%dma_start3A_487, %dma_start3A_488] : memref<10112x32xf32, #tpu.memory_space<vmem_shared>> -> memref<10112x32xf32, #tpu.memory_space<vmem_shared>>
      tpu.enqueue_indirect_dma source(%dma_start3A_483 : memref<128x32xf32, #tpu.memory_space<vmem>>) target(%dma_start3A_489 : memref<10112x32xf32, #tpu.memory_space<vmem_shared>>) offsets(%dma_start3A_486 : memref<128xi32, #tpu.memory_space<vmem>>) semaphore(%arg17 : memref<!tpu.dma_semaphore, #tpu.memory_space<semaphore_mem>>) {add = true}
      %dma_start3A_490 = arith.constant 4 : i32
      %dma_start3A_491 = arith.constant 512 : i32
      %dma_start3A_492 = arith.constant 0 : i32
      %dma_start3A_493 = tpu.memref_slice %arg12[%dma_start3A_491, %dma_start3A_492] : memref<1024x32xf32, #tpu.memory_space<vmem>> -> memref<128x32xf32, #tpu.memory_space<vmem>>
      %dma_start3A_494 = arith.constant 0 : i32
      %dma_start3A_495 = tpu.memref_slice %arg11[%dma_start3A_490, %dma_start3A_494] : memref<8x128xi32, #tpu.memory_space<vmem>> -> memref<1x128xi32, #tpu.memory_space<vmem>>
      %dma_start3A_496 = tpu.memref_squeeze %dma_start3A_495 : memref<1x128xi32, #tpu.memory_space<vmem>> -> memref<128xi32, #tpu.memory_space<vmem>>
      %dma_start3A_497 = arith.constant 0 : i32
      %dma_start3A_498 = arith.constant 0 : i32
      %dma_start3A_499 = tpu.memref_slice %arg13[%dma_start3A_497, %dma_start3A_498] : memref<10112x32xf32, #tpu.memory_space<vmem_shared>> -> memref<10112x32xf32, #tpu.memory_space<vmem_shared>>
      tpu.enqueue_indirect_dma source(%dma_start3A_493 : memref<128x32xf32, #tpu.memory_space<vmem>>) target(%dma_start3A_499 : memref<10112x32xf32, #tpu.memory_space<vmem_shared>>) offsets(%dma_start3A_496 : memref<128xi32, #tpu.memory_space<vmem>>) semaphore(%arg17 : memref<!tpu.dma_semaphore, #tpu.memory_space<semaphore_mem>>) {add = true}
      %dma_start3A_500 = arith.constant 5 : i32
      %dma_start3A_501 = arith.constant 640 : i32
      %dma_start3A_502 = arith.constant 0 : i32
      %dma_start3A_503 = tpu.memref_slice %arg12[%dma_start3A_501, %dma_start3A_502] : memref<1024x32xf32, #tpu.memory_space<vmem>> -> memref<128x32xf32, #tpu.memory_space<vmem>>
      %dma_start3A_504 = arith.constant 0 : i32
      %dma_start3A_505 = tpu.memref_slice %arg11[%dma_start3A_500, %dma_start3A_504] : memref<8x128xi32, #tpu.memory_space<vmem>> -> memref<1x128xi32, #tpu.memory_space<vmem>>
      %dma_start3A_506 = tpu.memref_squeeze %dma_start3A_505 : memref<1x128xi32, #tpu.memory_space<vmem>> -> memref<128xi32, #tpu.memory_space<vmem>>
      %dma_start3A_507 = arith.constant 0 : i32
      %dma_start3A_508 = arith.constant 0 : i32
      %dma_start3A_509 = tpu.memref_slice %arg13[%dma_start3A_507, %dma_start3A_508] : memref<10112x32xf32, #tpu.memory_space<vmem_shared>> -> memref<10112x32xf32, #tpu.memory_space<vmem_shared>>
      tpu.enqueue_indirect_dma source(%dma_start3A_503 : memref<128x32xf32, #tpu.memory_space<vmem>>) target(%dma_start3A_509 : memref<10112x32xf32, #tpu.memory_space<vmem_shared>>) offsets(%dma_start3A_506 : memref<128xi32, #tpu.memory_space<vmem>>) semaphore(%arg17 : memref<!tpu.dma_semaphore, #tpu.memory_space<semaphore_mem>>) {add = true}
      %dma_start3A_510 = arith.constant 6 : i32
      %dma_start3A_511 = arith.constant 768 : i32
      %dma_start3A_512 = arith.constant 0 : i32
      %dma_start3A_513 = tpu.memref_slice %arg12[%dma_start3A_511, %dma_start3A_512] : memref<1024x32xf32, #tpu.memory_space<vmem>> -> memref<128x32xf32, #tpu.memory_space<vmem>>
      %dma_start3A_514 = arith.constant 0 : i32
      %dma_start3A_515 = tpu.memref_slice %arg11[%dma_start3A_510, %dma_start3A_514] : memref<8x128xi32, #tpu.memory_space<vmem>> -> memref<1x128xi32, #tpu.memory_space<vmem>>
      %dma_start3A_516 = tpu.memref_squeeze %dma_start3A_515 : memref<1x128xi32, #tpu.memory_space<vmem>> -> memref<128xi32, #tpu.memory_space<vmem>>
      %dma_start3A_517 = arith.constant 0 : i32
      %dma_start3A_518 = arith.constant 0 : i32
      %dma_start3A_519 = tpu.memref_slice %arg13[%dma_start3A_517, %dma_start3A_518] : memref<10112x32xf32, #tpu.memory_space<vmem_shared>> -> memref<10112x32xf32, #tpu.memory_space<vmem_shared>>
      tpu.enqueue_indirect_dma source(%dma_start3A_513 : memref<128x32xf32, #tpu.memory_space<vmem>>) target(%dma_start3A_519 : memref<10112x32xf32, #tpu.memory_space<vmem_shared>>) offsets(%dma_start3A_516 : memref<128xi32, #tpu.memory_space<vmem>>) semaphore(%arg17 : memref<!tpu.dma_semaphore, #tpu.memory_space<semaphore_mem>>) {add = true}
      %dma_start3A_520 = arith.constant 7 : i32
      %dma_start3A_521 = arith.constant 896 : i32
      %dma_start3A_522 = arith.constant 0 : i32
      %dma_start3A_523 = tpu.memref_slice %arg12[%dma_start3A_521, %dma_start3A_522] : memref<1024x32xf32, #tpu.memory_space<vmem>> -> memref<128x32xf32, #tpu.memory_space<vmem>>
      %dma_start3A_524 = arith.constant 0 : i32
      %dma_start3A_525 = tpu.memref_slice %arg11[%dma_start3A_520, %dma_start3A_524] : memref<8x128xi32, #tpu.memory_space<vmem>> -> memref<1x128xi32, #tpu.memory_space<vmem>>
      %dma_start3A_526 = tpu.memref_squeeze %dma_start3A_525 : memref<1x128xi32, #tpu.memory_space<vmem>> -> memref<128xi32, #tpu.memory_space<vmem>>
      %dma_start3A_527 = arith.constant 0 : i32
      %dma_start3A_528 = arith.constant 0 : i32
      %dma_start3A_529 = tpu.memref_slice %arg13[%dma_start3A_527, %dma_start3A_528] : memref<10112x32xf32, #tpu.memory_space<vmem_shared>> -> memref<10112x32xf32, #tpu.memory_space<vmem_shared>>
      tpu.enqueue_indirect_dma source(%dma_start3A_523 : memref<128x32xf32, #tpu.memory_space<vmem>>) target(%dma_start3A_529 : memref<10112x32xf32, #tpu.memory_space<vmem_shared>>) offsets(%dma_start3A_526 : memref<128xi32, #tpu.memory_space<vmem>>) semaphore(%arg17 : memref<!tpu.dma_semaphore, #tpu.memory_space<semaphore_mem>>) {add = true}
      %dma_wait3A_530 = arith.constant 0 : i32
      %dma_wait3A_531 = arith.constant 0 : i32
      %dma_wait3A_532 = arith.constant 0 : i32
      %dma_wait3A_533 = tpu.memref_slice %arg9[%dma_wait3A_531, %dma_wait3A_532] : memref<1024x32xf32, #tpu.memory_space<vmem>> -> memref<128x32xf32, #tpu.memory_space<vmem>>
      %dma_wait3A_534 = arith.constant 0 : i32
      %dma_wait3A_535 = tpu.memref_slice %arg8[%dma_wait3A_530, %dma_wait3A_534] : memref<8x128xi32, #tpu.memory_space<vmem>> -> memref<1x128xi32, #tpu.memory_space<vmem>>
      %dma_wait3A_536 = tpu.memref_squeeze %dma_wait3A_535 : memref<1x128xi32, #tpu.memory_space<vmem>> -> memref<128xi32, #tpu.memory_space<vmem>>
      %dma_wait3A_537 = arith.constant 0 : i32
      %dma_wait3A_538 = arith.constant 0 : i32
      %dma_wait3A_539 = tpu.memref_slice %arg13[%dma_wait3A_537, %dma_wait3A_538] : memref<10112x32xf32, #tpu.memory_space<vmem_shared>> -> memref<10112x32xf32, #tpu.memory_space<vmem_shared>>
      tpu.wait_indirect_dma semaphore(%arg16 : memref<!tpu.dma_semaphore, #tpu.memory_space<semaphore_mem>>) src(%dma_wait3A_533 : memref<128x32xf32, #tpu.memory_space<vmem>>) dst(%dma_wait3A_539 : memref<10112x32xf32, #tpu.memory_space<vmem_shared>>)
      %dma_wait3A_540 = arith.constant 1 : i32
      %dma_wait3A_541 = arith.constant 128 : i32
      %dma_wait3A_542 = arith.constant 0 : i32
      %dma_wait3A_543 = tpu.memref_slice %arg9[%dma_wait3A_541, %dma_wait3A_542] : memref<1024x32xf32, #tpu.memory_space<vmem>> -> memref<128x32xf32, #tpu.memory_space<vmem>>
      %dma_wait3A_544 = arith.constant 0 : i32
      %dma_wait3A_545 = tpu.memref_slice %arg8[%dma_wait3A_540, %dma_wait3A_544] : memref<8x128xi32, #tpu.memory_space<vmem>> -> memref<1x128xi32, #tpu.memory_space<vmem>>
      %dma_wait3A_546 = tpu.memref_squeeze %dma_wait3A_545 : memref<1x128xi32, #tpu.memory_space<vmem>> -> memref<128xi32, #tpu.memory_space<vmem>>
      %dma_wait3A_547 = arith.constant 0 : i32
      %dma_wait3A_548 = arith.constant 0 : i32
      %dma_wait3A_549 = tpu.memref_slice %arg13[%dma_wait3A_547, %dma_wait3A_548] : memref<10112x32xf32, #tpu.memory_space<vmem_shared>> -> memref<10112x32xf32, #tpu.memory_space<vmem_shared>>
      tpu.wait_indirect_dma semaphore(%arg16 : memref<!tpu.dma_semaphore, #tpu.memory_space<semaphore_mem>>) src(%dma_wait3A_543 : memref<128x32xf32, #tpu.memory_space<vmem>>) dst(%dma_wait3A_549 : memref<10112x32xf32, #tpu.memory_space<vmem_shared>>)
      %dma_wait3A_550 = arith.constant 2 : i32
      %dma_wait3A_551 = arith.constant 256 : i32
      %dma_wait3A_552 = arith.constant 0 : i32
      %dma_wait3A_553 = tpu.memref_slice %arg9[%dma_wait3A_551, %dma_wait3A_552] : memref<1024x32xf32, #tpu.memory_space<vmem>> -> memref<128x32xf32, #tpu.memory_space<vmem>>
      %dma_wait3A_554 = arith.constant 0 : i32
      %dma_wait3A_555 = tpu.memref_slice %arg8[%dma_wait3A_550, %dma_wait3A_554] : memref<8x128xi32, #tpu.memory_space<vmem>> -> memref<1x128xi32, #tpu.memory_space<vmem>>
      %dma_wait3A_556 = tpu.memref_squeeze %dma_wait3A_555 : memref<1x128xi32, #tpu.memory_space<vmem>> -> memref<128xi32, #tpu.memory_space<vmem>>
      %dma_wait3A_557 = arith.constant 0 : i32
      %dma_wait3A_558 = arith.constant 0 : i32
      %dma_wait3A_559 = tpu.memref_slice %arg13[%dma_wait3A_557, %dma_wait3A_558] : memref<10112x32xf32, #tpu.memory_space<vmem_shared>> -> memref<10112x32xf32, #tpu.memory_space<vmem_shared>>
      tpu.wait_indirect_dma semaphore(%arg16 : memref<!tpu.dma_semaphore, #tpu.memory_space<semaphore_mem>>) src(%dma_wait3A_553 : memref<128x32xf32, #tpu.memory_space<vmem>>) dst(%dma_wait3A_559 : memref<10112x32xf32, #tpu.memory_space<vmem_shared>>)
      %dma_wait3A_560 = arith.constant 3 : i32
      %dma_wait3A_561 = arith.constant 384 : i32
      %dma_wait3A_562 = arith.constant 0 : i32
      %dma_wait3A_563 = tpu.memref_slice %arg9[%dma_wait3A_561, %dma_wait3A_562] : memref<1024x32xf32, #tpu.memory_space<vmem>> -> memref<128x32xf32, #tpu.memory_space<vmem>>
      %dma_wait3A_564 = arith.constant 0 : i32
      %dma_wait3A_565 = tpu.memref_slice %arg8[%dma_wait3A_560, %dma_wait3A_564] : memref<8x128xi32, #tpu.memory_space<vmem>> -> memref<1x128xi32, #tpu.memory_space<vmem>>
      %dma_wait3A_566 = tpu.memref_squeeze %dma_wait3A_565 : memref<1x128xi32, #tpu.memory_space<vmem>> -> memref<128xi32, #tpu.memory_space<vmem>>
      %dma_wait3A_567 = arith.constant 0 : i32
      %dma_wait3A_568 = arith.constant 0 : i32
      %dma_wait3A_569 = tpu.memref_slice %arg13[%dma_wait3A_567, %dma_wait3A_568] : memref<10112x32xf32, #tpu.memory_space<vmem_shared>> -> memref<10112x32xf32, #tpu.memory_space<vmem_shared>>
      tpu.wait_indirect_dma semaphore(%arg16 : memref<!tpu.dma_semaphore, #tpu.memory_space<semaphore_mem>>) src(%dma_wait3A_563 : memref<128x32xf32, #tpu.memory_space<vmem>>) dst(%dma_wait3A_569 : memref<10112x32xf32, #tpu.memory_space<vmem_shared>>)
      %dma_wait3A_570 = arith.constant 4 : i32
      %dma_wait3A_571 = arith.constant 512 : i32
      %dma_wait3A_572 = arith.constant 0 : i32
      %dma_wait3A_573 = tpu.memref_slice %arg9[%dma_wait3A_571, %dma_wait3A_572] : memref<1024x32xf32, #tpu.memory_space<vmem>> -> memref<128x32xf32, #tpu.memory_space<vmem>>
      %dma_wait3A_574 = arith.constant 0 : i32
      %dma_wait3A_575 = tpu.memref_slice %arg8[%dma_wait3A_570, %dma_wait3A_574] : memref<8x128xi32, #tpu.memory_space<vmem>> -> memref<1x128xi32, #tpu.memory_space<vmem>>
      %dma_wait3A_576 = tpu.memref_squeeze %dma_wait3A_575 : memref<1x128xi32, #tpu.memory_space<vmem>> -> memref<128xi32, #tpu.memory_space<vmem>>
      %dma_wait3A_577 = arith.constant 0 : i32
      %dma_wait3A_578 = arith.constant 0 : i32
      %dma_wait3A_579 = tpu.memref_slice %arg13[%dma_wait3A_577, %dma_wait3A_578] : memref<10112x32xf32, #tpu.memory_space<vmem_shared>> -> memref<10112x32xf32, #tpu.memory_space<vmem_shared>>
      tpu.wait_indirect_dma semaphore(%arg16 : memref<!tpu.dma_semaphore, #tpu.memory_space<semaphore_mem>>) src(%dma_wait3A_573 : memref<128x32xf32, #tpu.memory_space<vmem>>) dst(%dma_wait3A_579 : memref<10112x32xf32, #tpu.memory_space<vmem_shared>>)
      %dma_wait3A_580 = arith.constant 5 : i32
      %dma_wait3A_581 = arith.constant 640 : i32
      %dma_wait3A_582 = arith.constant 0 : i32
      %dma_wait3A_583 = tpu.memref_slice %arg9[%dma_wait3A_581, %dma_wait3A_582] : memref<1024x32xf32, #tpu.memory_space<vmem>> -> memref<128x32xf32, #tpu.memory_space<vmem>>
      %dma_wait3A_584 = arith.constant 0 : i32
      %dma_wait3A_585 = tpu.memref_slice %arg8[%dma_wait3A_580, %dma_wait3A_584] : memref<8x128xi32, #tpu.memory_space<vmem>> -> memref<1x128xi32, #tpu.memory_space<vmem>>
      %dma_wait3A_586 = tpu.memref_squeeze %dma_wait3A_585 : memref<1x128xi32, #tpu.memory_space<vmem>> -> memref<128xi32, #tpu.memory_space<vmem>>
      %dma_wait3A_587 = arith.constant 0 : i32
      %dma_wait3A_588 = arith.constant 0 : i32
      %dma_wait3A_589 = tpu.memref_slice %arg13[%dma_wait3A_587, %dma_wait3A_588] : memref<10112x32xf32, #tpu.memory_space<vmem_shared>> -> memref<10112x32xf32, #tpu.memory_space<vmem_shared>>
      tpu.wait_indirect_dma semaphore(%arg16 : memref<!tpu.dma_semaphore, #tpu.memory_space<semaphore_mem>>) src(%dma_wait3A_583 : memref<128x32xf32, #tpu.memory_space<vmem>>) dst(%dma_wait3A_589 : memref<10112x32xf32, #tpu.memory_space<vmem_shared>>)
      %dma_wait3A_590 = arith.constant 6 : i32
      %dma_wait3A_591 = arith.constant 768 : i32
      %dma_wait3A_592 = arith.constant 0 : i32
      %dma_wait3A_593 = tpu.memref_slice %arg9[%dma_wait3A_591, %dma_wait3A_592] : memref<1024x32xf32, #tpu.memory_space<vmem>> -> memref<128x32xf32, #tpu.memory_space<vmem>>
      %dma_wait3A_594 = arith.constant 0 : i32
      %dma_wait3A_595 = tpu.memref_slice %arg8[%dma_wait3A_590, %dma_wait3A_594] : memref<8x128xi32, #tpu.memory_space<vmem>> -> memref<1x128xi32, #tpu.memory_space<vmem>>
      %dma_wait3A_596 = tpu.memref_squeeze %dma_wait3A_595 : memref<1x128xi32, #tpu.memory_space<vmem>> -> memref<128xi32, #tpu.memory_space<vmem>>
      %dma_wait3A_597 = arith.constant 0 : i32
      %dma_wait3A_598 = arith.constant 0 : i32
      %dma_wait3A_599 = tpu.memref_slice %arg13[%dma_wait3A_597, %dma_wait3A_598] : memref<10112x32xf32, #tpu.memory_space<vmem_shared>> -> memref<10112x32xf32, #tpu.memory_space<vmem_shared>>
      tpu.wait_indirect_dma semaphore(%arg16 : memref<!tpu.dma_semaphore, #tpu.memory_space<semaphore_mem>>) src(%dma_wait3A_593 : memref<128x32xf32, #tpu.memory_space<vmem>>) dst(%dma_wait3A_599 : memref<10112x32xf32, #tpu.memory_space<vmem_shared>>)
      %dma_wait3A_600 = arith.constant 7 : i32
      %dma_wait3A_601 = arith.constant 896 : i32
      %dma_wait3A_602 = arith.constant 0 : i32
      %dma_wait3A_603 = tpu.memref_slice %arg9[%dma_wait3A_601, %dma_wait3A_602] : memref<1024x32xf32, #tpu.memory_space<vmem>> -> memref<128x32xf32, #tpu.memory_space<vmem>>
      %dma_wait3A_604 = arith.constant 0 : i32
      %dma_wait3A_605 = tpu.memref_slice %arg8[%dma_wait3A_600, %dma_wait3A_604] : memref<8x128xi32, #tpu.memory_space<vmem>> -> memref<1x128xi32, #tpu.memory_space<vmem>>
      %dma_wait3A_606 = tpu.memref_squeeze %dma_wait3A_605 : memref<1x128xi32, #tpu.memory_space<vmem>> -> memref<128xi32, #tpu.memory_space<vmem>>
      %dma_wait3A_607 = arith.constant 0 : i32
      %dma_wait3A_608 = arith.constant 0 : i32
      %dma_wait3A_609 = tpu.memref_slice %arg13[%dma_wait3A_607, %dma_wait3A_608] : memref<10112x32xf32, #tpu.memory_space<vmem_shared>> -> memref<10112x32xf32, #tpu.memory_space<vmem_shared>>
      tpu.wait_indirect_dma semaphore(%arg16 : memref<!tpu.dma_semaphore, #tpu.memory_space<semaphore_mem>>) src(%dma_wait3A_603 : memref<128x32xf32, #tpu.memory_space<vmem>>) dst(%dma_wait3A_609 : memref<10112x32xf32, #tpu.memory_space<vmem_shared>>)
      %add3A_610 = arith.constant 2 : i32
      %add3A_611 = arith.addi %mul3A_210, %add3A_610 : i32
      %lt3A = arith.cmpi slt, %add3A_611, %select_n3A : i32
      %convert_element_type3A = arith.extui %lt3A : i1 to i32
      %cond3A = arith.constant 0 : i32
      %cond3A_612 = arith.cmpi ne, %convert_element_type3A, %cond3A : i32
      scf.if %cond3A_612 {
        %add3A_699 = arith.constant 2 : i32
        %add3A_700 = arith.addi %mul3A_210, %add3A_699 : i32
        %mul3A_701 = arith.constant 8 : i32
        %mul3A_702 = arith.muli %add3A_700, %mul3A_701 : i32
        %add3A_703 = arith.addi %select_n3A_12, %mul3A_702 : i32
        "tpu.region"() ({
          %run_scoped3A = tpu.sem_alloc : memref<!tpu.dma_semaphore, #tpu.memory_space<semaphore_mem>>
          %dma_start3A_784 = arith.constant 0 : i32
          %dma_start3A_785 = tpu.memref_slice %arg3[%add3A_703, %dma_start3A_784] : memref<2560x128xi32, #tpu.memory_space<hbm>> -> memref<8x128xi32, #tpu.memory_space<hbm>>
          %dma_start3A_786 = arith.constant 0 : i32
          %dma_start3A_787 = tpu.memref_slice %arg3[%add3A_703, %dma_start3A_786] : memref<2560x128xi32, #tpu.memory_space<hbm>> -> memref<8x128xi32, #tpu.memory_space<hbm>>
          tpu.enqueue_dma source(%dma_start3A_787 : memref<8x128xi32, #tpu.memory_space<hbm>>) target(%arg7 : memref<8x128xi32, #tpu.memory_space<vmem>>) target_semaphore(%run_scoped3A : memref<!tpu.dma_semaphore, #tpu.memory_space<semaphore_mem>>)
          %dma_wait3A_788 = arith.constant 0 : i32
          %dma_wait3A_789 = tpu.memref_slice %arg3[%add3A_703, %dma_wait3A_788] : memref<2560x128xi32, #tpu.memory_space<hbm>> -> memref<8x128xi32, #tpu.memory_space<hbm>>
          %dma_wait3A_790 = arith.constant 0 : i32
          %dma_wait3A_791 = tpu.memref_slice %arg3[%add3A_703, %dma_wait3A_790] : memref<2560x128xi32, #tpu.memory_space<hbm>> -> memref<8x128xi32, #tpu.memory_space<hbm>>
          tpu.wait_dma2 semaphore(%run_scoped3A : memref<!tpu.dma_semaphore, #tpu.memory_space<semaphore_mem>>) src(%dma_wait3A_791 : memref<8x128xi32, #tpu.memory_space<hbm>>) dst(%arg7 : memref<8x128xi32, #tpu.memory_space<vmem>>)
          tpu.yield
        }) : () -> ()
        "tpu.region"() ({
          %run_scoped3A = tpu.sem_alloc : memref<!tpu.dma_semaphore, #tpu.memory_space<semaphore_mem>>
          %dma_start3A_784 = arith.constant 0 : i32
          %dma_start3A_785 = tpu.memref_slice %arg4[%add3A_703, %dma_start3A_784] : memref<2560x128xi32, #tpu.memory_space<hbm>> -> memref<8x128xi32, #tpu.memory_space<hbm>>
          %dma_start3A_786 = arith.constant 0 : i32
          %dma_start3A_787 = tpu.memref_slice %arg4[%add3A_703, %dma_start3A_786] : memref<2560x128xi32, #tpu.memory_space<hbm>> -> memref<8x128xi32, #tpu.memory_space<hbm>>
          tpu.enqueue_dma source(%dma_start3A_787 : memref<8x128xi32, #tpu.memory_space<hbm>>) target(%arg8 : memref<8x128xi32, #tpu.memory_space<vmem>>) target_semaphore(%run_scoped3A : memref<!tpu.dma_semaphore, #tpu.memory_space<semaphore_mem>>)
          %dma_wait3A_788 = arith.constant 0 : i32
          %dma_wait3A_789 = tpu.memref_slice %arg4[%add3A_703, %dma_wait3A_788] : memref<2560x128xi32, #tpu.memory_space<hbm>> -> memref<8x128xi32, #tpu.memory_space<hbm>>
          %dma_wait3A_790 = arith.constant 0 : i32
          %dma_wait3A_791 = tpu.memref_slice %arg4[%add3A_703, %dma_wait3A_790] : memref<2560x128xi32, #tpu.memory_space<hbm>> -> memref<8x128xi32, #tpu.memory_space<hbm>>
          tpu.wait_dma2 semaphore(%run_scoped3A : memref<!tpu.dma_semaphore, #tpu.memory_space<semaphore_mem>>) src(%dma_wait3A_791 : memref<8x128xi32, #tpu.memory_space<hbm>>) dst(%arg8 : memref<8x128xi32, #tpu.memory_space<vmem>>)
          tpu.yield
        }) : () -> ()
        %dma_start3A_704 = arith.constant 0 : i32
        %dma_start3A_705 = arith.constant 0 : i32
        %dma_start3A_706 = arith.constant 0 : i32
        %dma_start3A_707 = tpu.memref_slice %arg9[%dma_start3A_705, %dma_start3A_706] : memref<1024x32xf32, #tpu.memory_space<vmem>> -> memref<128x32xf32, #tpu.memory_space<vmem>>
        %dma_start3A_708 = arith.constant 0 : i32
        %dma_start3A_709 = tpu.memref_slice %arg7[%dma_start3A_704, %dma_start3A_708] : memref<8x128xi32, #tpu.memory_space<vmem>> -> memref<1x128xi32, #tpu.memory_space<vmem>>
        %dma_start3A_710 = tpu.memref_squeeze %dma_start3A_709 : memref<1x128xi32, #tpu.memory_space<vmem>> -> memref<128xi32, #tpu.memory_space<vmem>>
        %dma_start3A_711 = arith.constant 0 : i32
        %dma_start3A_712 = arith.constant 0 : i32
        %dma_start3A_713 = tpu.memref_slice %arg2[%dma_start3A_711, %dma_start3A_712] : memref<10000x32xf32, #tpu.memory_space<hbm>> -> memref<10000x32xf32, #tpu.memory_space<hbm>>
        tpu.enqueue_indirect_dma source(%dma_start3A_713 : memref<10000x32xf32, #tpu.memory_space<hbm>>) target(%dma_start3A_707 : memref<128x32xf32, #tpu.memory_space<vmem>>) offsets(%dma_start3A_710 : memref<128xi32, #tpu.memory_space<vmem>>) semaphore(%arg14 : memref<!tpu.dma_semaphore, #tpu.memory_space<semaphore_mem>>)
        %dma_start3A_714 = arith.constant 1 : i32
        %dma_start3A_715 = arith.constant 128 : i32
        %dma_start3A_716 = arith.constant 0 : i32
        %dma_start3A_717 = tpu.memref_slice %arg9[%dma_start3A_715, %dma_start3A_716] : memref<1024x32xf32, #tpu.memory_space<vmem>> -> memref<128x32xf32, #tpu.memory_space<vmem>>
        %dma_start3A_718 = arith.constant 0 : i32
        %dma_start3A_719 = tpu.memref_slice %arg7[%dma_start3A_714, %dma_start3A_718] : memref<8x128xi32, #tpu.memory_space<vmem>> -> memref<1x128xi32, #tpu.memory_space<vmem>>
        %dma_start3A_720 = tpu.memref_squeeze %dma_start3A_719 : memref<1x128xi32, #tpu.memory_space<vmem>> -> memref<128xi32, #tpu.memory_space<vmem>>
        %dma_start3A_721 = arith.constant 0 : i32
        %dma_start3A_722 = arith.constant 0 : i32
        %dma_start3A_723 = tpu.memref_slice %arg2[%dma_start3A_721, %dma_start3A_722] : memref<10000x32xf32, #tpu.memory_space<hbm>> -> memref<10000x32xf32, #tpu.memory_space<hbm>>
        tpu.enqueue_indirect_dma source(%dma_start3A_723 : memref<10000x32xf32, #tpu.memory_space<hbm>>) target(%dma_start3A_717 : memref<128x32xf32, #tpu.memory_space<vmem>>) offsets(%dma_start3A_720 : memref<128xi32, #tpu.memory_space<vmem>>) semaphore(%arg14 : memref<!tpu.dma_semaphore, #tpu.memory_space<semaphore_mem>>)
        %dma_start3A_724 = arith.constant 2 : i32
        %dma_start3A_725 = arith.constant 256 : i32
        %dma_start3A_726 = arith.constant 0 : i32
        %dma_start3A_727 = tpu.memref_slice %arg9[%dma_start3A_725, %dma_start3A_726] : memref<1024x32xf32, #tpu.memory_space<vmem>> -> memref<128x32xf32, #tpu.memory_space<vmem>>
        %dma_start3A_728 = arith.constant 0 : i32
        %dma_start3A_729 = tpu.memref_slice %arg7[%dma_start3A_724, %dma_start3A_728] : memref<8x128xi32, #tpu.memory_space<vmem>> -> memref<1x128xi32, #tpu.memory_space<vmem>>
        %dma_start3A_730 = tpu.memref_squeeze %dma_start3A_729 : memref<1x128xi32, #tpu.memory_space<vmem>> -> memref<128xi32, #tpu.memory_space<vmem>>
        %dma_start3A_731 = arith.constant 0 : i32
        %dma_start3A_732 = arith.constant 0 : i32
        %dma_start3A_733 = tpu.memref_slice %arg2[%dma_start3A_731, %dma_start3A_732] : memref<10000x32xf32, #tpu.memory_space<hbm>> -> memref<10000x32xf32, #tpu.memory_space<hbm>>
        tpu.enqueue_indirect_dma source(%dma_start3A_733 : memref<10000x32xf32, #tpu.memory_space<hbm>>) target(%dma_start3A_727 : memref<128x32xf32, #tpu.memory_space<vmem>>) offsets(%dma_start3A_730 : memref<128xi32, #tpu.memory_space<vmem>>) semaphore(%arg14 : memref<!tpu.dma_semaphore, #tpu.memory_space<semaphore_mem>>)
        %dma_start3A_734 = arith.constant 3 : i32
        %dma_start3A_735 = arith.constant 384 : i32
        %dma_start3A_736 = arith.constant 0 : i32
        %dma_start3A_737 = tpu.memref_slice %arg9[%dma_start3A_735, %dma_start3A_736] : memref<1024x32xf32, #tpu.memory_space<vmem>> -> memref<128x32xf32, #tpu.memory_space<vmem>>
        %dma_start3A_738 = arith.constant 0 : i32
        %dma_start3A_739 = tpu.memref_slice %arg7[%dma_start3A_734, %dma_start3A_738] : memref<8x128xi32, #tpu.memory_space<vmem>> -> memref<1x128xi32, #tpu.memory_space<vmem>>
        %dma_start3A_740 = tpu.memref_squeeze %dma_start3A_739 : memref<1x128xi32, #tpu.memory_space<vmem>> -> memref<128xi32, #tpu.memory_space<vmem>>
        %dma_start3A_741 = arith.constant 0 : i32
        %dma_start3A_742 = arith.constant 0 : i32
        %dma_start3A_743 = tpu.memref_slice %arg2[%dma_start3A_741, %dma_start3A_742] : memref<10000x32xf32, #tpu.memory_space<hbm>> -> memref<10000x32xf32, #tpu.memory_space<hbm>>
        tpu.enqueue_indirect_dma source(%dma_start3A_743 : memref<10000x32xf32, #tpu.memory_space<hbm>>) target(%dma_start3A_737 : memref<128x32xf32, #tpu.memory_space<vmem>>) offsets(%dma_start3A_740 : memref<128xi32, #tpu.memory_space<vmem>>) semaphore(%arg14 : memref<!tpu.dma_semaphore, #tpu.memory_space<semaphore_mem>>)
        %dma_start3A_744 = arith.constant 4 : i32
        %dma_start3A_745 = arith.constant 512 : i32
        %dma_start3A_746 = arith.constant 0 : i32
        %dma_start3A_747 = tpu.memref_slice %arg9[%dma_start3A_745, %dma_start3A_746] : memref<1024x32xf32, #tpu.memory_space<vmem>> -> memref<128x32xf32, #tpu.memory_space<vmem>>
        %dma_start3A_748 = arith.constant 0 : i32
        %dma_start3A_749 = tpu.memref_slice %arg7[%dma_start3A_744, %dma_start3A_748] : memref<8x128xi32, #tpu.memory_space<vmem>> -> memref<1x128xi32, #tpu.memory_space<vmem>>
        %dma_start3A_750 = tpu.memref_squeeze %dma_start3A_749 : memref<1x128xi32, #tpu.memory_space<vmem>> -> memref<128xi32, #tpu.memory_space<vmem>>
        %dma_start3A_751 = arith.constant 0 : i32
        %dma_start3A_752 = arith.constant 0 : i32
        %dma_start3A_753 = tpu.memref_slice %arg2[%dma_start3A_751, %dma_start3A_752] : memref<10000x32xf32, #tpu.memory_space<hbm>> -> memref<10000x32xf32, #tpu.memory_space<hbm>>
        tpu.enqueue_indirect_dma source(%dma_start3A_753 : memref<10000x32xf32, #tpu.memory_space<hbm>>) target(%dma_start3A_747 : memref<128x32xf32, #tpu.memory_space<vmem>>) offsets(%dma_start3A_750 : memref<128xi32, #tpu.memory_space<vmem>>) semaphore(%arg14 : memref<!tpu.dma_semaphore, #tpu.memory_space<semaphore_mem>>)
        %dma_start3A_754 = arith.constant 5 : i32
        %dma_start3A_755 = arith.constant 640 : i32
        %dma_start3A_756 = arith.constant 0 : i32
        %dma_start3A_757 = tpu.memref_slice %arg9[%dma_start3A_755, %dma_start3A_756] : memref<1024x32xf32, #tpu.memory_space<vmem>> -> memref<128x32xf32, #tpu.memory_space<vmem>>
        %dma_start3A_758 = arith.constant 0 : i32
        %dma_start3A_759 = tpu.memref_slice %arg7[%dma_start3A_754, %dma_start3A_758] : memref<8x128xi32, #tpu.memory_space<vmem>> -> memref<1x128xi32, #tpu.memory_space<vmem>>
        %dma_start3A_760 = tpu.memref_squeeze %dma_start3A_759 : memref<1x128xi32, #tpu.memory_space<vmem>> -> memref<128xi32, #tpu.memory_space<vmem>>
        %dma_start3A_761 = arith.constant 0 : i32
        %dma_start3A_762 = arith.constant 0 : i32
        %dma_start3A_763 = tpu.memref_slice %arg2[%dma_start3A_761, %dma_start3A_762] : memref<10000x32xf32, #tpu.memory_space<hbm>> -> memref<10000x32xf32, #tpu.memory_space<hbm>>
        tpu.enqueue_indirect_dma source(%dma_start3A_763 : memref<10000x32xf32, #tpu.memory_space<hbm>>) target(%dma_start3A_757 : memref<128x32xf32, #tpu.memory_space<vmem>>) offsets(%dma_start3A_760 : memref<128xi32, #tpu.memory_space<vmem>>) semaphore(%arg14 : memref<!tpu.dma_semaphore, #tpu.memory_space<semaphore_mem>>)
        %dma_start3A_764 = arith.constant 6 : i32
        %dma_start3A_765 = arith.constant 768 : i32
        %dma_start3A_766 = arith.constant 0 : i32
        %dma_start3A_767 = tpu.memref_slice %arg9[%dma_start3A_765, %dma_start3A_766] : memref<1024x32xf32, #tpu.memory_space<vmem>> -> memref<128x32xf32, #tpu.memory_space<vmem>>
        %dma_start3A_768 = arith.constant 0 : i32
        %dma_start3A_769 = tpu.memref_slice %arg7[%dma_start3A_764, %dma_start3A_768] : memref<8x128xi32, #tpu.memory_space<vmem>> -> memref<1x128xi32, #tpu.memory_space<vmem>>
        %dma_start3A_770 = tpu.memref_squeeze %dma_start3A_769 : memref<1x128xi32, #tpu.memory_space<vmem>> -> memref<128xi32, #tpu.memory_space<vmem>>
        %dma_start3A_771 = arith.constant 0 : i32
        %dma_start3A_772 = arith.constant 0 : i32
        %dma_start3A_773 = tpu.memref_slice %arg2[%dma_start3A_771, %dma_start3A_772] : memref<10000x32xf32, #tpu.memory_space<hbm>> -> memref<10000x32xf32, #tpu.memory_space<hbm>>
        tpu.enqueue_indirect_dma source(%dma_start3A_773 : memref<10000x32xf32, #tpu.memory_space<hbm>>) target(%dma_start3A_767 : memref<128x32xf32, #tpu.memory_space<vmem>>) offsets(%dma_start3A_770 : memref<128xi32, #tpu.memory_space<vmem>>) semaphore(%arg14 : memref<!tpu.dma_semaphore, #tpu.memory_space<semaphore_mem>>)
        %dma_start3A_774 = arith.constant 7 : i32
        %dma_start3A_775 = arith.constant 896 : i32
        %dma_start3A_776 = arith.constant 0 : i32
        %dma_start3A_777 = tpu.memref_slice %arg9[%dma_start3A_775, %dma_start3A_776] : memref<1024x32xf32, #tpu.memory_space<vmem>> -> memref<128x32xf32, #tpu.memory_space<vmem>>
        %dma_start3A_778 = arith.constant 0 : i32
        %dma_start3A_779 = tpu.memref_slice %arg7[%dma_start3A_774, %dma_start3A_778] : memref<8x128xi32, #tpu.memory_space<vmem>> -> memref<1x128xi32, #tpu.memory_space<vmem>>
        %dma_start3A_780 = tpu.memref_squeeze %dma_start3A_779 : memref<1x128xi32, #tpu.memory_space<vmem>> -> memref<128xi32, #tpu.memory_space<vmem>>
        %dma_start3A_781 = arith.constant 0 : i32
        %dma_start3A_782 = arith.constant 0 : i32
        %dma_start3A_783 = tpu.memref_slice %arg2[%dma_start3A_781, %dma_start3A_782] : memref<10000x32xf32, #tpu.memory_space<hbm>> -> memref<10000x32xf32, #tpu.memory_space<hbm>>
        tpu.enqueue_indirect_dma source(%dma_start3A_783 : memref<10000x32xf32, #tpu.memory_space<hbm>>) target(%dma_start3A_777 : memref<128x32xf32, #tpu.memory_space<vmem>>) offsets(%dma_start3A_780 : memref<128xi32, #tpu.memory_space<vmem>>) semaphore(%arg14 : memref<!tpu.dma_semaphore, #tpu.memory_space<semaphore_mem>>)
      } else {
      }
      %dma_wait3A_613 = arith.constant 0 : i32
      %dma_wait3A_614 = arith.constant 0 : i32
      %dma_wait3A_615 = arith.constant 0 : i32
      %dma_wait3A_616 = tpu.memref_slice %arg12[%dma_wait3A_614, %dma_wait3A_615] : memref<1024x32xf32, #tpu.memory_space<vmem>> -> memref<128x32xf32, #tpu.memory_space<vmem>>
      %dma_wait3A_617 = arith.constant 0 : i32
      %dma_wait3A_618 = tpu.memref_slice %arg11[%dma_wait3A_613, %dma_wait3A_617] : memref<8x128xi32, #tpu.memory_space<vmem>> -> memref<1x128xi32, #tpu.memory_space<vmem>>
      %dma_wait3A_619 = tpu.memref_squeeze %dma_wait3A_618 : memref<1x128xi32, #tpu.memory_space<vmem>> -> memref<128xi32, #tpu.memory_space<vmem>>
      %dma_wait3A_620 = arith.constant 0 : i32
      %dma_wait3A_621 = arith.constant 0 : i32
      %dma_wait3A_622 = tpu.memref_slice %arg13[%dma_wait3A_620, %dma_wait3A_621] : memref<10112x32xf32, #tpu.memory_space<vmem_shared>> -> memref<10112x32xf32, #tpu.memory_space<vmem_shared>>
      tpu.wait_indirect_dma semaphore(%arg17 : memref<!tpu.dma_semaphore, #tpu.memory_space<semaphore_mem>>) src(%dma_wait3A_616 : memref<128x32xf32, #tpu.memory_space<vmem>>) dst(%dma_wait3A_622 : memref<10112x32xf32, #tpu.memory_space<vmem_shared>>)
      %dma_wait3A_623 = arith.constant 1 : i32
      %dma_wait3A_624 = arith.constant 128 : i32
      %dma_wait3A_625 = arith.constant 0 : i32
      %dma_wait3A_626 = tpu.memref_slice %arg12[%dma_wait3A_624, %dma_wait3A_625] : memref<1024x32xf32, #tpu.memory_space<vmem>> -> memref<128x32xf32, #tpu.memory_space<vmem>>
      %dma_wait3A_627 = arith.constant 0 : i32
      %dma_wait3A_628 = tpu.memref_slice %arg11[%dma_wait3A_623, %dma_wait3A_627] : memref<8x128xi32, #tpu.memory_space<vmem>> -> memref<1x128xi32, #tpu.memory_space<vmem>>
      %dma_wait3A_629 = tpu.memref_squeeze %dma_wait3A_628 : memref<1x128xi32, #tpu.memory_space<vmem>> -> memref<128xi32, #tpu.memory_space<vmem>>
      %dma_wait3A_630 = arith.constant 0 : i32
      %dma_wait3A_631 = arith.constant 0 : i32
      %dma_wait3A_632 = tpu.memref_slice %arg13[%dma_wait3A_630, %dma_wait3A_631] : memref<10112x32xf32, #tpu.memory_space<vmem_shared>> -> memref<10112x32xf32, #tpu.memory_space<vmem_shared>>
      tpu.wait_indirect_dma semaphore(%arg17 : memref<!tpu.dma_semaphore, #tpu.memory_space<semaphore_mem>>) src(%dma_wait3A_626 : memref<128x32xf32, #tpu.memory_space<vmem>>) dst(%dma_wait3A_632 : memref<10112x32xf32, #tpu.memory_space<vmem_shared>>)
      %dma_wait3A_633 = arith.constant 2 : i32
      %dma_wait3A_634 = arith.constant 256 : i32
      %dma_wait3A_635 = arith.constant 0 : i32
      %dma_wait3A_636 = tpu.memref_slice %arg12[%dma_wait3A_634, %dma_wait3A_635] : memref<1024x32xf32, #tpu.memory_space<vmem>> -> memref<128x32xf32, #tpu.memory_space<vmem>>
      %dma_wait3A_637 = arith.constant 0 : i32
      %dma_wait3A_638 = tpu.memref_slice %arg11[%dma_wait3A_633, %dma_wait3A_637] : memref<8x128xi32, #tpu.memory_space<vmem>> -> memref<1x128xi32, #tpu.memory_space<vmem>>
      %dma_wait3A_639 = tpu.memref_squeeze %dma_wait3A_638 : memref<1x128xi32, #tpu.memory_space<vmem>> -> memref<128xi32, #tpu.memory_space<vmem>>
      %dma_wait3A_640 = arith.constant 0 : i32
      %dma_wait3A_641 = arith.constant 0 : i32
      %dma_wait3A_642 = tpu.memref_slice %arg13[%dma_wait3A_640, %dma_wait3A_641] : memref<10112x32xf32, #tpu.memory_space<vmem_shared>> -> memref<10112x32xf32, #tpu.memory_space<vmem_shared>>
      tpu.wait_indirect_dma semaphore(%arg17 : memref<!tpu.dma_semaphore, #tpu.memory_space<semaphore_mem>>) src(%dma_wait3A_636 : memref<128x32xf32, #tpu.memory_space<vmem>>) dst(%dma_wait3A_642 : memref<10112x32xf32, #tpu.memory_space<vmem_shared>>)
      %dma_wait3A_643 = arith.constant 3 : i32
      %dma_wait3A_644 = arith.constant 384 : i32
      %dma_wait3A_645 = arith.constant 0 : i32
      %dma_wait3A_646 = tpu.memref_slice %arg12[%dma_wait3A_644, %dma_wait3A_645] : memref<1024x32xf32, #tpu.memory_space<vmem>> -> memref<128x32xf32, #tpu.memory_space<vmem>>
      %dma_wait3A_647 = arith.constant 0 : i32
      %dma_wait3A_648 = tpu.memref_slice %arg11[%dma_wait3A_643, %dma_wait3A_647] : memref<8x128xi32, #tpu.memory_space<vmem>> -> memref<1x128xi32, #tpu.memory_space<vmem>>
      %dma_wait3A_649 = tpu.memref_squeeze %dma_wait3A_648 : memref<1x128xi32, #tpu.memory_space<vmem>> -> memref<128xi32, #tpu.memory_space<vmem>>
      %dma_wait3A_650 = arith.constant 0 : i32
      %dma_wait3A_651 = arith.constant 0 : i32
      %dma_wait3A_652 = tpu.memref_slice %arg13[%dma_wait3A_650, %dma_wait3A_651] : memref<10112x32xf32, #tpu.memory_space<vmem_shared>> -> memref<10112x32xf32, #tpu.memory_space<vmem_shared>>
      tpu.wait_indirect_dma semaphore(%arg17 : memref<!tpu.dma_semaphore, #tpu.memory_space<semaphore_mem>>) src(%dma_wait3A_646 : memref<128x32xf32, #tpu.memory_space<vmem>>) dst(%dma_wait3A_652 : memref<10112x32xf32, #tpu.memory_space<vmem_shared>>)
      %dma_wait3A_653 = arith.constant 4 : i32
      %dma_wait3A_654 = arith.constant 512 : i32
      %dma_wait3A_655 = arith.constant 0 : i32
      %dma_wait3A_656 = tpu.memref_slice %arg12[%dma_wait3A_654, %dma_wait3A_655] : memref<1024x32xf32, #tpu.memory_space<vmem>> -> memref<128x32xf32, #tpu.memory_space<vmem>>
      %dma_wait3A_657 = arith.constant 0 : i32
      %dma_wait3A_658 = tpu.memref_slice %arg11[%dma_wait3A_653, %dma_wait3A_657] : memref<8x128xi32, #tpu.memory_space<vmem>> -> memref<1x128xi32, #tpu.memory_space<vmem>>
      %dma_wait3A_659 = tpu.memref_squeeze %dma_wait3A_658 : memref<1x128xi32, #tpu.memory_space<vmem>> -> memref<128xi32, #tpu.memory_space<vmem>>
      %dma_wait3A_660 = arith.constant 0 : i32
      %dma_wait3A_661 = arith.constant 0 : i32
      %dma_wait3A_662 = tpu.memref_slice %arg13[%dma_wait3A_660, %dma_wait3A_661] : memref<10112x32xf32, #tpu.memory_space<vmem_shared>> -> memref<10112x32xf32, #tpu.memory_space<vmem_shared>>
      tpu.wait_indirect_dma semaphore(%arg17 : memref<!tpu.dma_semaphore, #tpu.memory_space<semaphore_mem>>) src(%dma_wait3A_656 : memref<128x32xf32, #tpu.memory_space<vmem>>) dst(%dma_wait3A_662 : memref<10112x32xf32, #tpu.memory_space<vmem_shared>>)
      %dma_wait3A_663 = arith.constant 5 : i32
      %dma_wait3A_664 = arith.constant 640 : i32
      %dma_wait3A_665 = arith.constant 0 : i32
      %dma_wait3A_666 = tpu.memref_slice %arg12[%dma_wait3A_664, %dma_wait3A_665] : memref<1024x32xf32, #tpu.memory_space<vmem>> -> memref<128x32xf32, #tpu.memory_space<vmem>>
      %dma_wait3A_667 = arith.constant 0 : i32
      %dma_wait3A_668 = tpu.memref_slice %arg11[%dma_wait3A_663, %dma_wait3A_667] : memref<8x128xi32, #tpu.memory_space<vmem>> -> memref<1x128xi32, #tpu.memory_space<vmem>>
      %dma_wait3A_669 = tpu.memref_squeeze %dma_wait3A_668 : memref<1x128xi32, #tpu.memory_space<vmem>> -> memref<128xi32, #tpu.memory_space<vmem>>
      %dma_wait3A_670 = arith.constant 0 : i32
      %dma_wait3A_671 = arith.constant 0 : i32
      %dma_wait3A_672 = tpu.memref_slice %arg13[%dma_wait3A_670, %dma_wait3A_671] : memref<10112x32xf32, #tpu.memory_space<vmem_shared>> -> memref<10112x32xf32, #tpu.memory_space<vmem_shared>>
      tpu.wait_indirect_dma semaphore(%arg17 : memref<!tpu.dma_semaphore, #tpu.memory_space<semaphore_mem>>) src(%dma_wait3A_666 : memref<128x32xf32, #tpu.memory_space<vmem>>) dst(%dma_wait3A_672 : memref<10112x32xf32, #tpu.memory_space<vmem_shared>>)
      %dma_wait3A_673 = arith.constant 6 : i32
      %dma_wait3A_674 = arith.constant 768 : i32
      %dma_wait3A_675 = arith.constant 0 : i32
      %dma_wait3A_676 = tpu.memref_slice %arg12[%dma_wait3A_674, %dma_wait3A_675] : memref<1024x32xf32, #tpu.memory_space<vmem>> -> memref<128x32xf32, #tpu.memory_space<vmem>>
      %dma_wait3A_677 = arith.constant 0 : i32
      %dma_wait3A_678 = tpu.memref_slice %arg11[%dma_wait3A_673, %dma_wait3A_677] : memref<8x128xi32, #tpu.memory_space<vmem>> -> memref<1x128xi32, #tpu.memory_space<vmem>>
      %dma_wait3A_679 = tpu.memref_squeeze %dma_wait3A_678 : memref<1x128xi32, #tpu.memory_space<vmem>> -> memref<128xi32, #tpu.memory_space<vmem>>
      %dma_wait3A_680 = arith.constant 0 : i32
      %dma_wait3A_681 = arith.constant 0 : i32
      %dma_wait3A_682 = tpu.memref_slice %arg13[%dma_wait3A_680, %dma_wait3A_681] : memref<10112x32xf32, #tpu.memory_space<vmem_shared>> -> memref<10112x32xf32, #tpu.memory_space<vmem_shared>>
      tpu.wait_indirect_dma semaphore(%arg17 : memref<!tpu.dma_semaphore, #tpu.memory_space<semaphore_mem>>) src(%dma_wait3A_676 : memref<128x32xf32, #tpu.memory_space<vmem>>) dst(%dma_wait3A_682 : memref<10112x32xf32, #tpu.memory_space<vmem_shared>>)
      %dma_wait3A_683 = arith.constant 7 : i32
      %dma_wait3A_684 = arith.constant 896 : i32
      %dma_wait3A_685 = arith.constant 0 : i32
      %dma_wait3A_686 = tpu.memref_slice %arg12[%dma_wait3A_684, %dma_wait3A_685] : memref<1024x32xf32, #tpu.memory_space<vmem>> -> memref<128x32xf32, #tpu.memory_space<vmem>>
      %dma_wait3A_687 = arith.constant 0 : i32
      %dma_wait3A_688 = tpu.memref_slice %arg11[%dma_wait3A_683, %dma_wait3A_687] : memref<8x128xi32, #tpu.memory_space<vmem>> -> memref<1x128xi32, #tpu.memory_space<vmem>>
      %dma_wait3A_689 = tpu.memref_squeeze %dma_wait3A_688 : memref<1x128xi32, #tpu.memory_space<vmem>> -> memref<128xi32, #tpu.memory_space<vmem>>
      %dma_wait3A_690 = arith.constant 0 : i32
      %dma_wait3A_691 = arith.constant 0 : i32
      %dma_wait3A_692 = tpu.memref_slice %arg13[%dma_wait3A_690, %dma_wait3A_691] : memref<10112x32xf32, #tpu.memory_space<vmem_shared>> -> memref<10112x32xf32, #tpu.memory_space<vmem_shared>>
      tpu.wait_indirect_dma semaphore(%arg17 : memref<!tpu.dma_semaphore, #tpu.memory_space<semaphore_mem>>) src(%dma_wait3A_686 : memref<128x32xf32, #tpu.memory_space<vmem>>) dst(%dma_wait3A_692 : memref<10112x32xf32, #tpu.memory_space<vmem_shared>>)
      %add3A_693 = arith.constant 3 : i32
      %add3A_694 = arith.addi %mul3A_210, %add3A_693 : i32
      %lt3A_695 = arith.cmpi slt, %add3A_694, %select_n3A : i32
      %convert_element_type3A_696 = arith.extui %lt3A_695 : i1 to i32
      %cond3A_697 = arith.constant 0 : i32
      %cond3A_698 = arith.cmpi ne, %convert_element_type3A_696, %cond3A_697 : i32
      scf.if %cond3A_698 {
        %add3A_699 = arith.constant 3 : i32
        %add3A_700 = arith.addi %mul3A_210, %add3A_699 : i32
        %mul3A_701 = arith.constant 8 : i32
        %mul3A_702 = arith.muli %add3A_700, %mul3A_701 : i32
        %add3A_703 = arith.addi %select_n3A_12, %mul3A_702 : i32
        "tpu.region"() ({
          %run_scoped3A = tpu.sem_alloc : memref<!tpu.dma_semaphore, #tpu.memory_space<semaphore_mem>>
          %dma_start3A_784 = arith.constant 0 : i32
          %dma_start3A_785 = tpu.memref_slice %arg3[%add3A_703, %dma_start3A_784] : memref<2560x128xi32, #tpu.memory_space<hbm>> -> memref<8x128xi32, #tpu.memory_space<hbm>>
          %dma_start3A_786 = arith.constant 0 : i32
          %dma_start3A_787 = tpu.memref_slice %arg3[%add3A_703, %dma_start3A_786] : memref<2560x128xi32, #tpu.memory_space<hbm>> -> memref<8x128xi32, #tpu.memory_space<hbm>>
          tpu.enqueue_dma source(%dma_start3A_787 : memref<8x128xi32, #tpu.memory_space<hbm>>) target(%arg10 : memref<8x128xi32, #tpu.memory_space<vmem>>) target_semaphore(%run_scoped3A : memref<!tpu.dma_semaphore, #tpu.memory_space<semaphore_mem>>)
          %dma_wait3A_788 = arith.constant 0 : i32
          %dma_wait3A_789 = tpu.memref_slice %arg3[%add3A_703, %dma_wait3A_788] : memref<2560x128xi32, #tpu.memory_space<hbm>> -> memref<8x128xi32, #tpu.memory_space<hbm>>
          %dma_wait3A_790 = arith.constant 0 : i32
          %dma_wait3A_791 = tpu.memref_slice %arg3[%add3A_703, %dma_wait3A_790] : memref<2560x128xi32, #tpu.memory_space<hbm>> -> memref<8x128xi32, #tpu.memory_space<hbm>>
          tpu.wait_dma2 semaphore(%run_scoped3A : memref<!tpu.dma_semaphore, #tpu.memory_space<semaphore_mem>>) src(%dma_wait3A_791 : memref<8x128xi32, #tpu.memory_space<hbm>>) dst(%arg10 : memref<8x128xi32, #tpu.memory_space<vmem>>)
          tpu.yield
        }) : () -> ()
        "tpu.region"() ({
          %run_scoped3A = tpu.sem_alloc : memref<!tpu.dma_semaphore, #tpu.memory_space<semaphore_mem>>
          %dma_start3A_784 = arith.constant 0 : i32
          %dma_start3A_785 = tpu.memref_slice %arg4[%add3A_703, %dma_start3A_784] : memref<2560x128xi32, #tpu.memory_space<hbm>> -> memref<8x128xi32, #tpu.memory_space<hbm>>
          %dma_start3A_786 = arith.constant 0 : i32
          %dma_start3A_787 = tpu.memref_slice %arg4[%add3A_703, %dma_start3A_786] : memref<2560x128xi32, #tpu.memory_space<hbm>> -> memref<8x128xi32, #tpu.memory_space<hbm>>
          tpu.enqueue_dma source(%dma_start3A_787 : memref<8x128xi32, #tpu.memory_space<hbm>>) target(%arg11 : memref<8x128xi32, #tpu.memory_space<vmem>>) target_semaphore(%run_scoped3A : memref<!tpu.dma_semaphore, #tpu.memory_space<semaphore_mem>>)
          %dma_wait3A_788 = arith.constant 0 : i32
          %dma_wait3A_789 = tpu.memref_slice %arg4[%add3A_703, %dma_wait3A_788] : memref<2560x128xi32, #tpu.memory_space<hbm>> -> memref<8x128xi32, #tpu.memory_space<hbm>>
          %dma_wait3A_790 = arith.constant 0 : i32
          %dma_wait3A_791 = tpu.memref_slice %arg4[%add3A_703, %dma_wait3A_790] : memref<2560x128xi32, #tpu.memory_space<hbm>> -> memref<8x128xi32, #tpu.memory_space<hbm>>
          tpu.wait_dma2 semaphore(%run_scoped3A : memref<!tpu.dma_semaphore, #tpu.memory_space<semaphore_mem>>) src(%dma_wait3A_791 : memref<8x128xi32, #tpu.memory_space<hbm>>) dst(%arg11 : memref<8x128xi32, #tpu.memory_space<vmem>>)
          tpu.yield
        }) : () -> ()
        %dma_start3A_704 = arith.constant 0 : i32
        %dma_start3A_705 = arith.constant 0 : i32
        %dma_start3A_706 = arith.constant 0 : i32
        %dma_start3A_707 = tpu.memref_slice %arg12[%dma_start3A_705, %dma_start3A_706] : memref<1024x32xf32, #tpu.memory_space<vmem>> -> memref<128x32xf32, #tpu.memory_space<vmem>>
        %dma_start3A_708 = arith.constant 0 : i32
        %dma_start3A_709 = tpu.memref_slice %arg10[%dma_start3A_704, %dma_start3A_708] : memref<8x128xi32, #tpu.memory_space<vmem>> -> memref<1x128xi32, #tpu.memory_space<vmem>>
        %dma_start3A_710 = tpu.memref_squeeze %dma_start3A_709 : memref<1x128xi32, #tpu.memory_space<vmem>> -> memref<128xi32, #tpu.memory_space<vmem>>
        %dma_start3A_711 = arith.constant 0 : i32
        %dma_start3A_712 = arith.constant 0 : i32
        %dma_start3A_713 = tpu.memref_slice %arg2[%dma_start3A_711, %dma_start3A_712] : memref<10000x32xf32, #tpu.memory_space<hbm>> -> memref<10000x32xf32, #tpu.memory_space<hbm>>
        tpu.enqueue_indirect_dma source(%dma_start3A_713 : memref<10000x32xf32, #tpu.memory_space<hbm>>) target(%dma_start3A_707 : memref<128x32xf32, #tpu.memory_space<vmem>>) offsets(%dma_start3A_710 : memref<128xi32, #tpu.memory_space<vmem>>) semaphore(%arg15 : memref<!tpu.dma_semaphore, #tpu.memory_space<semaphore_mem>>)
        %dma_start3A_714 = arith.constant 1 : i32
        %dma_start3A_715 = arith.constant 128 : i32
        %dma_start3A_716 = arith.constant 0 : i32
        %dma_start3A_717 = tpu.memref_slice %arg12[%dma_start3A_715, %dma_start3A_716] : memref<1024x32xf32, #tpu.memory_space<vmem>> -> memref<128x32xf32, #tpu.memory_space<vmem>>
        %dma_start3A_718 = arith.constant 0 : i32
        %dma_start3A_719 = tpu.memref_slice %arg10[%dma_start3A_714, %dma_start3A_718] : memref<8x128xi32, #tpu.memory_space<vmem>> -> memref<1x128xi32, #tpu.memory_space<vmem>>
        %dma_start3A_720 = tpu.memref_squeeze %dma_start3A_719 : memref<1x128xi32, #tpu.memory_space<vmem>> -> memref<128xi32, #tpu.memory_space<vmem>>
        %dma_start3A_721 = arith.constant 0 : i32
        %dma_start3A_722 = arith.constant 0 : i32
        %dma_start3A_723 = tpu.memref_slice %arg2[%dma_start3A_721, %dma_start3A_722] : memref<10000x32xf32, #tpu.memory_space<hbm>> -> memref<10000x32xf32, #tpu.memory_space<hbm>>
        tpu.enqueue_indirect_dma source(%dma_start3A_723 : memref<10000x32xf32, #tpu.memory_space<hbm>>) target(%dma_start3A_717 : memref<128x32xf32, #tpu.memory_space<vmem>>) offsets(%dma_start3A_720 : memref<128xi32, #tpu.memory_space<vmem>>) semaphore(%arg15 : memref<!tpu.dma_semaphore, #tpu.memory_space<semaphore_mem>>)
        %dma_start3A_724 = arith.constant 2 : i32
        %dma_start3A_725 = arith.constant 256 : i32
        %dma_start3A_726 = arith.constant 0 : i32
        %dma_start3A_727 = tpu.memref_slice %arg12[%dma_start3A_725, %dma_start3A_726] : memref<1024x32xf32, #tpu.memory_space<vmem>> -> memref<128x32xf32, #tpu.memory_space<vmem>>
        %dma_start3A_728 = arith.constant 0 : i32
        %dma_start3A_729 = tpu.memref_slice %arg10[%dma_start3A_724, %dma_start3A_728] : memref<8x128xi32, #tpu.memory_space<vmem>> -> memref<1x128xi32, #tpu.memory_space<vmem>>
        %dma_start3A_730 = tpu.memref_squeeze %dma_start3A_729 : memref<1x128xi32, #tpu.memory_space<vmem>> -> memref<128xi32, #tpu.memory_space<vmem>>
        %dma_start3A_731 = arith.constant 0 : i32
        %dma_start3A_732 = arith.constant 0 : i32
        %dma_start3A_733 = tpu.memref_slice %arg2[%dma_start3A_731, %dma_start3A_732] : memref<10000x32xf32, #tpu.memory_space<hbm>> -> memref<10000x32xf32, #tpu.memory_space<hbm>>
        tpu.enqueue_indirect_dma source(%dma_start3A_733 : memref<10000x32xf32, #tpu.memory_space<hbm>>) target(%dma_start3A_727 : memref<128x32xf32, #tpu.memory_space<vmem>>) offsets(%dma_start3A_730 : memref<128xi32, #tpu.memory_space<vmem>>) semaphore(%arg15 : memref<!tpu.dma_semaphore, #tpu.memory_space<semaphore_mem>>)
        %dma_start3A_734 = arith.constant 3 : i32
        %dma_start3A_735 = arith.constant 384 : i32
        %dma_start3A_736 = arith.constant 0 : i32
        %dma_start3A_737 = tpu.memref_slice %arg12[%dma_start3A_735, %dma_start3A_736] : memref<1024x32xf32, #tpu.memory_space<vmem>> -> memref<128x32xf32, #tpu.memory_space<vmem>>
        %dma_start3A_738 = arith.constant 0 : i32
        %dma_start3A_739 = tpu.memref_slice %arg10[%dma_start3A_734, %dma_start3A_738] : memref<8x128xi32, #tpu.memory_space<vmem>> -> memref<1x128xi32, #tpu.memory_space<vmem>>
        %dma_start3A_740 = tpu.memref_squeeze %dma_start3A_739 : memref<1x128xi32, #tpu.memory_space<vmem>> -> memref<128xi32, #tpu.memory_space<vmem>>
        %dma_start3A_741 = arith.constant 0 : i32
        %dma_start3A_742 = arith.constant 0 : i32
        %dma_start3A_743 = tpu.memref_slice %arg2[%dma_start3A_741, %dma_start3A_742] : memref<10000x32xf32, #tpu.memory_space<hbm>> -> memref<10000x32xf32, #tpu.memory_space<hbm>>
        tpu.enqueue_indirect_dma source(%dma_start3A_743 : memref<10000x32xf32, #tpu.memory_space<hbm>>) target(%dma_start3A_737 : memref<128x32xf32, #tpu.memory_space<vmem>>) offsets(%dma_start3A_740 : memref<128xi32, #tpu.memory_space<vmem>>) semaphore(%arg15 : memref<!tpu.dma_semaphore, #tpu.memory_space<semaphore_mem>>)
        %dma_start3A_744 = arith.constant 4 : i32
        %dma_start3A_745 = arith.constant 512 : i32
        %dma_start3A_746 = arith.constant 0 : i32
        %dma_start3A_747 = tpu.memref_slice %arg12[%dma_start3A_745, %dma_start3A_746] : memref<1024x32xf32, #tpu.memory_space<vmem>> -> memref<128x32xf32, #tpu.memory_space<vmem>>
        %dma_start3A_748 = arith.constant 0 : i32
        %dma_start3A_749 = tpu.memref_slice %arg10[%dma_start3A_744, %dma_start3A_748] : memref<8x128xi32, #tpu.memory_space<vmem>> -> memref<1x128xi32, #tpu.memory_space<vmem>>
        %dma_start3A_750 = tpu.memref_squeeze %dma_start3A_749 : memref<1x128xi32, #tpu.memory_space<vmem>> -> memref<128xi32, #tpu.memory_space<vmem>>
        %dma_start3A_751 = arith.constant 0 : i32
        %dma_start3A_752 = arith.constant 0 : i32
        %dma_start3A_753 = tpu.memref_slice %arg2[%dma_start3A_751, %dma_start3A_752] : memref<10000x32xf32, #tpu.memory_space<hbm>> -> memref<10000x32xf32, #tpu.memory_space<hbm>>
        tpu.enqueue_indirect_dma source(%dma_start3A_753 : memref<10000x32xf32, #tpu.memory_space<hbm>>) target(%dma_start3A_747 : memref<128x32xf32, #tpu.memory_space<vmem>>) offsets(%dma_start3A_750 : memref<128xi32, #tpu.memory_space<vmem>>) semaphore(%arg15 : memref<!tpu.dma_semaphore, #tpu.memory_space<semaphore_mem>>)
        %dma_start3A_754 = arith.constant 5 : i32
        %dma_start3A_755 = arith.constant 640 : i32
        %dma_start3A_756 = arith.constant 0 : i32
        %dma_start3A_757 = tpu.memref_slice %arg12[%dma_start3A_755, %dma_start3A_756] : memref<1024x32xf32, #tpu.memory_space<vmem>> -> memref<128x32xf32, #tpu.memory_space<vmem>>
        %dma_start3A_758 = arith.constant 0 : i32
        %dma_start3A_759 = tpu.memref_slice %arg10[%dma_start3A_754, %dma_start3A_758] : memref<8x128xi32, #tpu.memory_space<vmem>> -> memref<1x128xi32, #tpu.memory_space<vmem>>
        %dma_start3A_760 = tpu.memref_squeeze %dma_start3A_759 : memref<1x128xi32, #tpu.memory_space<vmem>> -> memref<128xi32, #tpu.memory_space<vmem>>
        %dma_start3A_761 = arith.constant 0 : i32
        %dma_start3A_762 = arith.constant 0 : i32
        %dma_start3A_763 = tpu.memref_slice %arg2[%dma_start3A_761, %dma_start3A_762] : memref<10000x32xf32, #tpu.memory_space<hbm>> -> memref<10000x32xf32, #tpu.memory_space<hbm>>
        tpu.enqueue_indirect_dma source(%dma_start3A_763 : memref<10000x32xf32, #tpu.memory_space<hbm>>) target(%dma_start3A_757 : memref<128x32xf32, #tpu.memory_space<vmem>>) offsets(%dma_start3A_760 : memref<128xi32, #tpu.memory_space<vmem>>) semaphore(%arg15 : memref<!tpu.dma_semaphore, #tpu.memory_space<semaphore_mem>>)
        %dma_start3A_764 = arith.constant 6 : i32
        %dma_start3A_765 = arith.constant 768 : i32
        %dma_start3A_766 = arith.constant 0 : i32
        %dma_start3A_767 = tpu.memref_slice %arg12[%dma_start3A_765, %dma_start3A_766] : memref<1024x32xf32, #tpu.memory_space<vmem>> -> memref<128x32xf32, #tpu.memory_space<vmem>>
        %dma_start3A_768 = arith.constant 0 : i32
        %dma_start3A_769 = tpu.memref_slice %arg10[%dma_start3A_764, %dma_start3A_768] : memref<8x128xi32, #tpu.memory_space<vmem>> -> memref<1x128xi32, #tpu.memory_space<vmem>>
        %dma_start3A_770 = tpu.memref_squeeze %dma_start3A_769 : memref<1x128xi32, #tpu.memory_space<vmem>> -> memref<128xi32, #tpu.memory_space<vmem>>
        %dma_start3A_771 = arith.constant 0 : i32
        %dma_start3A_772 = arith.constant 0 : i32
        %dma_start3A_773 = tpu.memref_slice %arg2[%dma_start3A_771, %dma_start3A_772] : memref<10000x32xf32, #tpu.memory_space<hbm>> -> memref<10000x32xf32, #tpu.memory_space<hbm>>
        tpu.enqueue_indirect_dma source(%dma_start3A_773 : memref<10000x32xf32, #tpu.memory_space<hbm>>) target(%dma_start3A_767 : memref<128x32xf32, #tpu.memory_space<vmem>>) offsets(%dma_start3A_770 : memref<128xi32, #tpu.memory_space<vmem>>) semaphore(%arg15 : memref<!tpu.dma_semaphore, #tpu.memory_space<semaphore_mem>>)
        %dma_start3A_774 = arith.constant 7 : i32
        %dma_start3A_775 = arith.constant 896 : i32
        %dma_start3A_776 = arith.constant 0 : i32
        %dma_start3A_777 = tpu.memref_slice %arg12[%dma_start3A_775, %dma_start3A_776] : memref<1024x32xf32, #tpu.memory_space<vmem>> -> memref<128x32xf32, #tpu.memory_space<vmem>>
        %dma_start3A_778 = arith.constant 0 : i32
        %dma_start3A_779 = tpu.memref_slice %arg10[%dma_start3A_774, %dma_start3A_778] : memref<8x128xi32, #tpu.memory_space<vmem>> -> memref<1x128xi32, #tpu.memory_space<vmem>>
        %dma_start3A_780 = tpu.memref_squeeze %dma_start3A_779 : memref<1x128xi32, #tpu.memory_space<vmem>> -> memref<128xi32, #tpu.memory_space<vmem>>
        %dma_start3A_781 = arith.constant 0 : i32
        %dma_start3A_782 = arith.constant 0 : i32
        %dma_start3A_783 = tpu.memref_slice %arg2[%dma_start3A_781, %dma_start3A_782] : memref<10000x32xf32, #tpu.memory_space<hbm>> -> memref<10000x32xf32, #tpu.memory_space<hbm>>
        tpu.enqueue_indirect_dma source(%dma_start3A_783 : memref<10000x32xf32, #tpu.memory_space<hbm>>) target(%dma_start3A_777 : memref<128x32xf32, #tpu.memory_space<vmem>>) offsets(%dma_start3A_780 : memref<128xi32, #tpu.memory_space<vmem>>) semaphore(%arg15 : memref<!tpu.dma_semaphore, #tpu.memory_space<semaphore_mem>>)
      } else {
      }
    }
    %barrier3A_203 = arith.constant 0 : index
    tpu.barrier barrier_id(%barrier3A_203)
    %mul3A_204 = arith.constant 632 : i32
    %mul3A_205 = arith.muli %arg1, %mul3A_204 : i32
    %mul3A_206 = arith.constant 632 : i32
    %mul3A_207 = arith.muli %arg1, %mul3A_206 : i32
    "tpu.region"() ({
      %run_scoped3A = tpu.sem_alloc : memref<!tpu.dma_semaphore, #tpu.memory_space<semaphore_mem>>
      %dma_start3A_208 = arith.constant 0 : i32
      %dma_start3A_209 = tpu.memref_slice %arg6[%arg0, %mul3A_207, %dma_start3A_208] : memref<2x10112x32xf32, #tpu.memory_space<hbm>> -> memref<1x632x32xf32, #tpu.memory_space<hbm>>
      %dma_start3A_210 = tpu.memref_squeeze %dma_start3A_209 : memref<1x632x32xf32, #tpu.memory_space<hbm>> -> memref<632x32xf32, #tpu.memory_space<hbm>>
      %dma_start3A_211 = arith.constant 0 : i32
      %dma_start3A_212 = tpu.memref_slice %arg13[%mul3A_205, %dma_start3A_211] : memref<10112x32xf32, #tpu.memory_space<vmem_shared>> -> memref<632x32xf32, #tpu.memory_space<vmem_shared>>
      tpu.enqueue_dma source(%dma_start3A_212 : memref<632x32xf32, #tpu.memory_space<vmem_shared>>) target(%dma_start3A_210 : memref<632x32xf32, #tpu.memory_space<hbm>>) target_semaphore(%run_scoped3A : memref<!tpu.dma_semaphore, #tpu.memory_space<semaphore_mem>>)
      %dma_wait3A = arith.constant 0 : i32
      %dma_wait3A_213 = tpu.memref_slice %arg6[%arg0, %mul3A_207, %dma_wait3A] : memref<2x10112x32xf32, #tpu.memory_space<hbm>> -> memref<1x632x32xf32, #tpu.memory_space<hbm>>
      %dma_wait3A_214 = tpu.memref_squeeze %dma_wait3A_213 : memref<1x632x32xf32, #tpu.memory_space<hbm>> -> memref<632x32xf32, #tpu.memory_space<hbm>>
      %dma_wait3A_215 = arith.constant 0 : i32
      %dma_wait3A_216 = tpu.memref_slice %arg13[%mul3A_205, %dma_wait3A_215] : memref<10112x32xf32, #tpu.memory_space<vmem_shared>> -> memref<632x32xf32, #tpu.memory_space<vmem_shared>>
      tpu.wait_dma2 semaphore(%run_scoped3A : memref<!tpu.dma_semaphore, #tpu.memory_space<semaphore_mem>>) src(%dma_wait3A_216 : memref<632x32xf32, #tpu.memory_space<vmem_shared>>) dst(%dma_wait3A_214 : memref<632x32xf32, #tpu.memory_space<hbm>>)
      tpu.yield
    }) : () -> ()
    return
  }
}

module attributes {stable_mosaic.version = 14 : i64} {
  func.func @body(%arg0: i32, %arg1: memref<2000x128xf32, #tpu.memory_space<vmem>>, %arg2: memref<128x32xf32, #tpu.memory_space<vmem>>, %arg3: memref<2000x32xf32, #tpu.memory_space<vmem>>, %arg4: memref<2000x16xf32, #tpu.memory_space<vmem>>) attributes {dimension_semantics = [#tpu.dimension_semantics<arbitrary>], iteration_bounds = array<i64: 5>, scalar_prefetch = 0 : i64, scratch_operands = 0 : i64, tpu.core_type = #tpu.core_type<tc>, window_params = [{transform_indices = @transform_0, window_bounds = array<i64: 2000, 128>}, {pipeline_mode = #tpu.pipeline_mode<synchronous>, transform_indices = @transform_1, window_bounds = array<i64: 128, 32>}, {transform_indices = @transform_2, window_bounds = array<i64: 2000, 32>}, {transform_indices = @transform_3, window_bounds = array<i64: 2000, 16>}]} {
    %get3A = arith.constant 0 : index
    %get3A_0 = arith.constant 0 : index
    %get3A_1 = vector.load %arg1[%get3A, %get3A_0] : memref<2000x128xf32, #tpu.memory_space<vmem>>, vector<2000x128xf32>
    %get3A_2 = arith.constant 0 : index
    %get3A_3 = arith.constant 0 : index
    %get3A_4 = vector.load %arg2[%get3A_2, %get3A_3] : memref<128x32xf32, #tpu.memory_space<vmem>>, vector<128x32xf32>
    %dot_general3A = arith.constant dense<0.000000e+00> : vector<2000x32xf32>
    %dot_general3A_5 = tpu.matmul %get3A_1, %get3A_4, %dot_general3A {dimension_numbers = #tpu.dot_dimension_numbers<[1], [0], [0], [1], [0, 0, 1, 1], [], []>, transpose_lhs_hint = false} : vector<2000x128xf32>, vector<128x32xf32>, vector<2000x32xf32> -> vector<2000x32xf32>
    %broadcast_in_dim3A = arith.constant 1.000000e+00 : f32
    %broadcast_in_dim3A_6 = vector.broadcast %broadcast_in_dim3A : f32 to vector<2000x1xf32>
    %broadcast_in_dim3A_7 = arith.constant 0.000000e+00 : f32
    %broadcast_in_dim3A_8 = vector.broadcast %broadcast_in_dim3A_7 : f32 to vector<2000x15xf32>
    %concatenate3A = tpu.concatenate %broadcast_in_dim3A_6, %broadcast_in_dim3A_8 in 1 : vector<2000x1xf32>, vector<2000x15xf32> -> vector<2000x16xf32>
    %slice3A = vector.extract_strided_slice %dot_general3A_5 {offsets = [0, 0], sizes = [2000, 16], strides = [1, 1]} : vector<2000x32xf32> to vector<2000x16xf32>
    %concatenate3A_9 = tpu.concatenate %slice3A, %concatenate3A in 1 : vector<2000x16xf32>, vector<2000x16xf32> -> vector<2000x32xf32>
    %swap3A = arith.constant 0 : index
    %swap3A_10 = arith.constant 0 : index
    %swap3A_11 = vector.load %arg3[%swap3A, %swap3A_10] : memref<2000x32xf32, #tpu.memory_space<vmem>>, vector<2000x32xf32>
    tpu.vector_store %arg3[%swap3A, %swap3A_10], %concatenate3A_9 {strides = array<i32>} : memref<2000x32xf32, #tpu.memory_space<vmem>>, vector<2000x32xf32>,
    %slice3A_12 = vector.extract_strided_slice %dot_general3A_5 {offsets = [0, 16], sizes = [2000, 16], strides = [1, 1]} : vector<2000x32xf32> to vector<2000x16xf32>
    %swap3A_13 = arith.constant 0 : index
    %swap3A_14 = arith.constant 0 : index
    %swap3A_15 = vector.load %arg4[%swap3A_13, %swap3A_14] : memref<2000x16xf32, #tpu.memory_space<vmem>>, vector<2000x16xf32>
    tpu.vector_store %arg4[%swap3A_13, %swap3A_14], %slice3A_12 {strides = array<i32>} : memref<2000x16xf32, #tpu.memory_space<vmem>>, vector<2000x16xf32>,
    return
  }
  func.func @transform_0(%arg0: i32) -> (i32, i32) {
    %c0_i32 = arith.constant 0 : i32
    %c0_i32_0 = arith.constant 0 : i32
    return %arg0, %c0_i32 : i32, i32
  }
  func.func @transform_1(%arg0: i32) -> (i32, i32) {
    %c0_i32 = arith.constant 0 : i32
    %c0_i32_0 = arith.constant 0 : i32
    %c0_i32_1 = arith.constant 0 : i32
    return %c0_i32, %c0_i32_0 : i32, i32
  }
  func.func @transform_2(%arg0: i32) -> (i32, i32) {
    %c0_i32 = arith.constant 0 : i32
    %c0_i32_0 = arith.constant 0 : i32
    return %arg0, %c0_i32 : i32, i32
  }
  func.func @transform_3(%arg0: i32) -> (i32, i32) {
    %c0_i32 = arith.constant 0 : i32
    %c0_i32_0 = arith.constant 0 : i32
    return %arg0, %c0_i32 : i32, i32
  }
}

module attributes {stable_mosaic.version = 14 : i64} {
  func.func @body(%arg0: i32, %arg1: memref<2x2000x32xf32, #tpu.memory_space<vmem>>, %arg2: memref<2000x16xf32, #tpu.memory_space<vmem>>, %arg3: memref<1x16xf32, #tpu.memory_space<vmem>>, %arg4: memref<2000x16xf32, #tpu.memory_space<vmem>>, %arg5: memref<2000x16xf32, #tpu.memory_space<vmem>>) attributes {dimension_semantics = [#tpu.dimension_semantics<arbitrary>], iteration_bounds = array<i64: 5>, scalar_prefetch = 0 : i64, scratch_operands = 0 : i64, tpu.core_type = #tpu.core_type<tc>, window_params = [{transform_indices = @transform_0, window_bounds = array<i64: 2, 2000, 32>}, {transform_indices = @transform_1, window_bounds = array<i64: 2000, 16>}, {pipeline_mode = #tpu.pipeline_mode<synchronous>, transform_indices = @transform_2, window_bounds = array<i64: 1, 16>}, {transform_indices = @transform_3, window_bounds = array<i64: 2000, 16>}, {transform_indices = @transform_4, window_bounds = array<i64: 2000, 16>}]} {
    %get3A = arith.constant 0 : index
    %get3A_0 = arith.constant 0 : index
    %get3A_1 = arith.constant 0 : index
    %get3A_2 = vector.load %arg1[%get3A, %get3A_0, %get3A_1] : memref<2x2000x32xf32, #tpu.memory_space<vmem>>, vector<1x2000x32xf32>
    %get3A_3 = vector.shape_cast %get3A_2 : vector<1x2000x32xf32> to vector<2000x32xf32>
    %get3A_4 = arith.constant 1 : index
    %get3A_5 = arith.constant 0 : index
    %get3A_6 = arith.constant 0 : index
    %get3A_7 = vector.load %arg1[%get3A_4, %get3A_5, %get3A_6] : memref<2x2000x32xf32, #tpu.memory_space<vmem>>, vector<1x2000x32xf32>
    %get3A_8 = vector.shape_cast %get3A_7 : vector<1x2000x32xf32> to vector<2000x32xf32>
    %add3A = arith.addf %get3A_3, %get3A_8 : vector<2000x32xf32>
    %slice3A = vector.extract_strided_slice %add3A {offsets = [0, 16], sizes = [2000, 1], strides = [1, 1]} : vector<2000x32xf32> to vector<2000x1xf32>
    %max3A = arith.constant 1.000000e+00 : f32
    %max3A_9 = vector.broadcast %max3A : f32 to vector<2000x1xf32>
    %max3A_10 = arith.maximumf %slice3A, %max3A_9 : vector<2000x1xf32>
    %div3A = arith.constant 1.000000e+00 : f32
    %div3A_11 = vector.broadcast %div3A : f32 to vector<2000x1xf32>
    %div3A_12 = arith.divf %div3A_11, %max3A_10 : vector<2000x1xf32>
    %broadcast_in_dim3A = vector.shape_cast %div3A_12 : vector<2000x1xf32> to vector<2000x1xf32>
    %broadcast_in_dim3A_13 = vector.broadcast %broadcast_in_dim3A : vector<2000x1xf32> to vector<2000x16xf32>
    %slice3A_14 = vector.extract_strided_slice %add3A {offsets = [0, 0], sizes = [2000, 16], strides = [1, 1]} : vector<2000x32xf32> to vector<2000x16xf32>
    %mul3A = arith.mulf %slice3A_14, %broadcast_in_dim3A_13 : vector<2000x16xf32>
    %get3A_15 = arith.constant 0 : index
    %get3A_16 = arith.constant 0 : index
    %get3A_17 = vector.load %arg3[%get3A_15, %get3A_16] : memref<1x16xf32, #tpu.memory_space<vmem>>, vector<1x16xf32>
    %add3A_18 = vector.broadcast %get3A_17 : vector<1x16xf32> to vector<2000x16xf32>
    %add3A_19 = arith.addf %mul3A, %add3A_18 : vector<2000x16xf32>
    %get3A_20 = arith.constant 0 : index
    %get3A_21 = arith.constant 0 : index
    %get3A_22 = vector.load %arg2[%get3A_20, %get3A_21] : memref<2000x16xf32, #tpu.memory_space<vmem>>, vector<2000x16xf32>
    %add3A_23 = arith.addf %add3A_19, %get3A_22 : vector<2000x16xf32>
    %max3A_24 = arith.constant 0.000000e+00 : f32
    %max3A_25 = vector.broadcast %max3A_24 : f32 to vector<2000x16xf32>
    %max3A_26 = arith.maximumf %add3A_23, %max3A_25 : vector<2000x16xf32>
    %swap3A = arith.constant 0 : index
    %swap3A_27 = arith.constant 0 : index
    %swap3A_28 = vector.load %arg4[%swap3A, %swap3A_27] : memref<2000x16xf32, #tpu.memory_space<vmem>>, vector<2000x16xf32>
    tpu.vector_store %arg4[%swap3A, %swap3A_27], %max3A_26 {strides = array<i32>} : memref<2000x16xf32, #tpu.memory_space<vmem>>, vector<2000x16xf32>,
    %swap3A_29 = arith.constant 0 : index
    %swap3A_30 = arith.constant 0 : index
    %swap3A_31 = vector.load %arg5[%swap3A_29, %swap3A_30] : memref<2000x16xf32, #tpu.memory_space<vmem>>, vector<2000x16xf32>
    tpu.vector_store %arg5[%swap3A_29, %swap3A_30], %broadcast_in_dim3A_13 {strides = array<i32>} : memref<2000x16xf32, #tpu.memory_space<vmem>>, vector<2000x16xf32>,
    return
  }
  func.func @transform_0(%arg0: i32) -> (i32, i32, i32) {
    %c0_i32 = arith.constant 0 : i32
    %c0_i32_0 = arith.constant 0 : i32
    %c0_i32_1 = arith.constant 0 : i32
    return %c0_i32, %arg0, %c0_i32_0 : i32, i32, i32
  }
  func.func @transform_1(%arg0: i32) -> (i32, i32) {
    %c0_i32 = arith.constant 0 : i32
    %c0_i32_0 = arith.constant 0 : i32
    return %arg0, %c0_i32 : i32, i32
  }
  func.func @transform_2(%arg0: i32) -> (i32, i32) {
    %c0_i32 = arith.constant 0 : i32
    %c0_i32_0 = arith.constant 0 : i32
    %c0_i32_1 = arith.constant 0 : i32
    return %c0_i32, %c0_i32_0 : i32, i32
  }
  func.func @transform_3(%arg0: i32) -> (i32, i32) {
    %c0_i32 = arith.constant 0 : i32
    %c0_i32_0 = arith.constant 0 : i32
    return %arg0, %c0_i32 : i32, i32
  }
  func.func @transform_4(%arg0: i32) -> (i32, i32) {
    %c0_i32 = arith.constant 0 : i32
    %c0_i32_0 = arith.constant 0 : i32
    return %arg0, %c0_i32 : i32, i32
  }
}

module attributes {stable_mosaic.version = 14 : i64} {
  func.func @body(%arg0: i32, %arg1: memref<2x2000x16xf32, #tpu.memory_space<vmem>>, %arg2: memref<2000x16xf32, #tpu.memory_space<vmem>>, %arg3: memref<2000x16xf32, #tpu.memory_space<vmem>>, %arg4: memref<16x64xf32, #tpu.memory_space<vmem>>, %arg5: memref<1x64xf32, #tpu.memory_space<vmem>>, %arg6: memref<16x64xf32, #tpu.memory_space<vmem>>, %arg7: memref<2000x64xf32, #tpu.memory_space<vmem>>) attributes {dimension_semantics = [#tpu.dimension_semantics<arbitrary>], iteration_bounds = array<i64: 5>, scalar_prefetch = 0 : i64, scratch_operands = 0 : i64, tpu.core_type = #tpu.core_type<tc>, window_params = [{transform_indices = @transform_0, window_bounds = array<i64: 2, 2000, 16>}, {transform_indices = @transform_1, window_bounds = array<i64: 2000, 16>}, {transform_indices = @transform_2, window_bounds = array<i64: 2000, 16>}, {pipeline_mode = #tpu.pipeline_mode<synchronous>, transform_indices = @transform_3, window_bounds = array<i64: 16, 64>}, {pipeline_mode = #tpu.pipeline_mode<synchronous>, transform_indices = @transform_4, window_bounds = array<i64: 1, 64>}, {pipeline_mode = #tpu.pipeline_mode<synchronous>, transform_indices = @transform_5, window_bounds = array<i64: 16, 64>}, {transform_indices = @transform_6, window_bounds = array<i64: 2000, 64>}]} {
    %get3A = arith.constant 0 : index
    %get3A_0 = arith.constant 0 : index
    %get3A_1 = arith.constant 0 : index
    %get3A_2 = vector.load %arg1[%get3A, %get3A_0, %get3A_1] : memref<2x2000x16xf32, #tpu.memory_space<vmem>>, vector<1x2000x16xf32>
    %get3A_3 = vector.shape_cast %get3A_2 : vector<1x2000x16xf32> to vector<2000x16xf32>
    %get3A_4 = arith.constant 1 : index
    %get3A_5 = arith.constant 0 : index
    %get3A_6 = arith.constant 0 : index
    %get3A_7 = vector.load %arg1[%get3A_4, %get3A_5, %get3A_6] : memref<2x2000x16xf32, #tpu.memory_space<vmem>>, vector<1x2000x16xf32>
    %get3A_8 = vector.shape_cast %get3A_7 : vector<1x2000x16xf32> to vector<2000x16xf32>
    %add3A = arith.addf %get3A_3, %get3A_8 : vector<2000x16xf32>
    %get3A_9 = arith.constant 0 : index
    %get3A_10 = arith.constant 0 : index
    %get3A_11 = vector.load %arg2[%get3A_9, %get3A_10] : memref<2000x16xf32, #tpu.memory_space<vmem>>, vector<2000x16xf32>
    %mul3A = arith.mulf %add3A, %get3A_11 : vector<2000x16xf32>
    %get3A_12 = arith.constant 0 : index
    %get3A_13 = arith.constant 0 : index
    %get3A_14 = vector.load %arg4[%get3A_12, %get3A_13] : memref<16x64xf32, #tpu.memory_space<vmem>>, vector<16x64xf32>
    %dot_general3A = arith.constant dense<0.000000e+00> : vector<2000x64xf32>
    %dot_general3A_15 = tpu.matmul %mul3A, %get3A_14, %dot_general3A {dimension_numbers = #tpu.dot_dimension_numbers<[1], [0], [0], [1], [0, 0, 1, 1], [], []>, transpose_lhs_hint = false} : vector<2000x16xf32>, vector<16x64xf32>, vector<2000x64xf32> -> vector<2000x64xf32>
    %get3A_16 = arith.constant 0 : index
    %get3A_17 = arith.constant 0 : index
    %get3A_18 = vector.load %arg3[%get3A_16, %get3A_17] : memref<2000x16xf32, #tpu.memory_space<vmem>>, vector<2000x16xf32>
    %get3A_19 = arith.constant 0 : index
    %get3A_20 = arith.constant 0 : index
    %get3A_21 = vector.load %arg6[%get3A_19, %get3A_20] : memref<16x64xf32, #tpu.memory_space<vmem>>, vector<16x64xf32>
    %dot_general3A_22 = arith.constant dense<0.000000e+00> : vector<2000x64xf32>
    %dot_general3A_23 = tpu.matmul %get3A_18, %get3A_21, %dot_general3A_22 {dimension_numbers = #tpu.dot_dimension_numbers<[1], [0], [0], [1], [0, 0, 1, 1], [], []>, transpose_lhs_hint = false} : vector<2000x16xf32>, vector<16x64xf32>, vector<2000x64xf32> -> vector<2000x64xf32>
    %add3A_24 = arith.addf %dot_general3A_15, %dot_general3A_23 : vector<2000x64xf32>
    %get3A_25 = arith.constant 0 : index
    %get3A_26 = arith.constant 0 : index
    %get3A_27 = vector.load %arg5[%get3A_25, %get3A_26] : memref<1x64xf32, #tpu.memory_space<vmem>>, vector<1x64xf32>
    %add3A_28 = vector.broadcast %get3A_27 : vector<1x64xf32> to vector<2000x64xf32>
    %add3A_29 = arith.addf %add3A_24, %add3A_28 : vector<2000x64xf32>
    %reduce_max3A = arith.constant dense<0xFF800000> : vector<2000xf32>
    %reduce_max3A_30 = vector.multi_reduction <maximumf>, %add3A_29, %reduce_max3A [1] : vector<2000x64xf32> to vector<2000xf32>
    %broadcast_in_dim3A = vector.shape_cast %reduce_max3A_30 : vector<2000xf32> to vector<2000x1xf32>
    %sub3A = vector.broadcast %broadcast_in_dim3A : vector<2000x1xf32> to vector<2000x64xf32>
    %sub3A_31 = arith.subf %add3A_29, %sub3A : vector<2000x64xf32>
    %exp3A = math.exp %sub3A_31 : vector<2000x64xf32>
    %reduce_sum3A = arith.constant dense<0.000000e+00> : vector<2000xf32>
    %reduce_sum3A_32 = vector.multi_reduction <add>, %exp3A, %reduce_sum3A [1] : vector<2000x64xf32> to vector<2000xf32>
    %broadcast_in_dim3A_33 = vector.shape_cast %reduce_sum3A_32 : vector<2000xf32> to vector<2000x1xf32>
    %log3A = math.log %broadcast_in_dim3A_33 : vector<2000x1xf32>
    %add3A_34 = arith.addf %broadcast_in_dim3A, %log3A : vector<2000x1xf32>
    %sub3A_35 = vector.broadcast %add3A_34 : vector<2000x1xf32> to vector<2000x64xf32>
    %sub3A_36 = arith.subf %add3A_29, %sub3A_35 : vector<2000x64xf32>
    %swap3A = arith.constant 0 : index
    %swap3A_37 = arith.constant 0 : index
    %swap3A_38 = vector.load %arg7[%swap3A, %swap3A_37] : memref<2000x64xf32, #tpu.memory_space<vmem>>, vector<2000x64xf32>
    tpu.vector_store %arg7[%swap3A, %swap3A_37], %sub3A_36 {strides = array<i32>} : memref<2000x64xf32, #tpu.memory_space<vmem>>, vector<2000x64xf32>,
    return
  }
  func.func @transform_0(%arg0: i32) -> (i32, i32, i32) {
    %c0_i32 = arith.constant 0 : i32
    %c0_i32_0 = arith.constant 0 : i32
    %c0_i32_1 = arith.constant 0 : i32
    return %c0_i32, %arg0, %c0_i32_0 : i32, i32, i32
  }
  func.func @transform_1(%arg0: i32) -> (i32, i32) {
    %c0_i32 = arith.constant 0 : i32
    %c0_i32_0 = arith.constant 0 : i32
    return %arg0, %c0_i32 : i32, i32
  }
  func.func @transform_2(%arg0: i32) -> (i32, i32) {
    %c0_i32 = arith.constant 0 : i32
    %c0_i32_0 = arith.constant 0 : i32
    return %arg0, %c0_i32 : i32, i32
  }
  func.func @transform_3(%arg0: i32) -> (i32, i32) {
    %c0_i32 = arith.constant 0 : i32
    %c0_i32_0 = arith.constant 0 : i32
    %c0_i32_1 = arith.constant 0 : i32
    return %c0_i32, %c0_i32_0 : i32, i32
  }
  func.func @transform_4(%arg0: i32) -> (i32, i32) {
    %c0_i32 = arith.constant 0 : i32
    %c0_i32_0 = arith.constant 0 : i32
    %c0_i32_1 = arith.constant 0 : i32
    return %c0_i32, %c0_i32_0 : i32, i32
  }
  func.func @transform_5(%arg0: i32) -> (i32, i32) {
    %c0_i32 = arith.constant 0 : i32
    %c0_i32_0 = arith.constant 0 : i32
    %c0_i32_1 = arith.constant 0 : i32
    return %c0_i32, %c0_i32_0 : i32, i32
  }
  func.func @transform_6(%arg0: i32) -> (i32, i32) {
    %c0_i32 = arith.constant 0 : i32
    %c0_i32_0 = arith.constant 0 : i32
    return %arg0, %c0_i32 : i32, i32
  }
}

</mosaic_0001>

<sc_bundles>
// kernel: kernel.10.cloned.1.call-start
scs
__scs_entry_jumppad:
0x0: {  	(pc) =	sbr.rel $0x88, $3  }
0x1: {  	(tag) =	ssettag $0x0;
	lr =	simm.s32 $0x1  }
0x2: {  	[smem:$0x3F99] =	sst lr;
	_ =	strace $0xD0000000  }
0x3: {  	_ = 	snop  }
0x4: {  	_ = 	snop  }
0x5: {  	_ = 	snop  }
0x6: {  	_ = 	snop  }
0x7: {  	_ = 	snop  }
__scs_overlays_trampoline_lowered:
0x8: {  	[smem:$0x3FA8] =	sst s0  }
0x9: {  	[smem:$0x3FA9] =	sst s1  }
0xa: {  	[smem:$0x3FAA] =	sst s2  }
0xb: {  	[smem:$0x3FAB] =	sst s3  }
0xc: {  	[smem:$0x3FAC] =	sst s4  }
0xd: {  	[smem:$0x3FAD] =	sst s5  }
0xe: {  	[smem:$0x3FAE] =	sst s6  }
0xf: {  	[smem:$0x3FAF] =	sst s7  }
0x10: {  	[smem:$0x3FB0] =	sst s8  }
0x11: {  	[smem:$0x3FB1] =	sst s9;
	s0 =	simm.s32 @!p0 $0x0  }
0x12: {  	s1 =	sld [smem:$0x3F97];
	s0 =	simm.s32 @p0 $0x1  }
0x13: {  	[smem:$0x3FB2] =	sst s0;
	s0 =	simm.s32 @!p1 $0x0  }
0x14: {  	s2 =	sld [smem:$0x3F96];
	s0 =	simm.s32 @p1 $0x1  }
0x15: {  	[smem:$0x3FB3] =	sst s0;
	s0 =	simm.s32 @!p2 $0x0  }
0x16: {  	s3 =	sld [smem:$0x3FDB];
	s0 =	simm.s32 @p2 $0x1  }
0x17: {  	s4 =	simm.s32 $0x1BF5;
	[smem:$0x3FB5] =	sst s0  }
0x18: {  	s0 =	sld [smem:$0x3F98];
	_ =	swait.ge [sflag:s4], $0x0  }
0x19: {  	s7 =	sld [smem:$0x3F99]  }
0x1a: {  	s8 =	sadd.s32 $0xFFFFE003, lr  }
0x1b: {  	s9 =	sadd.s32 $0xFFFFFEF7, lr;
	s5 =	simm.s32 $0xFFFFFFFF;
	p2 =	slt.u32 s8, $0xFFFFF086  }
0x1c: {  	p1 =	slt.u32 s9, $0xF7A;
	s5 =	simm.s32 @!p2 $0x0  }
0x1d: {  	s5 =	simm.s32 @p1 $0x1;
	p0 =	seq.s32 s7, s2  }
0x1e: {  	s7 =	smul.u32 @!p0 $0xF7A, s2;
	p2 =	seq.s32 @!p0 s5, $0x0  }
0x1f: {  	s9 =	smul.u32 $0xF7A, s1;
	s8 =	simm.s32 @!p0 $0x1BF5;
	p2 =	por !p2, p0  }
0x20: {  	[sflag:s8] =	ssyncset.s32 @!p0 $0xFFFFF086;
	s6 =	sadd.s32 @!p0 s3, s7;
	s7 =	simm.s32 @!p0 $0x108  }
0x21: {  	s3 =	sadd.s32 s3, s9;
	s6 =	sadd.s32 @!p0 $0x88, s6;
	s7 =	simm.s32 @p2 $0x1082  }
0x22: {  	[simem:s7], [sflag:s8] =	dma.local @!p0 [hbm:s6], $0xF7A  }
0x23: {  	s9 =	sor.u32 $0xD0000000, s2;
	s6 =	simm.s32 $0x108;
	_ =	swait.ge @!p0 [sflag:s8], $0x0  }
0x24: {  	s3 =	sadd.s32 $0x88, s3;
	s6 =	simm.s32 @!p1 $0x1082;
	[sflag:s4] =	ssyncset.s32 $0xFFFFF086  }
0x25: {  	[simem:s6], [sflag:s4] =	dma.local [hbm:s3], $0xF7A  }
0x26: {  	[smem:$0x3F99] =	sst s1;
	(tag) =	ssettag s2;
	_ =	strace s9  }
0x27: {  	s1 =	sld [smem:$0x3FA9]  }
0x28: {  	s2 =	sld [smem:$0x3FAA]  }
0x29: {  	s4 =	sld [smem:$0x3FAC]  }
0x2a: {  	p0 =	seq.s32 s5, $0x0;
	s5 =	sld [smem:$0x3FAD]  }
0x2b: {  	s6 =	sld [smem:$0x3FAE]  }
0x2c: {  	s7 =	sld [smem:$0x3FAF]  }
0x2d: {  	s3 =	simm.s32 $0x108;
	s8 =	sld [smem:$0x3FB0]  }
0x2e: {  	s3 =	simm.s32 @!p0 $0x1082;
	s9 =	sld [smem:$0x3FB1]  }
0x2f: {  	lr =	sadd.s32 s0, s3;
	s0 =	sld [smem:$0x3FA8]  }
0x30: {  	s3 =	sld [smem:$0x3FAB]  }
0x31: {  	[smem:$0x3FB4] =	sst s10  }
0x32: {  	s10 =	sld [smem:$0x3FB2];
	_ =	sdelay $0x3  }
0x33: {  	p0 =	seq.s32 s10, $0x1;
	s10 =	sld [smem:$0x3FB4];
	_ =	sdelay $0x3  }
0x34: {  	[smem:$0x3FB4] =	sst s10  }
0x35: {  	s10 =	sld [smem:$0x3FB3];
	_ =	sdelay $0x3  }
0x36: {  	p1 =	seq.s32 s10, $0x1;
	s10 =	sld [smem:$0x3FB4];
	_ =	sdelay $0x3  }
0x37: {  	[smem:$0x3FB4] =	sst s10  }
0x38: {  	s10 =	sld [smem:$0x3FB5]  }
0x39: {  	_ = 	snop;
	(pc) =	sbr.ind lr, $3  }
0x3a: {  	_ = 	snop  }
0x3b: {  	_ = 	snop  }
0x3c: {  	p2 =	seq.s32 s10, $0x1;
	s10 =	sld [smem:$0x3FB4]  }
0x3d: {  	_ =	shalt  }
0x3e: {  	_ =	shalt  }
0x3f: {  	_ =	shalt  }
0x40: {  	_ =	shalt  }
0x41: {  	_ =	shalt  }
0x42: {  	_ =	shalt  }
0x43: {  	_ =	shalt  }
0x44: {  	_ =	shalt  }
0x45: {  	_ =	shalt  }
0x46: {  	_ =	shalt  }
0x47: {  	_ =	shalt  }
0x48: {  	_ =	shalt  }
0x49: {  	_ =	shalt  }
0x4a: {  	_ =	shalt  }
0x4b: {  	_ =	shalt  }
0x4c: {  	_ =	shalt  }
0x4d: {  	_ =	shalt  }
0x4e: {  	_ =	shalt  }
0x4f: {  	_ =	shalt  }
0x50: {  	_ =	shalt  }
0x51: {  	_ =	shalt  }
0x52: {  	_ =	shalt  }
0x53: {  	_ =	shalt  }
0x54: {  	_ =	shalt  }
0x55: {  	_ =	shalt  }
0x56: {  	_ =	shalt  }
0x57: {  	_ =	shalt  }
0x58: {  	_ =	shalt  }
0x59: {  	_ =	shalt  }
0x5a: {  	_ =	shalt  }
0x5b: {  	_ =	shalt  }
0x5c: {  	_ =	shalt  }
0x5d: {  	_ =	shalt  }
0x5e: {  	_ =	shalt  }
0x5f: {  	_ =	shalt  }
0x60: {  	_ =	shalt  }
0x61: {  	_ =	shalt  }
0x62: {  	_ =	shalt  }
0x63: {  	_ =	shalt  }
0x64: {  	_ =	shalt  }
0x65: {  	_ =	shalt  }
0x66: {  	_ =	shalt  }
0x67: {  	_ =	shalt  }
0x68: {  	_ =	shalt  }
0x69: {  	_ =	shalt  }
0x6a: {  	_ =	shalt  }
0x6b: {  	_ =	shalt  }
0x6c: {  	_ =	shalt  }
0x6d: {  	_ =	shalt  }
0x6e: {  	_ =	shalt  }
0x6f: {  	_ =	shalt  }
0x70: {  	_ =	shalt  }
0x71: {  	_ =	shalt  }
0x72: {  	_ =	shalt  }
0x73: {  	_ =	shalt  }
0x74: {  	_ =	shalt  }
0x75: {  	_ =	shalt  }
0x76: {  	_ =	shalt  }
0x77: {  	_ =	shalt  }
0x78: {  	_ =	shalt  }
0x79: {  	_ =	shalt  }
0x7a: {  	_ =	shalt  }
0x7b: {  	_ =	shalt  }
0x7c: {  	_ =	shalt  }
0x7d: {  	_ =	shalt  }
0x7e: {  	_ =	shalt  }
0x7f: {  	_ =	shalt  }
0x80: {  	_ =	shalt  }
0x81: {  	_ =	shalt  }
0x82: {  	_ =	shalt  }
0x83: {  	_ =	shalt  }
0x84: {  	_ =	shalt  }
0x85: {  	_ =	shalt  }
0x86: {  	_ =	shalt  }
0x87: {  	_ =	shalt  }
.Lfunc_end0:
.L_simem_size_0:
called_computation.1_lowered:
.L_overlay_start_0:
0x88: {  	s2 =	sld [smem:$0x3FD9]  }
0x89: {  	s3 =	sld [smem:$0x3FFE];
	_ =	sdelay $0x1  }
0x8a: {  	s1 =	srdreg.scid  }
0x8b: {  	s0 =	sand.u32 $0x1, s1  }
0x8c: {  	s17 =	sshll.u32 s0, $0xA;
	s2 =	sadd.s32 s3, s2  }
0x8d: {  	s2 =	sadd.s32 s2, s17  }
0x8e: {  	[smem:$0x3FC0] =	sst s2  }
0x8f: {  	_ = 	snop  }
0x90: {  	s2 =	sld [smem:$0x3FD0];
	(tm) =	ssettm $0x1  }
0x91: {  	s18 =	sld [smem:$0x3FFB];
	_ =	sdelay $0x3  }
0x92: {  	_ =	strace s18  }
0x93: {  	s3 =	sld [smem:$0x3FFC];
	_ =	sdelay $0x3  }
0x94: {  	_ =	strace s3  }
0x95: {  	s3 =	sld [smem:$0x3FFD];
	_ =	sdelay $0x3  }
0x96: {  	_ =	strace s3  }
0x97: {  	_ =	strace $0x8FFFFFFF  }
0x98: {  	s19 =	sld [smem:$0x3FDB];
	_ =	sdelay $0x1  }
0x99: {  	s4 =	simm.s32 $_scs_section_size  }
0x9a: {  	s5 =	simm.s32 $_size__tile_overlayer_lowered;
	s6 =	simm.s32 $_tile_overlayer_lowered  }
0x9b: {  	s22 =	simm.s32 $0x1BFF;
	s21 =	sshll.u32 s6, $0x1;
	s3 =	sadd.s32 s4, s19  }
0x9c: {  	s7 =	simm.s32 $0x0;
	s20 =	sshll.u32 s5, $0x1;
	s5 =	sadd.s32 s21, s3  }
0x9d: {  	[timem:s7], [sflag:s22] =	dma.local [hbm:s5], s20  }
0x9e: {  	_ =	swait.ge [sflag:s22], s20  }
0x9f: {  	s4 =	ssub.s32 $0x0, s20;
	[sflag:s22] =	ssyncset.done $0x0  }
0xa0: {  	[sflag:s22] =	ssyncadd.s32 s4;
	_ =	sdelay $0x1  }
0xa1: {  	s23 =	simm.s32 $0x1B8B  }
0xa2: {  	_ =	swait.ge [sflag:s23], $0x1  }
0xa3: {  	[sflag:s23] =	ssyncset.done $0x0  }
0xa4: {  	s25 =	simm.s32 $0x1B8E;
	s24 =	sld [smem:$0x3FFE];
	[sflag:s23] =	ssyncadd.s32 $0xFFFFFFFF  }
0xa5: {  	s26 =	simm.s32 $execute0_lowered;
	[smem:$0x3FD2] =	sst s25  }
0xa6: {  	s5 =	sshll.u32 s26, $0x1;
	_ =	strace $0x80000049;
	[dreg:$0x1] =	wrdreg $0xFFFFFFFF  }
0xa7: {  	s28 =	simm.s32 $_size_execute0_lowered;
	s3 =	sadd.s32 s3, s5;
	[dreg:$0x0] =	wrdreg $0x0  }
0xa8: {  	s5 =	sshll.u32 s28, $0x1;
	[dreg:$0x2] =	wrdreg s3  }
0xa9: {  	[dreg:$0x3] =	wrdreg s5  }
0xaa: {  	[dreg:$0x4] =	wrdreg $0xC0  }
0xab: {  	_ =	task [dreg:s7], $0x5FFFF  }
0xac: {  	[dreg:$0x1] =	wrdreg $0xFFFFFFFF  }
0xad: {  	[dreg:$0x0] =	wrdreg $0x60  }
0xae: {  	[dreg:$0x2] =	wrdreg s24  }
0xaf: {  	[dreg:$0x3] =	wrdreg s2  }
0xb0: {  	[dreg:$0x4] =	wrdreg $0x90000  }
0xb1: {  	[dreg:$0x5] =	wrdreg $0x9  }
0xb2: {  	_ =	task.clear_ibuf [dreg:s7], $0x6FFFF;
	_ =	strace $0x90000049  }
0xb3: {  	s29 =	simm.s32 $0x9;
	_ =	strace $0x8000004B  }
0xb4: {  	_ =	swait.ge [sflag:s29], $0x1  }
0xb5: {  	[sflag:s29] =	ssyncadd.s32 $0xFFFFFFFF  }
0xb6: {  	_ =	strace $0x9000004B  }
0xb7: {  	_ =	sfence  }
0xb8: {  	s30 =	sld [smem:$0x0];
	_ =	sdelay $0x2  }
0xb9: {  	s31 =	sshll.u32 s1, $0xD;
	s1 =	sshrl.u32 s1, $0x2  }
0xba: {  	s3 =	sand.u32 $0x4000, s31;
	s1 =	sadd.s32 s1, s30  }
0xbb: {  	s0 =	sor.u32 s3, s0;
	s1 =	sshll.u32 s1, $0x11  }
0xbc: {  	s0 =	sor.u32 s1, s0  }
0xbd: {  	s0 =	sadd.s32 $0x8F2B, s0  }
0xbe: {  	[sflag:s0] =	ssyncadd.remote.s32 $0x1  }
0xbf: {  	_ =	sfence.sel $0xFFFF  }
0xc0: {  	[dreg:$0x0] =	wrdreg $0xFFFFFFFF;
	(pc) =	sbr.abs _section_cstart, $3  }
0xc1: {  	[dreg:$0x1] =	wrdreg $0xFFFFFFFF  }
0xc2: {  	_ =	task.clear_ibuf [dreg:s7], $0x2FFFF;
	_ =	strace $0x9FFFFFFF  }
0xc3: {  	(tm) =	ssettm $0x7FFFFFFF  }
tec
execute0_lowered:
.L_overlay_start_1:
0x0: {  	(tag) =	ssettag $0x1  }
0x1: {  	s0 =	rddreg [dreg:$0x0]  }
0x2: {  	s1 =	rddreg [dreg:$0x1]  }
0x3: {  	s2 =	rddreg [dreg:$0x2];
	s4 =	simm.s32 $0x0  }
0x4: {  	s13 =	stileid.u32;
	s3 =	srdreg.scid;
	s24 =	simm.s32 $0x480  }
0x5: {  	s26 =	simm.s32 $0x500;
	s14 =	simm.s32 $0x680;
	s15 =	simm.s32 $0x700  }
0x6: {  	s16 =	simm.s32 $0x780;
	s28 =	simm.s32 $0x400;
	s29 =	simm.s32 $0x7000  }
0x7: {  	s30 =	simm.s32 $0x7800;
	s31 =	simm.s32 $0x2;
	[smem:$0x7FF] =	sst s4  }
0x8: {  	s8 =	smul.u32 $0x2780, s13;
	s3 =	sand.u32 $0x1, s3;
	s4 =	sadd.s32 $0xE00, s0  }
0x9: {  	s5 =	sadd.s32 $0x14C00, s0;
	s6 =	sadd.s32 $0xAC00, s0;
	s19 =	sshll.u32 s13, $0x5  }
0xa: {  	s11 =	sshll.u32 s13, $0x7;
	_ =	strace $0x8000004A;
	[dreg:$0x4] =	wrdreg s24  }
0xb: {  	s13 =	sshll.u32 s13, $0x6;
	s7 =	ssub.s32 $0x2, s3;
	[dreg:$0x5] =	wrdreg s26  }
0xc: {  	p0 =	seq.s32 s3, $0x0;
	s17 =	sor.u32 $0x1C05, s13;
	[dreg:$0x8] =	wrdreg s14  }
0xd: {  	s3 =	smul.u32 $0x27800, s3;
	s13 =	simm.s32 $0x600;
	[dreg:$0x9] =	wrdreg s15  }
0xe: {  	[dreg:$0xa] =	wrdreg s16;
	s24 =	simm.s32 $0x4E80;
	s26 =	simm.s32 $0x4F80  }
0xf: {  	s14 =	simm.s32 $0x6000;
	s15 =	simm.s32 $0x6800;
	[dreg:$0x7] =	wrdreg s13  }
0x10: {  	s16 =	simm.s32 $0x1;
	s9 =	sshrl.u32 s8, $0x3;
	[dreg:$0xf] =	wrdreg s24  }
0x11: {  	s10 =	sshrl.u32 s7, $0x1;
	s12 =	sadd.s32 s8, s2;
	[dreg:$0x11] =	wrdreg s26  }
0x12: {  	s24 =	simm.s32 $0x1800;
	s26 =	simm.s32 $0x3000;
	s13 =	simm.s32 $0x5800  }
0x13: {  	[dreg:$0x13] =	wrdreg s17;
	s0 =	sadd.s32 s9, s0;
	s18 =	ssub.s32 s7, s10  }
0x14: {  	s7 =	simm.s32 $0x10;
	s10 =	sor.u32 $0x800, s19;
	s19 =	simm.s32 $0x4C80  }
0x15: {  	s3 =	sadd.s32 s8, s3;
	s0 =	sadd.s32 $0x1EC00, s0;
	[dreg:$0xb] =	wrdreg s19  }
0x16: {  	s10 =	smov.u32 @p0 s11;
	s11 =	simm.s32 $0x580;
	[dreg:$0x12] =	wrdreg s0  }
0x17: {  	s8 =	simm.s32 $0x3800;
	s18 =	smax.u32 s18, $0x1;
	[dreg:$0x6] =	wrdreg s11  }
0x18: {  	s7 =	simm.s32 @!p0 $0x4;
	s19 =	sshrl.u32 s12, $0x3;
	[dreg:$0x1a] =	wrdreg s18  }
0x19: {  	s3 =	sshrl.u32 s3, $0x3;
	s25 =	sshrl.u32 s7, $0x1;
	[dreg:$0x1c] =	wrdreg s19  }
0x1a: {  	s20 =	sshll.u32 s10, $0x4;
	s1 =	sadd.s32 s1, s3;
	[dreg:$0x18] =	wrdreg s25  }
0x1b: {  	s9 =	simm.s32 $0x3;
	s21 =	sadd.s32 s5, s20;
	[dreg:$0x19] =	wrdreg s1  }
0x1c: {  	s10 =	sshll.u32 s10, $0x7;
	s22 =	sadd.s32 s6, s20;
	[dreg:$0x14] =	wrdreg s21  }
0x1d: {  	s0 =	sor.u32 $0x80, s20;
	s20 =	sor.u32 $0x800, s10;
	[dreg:$0x15] =	wrdreg s22  }
0x1e: {  	s12 =	simm.s32 $0x5000;
	s25 =	simm.s32 $0x4F00;
	[dreg:$0x1b] =	wrdreg s20  }
0x1f: {  	s11 =	simm.s32 $0x4C00;
	s23 =	sadd.s32 s5, s0;
	[dreg:$0x10] =	wrdreg s25  }
0x20: {  	s18 =	simm.s32 $0x4;
	s0 =	sadd.s32 s6, s0;
	[dreg:$0x16] =	wrdreg s23  }
0x21: {  	s1 =	simm.s32 $0x2800;
	s21 =	simm.s32 $0x4D00;
	[dreg:$0x17] =	wrdreg s0  }
0x22: {  	s10 =	simm.s32 $0x4000;
	s22 =	simm.s32 $0x4D80;
	[dreg:$0xc] =	wrdreg s21  }
0x23: {  	s20 =	simm.s32 $0x5;
	s25 =	simm.s32 $0x2000;
	[dreg:$0xd] =	wrdreg s22  }
0x24: {  	s23 =	simm.s32 $0x4E00;
	s21 =	simm.s32 $0x80;
	s22 =	simm.s32 $0x800  }
0x25: {  	s0 =	simm.s32 $0x0;
	[dreg:$0xe] =	wrdreg s23;
	s23 =	simm.s32 $0x1000  }
.LBB2_1:
0x26: {  	[dreg:$0x1d] =	wrdreg s0  }
0x27: {  	s3 =	rddreg [dreg:$0x12]  }
0x28: {  	[spmem:s19], [sflag:s17] =	dma.local [hbm:s3], $0x4F0  }
0x29: {  	_ =	swait.ge [sflag:s20], $0x4F0  }
0x2a: {  	[sflag:s20] =	ssyncset.done $0x0  }
0x2b: {  	[sflag:s20] =	ssyncadd.s32 $0xFFFFFB10  }
0x2c: {  	[bflag:$0x0] =	sbarrier.arrive $0xFFFF  }
0x2d: {  	s3 =	simm.s32 $0x0;
	s19 =	rddreg [dreg:$0x14]  }
0x2e: {  	[tilespmem:s3], [sflag:$0x5] =	stream.linear.gather [hbm4b:s19+s3], $0x400, $0x38;
	[tilespmem:$0xB780] =	vst v63  }
0x2f: {  	_ =	swait.ge [sflag:s20], $0x400  }
0x30: {  	[sflag:s20] =	ssyncset.done $0x0  }
0x31: {  	s0 =	rddreg [dreg:$0x15];
	[sflag:s20] =	ssyncadd.s32 $0xFFFFFC00  }
0x32: {  	[tilespmem:s28], [sflag:$0x5] =	stream.linear.gather [hbm4b:s0+s3], $0x400, $0x38;
	[tilespmem:$0xB780] =	vst v63  }
0x33: {  	_ =	swait.ge [sflag:s20], $0x400  }
0x34: {  	[sflag:s20] =	ssyncset.done $0x0  }
0x35: {  	[sflag:s20] =	ssyncadd.s32 $0xFFFFFC00  }
0x36: {  	[tilespmem:s22], [sflag:$0x1] =	stream.indirect.gather [hbm4b:s4+s21], $0x10, s3, s21, $0xb8;
	[tilespmem:$0xB780] =	vst v63  }
0x37: {  	_ = 	snop  }
0x38: {  	[tilespmem:s23], [sflag:$0x1] =	stream.indirect.gather [hbm4b:s4+s21], $0x10, s21, s21, $0xb8;
	[tilespmem:$0xB780] =	vst v63  }
0x39: {  	s19 =	simm.s32 $0x100  }
0x3a: {  	[tilespmem:s24], [sflag:$0x1] =	stream.indirect.gather [hbm4b:s4+s21], $0x10, s19, s21, $0xb8;
	[tilespmem:$0xB780] =	vst v63  }
0x3b: {  	s17 =	simm.s32 $0x180  }
0x3c: {  	[tilespmem:s25], [sflag:$0x1] =	stream.indirect.gather [hbm4b:s4+s21], $0x10, s17, s21, $0xb8;
	[tilespmem:$0xB780] =	vst v63  }
0x3d: {  	s19 =	simm.s32 $0x200  }
0x3e: {  	[tilespmem:s1], [sflag:$0x1] =	stream.indirect.gather [hbm4b:s4+s21], $0x10, s19, s21, $0xb8;
	[tilespmem:$0xB780] =	vst v63  }
0x3f: {  	s17 =	simm.s32 $0x280  }
0x40: {  	[tilespmem:s26], [sflag:$0x1] =	stream.indirect.gather [hbm4b:s4+s21], $0x10, s17, s21, $0xb8;
	[tilespmem:$0xB780] =	vst v63  }
0x41: {  	s19 =	simm.s32 $0x300  }
0x42: {  	[tilespmem:s8], [sflag:$0x1] =	stream.indirect.gather [hbm4b:s4+s21], $0x10, s19, s21, $0xb8;
	[tilespmem:$0xB780] =	vst v63  }
0x43: {  	s17 =	simm.s32 $0x380  }
0x44: {  	[tilespmem:s10], [sflag:$0x1] =	stream.indirect.gather [hbm4b:s4+s21], $0x10, s17, s21, $0xb8;
	[tilespmem:$0xB780] =	vst v63  }
0x45: {  	s0 =	simm.s32 $0x4800;
	s19 =	rddreg [dreg:$0x16]  }
0x46: {  	[tilespmem:s0], [sflag:$0x5] =	stream.linear.gather [hbm4b:s19+s3], $0x400, $0x38;
	[tilespmem:$0xB780] =	vst v63  }
0x47: {  	_ =	swait.ge [sflag:s20], $0x400  }
0x48: {  	[sflag:s20] =	ssyncset.done $0x0  }
0x49: {  	s19 =	rddreg [dreg:$0x17];
	[sflag:s20] =	ssyncadd.s32 $0xFFFFFC00  }
0x4a: {  	[tilespmem:s11], [sflag:$0x5] =	stream.linear.gather [hbm4b:s19+s3], $0x400, $0x38;
	[tilespmem:$0xB780] =	vst v63  }
0x4b: {  	_ =	swait.ge [sflag:s20], $0x400  }
0x4c: {  	[sflag:s20] =	ssyncset.done $0x0  }
0x4d: {  	[sflag:s20] =	ssyncadd.s32 $0xFFFFFC00  }
0x4e: {  	[tilespmem:s12], [sflag:$0x2] =	stream.indirect.gather [hbm4b:s4+s21], $0x10, s0, s21, $0xb8;
	[tilespmem:$0xB780] =	vst v63  }
0x4f: {  	s19 =	simm.s32 $0x4880  }
0x50: {  	[tilespmem:s13], [sflag:$0x2] =	stream.indirect.gather [hbm4b:s4+s21], $0x10, s19, s21, $0xb8;
	[tilespmem:$0xB780] =	vst v63  }
0x51: {  	s20 =	simm.s32 $0x4900  }
0x52: {  	[tilespmem:s14], [sflag:$0x2] =	stream.indirect.gather [hbm4b:s4+s21], $0x10, s20, s21, $0xb8;
	[tilespmem:$0xB780] =	vst v63  }
0x53: {  	s3 =	simm.s32 $0x4980  }
0x54: {  	[tilespmem:s15], [sflag:$0x2] =	stream.indirect.gather [hbm4b:s4+s21], $0x10, s3, s21, $0xb8;
	[tilespmem:$0xB780] =	vst v63  }
0x55: {  	s17 =	simm.s32 $0x4A00  }
0x56: {  	[tilespmem:s29], [sflag:$0x2] =	stream.indirect.gather [hbm4b:s4+s21], $0x10, s17, s21, $0xb8;
	[tilespmem:$0xB780] =	vst v63  }
0x57: {  	s19 =	simm.s32 $0x4A80  }
0x58: {  	[tilespmem:s30], [sflag:$0x2] =	stream.indirect.gather [hbm4b:s4+s21], $0x10, s19, s21, $0xb8;
	[tilespmem:$0xB780] =	vst v63  }
0x59: {  	s20 =	simm.s32 $0x4B00;
	s19 =	simm.s32 $0x8000  }
0x5a: {  	[tilespmem:s19], [sflag:$0x2] =	stream.indirect.gather [hbm4b:s4+s21], $0x10, s20, s21, $0xb8;
	[tilespmem:$0xB780] =	vst v63  }
0x5b: {  	s3 =	simm.s32 $0x4B80;
	s20 =	simm.s32 $0x8800  }
0x5c: {  	[tilespmem:s20], [sflag:$0x2] =	stream.indirect.gather [hbm4b:s4+s21], $0x10, s3, s21, $0xb8;
	[tilespmem:$0xB780] =	vst v63  }
0x5d: {  	_ =	swait.ge [sflag:s16], $0x800  }
0x5e: {  	[sflag:s16] =	ssyncset.done $0x0  }
0x5f: {  	[sflag:s16] =	ssyncadd.s32 $0xFFFFF800  }
0x60: {  	_ =	swait.ge [sflag:s16], $0x800  }
0x61: {  	[sflag:s16] =	ssyncset.done $0x0  }
0x62: {  	[sflag:s16] =	ssyncadd.s32 $0xFFFFF800  }
0x63: {  	_ =	swait.ge [sflag:s16], $0x800  }
0x64: {  	[sflag:s16] =	ssyncset.done $0x0  }
0x65: {  	[sflag:s16] =	ssyncadd.s32 $0xFFFFF800  }
0x66: {  	_ =	swait.ge [sflag:s16], $0x800  }
0x67: {  	[sflag:s16] =	ssyncset.done $0x0  }
0x68: {  	[sflag:s16] =	ssyncadd.s32 $0xFFFFF800  }
0x69: {  	_ =	swait.ge [sflag:s16], $0x800  }
0x6a: {  	[sflag:s16] =	ssyncset.done $0x0  }
0x6b: {  	[sflag:s16] =	ssyncadd.s32 $0xFFFFF800  }
0x6c: {  	_ =	swait.ge [sflag:s16], $0x800  }
0x6d: {  	[sflag:s16] =	ssyncset.done $0x0  }
0x6e: {  	[sflag:s16] =	ssyncadd.s32 $0xFFFFF800  }
0x6f: {  	_ =	swait.ge [sflag:s16], $0x800  }
0x70: {  	[sflag:s16] =	ssyncset.done $0x0  }
0x71: {  	[sflag:s16] =	ssyncadd.s32 $0xFFFFF800  }
0x72: {  	_ =	swait.ge [sflag:s16], $0x800  }
0x73: {  	[sflag:s16] =	ssyncset.done $0x0  }
0x74: {  	[sflag:s16] =	ssyncadd.s32 $0xFFFFF800  }
0x75: {  	[spmem:s2] =	stream.indirect.scatter.add.f32 [tilespmem:s22], [sflag:$0x3], $0x10, s28, s21, $0xb8;
	[tilespmem:$0xB780] =	vst v63  }
0x76: {  	s17 =	rddreg [dreg:$0x4]  }
0x77: {  	[spmem:s2] =	stream.indirect.scatter.add.f32 [tilespmem:s23], [sflag:$0x3], $0x10, s17, s21, $0xb8;
	[tilespmem:$0xB780] =	vst v63  }
0x78: {  	s22 =	rddreg [dreg:$0x5]  }
0x79: {  	[spmem:s2] =	stream.indirect.scatter.add.f32 [tilespmem:s24], [sflag:$0x3], $0x10, s22, s21, $0xb8;
	[tilespmem:$0xB780] =	vst v63  }
0x7a: {  	s23 =	rddreg [dreg:$0x6]  }
0x7b: {  	[spmem:s2] =	stream.indirect.scatter.add.f32 [tilespmem:s25], [sflag:$0x3], $0x10, s23, s21, $0xb8;
	[tilespmem:$0xB780] =	vst v63  }
0x7c: {  	s24 =	rddreg [dreg:$0x7]  }
0x7d: {  	[spmem:s2] =	stream.indirect.scatter.add.f32 [tilespmem:s1], [sflag:$0x3], $0x10, s24, s21, $0xb8;
	[tilespmem:$0xB780] =	vst v63  }
0x7e: {  	s25 =	rddreg [dreg:$0x8]  }
0x7f: {  	[spmem:s2] =	stream.indirect.scatter.add.f32 [tilespmem:s26], [sflag:$0x3], $0x10, s25, s21, $0xb8;
	[tilespmem:$0xB780] =	vst v63  }
0x80: {  	s0 =	rddreg [dreg:$0x9]  }
0x81: {  	[spmem:s2] =	stream.indirect.scatter.add.f32 [tilespmem:s8], [sflag:$0x3], $0x10, s0, s21, $0xb8;
	[tilespmem:$0xB780] =	vst v63  }
0x82: {  	s1 =	rddreg [dreg:$0xa]  }
0x83: {  	[spmem:s2] =	stream.indirect.scatter.add.f32 [tilespmem:s10], [sflag:$0x3], $0x10, s1, s21, $0xb8;
	[tilespmem:$0xB780] =	vst v63  }
0x84: {  	_ =	swait.ge [sflag:s31], $0x800  }
0x85: {  	[sflag:s31] =	ssyncset.done $0x0  }
0x86: {  	[sflag:s31] =	ssyncadd.s32 $0xFFFFF800  }
0x87: {  	_ =	swait.ge [sflag:s31], $0x800  }
0x88: {  	[sflag:s31] =	ssyncset.done $0x0  }
0x89: {  	[sflag:s31] =	ssyncadd.s32 $0xFFFFF800  }
0x8a: {  	_ =	swait.ge [sflag:s31], $0x800  }
0x8b: {  	[sflag:s31] =	ssyncset.done $0x0  }
0x8c: {  	[sflag:s31] =	ssyncadd.s32 $0xFFFFF800  }
0x8d: {  	_ =	swait.ge [sflag:s31], $0x800  }
0x8e: {  	[sflag:s31] =	ssyncset.done $0x0  }
0x8f: {  	[sflag:s31] =	ssyncadd.s32 $0xFFFFF800  }
0x90: {  	_ =	swait.ge [sflag:s31], $0x800  }
0x91: {  	[sflag:s31] =	ssyncset.done $0x0  }
0x92: {  	[sflag:s31] =	ssyncadd.s32 $0xFFFFF800  }
0x93: {  	_ =	swait.ge [sflag:s31], $0x800  }
0x94: {  	[sflag:s31] =	ssyncset.done $0x0  }
0x95: {  	[sflag:s31] =	ssyncadd.s32 $0xFFFFF800  }
0x96: {  	_ =	swait.ge [sflag:s31], $0x800  }
0x97: {  	[sflag:s31] =	ssyncset.done $0x0  }
0x98: {  	[sflag:s31] =	ssyncadd.s32 $0xFFFFF800  }
0x99: {  	_ =	swait.ge [sflag:s31], $0x800  }
0x9a: {  	[sflag:s31] =	ssyncset.done $0x0  }
0x9b: {  	[sflag:s31] =	ssyncadd.s32 $0xFFFFF800  }
0x9c: {  	[spmem:s2] =	stream.indirect.scatter.add.f32 [tilespmem:s12], [sflag:$0x4], $0x10, s11, s21, $0xb8;
	[tilespmem:$0xB780] =	vst v63  }
0x9d: {  	s10 =	rddreg [dreg:$0xb]  }
0x9e: {  	[spmem:s2] =	stream.indirect.scatter.add.f32 [tilespmem:s13], [sflag:$0x4], $0x10, s10, s21, $0xb8;
	[tilespmem:$0xB780] =	vst v63  }
0x9f: {  	s11 =	rddreg [dreg:$0xc]  }
0xa0: {  	[spmem:s2] =	stream.indirect.scatter.add.f32 [tilespmem:s14], [sflag:$0x4], $0x10, s11, s21, $0xb8;
	[tilespmem:$0xB780] =	vst v63  }
0xa1: {  	s12 =	rddreg [dreg:$0xd]  }
0xa2: {  	[spmem:s2] =	stream.indirect.scatter.add.f32 [tilespmem:s15], [sflag:$0x4], $0x10, s12, s21, $0xb8;
	[tilespmem:$0xB780] =	vst v63  }
0xa3: {  	s13 =	rddreg [dreg:$0xe]  }
0xa4: {  	[spmem:s2] =	stream.indirect.scatter.add.f32 [tilespmem:s29], [sflag:$0x4], $0x10, s13, s21, $0xb8;
	[tilespmem:$0xB780] =	vst v63  }
0xa5: {  	s14 =	rddreg [dreg:$0xf]  }
0xa6: {  	[spmem:s2] =	stream.indirect.scatter.add.f32 [tilespmem:s30], [sflag:$0x4], $0x10, s14, s21, $0xb8;
	[tilespmem:$0xB780] =	vst v63  }
0xa7: {  	s15 =	rddreg [dreg:$0x10]  }
0xa8: {  	[spmem:s2] =	stream.indirect.scatter.add.f32 [tilespmem:s19], [sflag:$0x4], $0x10, s15, s21, $0xb8;
	[tilespmem:$0xB780] =	vst v63  }
0xa9: {  	s22 =	rddreg [dreg:$0x11]  }
0xaa: {  	[spmem:s2] =	stream.indirect.scatter.add.f32 [tilespmem:s20], [sflag:$0x4], $0x10, s22, s21, $0xb8;
	[tilespmem:$0xB780] =	vst v63  }
0xab: {  	_ =	swait.ge [sflag:s9], $0x800  }
0xac: {  	[sflag:s9] =	ssyncset.done $0x0  }
0xad: {  	[sflag:s9] =	ssyncadd.s32 $0xFFFFF800  }
0xae: {  	_ =	swait.ge [sflag:s9], $0x800  }
0xaf: {  	[sflag:s9] =	ssyncset.done $0x0  }
0xb0: {  	[sflag:s9] =	ssyncadd.s32 $0xFFFFF800  }
0xb1: {  	_ =	swait.ge [sflag:s9], $0x800  }
0xb2: {  	[sflag:s9] =	ssyncset.done $0x0  }
0xb3: {  	[sflag:s9] =	ssyncadd.s32 $0xFFFFF800  }
0xb4: {  	_ =	swait.ge [sflag:s9], $0x800  }
0xb5: {  	[sflag:s9] =	ssyncset.done $0x0  }
0xb6: {  	[sflag:s9] =	ssyncadd.s32 $0xFFFFF800  }
0xb7: {  	_ =	swait.ge [sflag:s9], $0x800  }
0xb8: {  	[sflag:s9] =	ssyncset.done $0x0  }
0xb9: {  	[sflag:s9] =	ssyncadd.s32 $0xFFFFF800  }
0xba: {  	_ =	swait.ge [sflag:s9], $0x800  }
0xbb: {  	[sflag:s9] =	ssyncset.done $0x0  }
0xbc: {  	[sflag:s9] =	ssyncadd.s32 $0xFFFFF800  }
0xbd: {  	_ =	swait.ge [sflag:s9], $0x800  }
0xbe: {  	[sflag:s9] =	ssyncset.done $0x0  }
0xbf: {  	[sflag:s9] =	ssyncadd.s32 $0xFFFFF800  }
0xc0: {  	_ =	swait.ge [sflag:s9], $0x800  }
0xc1: {  	p0 =	sle.u32 s7, $0x2;
	s25 =	rddreg [dreg:$0x1b]  }
0xc2: {  	s17 =	simm.s32 @!p0 $0x5;
	[sflag:s9] =	ssyncset.done $0x0;
	s3 =	sshrl.u32 @!p0 s25, $0x3  }
0xc3: {  	s20 =	simm.s32 @!p0 $0x0;
	[sflag:s9] =	ssyncadd.s32 $0xFFFFF800;
	s19 =	sadd.s32 @!p0 s5, s3  }
0xc4: {  	[tilespmem:s20], [sflag:$0x5] =	stream.linear.gather @!p0 [hbm4b:s19+s20], $0x400, $0x38;
	[tilespmem:$0xB780] =	vst v63  }
0xc5: {  	_ =	swait.ge @!p0 [sflag:s17], $0x400  }
0xc6: {  	[sflag:s17] =	ssyncset.done @!p0 $0x0  }
0xc7: {  	s3 =	sadd.s32 @!p0 s6, s3;
	s19 =	simm.s32 @!p0 $0x400;
	[sflag:s17] =	ssyncadd.s32 @!p0 $0xFFFFFC00  }
0xc8: {  	[tilespmem:s19], [sflag:$0x5] =	stream.linear.gather @!p0 [hbm4b:s3+s20], $0x400, $0x38;
	[tilespmem:$0xB780] =	vst v63  }
0xc9: {  	_ =	swait.ge @!p0 [sflag:s17], $0x400  }
0xca: {  	[sflag:s17] =	ssyncset.done @!p0 $0x0  }
0xcb: {  	s3 =	simm.s32 @!p0 $0x80;
	[sflag:s17] =	ssyncadd.s32 @!p0 $0xFFFFFC00;
	s17 =	simm.s32 @!p0 $0x800  }
0xcc: {  	[tilespmem:s17], [sflag:$0x1] =	stream.indirect.gather @!p0 [hbm4b:s4+s3], $0x10, s20, s3, $0xb8;
	[tilespmem:$0xB780] =	vst v63  }
0xcd: {  	s17 =	simm.s32 @!p0 $0x1000  }
0xce: {  	[tilespmem:s17], [sflag:$0x1] =	stream.indirect.gather @!p0 [hbm4b:s4+s3], $0x10, s3, s3, $0xb8;
	[tilespmem:$0xB780] =	vst v63  }
0xcf: {  	s19 =	simm.s32 @!p0 $0x1800;
	s17 =	simm.s32 @!p0 $0x100  }
0xd0: {  	[tilespmem:s19], [sflag:$0x1] =	stream.indirect.gather @!p0 [hbm4b:s4+s3], $0x10, s17, s3, $0xb8;
	[tilespmem:$0xB780] =	vst v63  }
0xd1: {  	s17 =	simm.s32 @!p0 $0x180;
	s19 =	simm.s32 @!p0 $0x2000  }
0xd2: {  	[tilespmem:s19], [sflag:$0x1] =	stream.indirect.gather @!p0 [hbm4b:s4+s3], $0x10, s17, s3, $0xb8;
	[tilespmem:$0xB780] =	vst v63  }
0xd3: {  	s17 =	simm.s32 @!p0 $0x200;
	s19 =	simm.s32 @!p0 $0x2800  }
0xd4: {  	[tilespmem:s19], [sflag:$0x1] =	stream.indirect.gather @!p0 [hbm4b:s4+s3], $0x10, s17, s3, $0xb8;
	[tilespmem:$0xB780] =	vst v63  }
0xd5: {  	s17 =	simm.s32 @!p0 $0x280;
	s19 =	simm.s32 @!p0 $0x3000  }
0xd6: {  	[tilespmem:s19], [sflag:$0x1] =	stream.indirect.gather @!p0 [hbm4b:s4+s3], $0x10, s17, s3, $0xb8;
	[tilespmem:$0xB780] =	vst v63  }
0xd7: {  	s17 =	simm.s32 @!p0 $0x300;
	s19 =	simm.s32 @!p0 $0x3800  }
0xd8: {  	[tilespmem:s19], [sflag:$0x1] =	stream.indirect.gather @!p0 [hbm4b:s4+s3], $0x10, s17, s3, $0xb8;
	[tilespmem:$0xB780] =	vst v63  }
0xd9: {  	s17 =	simm.s32 @!p0 $0x380;
	s19 =	simm.s32 @!p0 $0x4000  }
0xda: {  	[tilespmem:s19], [sflag:$0x1] =	stream.indirect.gather @!p0 [hbm4b:s4+s3], $0x10, s17, s3, $0xb8;
	[tilespmem:$0xB780] =	vst v63  }
0xdb: {  	_ =	swait.ge [sflag:s18], $0x800  }
0xdc: {  	[sflag:s18] =	ssyncset.done $0x0  }
0xdd: {  	[sflag:s18] =	ssyncadd.s32 $0xFFFFF800  }
0xde: {  	_ =	swait.ge [sflag:s18], $0x800  }
0xdf: {  	[sflag:s18] =	ssyncset.done $0x0  }
0xe0: {  	[sflag:s18] =	ssyncadd.s32 $0xFFFFF800  }
0xe1: {  	_ =	swait.ge [sflag:s18], $0x800  }
0xe2: {  	[sflag:s18] =	ssyncset.done $0x0  }
0xe3: {  	[sflag:s18] =	ssyncadd.s32 $0xFFFFF800  }
0xe4: {  	_ =	swait.ge [sflag:s18], $0x800  }
0xe5: {  	[sflag:s18] =	ssyncset.done $0x0  }
0xe6: {  	[sflag:s18] =	ssyncadd.s32 $0xFFFFF800  }
0xe7: {  	_ =	swait.ge [sflag:s18], $0x800  }
0xe8: {  	[sflag:s18] =	ssyncset.done $0x0  }
0xe9: {  	[sflag:s18] =	ssyncadd.s32 $0xFFFFF800  }
0xea: {  	_ =	swait.ge [sflag:s18], $0x800  }
0xeb: {  	[sflag:s18] =	ssyncset.done $0x0  }
0xec: {  	[sflag:s18] =	ssyncadd.s32 $0xFFFFF800  }
0xed: {  	_ =	swait.ge [sflag:s18], $0x800  }
0xee: {  	[sflag:s18] =	ssyncset.done $0x0  }
0xef: {  	p1 =	sle.u32 s7, $0x3;
	[sflag:s18] =	ssyncadd.s32 $0xFFFFF800  }
0xf0: {  	s22 =	simm.s32 @!p1 $0x0;
	s3 =	sadd.s32 @!p1 $0x400, s25;
	_ =	swait.ge [sflag:s18], $0x800  }
0xf1: {  	s17 =	simm.s32 @!p1 $0x5;
	s3 =	sshrl.u32 @!p1 s3, $0x3;
	[sflag:s18] =	ssyncset.done $0x0  }
0xf2: {  	s19 =	simm.s32 @!p1 $0x4800;
	s20 =	sadd.s32 @!p1 s5, s3;
	[sflag:s18] =	ssyncadd.s32 $0xFFFFF800  }
0xf3: {  	[tilespmem:s19], [sflag:$0x5] =	stream.linear.gather @!p1 [hbm4b:s20+s22], $0x400, $0x38;
	[tilespmem:$0xB780] =	vst v63  }
0xf4: {  	_ =	swait.ge @!p1 [sflag:s17], $0x400  }
0xf5: {  	[sflag:s17] =	ssyncset.done @!p1 $0x0  }
0xf6: {  	s3 =	sadd.s32 @!p1 s6, s3;
	s20 =	simm.s32 @!p1 $0x4C00;
	[sflag:s17] =	ssyncadd.s32 @!p1 $0xFFFFFC00  }
0xf7: {  	[tilespmem:s20], [sflag:$0x5] =	stream.linear.gather @!p1 [hbm4b:s3+s22], $0x400, $0x38;
	[tilespmem:$0xB780] =	vst v63  }
0xf8: {  	_ =	swait.ge @!p1 [sflag:s17], $0x400  }
0xf9: {  	[sflag:s17] =	ssyncset.done @!p1 $0x0  }
0xfa: {  	s20 =	simm.s32 @!p1 $0x80;
	s3 =	simm.s32 @!p1 $0x5000;
	[sflag:s17] =	ssyncadd.s32 @!p1 $0xFFFFFC00  }
0xfb: {  	[tilespmem:s3], [sflag:$0x2] =	stream.indirect.gather @!p1 [hbm4b:s4+s20], $0x10, s19, s20, $0xb8;
	[tilespmem:$0xB780] =	vst v63  }
0xfc: {  	s24 =	simm.s32 $0x7000;
	s17 =	simm.s32 @!p1 $0x5800;
	s3 =	simm.s32 @!p1 $0x4880  }
0xfd: {  	[tilespmem:s17], [sflag:$0x2] =	stream.indirect.gather @!p1 [hbm4b:s4+s20], $0x10, s3, s20, $0xb8;
	[tilespmem:$0xB780] =	vst v63  }
0xfe: {  	s26 =	simm.s32 $0x3000;
	s3 =	simm.s32 @!p1 $0x4900;
	s17 =	simm.s32 @!p1 $0x6000  }
0xff: {  	[tilespmem:s17], [sflag:$0x2] =	stream.indirect.gather @!p1 [hbm4b:s4+s20], $0x10, s3, s20, $0xb8;
	[tilespmem:$0xB780] =	vst v63  }
0x100: {  	s8 =	simm.s32 $0x3800;
	s3 =	simm.s32 @!p1 $0x4980;
	s17 =	simm.s32 @!p1 $0x6800  }
0x101: {  	[tilespmem:s17], [sflag:$0x2] =	stream.indirect.gather @!p1 [hbm4b:s4+s20], $0x10, s3, s20, $0xb8;
	[tilespmem:$0xB780] =	vst v63  }
0x102: {  	s0 =	simm.s32 $0x1000;
	s3 =	simm.s32 @!p1 $0x4A00;
	s17 =	simm.s32 @!p1 $0x7000  }
0x103: {  	[tilespmem:s17], [sflag:$0x2] =	stream.indirect.gather @!p1 [hbm4b:s4+s20], $0x10, s3, s20, $0xb8;
	[tilespmem:$0xB780] =	vst v63  }
0x104: {  	s23 =	rddreg [dreg:$0x18];
	s3 =	simm.s32 @!p1 $0x4A80;
	s17 =	simm.s32 @!p1 $0x7800  }
0x105: {  	[tilespmem:s17], [sflag:$0x2] =	stream.indirect.gather @!p1 [hbm4b:s4+s20], $0x10, s3, s20, $0xb8;
	[tilespmem:$0xB780] =	vst v63  }
0x106: {  	s1 =	simm.s32 $0x7800;
	s10 =	simm.s32 $0x4000;
	s17 =	sadd.s32 $0xFFFFFFFF, s23  }
0x107: {  	s11 =	simm.s32 $0x4C00;
	s12 =	simm.s32 $0x5000;
	p0 =	sne.s32 s17, $0x0  }
.Ltmp0:
0x108: {  	s13 =	simm.s32 $0x5800;
	s29 =	simm.s32 $0x2000;
	(pc) =	sbr.rel @!p0 .LBB2_3-.Ltmp0, $4  }
0x109: {  	s14 =	simm.s32 $0x6000;
	s30 =	simm.s32 $0x800;
	s15 =	simm.s32 $0x6800  }
0x10a: {  	s22 =	simm.s32 @!p1 $0x4B80;
	s19 =	simm.s32 @!p1 $0x8000;
	s3 =	simm.s32 @!p1 $0x4B00  }
0x10b: {  	[tilespmem:s19], [sflag:$0x2] =	stream.indirect.gather @!p1 [hbm4b:s4+s20], $0x10, s3, s20, $0xb8;
	[tilespmem:$0xB780] =	vst v63  }
0x10c: {  	s23 =	simm.s32 @!p1 $0x8800;
	s3 =	simm.s32 $0x4;
	s19 =	sadd.s32 $0x800, s25  }
.LBB2_2:
0x10d: {  	[tilespmem:s23], [sflag:$0x2] =	stream.indirect.gather @!p1 [hbm4b:s4+s20], $0x10, s22, s20, $0xb8;
	[tilespmem:$0xB780] =	vst v63  }
0x10e: {  	_ =	swait.ge [sflag:s16], $0x800  }
0x10f: {  	[sflag:s16] =	ssyncset.done $0x0  }
0x110: {  	[sflag:s16] =	ssyncadd.s32 $0xFFFFF800  }
0x111: {  	_ =	swait.ge [sflag:s16], $0x800  }
0x112: {  	[sflag:s16] =	ssyncset.done $0x0  }
0x113: {  	[sflag:s16] =	ssyncadd.s32 $0xFFFFF800  }
0x114: {  	_ =	swait.ge [sflag:s16], $0x800  }
0x115: {  	[sflag:s16] =	ssyncset.done $0x0  }
0x116: {  	[sflag:s16] =	ssyncadd.s32 $0xFFFFF800  }
0x117: {  	_ =	swait.ge [sflag:s16], $0x800  }
0x118: {  	[sflag:s16] =	ssyncset.done $0x0  }
0x119: {  	[sflag:s16] =	ssyncadd.s32 $0xFFFFF800  }
0x11a: {  	_ =	swait.ge [sflag:s16], $0x800  }
0x11b: {  	[sflag:s16] =	ssyncset.done $0x0  }
0x11c: {  	[sflag:s16] =	ssyncadd.s32 $0xFFFFF800  }
0x11d: {  	_ =	swait.ge [sflag:s16], $0x800  }
0x11e: {  	[sflag:s16] =	ssyncset.done $0x0  }
0x11f: {  	[sflag:s16] =	ssyncadd.s32 $0xFFFFF800  }
0x120: {  	_ =	swait.ge [sflag:s16], $0x800  }
0x121: {  	[sflag:s16] =	ssyncset.done $0x0  }
0x122: {  	[sflag:s16] =	ssyncadd.s32 $0xFFFFF800  }
0x123: {  	_ =	swait.ge [sflag:s16], $0x800  }
0x124: {  	[sflag:s16] =	ssyncset.done $0x0  }
0x125: {  	[sflag:s16] =	ssyncadd.s32 $0xFFFFF800  }
0x126: {  	[spmem:s2] =	stream.indirect.scatter.add.f32 [tilespmem:s30], [sflag:$0x3], $0x10, s28, s21, $0xb8;
	[tilespmem:$0xB780] =	vst v63  }
0x127: {  	s22 =	rddreg [dreg:$0x4]  }
0x128: {  	[spmem:s2] =	stream.indirect.scatter.add.f32 [tilespmem:s0], [sflag:$0x3], $0x10, s22, s21, $0xb8;
	[tilespmem:$0xB780] =	vst v63  }
0x129: {  	s25 =	simm.s32 $0x1800;
	s23 =	rddreg [dreg:$0x5]  }
0x12a: {  	[spmem:s2] =	stream.indirect.scatter.add.f32 [tilespmem:s25], [sflag:$0x3], $0x10, s23, s21, $0xb8;
	[tilespmem:$0xB780] =	vst v63  }
0x12b: {  	s20 =	rddreg [dreg:$0x6]  }
0x12c: {  	[spmem:s2] =	stream.indirect.scatter.add.f32 [tilespmem:s29], [sflag:$0x3], $0x10, s20, s21, $0xb8;
	[tilespmem:$0xB780] =	vst v63  }
0x12d: {  	s23 =	rddreg [dreg:$0x7];
	s25 =	simm.s32 $0x2800  }
0x12e: {  	[spmem:s2] =	stream.indirect.scatter.add.f32 [tilespmem:s25], [sflag:$0x3], $0x10, s23, s21, $0xb8;
	[tilespmem:$0xB780] =	vst v63  }
0x12f: {  	s20 =	rddreg [dreg:$0x8]  }
0x130: {  	[spmem:s2] =	stream.indirect.scatter.add.f32 [tilespmem:s26], [sflag:$0x3], $0x10, s20, s21, $0xb8;
	[tilespmem:$0xB780] =	vst v63  }
0x131: {  	s23 =	rddreg [dreg:$0x9]  }
0x132: {  	[spmem:s2] =	stream.indirect.scatter.add.f32 [tilespmem:s8], [sflag:$0x3], $0x10, s23, s21, $0xb8;
	[tilespmem:$0xB780] =	vst v63  }
0x133: {  	s25 =	rddreg [dreg:$0xa]  }
0x134: {  	[spmem:s2] =	stream.indirect.scatter.add.f32 [tilespmem:s10], [sflag:$0x3], $0x10, s25, s21, $0xb8;
	[tilespmem:$0xB780] =	vst v63  }
0x135: {  	_ =	swait.ge [sflag:s31], $0x800  }
0x136: {  	[sflag:s31] =	ssyncset.done $0x0  }
0x137: {  	[sflag:s31] =	ssyncadd.s32 $0xFFFFF800  }
0x138: {  	_ =	swait.ge [sflag:s31], $0x800  }
0x139: {  	[sflag:s31] =	ssyncset.done $0x0  }
0x13a: {  	[sflag:s31] =	ssyncadd.s32 $0xFFFFF800  }
0x13b: {  	_ =	swait.ge [sflag:s31], $0x800  }
0x13c: {  	[sflag:s31] =	ssyncset.done $0x0  }
0x13d: {  	[sflag:s31] =	ssyncadd.s32 $0xFFFFF800  }
0x13e: {  	_ =	swait.ge [sflag:s31], $0x800  }
0x13f: {  	[sflag:s31] =	ssyncset.done $0x0  }
0x140: {  	[sflag:s31] =	ssyncadd.s32 $0xFFFFF800  }
0x141: {  	_ =	swait.ge [sflag:s31], $0x800  }
0x142: {  	[sflag:s31] =	ssyncset.done $0x0  }
0x143: {  	[sflag:s31] =	ssyncadd.s32 $0xFFFFF800  }
0x144: {  	_ =	swait.ge [sflag:s31], $0x800  }
0x145: {  	[sflag:s31] =	ssyncset.done $0x0  }
0x146: {  	[sflag:s31] =	ssyncadd.s32 $0xFFFFF800  }
0x147: {  	_ =	swait.ge [sflag:s31], $0x800  }
0x148: {  	[sflag:s31] =	ssyncset.done $0x0  }
0x149: {  	[sflag:s31] =	ssyncadd.s32 $0xFFFFF800  }
0x14a: {  	_ =	swait.ge [sflag:s31], $0x800  }
0x14b: {  	[sflag:s31] =	ssyncset.done $0x0  }
0x14c: {  	[sflag:s31] =	ssyncadd.s32 $0xFFFFF800  }
0x14d: {  	[spmem:s2] =	stream.indirect.scatter.add.f32 [tilespmem:s12], [sflag:$0x4], $0x10, s11, s21, $0xb8;
	[tilespmem:$0xB780] =	vst v63  }
0x14e: {  	s22 =	rddreg [dreg:$0xb]  }
0x14f: {  	[spmem:s2] =	stream.indirect.scatter.add.f32 [tilespmem:s13], [sflag:$0x4], $0x10, s22, s21, $0xb8;
	[tilespmem:$0xB780] =	vst v63  }
0x150: {  	s23 =	rddreg [dreg:$0xc]  }
0x151: {  	[spmem:s2] =	stream.indirect.scatter.add.f32 [tilespmem:s14], [sflag:$0x4], $0x10, s23, s21, $0xb8;
	[tilespmem:$0xB780] =	vst v63  }
0x152: {  	s25 =	rddreg [dreg:$0xd]  }
0x153: {  	[spmem:s2] =	stream.indirect.scatter.add.f32 [tilespmem:s15], [sflag:$0x4], $0x10, s25, s21, $0xb8;
	[tilespmem:$0xB780] =	vst v63  }
0x154: {  	s23 =	rddreg [dreg:$0xe]  }
0x155: {  	[spmem:s2] =	stream.indirect.scatter.add.f32 [tilespmem:s24], [sflag:$0x4], $0x10, s23, s21, $0xb8;
	[tilespmem:$0xB780] =	vst v63  }
0x156: {  	s25 =	rddreg [dreg:$0xf]  }
0x157: {  	[spmem:s2] =	stream.indirect.scatter.add.f32 [tilespmem:s1], [sflag:$0x4], $0x10, s25, s21, $0xb8;
	[tilespmem:$0xB780] =	vst v63  }
0x158: {  	s23 =	rddreg [dreg:$0x10];
	s25 =	simm.s32 $0x8000  }
0x159: {  	[spmem:s2] =	stream.indirect.scatter.add.f32 [tilespmem:s25], [sflag:$0x4], $0x10, s23, s21, $0xb8;
	[tilespmem:$0xB780] =	vst v63  }
0x15a: {  	s20 =	rddreg [dreg:$0x11];
	s23 =	simm.s32 $0x8800  }
0x15b: {  	[spmem:s2] =	stream.indirect.scatter.add.f32 [tilespmem:s23], [sflag:$0x4], $0x10, s20, s21, $0xb8;
	[tilespmem:$0xB780] =	vst v63  }
0x15c: {  	_ =	swait.ge [sflag:s9], $0x800  }
0x15d: {  	[sflag:s9] =	ssyncset.done $0x0  }
0x15e: {  	[sflag:s9] =	ssyncadd.s32 $0xFFFFF800  }
0x15f: {  	_ =	swait.ge [sflag:s9], $0x800  }
0x160: {  	[sflag:s9] =	ssyncset.done $0x0  }
0x161: {  	[sflag:s9] =	ssyncadd.s32 $0xFFFFF800  }
0x162: {  	_ =	swait.ge [sflag:s9], $0x800  }
0x163: {  	[sflag:s9] =	ssyncset.done $0x0  }
0x164: {  	[sflag:s9] =	ssyncadd.s32 $0xFFFFF800  }
0x165: {  	_ =	swait.ge [sflag:s9], $0x800  }
0x166: {  	[sflag:s9] =	ssyncset.done $0x0  }
0x167: {  	[sflag:s9] =	ssyncadd.s32 $0xFFFFF800  }
0x168: {  	_ =	swait.ge [sflag:s9], $0x800  }
0x169: {  	[sflag:s9] =	ssyncset.done $0x0  }
0x16a: {  	[sflag:s9] =	ssyncadd.s32 $0xFFFFF800  }
0x16b: {  	_ =	swait.ge [sflag:s9], $0x800  }
0x16c: {  	[sflag:s9] =	ssyncset.done $0x0  }
0x16d: {  	[sflag:s9] =	ssyncadd.s32 $0xFFFFF800  }
0x16e: {  	_ =	swait.ge [sflag:s9], $0x800  }
0x16f: {  	[sflag:s9] =	ssyncset.done $0x0  }
0x170: {  	[sflag:s9] =	ssyncadd.s32 $0xFFFFF800  }
0x171: {  	p1 =	sge.u32 s3, s7;
	_ =	swait.ge [sflag:s9], $0x800  }
0x172: {  	s22 =	simm.s32 @!p1 $0x5;
	s20 =	sshrl.u32 @!p1 s19, $0x3;
	[sflag:s9] =	ssyncset.done $0x0  }
0x173: {  	s25 =	simm.s32 @!p1 $0x0;
	s23 =	sadd.s32 @!p1 s5, s20;
	[sflag:s9] =	ssyncadd.s32 $0xFFFFF800  }
0x174: {  	[tilespmem:s25], [sflag:$0x5] =	stream.linear.gather @!p1 [hbm4b:s23+s25], $0x400, $0x38;
	[tilespmem:$0xB780] =	vst v63  }
0x175: {  	_ =	swait.ge @!p1 [sflag:s22], $0x400  }
0x176: {  	[sflag:s22] =	ssyncset.done @!p1 $0x0  }
0x177: {  	s20 =	sadd.s32 @!p1 s6, s20;
	s23 =	simm.s32 @!p1 $0x400;
	[sflag:s22] =	ssyncadd.s32 @!p1 $0xFFFFFC00  }
0x178: {  	[tilespmem:s23], [sflag:$0x5] =	stream.linear.gather @!p1 [hbm4b:s20+s25], $0x400, $0x38;
	[tilespmem:$0xB780] =	vst v63  }
0x179: {  	_ =	swait.ge @!p1 [sflag:s22], $0x400  }
0x17a: {  	[sflag:s22] =	ssyncset.done @!p1 $0x0  }
0x17b: {  	s20 =	simm.s32 @!p1 $0x80;
	[sflag:s22] =	ssyncadd.s32 @!p1 $0xFFFFFC00;
	s22 =	simm.s32 @!p1 $0x800  }
0x17c: {  	[tilespmem:s22], [sflag:$0x1] =	stream.indirect.gather @!p1 [hbm4b:s4+s20], $0x10, s25, s20, $0xb8;
	[tilespmem:$0xB780] =	vst v63  }
0x17d: {  	s22 =	simm.s32 @!p1 $0x1000  }
0x17e: {  	[tilespmem:s22], [sflag:$0x1] =	stream.indirect.gather @!p1 [hbm4b:s4+s20], $0x10, s20, s20, $0xb8;
	[tilespmem:$0xB780] =	vst v63  }
0x17f: {  	s23 =	simm.s32 @!p1 $0x1800;
	s22 =	simm.s32 @!p1 $0x100  }
0x180: {  	[tilespmem:s23], [sflag:$0x1] =	stream.indirect.gather @!p1 [hbm4b:s4+s20], $0x10, s22, s20, $0xb8;
	[tilespmem:$0xB780] =	vst v63  }
0x181: {  	s22 =	simm.s32 @!p1 $0x180;
	s23 =	simm.s32 @!p1 $0x2000  }
0x182: {  	[tilespmem:s23], [sflag:$0x1] =	stream.indirect.gather @!p1 [hbm4b:s4+s20], $0x10, s22, s20, $0xb8;
	[tilespmem:$0xB780] =	vst v63  }
0x183: {  	s22 =	simm.s32 @!p1 $0x200;
	s23 =	simm.s32 @!p1 $0x2800  }
0x184: {  	[tilespmem:s23], [sflag:$0x1] =	stream.indirect.gather @!p1 [hbm4b:s4+s20], $0x10, s22, s20, $0xb8;
	[tilespmem:$0xB780] =	vst v63  }
0x185: {  	s22 =	simm.s32 @!p1 $0x280;
	s23 =	simm.s32 @!p1 $0x3000  }
0x186: {  	[tilespmem:s23], [sflag:$0x1] =	stream.indirect.gather @!p1 [hbm4b:s4+s20], $0x10, s22, s20, $0xb8;
	[tilespmem:$0xB780] =	vst v63  }
0x187: {  	s22 =	simm.s32 @!p1 $0x300;
	s23 =	simm.s32 @!p1 $0x3800  }
0x188: {  	[tilespmem:s23], [sflag:$0x1] =	stream.indirect.gather @!p1 [hbm4b:s4+s20], $0x10, s22, s20, $0xb8;
	[tilespmem:$0xB780] =	vst v63  }
0x189: {  	s22 =	simm.s32 @!p1 $0x380;
	s23 =	simm.s32 @!p1 $0x4000  }
0x18a: {  	[tilespmem:s23], [sflag:$0x1] =	stream.indirect.gather @!p1 [hbm4b:s4+s20], $0x10, s22, s20, $0xb8;
	[tilespmem:$0xB780] =	vst v63  }
0x18b: {  	_ =	swait.ge [sflag:s18], $0x800  }
0x18c: {  	[sflag:s18] =	ssyncset.done $0x0  }
0x18d: {  	[sflag:s18] =	ssyncadd.s32 $0xFFFFF800  }
0x18e: {  	_ =	swait.ge [sflag:s18], $0x800  }
0x18f: {  	[sflag:s18] =	ssyncset.done $0x0  }
0x190: {  	[sflag:s18] =	ssyncadd.s32 $0xFFFFF800  }
0x191: {  	_ =	swait.ge [sflag:s18], $0x800  }
0x192: {  	[sflag:s18] =	ssyncset.done $0x0  }
0x193: {  	[sflag:s18] =	ssyncadd.s32 $0xFFFFF800  }
0x194: {  	_ =	swait.ge [sflag:s18], $0x800  }
0x195: {  	[sflag:s18] =	ssyncset.done $0x0  }
0x196: {  	[sflag:s18] =	ssyncadd.s32 $0xFFFFF800  }
0x197: {  	_ =	swait.ge [sflag:s18], $0x800  }
0x198: {  	[sflag:s18] =	ssyncset.done $0x0  }
0x199: {  	[sflag:s18] =	ssyncadd.s32 $0xFFFFF800  }
0x19a: {  	_ =	swait.ge [sflag:s18], $0x800  }
0x19b: {  	[sflag:s18] =	ssyncset.done $0x0  }
0x19c: {  	[sflag:s18] =	ssyncadd.s32 $0xFFFFF800  }
0x19d: {  	_ =	swait.ge [sflag:s18], $0x800  }
0x19e: {  	s25 =	sadd.s32 $0x1, s3;
	[sflag:s18] =	ssyncset.done $0x0  }
0x19f: {  	p1 =	sge.u32 s25, s7;
	[sflag:s18] =	ssyncadd.s32 $0xFFFFF800  }
0x1a0: {  	s20 =	sadd.s32 @!p1 $0x400, s19;
	s22 =	simm.s32 @!p1 $0x5;
	_ =	swait.ge [sflag:s18], $0x800  }
0x1a1: {  	s23 =	simm.s32 @!p1 $0x4800;
	s20 =	sshrl.u32 @!p1 s20, $0x3;
	[sflag:s18] =	ssyncset.done $0x0  }
0x1a2: {  	s28 =	simm.s32 @!p1 $0x0;
	s25 =	sadd.s32 @!p1 s5, s20;
	[sflag:s18] =	ssyncadd.s32 $0xFFFFF800  }
0x1a3: {  	[tilespmem:s23], [sflag:$0x5] =	stream.linear.gather @!p1 [hbm4b:s25+s28], $0x400, $0x38;
	[tilespmem:$0xB780] =	vst v63  }
0x1a4: {  	_ =	swait.ge @!p1 [sflag:s22], $0x400  }
0x1a5: {  	[sflag:s22] =	ssyncset.done @!p1 $0x0  }
0x1a6: {  	s20 =	sadd.s32 @!p1 s6, s20;
	s25 =	simm.s32 @!p1 $0x4C00;
	[sflag:s22] =	ssyncadd.s32 @!p1 $0xFFFFFC00  }
0x1a7: {  	[tilespmem:s25], [sflag:$0x5] =	stream.linear.gather @!p1 [hbm4b:s20+s28], $0x400, $0x38;
	[tilespmem:$0xB780] =	vst v63  }
0x1a8: {  	_ =	swait.ge @!p1 [sflag:s22], $0x400  }
0x1a9: {  	[sflag:s22] =	ssyncset.done @!p1 $0x0  }
0x1aa: {  	s20 =	simm.s32 @!p1 $0x80;
	[sflag:s22] =	ssyncadd.s32 @!p1 $0xFFFFFC00;
	s22 =	simm.s32 @!p1 $0x5000  }
0x1ab: {  	[tilespmem:s22], [sflag:$0x2] =	stream.indirect.gather @!p1 [hbm4b:s4+s20], $0x10, s23, s20, $0xb8;
	[tilespmem:$0xB780] =	vst v63  }
0x1ac: {  	s22 =	simm.s32 @!p1 $0x4880;
	s23 =	simm.s32 @!p1 $0x5800  }
0x1ad: {  	[tilespmem:s23], [sflag:$0x2] =	stream.indirect.gather @!p1 [hbm4b:s4+s20], $0x10, s22, s20, $0xb8;
	[tilespmem:$0xB780] =	vst v63  }
0x1ae: {  	s17 =	sadd.s32 $0xFFFFFFFF, s17;
	s22 =	simm.s32 @!p1 $0x4900;
	s23 =	simm.s32 @!p1 $0x6000  }
0x1af: {  	[tilespmem:s23], [sflag:$0x2] =	stream.indirect.gather @!p1 [hbm4b:s4+s20], $0x10, s22, s20, $0xb8;
	[tilespmem:$0xB780] =	vst v63  }
0x1b0: {  	p0 =	sne.s32 s17, $0x0;
	s22 =	simm.s32 @!p1 $0x4980;
	s23 =	simm.s32 @!p1 $0x6800  }
0x1b1: {  	[tilespmem:s23], [sflag:$0x2] =	stream.indirect.gather @!p1 [hbm4b:s4+s20], $0x10, s22, s20, $0xb8;
	[tilespmem:$0xB780] =	vst v63  }
0x1b2: {  	s3 =	sadd.s32 $0x2, s3;
	s22 =	simm.s32 @!p1 $0x4A00;
	s23 =	simm.s32 @!p1 $0x7000  }
0x1b3: {  	[tilespmem:s23], [sflag:$0x2] =	stream.indirect.gather @!p1 [hbm4b:s4+s20], $0x10, s22, s20, $0xb8;
	[tilespmem:$0xB780] =	vst v63  }
.Ltmp1:
0x1b4: {  	s22 =	simm.s32 @!p1 $0x4A80;
	s23 =	simm.s32 @!p1 $0x7800;
	(pc) =	sbr.rel @p0 .LBB2_2-.Ltmp1, $4  }
0x1b5: {  	[tilespmem:s23], [sflag:$0x2] =	stream.indirect.gather @!p1 [hbm4b:s4+s20], $0x10, s22, s20, $0xb8;
	[tilespmem:$0xB780] =	vst v63  }
0x1b6: {  	s19 =	sadd.s32 $0x800, s19;
	s22 =	simm.s32 @!p1 $0x4B00;
	s23 =	simm.s32 @!p1 $0x8000  }
0x1b7: {  	[tilespmem:s23], [sflag:$0x2] =	stream.indirect.gather @!p1 [hbm4b:s4+s20], $0x10, s22, s20, $0xb8;
	[tilespmem:$0xB780] =	vst v63  }
0x1b8: {  	s28 =	simm.s32 $0x400;
	s22 =	simm.s32 @!p1 $0x4B80;
	s23 =	simm.s32 @!p1 $0x8800  }
.LBB2_3:
0x1b9: {  	[tilespmem:s23], [sflag:$0x2] =	stream.indirect.gather @!p1 [hbm4b:s4+s20], $0x10, s22, s20, $0xb8;
	[tilespmem:$0xB780] =	vst v63  }
0x1ba: {  	[bflag:$0x0] =	sbarrier.arrive $0xFFFF  }
0x1bb: {  	s17 =	rddreg [dreg:$0x13]  }
0x1bc: {  	s3 =	rddreg [dreg:$0x19]  }
0x1bd: {  	s20 =	simm.s32 $0x5;
	s19 =	rddreg [dreg:$0x1c]  }
0x1be: {  	[hbm:s3], [sflag:s17] =	dma.local [spmem:s19], $0x4F0  }
0x1bf: {  	_ =	swait.ge [sflag:s20], $0x4F0  }
0x1c0: {  	s0 =	rddreg [dreg:$0x1d]  }
0x1c1: {  	s22 =	simm.s32 $0x800;
	s26 =	rddreg [dreg:$0x1a];
	s0 =	sadd.s32 $0x1, s0  }
0x1c2: {  	s23 =	simm.s32 $0x1000;
	s24 =	simm.s32 $0x1800;
	p0 =	sne.s32 s0, s26  }
.Ltmp2:
0x1c3: {  	s25 =	simm.s32 $0x2000;
	s1 =	simm.s32 $0x2800;
	(pc) =	sbr.rel @p0 .LBB2_1-.Ltmp2, $4  }
0x1c4: {  	s8 =	simm.s32 $0x3800;
	s10 =	simm.s32 $0x4000;
	s11 =	simm.s32 $0x4C00  }
0x1c5: {  	s12 =	simm.s32 $0x5000;
	s13 =	simm.s32 $0x5800;
	s14 =	simm.s32 $0x6000  }
0x1c6: {  	s15 =	simm.s32 $0x6800;
	s29 =	simm.s32 $0x7000;
	[sflag:s20] =	ssyncset.done $0x0  }
0x1c7: {  	s30 =	simm.s32 $0x7800;
	[sflag:s20] =	ssyncadd.s32 $0xFFFFFB10;
	s26 =	simm.s32 $0x3000  }
0x1c8: {  	_ =	sfence.sel $0x180000  }
0x1c9: {  	[bflag:$0x0] =	sbarrier.arrive $0xFFFF  }
0x1ca: {  	_ =	strace $0x9000004A  }
0x1cb: {  	s0 =	stileid.u32;
	[bflag:$0x2] =	sbarrier.arrive $0xFFFF  }
0x1cc: {  	p0 =	sne.s32 s0, $0x0;
	s0 =	rddreg [dreg:$0x3]  }
0x1cd: {  	s0 =	sadd.s32 @!p0 $0x100000, s0  }
0x1ce: {  	[sflag:s0] =	ssyncadd.tile.s32 @!p0 $0x1;
	_ =	shalt  }
.Lfunc_end2:
_tile_overlayer_lowered:
.L_overlay_start_2:
0x1cf: {  	(tag) =	ssettag $0x2  }
0x1d0: {  	s0 =	rddreg [dreg:$0x0];
	s2 =	stileid.u32  }
0x1d1: {  	s1 =	rddreg [dreg:$0x1];
	p0 =	sne.s32 s2, $0x0  }
0x1d2: {  	s3 =	rddreg [dreg:$0x2];
	[bflag:$0x3] =	sbarrier.arrive $0xFFFF;
	s2 =	simm.s32 @!p0 $0x1C05  }
0x1d3: {  	[timem:s3], [sflag:s2] =	dma.local @!p0 [hbm:s0], s1  }
0x1d4: {  	s0 =	simm.s32 @!p0 $0x5  }
0x1d5: {  	_ =	swait.ge @!p0 [sflag:s0], s1  }
0x1d6: {  	s1 =	ssub.s32 @!p0 $0x0, s1;
	[sflag:s0] =	ssyncset.done @!p0 $0x0  }
0x1d7: {  	[sflag:s0] =	ssyncadd.s32 @!p0 s1  }
0x1d8: {  	[bflag:$0x3] =	sbarrier.arrive $0xFFFF  }
0x1d9: {  	_ =	shalt  }

// kernel: kernel.7.cloned.1.call-start
scs
__scs_entry_jumppad:
0x0: {  	(pc) =	sbr.rel $0x88, $3  }
0x1: {  	(tag) =	ssettag $0x0;
	lr =	simm.s32 $0x1  }
0x2: {  	[smem:$0x3F99] =	sst lr;
	_ =	strace $0xD0000000  }
0x3: {  	_ = 	snop  }
0x4: {  	_ = 	snop  }
0x5: {  	_ = 	snop  }
0x6: {  	_ = 	snop  }
0x7: {  	_ = 	snop  }
__scs_overlays_trampoline_lowered:
0x8: {  	[smem:$0x3FA8] =	sst s0  }
0x9: {  	[smem:$0x3FA9] =	sst s1  }
0xa: {  	[smem:$0x3FAA] =	sst s2  }
0xb: {  	[smem:$0x3FAB] =	sst s3  }
0xc: {  	[smem:$0x3FAC] =	sst s4  }
0xd: {  	[smem:$0x3FAD] =	sst s5  }
0xe: {  	[smem:$0x3FAE] =	sst s6  }
0xf: {  	[smem:$0x3FAF] =	sst s7  }
0x10: {  	[smem:$0x3FB0] =	sst s8  }
0x11: {  	[smem:$0x3FB1] =	sst s9;
	s0 =	simm.s32 @!p0 $0x0  }
0x12: {  	s1 =	sld [smem:$0x3F97];
	s0 =	simm.s32 @p0 $0x1  }
0x13: {  	[smem:$0x3FB2] =	sst s0;
	s0 =	simm.s32 @!p1 $0x0  }
0x14: {  	s2 =	sld [smem:$0x3F96];
	s0 =	simm.s32 @p1 $0x1  }
0x15: {  	[smem:$0x3FB3] =	sst s0;
	s0 =	simm.s32 @!p2 $0x0  }
0x16: {  	s3 =	sld [smem:$0x3FDB];
	s0 =	simm.s32 @p2 $0x1  }
0x17: {  	s4 =	simm.s32 $0x1BF5;
	[smem:$0x3FB5] =	sst s0  }
0x18: {  	s0 =	sld [smem:$0x3F98];
	_ =	swait.ge [sflag:s4], $0x0  }
0x19: {  	s7 =	sld [smem:$0x3F99]  }
0x1a: {  	s8 =	sadd.s32 $0xFFFFE003, lr  }
0x1b: {  	s9 =	sadd.s32 $0xFFFFFEF7, lr;
	s5 =	simm.s32 $0xFFFFFFFF;
	p2 =	slt.u32 s8, $0xFFFFF086  }
0x1c: {  	p1 =	slt.u32 s9, $0xF7A;
	s5 =	simm.s32 @!p2 $0x0  }
0x1d: {  	s5 =	simm.s32 @p1 $0x1;
	p0 =	seq.s32 s7, s2  }
0x1e: {  	s7 =	smul.u32 @!p0 $0xF7A, s2;
	p2 =	seq.s32 @!p0 s5, $0x0  }
0x1f: {  	s9 =	smul.u32 $0xF7A, s1;
	s8 =	simm.s32 @!p0 $0x1BF5;
	p2 =	por !p2, p0  }
0x20: {  	[sflag:s8] =	ssyncset.s32 @!p0 $0xFFFFF086;
	s6 =	sadd.s32 @!p0 s3, s7;
	s7 =	simm.s32 @!p0 $0x108  }
0x21: {  	s3 =	sadd.s32 s3, s9;
	s6 =	sadd.s32 @!p0 $0x88, s6;
	s7 =	simm.s32 @p2 $0x1082  }
0x22: {  	[simem:s7], [sflag:s8] =	dma.local @!p0 [hbm:s6], $0xF7A  }
0x23: {  	s9 =	sor.u32 $0xD0000000, s2;
	s6 =	simm.s32 $0x108;
	_ =	swait.ge @!p0 [sflag:s8], $0x0  }
0x24: {  	s3 =	sadd.s32 $0x88, s3;
	s6 =	simm.s32 @!p1 $0x1082;
	[sflag:s4] =	ssyncset.s32 $0xFFFFF086  }
0x25: {  	[simem:s6], [sflag:s4] =	dma.local [hbm:s3], $0xF7A  }
0x26: {  	[smem:$0x3F99] =	sst s1;
	(tag) =	ssettag s2;
	_ =	strace s9  }
0x27: {  	s1 =	sld [smem:$0x3FA9]  }
0x28: {  	s2 =	sld [smem:$0x3FAA]  }
0x29: {  	s4 =	sld [smem:$0x3FAC]  }
0x2a: {  	p0 =	seq.s32 s5, $0x0;
	s5 =	sld [smem:$0x3FAD]  }
0x2b: {  	s6 =	sld [smem:$0x3FAE]  }
0x2c: {  	s7 =	sld [smem:$0x3FAF]  }
0x2d: {  	s3 =	simm.s32 $0x108;
	s8 =	sld [smem:$0x3FB0]  }
0x2e: {  	s3 =	simm.s32 @!p0 $0x1082;
	s9 =	sld [smem:$0x3FB1]  }
0x2f: {  	lr =	sadd.s32 s0, s3;
	s0 =	sld [smem:$0x3FA8]  }
0x30: {  	s3 =	sld [smem:$0x3FAB]  }
0x31: {  	[smem:$0x3FB4] =	sst s10  }
0x32: {  	s10 =	sld [smem:$0x3FB2];
	_ =	sdelay $0x3  }
0x33: {  	p0 =	seq.s32 s10, $0x1;
	s10 =	sld [smem:$0x3FB4];
	_ =	sdelay $0x3  }
0x34: {  	[smem:$0x3FB4] =	sst s10  }
0x35: {  	s10 =	sld [smem:$0x3FB3];
	_ =	sdelay $0x3  }
0x36: {  	p1 =	seq.s32 s10, $0x1;
	s10 =	sld [smem:$0x3FB4];
	_ =	sdelay $0x3  }
0x37: {  	[smem:$0x3FB4] =	sst s10  }
0x38: {  	s10 =	sld [smem:$0x3FB5]  }
0x39: {  	_ = 	snop;
	(pc) =	sbr.ind lr, $3  }
0x3a: {  	_ = 	snop  }
0x3b: {  	_ = 	snop  }
0x3c: {  	p2 =	seq.s32 s10, $0x1;
	s10 =	sld [smem:$0x3FB4]  }
0x3d: {  	_ =	shalt  }
0x3e: {  	_ =	shalt  }
0x3f: {  	_ =	shalt  }
0x40: {  	_ =	shalt  }
0x41: {  	_ =	shalt  }
0x42: {  	_ =	shalt  }
0x43: {  	_ =	shalt  }
0x44: {  	_ =	shalt  }
0x45: {  	_ =	shalt  }
0x46: {  	_ =	shalt  }
0x47: {  	_ =	shalt  }
0x48: {  	_ =	shalt  }
0x49: {  	_ =	shalt  }
0x4a: {  	_ =	shalt  }
0x4b: {  	_ =	shalt  }
0x4c: {  	_ =	shalt  }
0x4d: {  	_ =	shalt  }
0x4e: {  	_ =	shalt  }
0x4f: {  	_ =	shalt  }
0x50: {  	_ =	shalt  }
0x51: {  	_ =	shalt  }
0x52: {  	_ =	shalt  }
0x53: {  	_ =	shalt  }
0x54: {  	_ =	shalt  }
0x55: {  	_ =	shalt  }
0x56: {  	_ =	shalt  }
0x57: {  	_ =	shalt  }
0x58: {  	_ =	shalt  }
0x59: {  	_ =	shalt  }
0x5a: {  	_ =	shalt  }
0x5b: {  	_ =	shalt  }
0x5c: {  	_ =	shalt  }
0x5d: {  	_ =	shalt  }
0x5e: {  	_ =	shalt  }
0x5f: {  	_ =	shalt  }
0x60: {  	_ =	shalt  }
0x61: {  	_ =	shalt  }
0x62: {  	_ =	shalt  }
0x63: {  	_ =	shalt  }
0x64: {  	_ =	shalt  }
0x65: {  	_ =	shalt  }
0x66: {  	_ =	shalt  }
0x67: {  	_ =	shalt  }
0x68: {  	_ =	shalt  }
0x69: {  	_ =	shalt  }
0x6a: {  	_ =	shalt  }
0x6b: {  	_ =	shalt  }
0x6c: {  	_ =	shalt  }
0x6d: {  	_ =	shalt  }
0x6e: {  	_ =	shalt  }
0x6f: {  	_ =	shalt  }
0x70: {  	_ =	shalt  }
0x71: {  	_ =	shalt  }
0x72: {  	_ =	shalt  }
0x73: {  	_ =	shalt  }
0x74: {  	_ =	shalt  }
0x75: {  	_ =	shalt  }
0x76: {  	_ =	shalt  }
0x77: {  	_ =	shalt  }
0x78: {  	_ =	shalt  }
0x79: {  	_ =	shalt  }
0x7a: {  	_ =	shalt  }
0x7b: {  	_ =	shalt  }
0x7c: {  	_ =	shalt  }
0x7d: {  	_ =	shalt  }
0x7e: {  	_ =	shalt  }
0x7f: {  	_ =	shalt  }
0x80: {  	_ =	shalt  }
0x81: {  	_ =	shalt  }
0x82: {  	_ =	shalt  }
0x83: {  	_ =	shalt  }
0x84: {  	_ =	shalt  }
0x85: {  	_ =	shalt  }
0x86: {  	_ =	shalt  }
0x87: {  	_ =	shalt  }
.Lfunc_end0:
.L_simem_size_0:
called_computation_lowered:
.L_overlay_start_0:
0x88: {  	s2 =	sld [smem:$0x3FD9]  }
0x89: {  	s3 =	sld [smem:$0x3FFE];
	_ =	sdelay $0x1  }
0x8a: {  	s1 =	srdreg.scid  }
0x8b: {  	s0 =	sand.u32 $0x1, s1  }
0x8c: {  	s17 =	sshll.u32 s0, $0xA;
	s2 =	sadd.s32 s3, s2  }
0x8d: {  	s2 =	sadd.s32 s2, s17  }
0x8e: {  	[smem:$0x3FC0] =	sst s2  }
0x8f: {  	_ = 	snop  }
0x90: {  	s2 =	sld [smem:$0x3FD0];
	(tm) =	ssettm $0x1  }
0x91: {  	s18 =	sld [smem:$0x3FFB];
	_ =	sdelay $0x3  }
0x92: {  	_ =	strace s18  }
0x93: {  	s3 =	sld [smem:$0x3FFC];
	_ =	sdelay $0x3  }
0x94: {  	_ =	strace s3  }
0x95: {  	s3 =	sld [smem:$0x3FFD];
	_ =	sdelay $0x3  }
0x96: {  	_ =	strace s3  }
0x97: {  	_ =	strace $0x8FFFFFFF  }
0x98: {  	s19 =	sld [smem:$0x3FDB];
	_ =	sdelay $0x1  }
0x99: {  	s4 =	simm.s32 $_scs_section_size  }
0x9a: {  	s5 =	simm.s32 $_size__tile_overlayer_lowered;
	s6 =	simm.s32 $_tile_overlayer_lowered  }
0x9b: {  	s22 =	simm.s32 $0x1BFF;
	s21 =	sshll.u32 s6, $0x1;
	s3 =	sadd.s32 s4, s19  }
0x9c: {  	s7 =	simm.s32 $0x0;
	s20 =	sshll.u32 s5, $0x1;
	s5 =	sadd.s32 s21, s3  }
0x9d: {  	[timem:s7], [sflag:s22] =	dma.local [hbm:s5], s20  }
0x9e: {  	_ =	swait.ge [sflag:s22], s20  }
0x9f: {  	s4 =	ssub.s32 $0x0, s20;
	[sflag:s22] =	ssyncset.done $0x0  }
0xa0: {  	[sflag:s22] =	ssyncadd.s32 s4;
	_ =	sdelay $0x1  }
0xa1: {  	s23 =	simm.s32 $0x1B8B  }
0xa2: {  	_ =	swait.ge [sflag:s23], $0x1  }
0xa3: {  	[sflag:s23] =	ssyncset.done $0x0  }
0xa4: {  	s25 =	simm.s32 $0x1B8E;
	s24 =	sld [smem:$0x3FFE];
	[sflag:s23] =	ssyncadd.s32 $0xFFFFFFFF  }
0xa5: {  	s26 =	simm.s32 $execute0_lowered;
	[smem:$0x3FD2] =	sst s25  }
0xa6: {  	s5 =	sshll.u32 s26, $0x1;
	_ =	strace $0x80000046;
	[dreg:$0x1] =	wrdreg $0xFFFFFFFF  }
0xa7: {  	s28 =	simm.s32 $_size_execute0_lowered;
	s3 =	sadd.s32 s3, s5;
	[dreg:$0x0] =	wrdreg $0x0  }
0xa8: {  	s5 =	sshll.u32 s28, $0x1;
	[dreg:$0x2] =	wrdreg s3  }
0xa9: {  	[dreg:$0x3] =	wrdreg s5  }
0xaa: {  	[dreg:$0x4] =	wrdreg $0xC0  }
0xab: {  	_ =	task [dreg:s7], $0x5FFFF  }
0xac: {  	[dreg:$0x1] =	wrdreg $0xFFFFFFFF  }
0xad: {  	[dreg:$0x0] =	wrdreg $0x60  }
0xae: {  	[dreg:$0x2] =	wrdreg s24  }
0xaf: {  	[dreg:$0x3] =	wrdreg s2  }
0xb0: {  	[dreg:$0x4] =	wrdreg $0x110000  }
0xb1: {  	[dreg:$0x5] =	wrdreg $0x9  }
0xb2: {  	_ =	task.clear_ibuf [dreg:s7], $0x6FFFF;
	_ =	strace $0x90000046  }
0xb3: {  	s29 =	simm.s32 $0x9;
	_ =	strace $0x80000048  }
0xb4: {  	_ =	swait.ge [sflag:s29], $0x1  }
0xb5: {  	[sflag:s29] =	ssyncadd.s32 $0xFFFFFFFF  }
0xb6: {  	_ =	strace $0x90000048  }
0xb7: {  	_ =	sfence  }
0xb8: {  	s30 =	sld [smem:$0x0];
	_ =	sdelay $0x2  }
0xb9: {  	s31 =	sshll.u32 s1, $0xD;
	s1 =	sshrl.u32 s1, $0x2  }
0xba: {  	s3 =	sand.u32 $0x4000, s31;
	s1 =	sadd.s32 s1, s30  }
0xbb: {  	s0 =	sor.u32 s3, s0;
	s1 =	sshll.u32 s1, $0x11  }
0xbc: {  	s0 =	sor.u32 s1, s0  }
0xbd: {  	s0 =	sadd.s32 $0x8F2B, s0  }
0xbe: {  	[sflag:s0] =	ssyncadd.remote.s32 $0x1  }
0xbf: {  	_ =	sfence.sel $0xFFFF  }
0xc0: {  	[dreg:$0x0] =	wrdreg $0xFFFFFFFF;
	(pc) =	sbr.abs _section_cstart, $3  }
0xc1: {  	[dreg:$0x1] =	wrdreg $0xFFFFFFFF  }
0xc2: {  	_ =	task.clear_ibuf [dreg:s7], $0x2FFFF;
	_ =	strace $0x9FFFFFFF  }
0xc3: {  	(tm) =	ssettm $0x7FFFFFFF  }
tec
execute0_lowered:
.L_overlay_start_1:
0x0: {  	(tag) =	ssettag $0x1  }
0x1: {  	s0 =	rddreg [dreg:$0x0]  }
0x2: {  	s1 =	rddreg [dreg:$0x1]  }
0x3: {  	s2 =	rddreg [dreg:$0x2];
	s4 =	simm.s32 $0x0  }
0x4: {  	s13 =	stileid.u32;
	s3 =	srdreg.scid;
	s24 =	simm.s32 $0x480  }
0x5: {  	s26 =	simm.s32 $0x500;
	s14 =	simm.s32 $0x680;
	s15 =	simm.s32 $0x700  }
0x6: {  	s16 =	simm.s32 $0x780;
	s28 =	simm.s32 $0x400;
	s29 =	simm.s32 $0xD000  }
0x7: {  	s30 =	simm.s32 $0xE000;
	s31 =	simm.s32 $0x2;
	[smem:$0x7FF] =	sst s4  }
0x8: {  	s8 =	smul.u32 $0x4F00, s13;
	s3 =	sand.u32 $0x1, s3;
	s4 =	sadd.s32 $0xE00, s0  }
0x9: {  	s5 =	sadd.s32 $0x14C00, s0;
	s6 =	sadd.s32 $0xAC00, s0;
	s19 =	sshll.u32 s13, $0x5  }
0xa: {  	s11 =	sshll.u32 s13, $0x7;
	_ =	strace $0x80000047;
	[dreg:$0x4] =	wrdreg s24  }
0xb: {  	s13 =	sshll.u32 s13, $0x6;
	s7 =	ssub.s32 $0x2, s3;
	[dreg:$0x5] =	wrdreg s26  }
0xc: {  	p0 =	seq.s32 s3, $0x0;
	s17 =	sor.u32 $0x1C05, s13;
	[dreg:$0x8] =	wrdreg s14  }
0xd: {  	s3 =	smul.u32 $0x4F000, s3;
	s13 =	simm.s32 $0x600;
	[dreg:$0x9] =	wrdreg s15  }
0xe: {  	[dreg:$0xa] =	wrdreg s16;
	s24 =	simm.s32 $0x8E80;
	s26 =	simm.s32 $0x8F80  }
0xf: {  	s14 =	simm.s32 $0xB000;
	s15 =	simm.s32 $0xC000;
	[dreg:$0x7] =	wrdreg s13  }
0x10: {  	s16 =	simm.s32 $0x1;
	s9 =	sshrl.u32 s8, $0x3;
	[dreg:$0xf] =	wrdreg s24  }
0x11: {  	s10 =	sshrl.u32 s7, $0x1;
	s12 =	sadd.s32 s8, s2;
	[dreg:$0x11] =	wrdreg s26  }
0x12: {  	s24 =	simm.s32 $0x2800;
	s26 =	simm.s32 $0x5800;
	s13 =	simm.s32 $0xA000  }
0x13: {  	[dreg:$0x13] =	wrdreg s17;
	s0 =	sadd.s32 s9, s0;
	s18 =	ssub.s32 s7, s10  }
0x14: {  	s7 =	simm.s32 $0x10;
	s10 =	sor.u32 $0x800, s19;
	s19 =	simm.s32 $0x8C80  }
0x15: {  	s3 =	sadd.s32 s8, s3;
	s0 =	sadd.s32 $0x1EC00, s0;
	[dreg:$0xb] =	wrdreg s19  }
0x16: {  	s10 =	smov.u32 @p0 s11;
	s11 =	simm.s32 $0x580;
	[dreg:$0x12] =	wrdreg s0  }
0x17: {  	s8 =	simm.s32 $0x6800;
	s18 =	smax.u32 s18, $0x1;
	[dreg:$0x6] =	wrdreg s11  }
0x18: {  	s7 =	simm.s32 @!p0 $0x4;
	s19 =	sshrl.u32 s12, $0x3;
	[dreg:$0x1a] =	wrdreg s18  }
0x19: {  	s3 =	sshrl.u32 s3, $0x3;
	s25 =	sshrl.u32 s7, $0x1;
	[dreg:$0x1c] =	wrdreg s19  }
0x1a: {  	s20 =	sshll.u32 s10, $0x4;
	s1 =	sadd.s32 s1, s3;
	[dreg:$0x18] =	wrdreg s25  }
0x1b: {  	s9 =	simm.s32 $0x3;
	s21 =	sadd.s32 s5, s20;
	[dreg:$0x19] =	wrdreg s1  }
0x1c: {  	s10 =	sshll.u32 s10, $0x7;
	s22 =	sadd.s32 s6, s20;
	[dreg:$0x14] =	wrdreg s21  }
0x1d: {  	s0 =	sor.u32 $0x80, s20;
	s20 =	sor.u32 $0x800, s10;
	[dreg:$0x15] =	wrdreg s22  }
0x1e: {  	s12 =	simm.s32 $0x9000;
	s25 =	simm.s32 $0x8F00;
	[dreg:$0x1b] =	wrdreg s20  }
0x1f: {  	s11 =	simm.s32 $0x8C00;
	s23 =	sadd.s32 s5, s0;
	[dreg:$0x10] =	wrdreg s25  }
0x20: {  	s18 =	simm.s32 $0x4;
	s0 =	sadd.s32 s6, s0;
	[dreg:$0x16] =	wrdreg s23  }
0x21: {  	s1 =	simm.s32 $0x4800;
	s21 =	simm.s32 $0x8D00;
	[dreg:$0x17] =	wrdreg s0  }
0x22: {  	s10 =	simm.s32 $0x7800;
	s22 =	simm.s32 $0x8D80;
	[dreg:$0xc] =	wrdreg s21  }
0x23: {  	s20 =	simm.s32 $0x5;
	s25 =	simm.s32 $0x3800;
	[dreg:$0xd] =	wrdreg s22  }
0x24: {  	s23 =	simm.s32 $0x8E00;
	s21 =	simm.s32 $0x80;
	s22 =	simm.s32 $0x800  }
0x25: {  	s0 =	simm.s32 $0x0;
	[dreg:$0xe] =	wrdreg s23;
	s23 =	simm.s32 $0x1800  }
.LBB2_1:
0x26: {  	[dreg:$0x1d] =	wrdreg s0  }
0x27: {  	s3 =	rddreg [dreg:$0x12]  }
0x28: {  	[spmem:s19], [sflag:s17] =	dma.local [hbm:s3], $0x9E0  }
0x29: {  	_ =	swait.ge [sflag:s20], $0x9E0  }
0x2a: {  	[sflag:s20] =	ssyncset.done $0x0  }
0x2b: {  	[sflag:s20] =	ssyncadd.s32 $0xFFFFF620  }
0x2c: {  	[bflag:$0x0] =	sbarrier.arrive $0xFFFF  }
0x2d: {  	s3 =	simm.s32 $0x0;
	s19 =	rddreg [dreg:$0x14]  }
0x2e: {  	[tilespmem:s3], [sflag:$0x5] =	stream.linear.gather [hbm4b:s19+s3], $0x400, $0x38;
	[tilespmem:$0x15F00] =	vst v63  }
0x2f: {  	_ =	swait.ge [sflag:s20], $0x400  }
0x30: {  	[sflag:s20] =	ssyncset.done $0x0  }
0x31: {  	s0 =	rddreg [dreg:$0x15];
	[sflag:s20] =	ssyncadd.s32 $0xFFFFFC00  }
0x32: {  	[tilespmem:s28], [sflag:$0x5] =	stream.linear.gather [hbm4b:s0+s3], $0x400, $0x38;
	[tilespmem:$0x15F00] =	vst v63  }
0x33: {  	_ =	swait.ge [sflag:s20], $0x400  }
0x34: {  	[sflag:s20] =	ssyncset.done $0x0  }
0x35: {  	[sflag:s20] =	ssyncadd.s32 $0xFFFFFC00  }
0x36: {  	[tilespmem:s22], [sflag:$0x1] =	stream.indirect.gather [hbm4b:s4+s21], $0x20, s3, s21, $0xb8;
	[tilespmem:$0x15F00] =	vst v63  }
0x37: {  	_ = 	snop  }
0x38: {  	[tilespmem:s23], [sflag:$0x1] =	stream.indirect.gather [hbm4b:s4+s21], $0x20, s21, s21, $0xb8;
	[tilespmem:$0x15F00] =	vst v63  }
0x39: {  	s19 =	simm.s32 $0x100  }
0x3a: {  	[tilespmem:s24], [sflag:$0x1] =	stream.indirect.gather [hbm4b:s4+s21], $0x20, s19, s21, $0xb8;
	[tilespmem:$0x15F00] =	vst v63  }
0x3b: {  	s17 =	simm.s32 $0x180  }
0x3c: {  	[tilespmem:s25], [sflag:$0x1] =	stream.indirect.gather [hbm4b:s4+s21], $0x20, s17, s21, $0xb8;
	[tilespmem:$0x15F00] =	vst v63  }
0x3d: {  	s19 =	simm.s32 $0x200  }
0x3e: {  	[tilespmem:s1], [sflag:$0x1] =	stream.indirect.gather [hbm4b:s4+s21], $0x20, s19, s21, $0xb8;
	[tilespmem:$0x15F00] =	vst v63  }
0x3f: {  	s17 =	simm.s32 $0x280  }
0x40: {  	[tilespmem:s26], [sflag:$0x1] =	stream.indirect.gather [hbm4b:s4+s21], $0x20, s17, s21, $0xb8;
	[tilespmem:$0x15F00] =	vst v63  }
0x41: {  	s19 =	simm.s32 $0x300  }
0x42: {  	[tilespmem:s8], [sflag:$0x1] =	stream.indirect.gather [hbm4b:s4+s21], $0x20, s19, s21, $0xb8;
	[tilespmem:$0x15F00] =	vst v63  }
0x43: {  	s17 =	simm.s32 $0x380  }
0x44: {  	[tilespmem:s10], [sflag:$0x1] =	stream.indirect.gather [hbm4b:s4+s21], $0x20, s17, s21, $0xb8;
	[tilespmem:$0x15F00] =	vst v63  }
0x45: {  	s0 =	simm.s32 $0x8800;
	s19 =	rddreg [dreg:$0x16]  }
0x46: {  	[tilespmem:s0], [sflag:$0x5] =	stream.linear.gather [hbm4b:s19+s3], $0x400, $0x38;
	[tilespmem:$0x15F00] =	vst v63  }
0x47: {  	_ =	swait.ge [sflag:s20], $0x400  }
0x48: {  	[sflag:s20] =	ssyncset.done $0x0  }
0x49: {  	s19 =	rddreg [dreg:$0x17];
	[sflag:s20] =	ssyncadd.s32 $0xFFFFFC00  }
0x4a: {  	[tilespmem:s11], [sflag:$0x5] =	stream.linear.gather [hbm4b:s19+s3], $0x400, $0x38;
	[tilespmem:$0x15F00] =	vst v63  }
0x4b: {  	_ =	swait.ge [sflag:s20], $0x400  }
0x4c: {  	[sflag:s20] =	ssyncset.done $0x0  }
0x4d: {  	[sflag:s20] =	ssyncadd.s32 $0xFFFFFC00  }
0x4e: {  	[tilespmem:s12], [sflag:$0x2] =	stream.indirect.gather [hbm4b:s4+s21], $0x20, s0, s21, $0xb8;
	[tilespmem:$0x15F00] =	vst v63  }
0x4f: {  	s19 =	simm.s32 $0x8880  }
0x50: {  	[tilespmem:s13], [sflag:$0x2] =	stream.indirect.gather [hbm4b:s4+s21], $0x20, s19, s21, $0xb8;
	[tilespmem:$0x15F00] =	vst v63  }
0x51: {  	s20 =	simm.s32 $0x8900  }
0x52: {  	[tilespmem:s14], [sflag:$0x2] =	stream.indirect.gather [hbm4b:s4+s21], $0x20, s20, s21, $0xb8;
	[tilespmem:$0x15F00] =	vst v63  }
0x53: {  	s3 =	simm.s32 $0x8980  }
0x54: {  	[tilespmem:s15], [sflag:$0x2] =	stream.indirect.gather [hbm4b:s4+s21], $0x20, s3, s21, $0xb8;
	[tilespmem:$0x15F00] =	vst v63  }
0x55: {  	s17 =	simm.s32 $0x8A00  }
0x56: {  	[tilespmem:s29], [sflag:$0x2] =	stream.indirect.gather [hbm4b:s4+s21], $0x20, s17, s21, $0xb8;
	[tilespmem:$0x15F00] =	vst v63  }
0x57: {  	s19 =	simm.s32 $0x8A80  }
0x58: {  	[tilespmem:s30], [sflag:$0x2] =	stream.indirect.gather [hbm4b:s4+s21], $0x20, s19, s21, $0xb8;
	[tilespmem:$0x15F00] =	vst v63  }
0x59: {  	s20 =	simm.s32 $0x8B00;
	s19 =	simm.s32 $0xF000  }
0x5a: {  	[tilespmem:s19], [sflag:$0x2] =	stream.indirect.gather [hbm4b:s4+s21], $0x20, s20, s21, $0xb8;
	[tilespmem:$0x15F00] =	vst v63  }
0x5b: {  	s3 =	simm.s32 $0x8B80;
	s20 =	simm.s32 $0x10000  }
0x5c: {  	[tilespmem:s20], [sflag:$0x2] =	stream.indirect.gather [hbm4b:s4+s21], $0x20, s3, s21, $0xb8;
	[tilespmem:$0x15F00] =	vst v63  }
0x5d: {  	_ =	swait.ge [sflag:s16], $0x1000  }
0x5e: {  	[sflag:s16] =	ssyncset.done $0x0  }
0x5f: {  	[sflag:s16] =	ssyncadd.s32 $0xFFFFF000  }
0x60: {  	_ =	swait.ge [sflag:s16], $0x1000  }
0x61: {  	[sflag:s16] =	ssyncset.done $0x0  }
0x62: {  	[sflag:s16] =	ssyncadd.s32 $0xFFFFF000  }
0x63: {  	_ =	swait.ge [sflag:s16], $0x1000  }
0x64: {  	[sflag:s16] =	ssyncset.done $0x0  }
0x65: {  	[sflag:s16] =	ssyncadd.s32 $0xFFFFF000  }
0x66: {  	_ =	swait.ge [sflag:s16], $0x1000  }
0x67: {  	[sflag:s16] =	ssyncset.done $0x0  }
0x68: {  	[sflag:s16] =	ssyncadd.s32 $0xFFFFF000  }
0x69: {  	_ =	swait.ge [sflag:s16], $0x1000  }
0x6a: {  	[sflag:s16] =	ssyncset.done $0x0  }
0x6b: {  	[sflag:s16] =	ssyncadd.s32 $0xFFFFF000  }
0x6c: {  	_ =	swait.ge [sflag:s16], $0x1000  }
0x6d: {  	[sflag:s16] =	ssyncset.done $0x0  }
0x6e: {  	[sflag:s16] =	ssyncadd.s32 $0xFFFFF000  }
0x6f: {  	_ =	swait.ge [sflag:s16], $0x1000  }
0x70: {  	[sflag:s16] =	ssyncset.done $0x0  }
0x71: {  	[sflag:s16] =	ssyncadd.s32 $0xFFFFF000  }
0x72: {  	_ =	swait.ge [sflag:s16], $0x1000  }
0x73: {  	[sflag:s16] =	ssyncset.done $0x0  }
0x74: {  	[sflag:s16] =	ssyncadd.s32 $0xFFFFF000  }
0x75: {  	[spmem:s2] =	stream.indirect.scatter.add.f32 [tilespmem:s22], [sflag:$0x3], $0x20, s28, s21, $0xb8;
	[tilespmem:$0x15F00] =	vst v63  }
0x76: {  	s17 =	rddreg [dreg:$0x4]  }
0x77: {  	[spmem:s2] =	stream.indirect.scatter.add.f32 [tilespmem:s23], [sflag:$0x3], $0x20, s17, s21, $0xb8;
	[tilespmem:$0x15F00] =	vst v63  }
0x78: {  	s22 =	rddreg [dreg:$0x5]  }
0x79: {  	[spmem:s2] =	stream.indirect.scatter.add.f32 [tilespmem:s24], [sflag:$0x3], $0x20, s22, s21, $0xb8;
	[tilespmem:$0x15F00] =	vst v63  }
0x7a: {  	s23 =	rddreg [dreg:$0x6]  }
0x7b: {  	[spmem:s2] =	stream.indirect.scatter.add.f32 [tilespmem:s25], [sflag:$0x3], $0x20, s23, s21, $0xb8;
	[tilespmem:$0x15F00] =	vst v63  }
0x7c: {  	s24 =	rddreg [dreg:$0x7]  }
0x7d: {  	[spmem:s2] =	stream.indirect.scatter.add.f32 [tilespmem:s1], [sflag:$0x3], $0x20, s24, s21, $0xb8;
	[tilespmem:$0x15F00] =	vst v63  }
0x7e: {  	s25 =	rddreg [dreg:$0x8]  }
0x7f: {  	[spmem:s2] =	stream.indirect.scatter.add.f32 [tilespmem:s26], [sflag:$0x3], $0x20, s25, s21, $0xb8;
	[tilespmem:$0x15F00] =	vst v63  }
0x80: {  	s0 =	rddreg [dreg:$0x9]  }
0x81: {  	[spmem:s2] =	stream.indirect.scatter.add.f32 [tilespmem:s8], [sflag:$0x3], $0x20, s0, s21, $0xb8;
	[tilespmem:$0x15F00] =	vst v63  }
0x82: {  	s1 =	rddreg [dreg:$0xa]  }
0x83: {  	[spmem:s2] =	stream.indirect.scatter.add.f32 [tilespmem:s10], [sflag:$0x3], $0x20, s1, s21, $0xb8;
	[tilespmem:$0x15F00] =	vst v63  }
0x84: {  	_ =	swait.ge [sflag:s31], $0x1000  }
0x85: {  	[sflag:s31] =	ssyncset.done $0x0  }
0x86: {  	[sflag:s31] =	ssyncadd.s32 $0xFFFFF000  }
0x87: {  	_ =	swait.ge [sflag:s31], $0x1000  }
0x88: {  	[sflag:s31] =	ssyncset.done $0x0  }
0x89: {  	[sflag:s31] =	ssyncadd.s32 $0xFFFFF000  }
0x8a: {  	_ =	swait.ge [sflag:s31], $0x1000  }
0x8b: {  	[sflag:s31] =	ssyncset.done $0x0  }
0x8c: {  	[sflag:s31] =	ssyncadd.s32 $0xFFFFF000  }
0x8d: {  	_ =	swait.ge [sflag:s31], $0x1000  }
0x8e: {  	[sflag:s31] =	ssyncset.done $0x0  }
0x8f: {  	[sflag:s31] =	ssyncadd.s32 $0xFFFFF000  }
0x90: {  	_ =	swait.ge [sflag:s31], $0x1000  }
0x91: {  	[sflag:s31] =	ssyncset.done $0x0  }
0x92: {  	[sflag:s31] =	ssyncadd.s32 $0xFFFFF000  }
0x93: {  	_ =	swait.ge [sflag:s31], $0x1000  }
0x94: {  	[sflag:s31] =	ssyncset.done $0x0  }
0x95: {  	[sflag:s31] =	ssyncadd.s32 $0xFFFFF000  }
0x96: {  	_ =	swait.ge [sflag:s31], $0x1000  }
0x97: {  	[sflag:s31] =	ssyncset.done $0x0  }
0x98: {  	[sflag:s31] =	ssyncadd.s32 $0xFFFFF000  }
0x99: {  	_ =	swait.ge [sflag:s31], $0x1000  }
0x9a: {  	[sflag:s31] =	ssyncset.done $0x0  }
0x9b: {  	[sflag:s31] =	ssyncadd.s32 $0xFFFFF000  }
0x9c: {  	[spmem:s2] =	stream.indirect.scatter.add.f32 [tilespmem:s12], [sflag:$0x4], $0x20, s11, s21, $0xb8;
	[tilespmem:$0x15F00] =	vst v63  }
0x9d: {  	s10 =	rddreg [dreg:$0xb]  }
0x9e: {  	[spmem:s2] =	stream.indirect.scatter.add.f32 [tilespmem:s13], [sflag:$0x4], $0x20, s10, s21, $0xb8;
	[tilespmem:$0x15F00] =	vst v63  }
0x9f: {  	s11 =	rddreg [dreg:$0xc]  }
0xa0: {  	[spmem:s2] =	stream.indirect.scatter.add.f32 [tilespmem:s14], [sflag:$0x4], $0x20, s11, s21, $0xb8;
	[tilespmem:$0x15F00] =	vst v63  }
0xa1: {  	s12 =	rddreg [dreg:$0xd]  }
0xa2: {  	[spmem:s2] =	stream.indirect.scatter.add.f32 [tilespmem:s15], [sflag:$0x4], $0x20, s12, s21, $0xb8;
	[tilespmem:$0x15F00] =	vst v63  }
0xa3: {  	s13 =	rddreg [dreg:$0xe]  }
0xa4: {  	[spmem:s2] =	stream.indirect.scatter.add.f32 [tilespmem:s29], [sflag:$0x4], $0x20, s13, s21, $0xb8;
	[tilespmem:$0x15F00] =	vst v63  }
0xa5: {  	s14 =	rddreg [dreg:$0xf]  }
0xa6: {  	[spmem:s2] =	stream.indirect.scatter.add.f32 [tilespmem:s30], [sflag:$0x4], $0x20, s14, s21, $0xb8;
	[tilespmem:$0x15F00] =	vst v63  }
0xa7: {  	s15 =	rddreg [dreg:$0x10]  }
0xa8: {  	[spmem:s2] =	stream.indirect.scatter.add.f32 [tilespmem:s19], [sflag:$0x4], $0x20, s15, s21, $0xb8;
	[tilespmem:$0x15F00] =	vst v63  }
0xa9: {  	s22 =	rddreg [dreg:$0x11]  }
0xaa: {  	[spmem:s2] =	stream.indirect.scatter.add.f32 [tilespmem:s20], [sflag:$0x4], $0x20, s22, s21, $0xb8;
	[tilespmem:$0x15F00] =	vst v63  }
0xab: {  	_ =	swait.ge [sflag:s9], $0x1000  }
0xac: {  	[sflag:s9] =	ssyncset.done $0x0  }
0xad: {  	[sflag:s9] =	ssyncadd.s32 $0xFFFFF000  }
0xae: {  	_ =	swait.ge [sflag:s9], $0x1000  }
0xaf: {  	[sflag:s9] =	ssyncset.done $0x0  }
0xb0: {  	[sflag:s9] =	ssyncadd.s32 $0xFFFFF000  }
0xb1: {  	_ =	swait.ge [sflag:s9], $0x1000  }
0xb2: {  	[sflag:s9] =	ssyncset.done $0x0  }
0xb3: {  	[sflag:s9] =	ssyncadd.s32 $0xFFFFF000  }
0xb4: {  	_ =	swait.ge [sflag:s9], $0x1000  }
0xb5: {  	[sflag:s9] =	ssyncset.done $0x0  }
0xb6: {  	[sflag:s9] =	ssyncadd.s32 $0xFFFFF000  }
0xb7: {  	_ =	swait.ge [sflag:s9], $0x1000  }
0xb8: {  	[sflag:s9] =	ssyncset.done $0x0  }
0xb9: {  	[sflag:s9] =	ssyncadd.s32 $0xFFFFF000  }
0xba: {  	_ =	swait.ge [sflag:s9], $0x1000  }
0xbb: {  	[sflag:s9] =	ssyncset.done $0x0  }
0xbc: {  	[sflag:s9] =	ssyncadd.s32 $0xFFFFF000  }
0xbd: {  	_ =	swait.ge [sflag:s9], $0x1000  }
0xbe: {  	[sflag:s9] =	ssyncset.done $0x0  }
0xbf: {  	[sflag:s9] =	ssyncadd.s32 $0xFFFFF000  }
0xc0: {  	_ =	swait.ge [sflag:s9], $0x1000  }
0xc1: {  	p0 =	sle.u32 s7, $0x2;
	s25 =	rddreg [dreg:$0x1b]  }
0xc2: {  	s17 =	simm.s32 @!p0 $0x5;
	[sflag:s9] =	ssyncset.done $0x0;
	s3 =	sshrl.u32 @!p0 s25, $0x3  }
0xc3: {  	s20 =	simm.s32 @!p0 $0x0;
	[sflag:s9] =	ssyncadd.s32 $0xFFFFF000;
	s19 =	sadd.s32 @!p0 s5, s3  }
0xc4: {  	[tilespmem:s20], [sflag:$0x5] =	stream.linear.gather @!p0 [hbm4b:s19+s20], $0x400, $0x38;
	[tilespmem:$0x15F00] =	vst v63  }
0xc5: {  	_ =	swait.ge @!p0 [sflag:s17], $0x400  }
0xc6: {  	[sflag:s17] =	ssyncset.done @!p0 $0x0  }
0xc7: {  	s3 =	sadd.s32 @!p0 s6, s3;
	s19 =	simm.s32 @!p0 $0x400;
	[sflag:s17] =	ssyncadd.s32 @!p0 $0xFFFFFC00  }
0xc8: {  	[tilespmem:s19], [sflag:$0x5] =	stream.linear.gather @!p0 [hbm4b:s3+s20], $0x400, $0x38;
	[tilespmem:$0x15F00] =	vst v63  }
0xc9: {  	_ =	swait.ge @!p0 [sflag:s17], $0x400  }
0xca: {  	[sflag:s17] =	ssyncset.done @!p0 $0x0  }
0xcb: {  	s3 =	simm.s32 @!p0 $0x80;
	[sflag:s17] =	ssyncadd.s32 @!p0 $0xFFFFFC00;
	s17 =	simm.s32 @!p0 $0x800  }
0xcc: {  	[tilespmem:s17], [sflag:$0x1] =	stream.indirect.gather @!p0 [hbm4b:s4+s3], $0x20, s20, s3, $0xb8;
	[tilespmem:$0x15F00] =	vst v63  }
0xcd: {  	s17 =	simm.s32 @!p0 $0x1800  }
0xce: {  	[tilespmem:s17], [sflag:$0x1] =	stream.indirect.gather @!p0 [hbm4b:s4+s3], $0x20, s3, s3, $0xb8;
	[tilespmem:$0x15F00] =	vst v63  }
0xcf: {  	s19 =	simm.s32 @!p0 $0x2800;
	s17 =	simm.s32 @!p0 $0x100  }
0xd0: {  	[tilespmem:s19], [sflag:$0x1] =	stream.indirect.gather @!p0 [hbm4b:s4+s3], $0x20, s17, s3, $0xb8;
	[tilespmem:$0x15F00] =	vst v63  }
0xd1: {  	s17 =	simm.s32 @!p0 $0x180;
	s19 =	simm.s32 @!p0 $0x3800  }
0xd2: {  	[tilespmem:s19], [sflag:$0x1] =	stream.indirect.gather @!p0 [hbm4b:s4+s3], $0x20, s17, s3, $0xb8;
	[tilespmem:$0x15F00] =	vst v63  }
0xd3: {  	s17 =	simm.s32 @!p0 $0x200;
	s19 =	simm.s32 @!p0 $0x4800  }
0xd4: {  	[tilespmem:s19], [sflag:$0x1] =	stream.indirect.gather @!p0 [hbm4b:s4+s3], $0x20, s17, s3, $0xb8;
	[tilespmem:$0x15F00] =	vst v63  }
0xd5: {  	s17 =	simm.s32 @!p0 $0x280;
	s19 =	simm.s32 @!p0 $0x5800  }
0xd6: {  	[tilespmem:s19], [sflag:$0x1] =	stream.indirect.gather @!p0 [hbm4b:s4+s3], $0x20, s17, s3, $0xb8;
	[tilespmem:$0x15F00] =	vst v63  }
0xd7: {  	s17 =	simm.s32 @!p0 $0x300;
	s19 =	simm.s32 @!p0 $0x6800  }
0xd8: {  	[tilespmem:s19], [sflag:$0x1] =	stream.indirect.gather @!p0 [hbm4b:s4+s3], $0x20, s17, s3, $0xb8;
	[tilespmem:$0x15F00] =	vst v63  }
0xd9: {  	s17 =	simm.s32 @!p0 $0x380;
	s19 =	simm.s32 @!p0 $0x7800  }
0xda: {  	[tilespmem:s19], [sflag:$0x1] =	stream.indirect.gather @!p0 [hbm4b:s4+s3], $0x20, s17, s3, $0xb8;
	[tilespmem:$0x15F00] =	vst v63  }
0xdb: {  	_ =	swait.ge [sflag:s18], $0x1000  }
0xdc: {  	[sflag:s18] =	ssyncset.done $0x0  }
0xdd: {  	[sflag:s18] =	ssyncadd.s32 $0xFFFFF000  }
0xde: {  	_ =	swait.ge [sflag:s18], $0x1000  }
0xdf: {  	[sflag:s18] =	ssyncset.done $0x0  }
0xe0: {  	[sflag:s18] =	ssyncadd.s32 $0xFFFFF000  }
0xe1: {  	_ =	swait.ge [sflag:s18], $0x1000  }
0xe2: {  	[sflag:s18] =	ssyncset.done $0x0  }
0xe3: {  	[sflag:s18] =	ssyncadd.s32 $0xFFFFF000  }
0xe4: {  	_ =	swait.ge [sflag:s18], $0x1000  }
0xe5: {  	[sflag:s18] =	ssyncset.done $0x0  }
0xe6: {  	[sflag:s18] =	ssyncadd.s32 $0xFFFFF000  }
0xe7: {  	_ =	swait.ge [sflag:s18], $0x1000  }
0xe8: {  	[sflag:s18] =	ssyncset.done $0x0  }
0xe9: {  	[sflag:s18] =	ssyncadd.s32 $0xFFFFF000  }
0xea: {  	_ =	swait.ge [sflag:s18], $0x1000  }
0xeb: {  	[sflag:s18] =	ssyncset.done $0x0  }
0xec: {  	[sflag:s18] =	ssyncadd.s32 $0xFFFFF000  }
0xed: {  	_ =	swait.ge [sflag:s18], $0x1000  }
0xee: {  	[sflag:s18] =	ssyncset.done $0x0  }
0xef: {  	p1 =	sle.u32 s7, $0x3;
	[sflag:s18] =	ssyncadd.s32 $0xFFFFF000  }
0xf0: {  	s22 =	simm.s32 @!p1 $0x0;
	s3 =	sadd.s32 @!p1 $0x400, s25;
	_ =	swait.ge [sflag:s18], $0x1000  }
0xf1: {  	s17 =	simm.s32 @!p1 $0x5;
	s3 =	sshrl.u32 @!p1 s3, $0x3;
	[sflag:s18] =	ssyncset.done $0x0  }
0xf2: {  	s19 =	simm.s32 @!p1 $0x8800;
	s20 =	sadd.s32 @!p1 s5, s3;
	[sflag:s18] =	ssyncadd.s32 $0xFFFFF000  }
0xf3: {  	[tilespmem:s19], [sflag:$0x5] =	stream.linear.gather @!p1 [hbm4b:s20+s22], $0x400, $0x38;
	[tilespmem:$0x15F00] =	vst v63  }
0xf4: {  	_ =	swait.ge @!p1 [sflag:s17], $0x400  }
0xf5: {  	[sflag:s17] =	ssyncset.done @!p1 $0x0  }
0xf6: {  	s3 =	sadd.s32 @!p1 s6, s3;
	s20 =	simm.s32 @!p1 $0x8C00;
	[sflag:s17] =	ssyncadd.s32 @!p1 $0xFFFFFC00  }
0xf7: {  	[tilespmem:s20], [sflag:$0x5] =	stream.linear.gather @!p1 [hbm4b:s3+s22], $0x400, $0x38;
	[tilespmem:$0x15F00] =	vst v63  }
0xf8: {  	_ =	swait.ge @!p1 [sflag:s17], $0x400  }
0xf9: {  	[sflag:s17] =	ssyncset.done @!p1 $0x0  }
0xfa: {  	s20 =	simm.s32 @!p1 $0x80;
	s3 =	simm.s32 @!p1 $0x9000;
	[sflag:s17] =	ssyncadd.s32 @!p1 $0xFFFFFC00  }
0xfb: {  	[tilespmem:s3], [sflag:$0x2] =	stream.indirect.gather @!p1 [hbm4b:s4+s20], $0x20, s19, s20, $0xb8;
	[tilespmem:$0x15F00] =	vst v63  }
0xfc: {  	s24 =	simm.s32 $0xD000;
	s17 =	simm.s32 @!p1 $0xA000;
	s3 =	simm.s32 @!p1 $0x8880  }
0xfd: {  	[tilespmem:s17], [sflag:$0x2] =	stream.indirect.gather @!p1 [hbm4b:s4+s20], $0x20, s3, s20, $0xb8;
	[tilespmem:$0x15F00] =	vst v63  }
0xfe: {  	s26 =	simm.s32 $0x5800;
	s3 =	simm.s32 @!p1 $0x8900;
	s17 =	simm.s32 @!p1 $0xB000  }
0xff: {  	[tilespmem:s17], [sflag:$0x2] =	stream.indirect.gather @!p1 [hbm4b:s4+s20], $0x20, s3, s20, $0xb8;
	[tilespmem:$0x15F00] =	vst v63  }
0x100: {  	s8 =	simm.s32 $0x6800;
	s3 =	simm.s32 @!p1 $0x8980;
	s17 =	simm.s32 @!p1 $0xC000  }
0x101: {  	[tilespmem:s17], [sflag:$0x2] =	stream.indirect.gather @!p1 [hbm4b:s4+s20], $0x20, s3, s20, $0xb8;
	[tilespmem:$0x15F00] =	vst v63  }
0x102: {  	s0 =	simm.s32 $0x1800;
	s3 =	simm.s32 @!p1 $0x8A00;
	s17 =	simm.s32 @!p1 $0xD000  }
0x103: {  	[tilespmem:s17], [sflag:$0x2] =	stream.indirect.gather @!p1 [hbm4b:s4+s20], $0x20, s3, s20, $0xb8;
	[tilespmem:$0x15F00] =	vst v63  }
0x104: {  	s23 =	rddreg [dreg:$0x18];
	s3 =	simm.s32 @!p1 $0x8A80;
	s17 =	simm.s32 @!p1 $0xE000  }
0x105: {  	[tilespmem:s17], [sflag:$0x2] =	stream.indirect.gather @!p1 [hbm4b:s4+s20], $0x20, s3, s20, $0xb8;
	[tilespmem:$0x15F00] =	vst v63  }
0x106: {  	s1 =	simm.s32 $0xE000;
	s10 =	simm.s32 $0x7800;
	s17 =	sadd.s32 $0xFFFFFFFF, s23  }
0x107: {  	s11 =	simm.s32 $0x8C00;
	s12 =	simm.s32 $0x9000;
	p0 =	sne.s32 s17, $0x0  }
.Ltmp0:
0x108: {  	s13 =	simm.s32 $0xA000;
	s29 =	simm.s32 $0x3800;
	(pc) =	sbr.rel @!p0 .LBB2_3-.Ltmp0, $4  }
0x109: {  	s14 =	simm.s32 $0xB000;
	s30 =	simm.s32 $0x800;
	s15 =	simm.s32 $0xC000  }
0x10a: {  	s22 =	simm.s32 @!p1 $0x8B80;
	s19 =	simm.s32 @!p1 $0xF000;
	s3 =	simm.s32 @!p1 $0x8B00  }
0x10b: {  	[tilespmem:s19], [sflag:$0x2] =	stream.indirect.gather @!p1 [hbm4b:s4+s20], $0x20, s3, s20, $0xb8;
	[tilespmem:$0x15F00] =	vst v63  }
0x10c: {  	s23 =	simm.s32 @!p1 $0x10000;
	s3 =	simm.s32 $0x4;
	s19 =	sadd.s32 $0x800, s25  }
.LBB2_2:
0x10d: {  	[tilespmem:s23], [sflag:$0x2] =	stream.indirect.gather @!p1 [hbm4b:s4+s20], $0x20, s22, s20, $0xb8;
	[tilespmem:$0x15F00] =	vst v63  }
0x10e: {  	_ =	swait.ge [sflag:s16], $0x1000  }
0x10f: {  	[sflag:s16] =	ssyncset.done $0x0  }
0x110: {  	[sflag:s16] =	ssyncadd.s32 $0xFFFFF000  }
0x111: {  	_ =	swait.ge [sflag:s16], $0x1000  }
0x112: {  	[sflag:s16] =	ssyncset.done $0x0  }
0x113: {  	[sflag:s16] =	ssyncadd.s32 $0xFFFFF000  }
0x114: {  	_ =	swait.ge [sflag:s16], $0x1000  }
0x115: {  	[sflag:s16] =	ssyncset.done $0x0  }
0x116: {  	[sflag:s16] =	ssyncadd.s32 $0xFFFFF000  }
0x117: {  	_ =	swait.ge [sflag:s16], $0x1000  }
0x118: {  	[sflag:s16] =	ssyncset.done $0x0  }
0x119: {  	[sflag:s16] =	ssyncadd.s32 $0xFFFFF000  }
0x11a: {  	_ =	swait.ge [sflag:s16], $0x1000  }
0x11b: {  	[sflag:s16] =	ssyncset.done $0x0  }
0x11c: {  	[sflag:s16] =	ssyncadd.s32 $0xFFFFF000  }
0x11d: {  	_ =	swait.ge [sflag:s16], $0x1000  }
0x11e: {  	[sflag:s16] =	ssyncset.done $0x0  }
0x11f: {  	[sflag:s16] =	ssyncadd.s32 $0xFFFFF000  }
0x120: {  	_ =	swait.ge [sflag:s16], $0x1000  }
0x121: {  	[sflag:s16] =	ssyncset.done $0x0  }
0x122: {  	[sflag:s16] =	ssyncadd.s32 $0xFFFFF000  }
0x123: {  	_ =	swait.ge [sflag:s16], $0x1000  }
0x124: {  	[sflag:s16] =	ssyncset.done $0x0  }
0x125: {  	[sflag:s16] =	ssyncadd.s32 $0xFFFFF000  }
0x126: {  	[spmem:s2] =	stream.indirect.scatter.add.f32 [tilespmem:s30], [sflag:$0x3], $0x20, s28, s21, $0xb8;
	[tilespmem:$0x15F00] =	vst v63  }
0x127: {  	s22 =	rddreg [dreg:$0x4]  }
0x128: {  	[spmem:s2] =	stream.indirect.scatter.add.f32 [tilespmem:s0], [sflag:$0x3], $0x20, s22, s21, $0xb8;
	[tilespmem:$0x15F00] =	vst v63  }
0x129: {  	s25 =	simm.s32 $0x2800;
	s23 =	rddreg [dreg:$0x5]  }
0x12a: {  	[spmem:s2] =	stream.indirect.scatter.add.f32 [tilespmem:s25], [sflag:$0x3], $0x20, s23, s21, $0xb8;
	[tilespmem:$0x15F00] =	vst v63  }
0x12b: {  	s20 =	rddreg [dreg:$0x6]  }
0x12c: {  	[spmem:s2] =	stream.indirect.scatter.add.f32 [tilespmem:s29], [sflag:$0x3], $0x20, s20, s21, $0xb8;
	[tilespmem:$0x15F00] =	vst v63  }
0x12d: {  	s23 =	rddreg [dreg:$0x7];
	s25 =	simm.s32 $0x4800  }
0x12e: {  	[spmem:s2] =	stream.indirect.scatter.add.f32 [tilespmem:s25], [sflag:$0x3], $0x20, s23, s21, $0xb8;
	[tilespmem:$0x15F00] =	vst v63  }
0x12f: {  	s20 =	rddreg [dreg:$0x8]  }
0x130: {  	[spmem:s2] =	stream.indirect.scatter.add.f32 [tilespmem:s26], [sflag:$0x3], $0x20, s20, s21, $0xb8;
	[tilespmem:$0x15F00] =	vst v63  }
0x131: {  	s23 =	rddreg [dreg:$0x9]  }
0x132: {  	[spmem:s2] =	stream.indirect.scatter.add.f32 [tilespmem:s8], [sflag:$0x3], $0x20, s23, s21, $0xb8;
	[tilespmem:$0x15F00] =	vst v63  }
0x133: {  	s25 =	rddreg [dreg:$0xa]  }
0x134: {  	[spmem:s2] =	stream.indirect.scatter.add.f32 [tilespmem:s10], [sflag:$0x3], $0x20, s25, s21, $0xb8;
	[tilespmem:$0x15F00] =	vst v63  }
0x135: {  	_ =	swait.ge [sflag:s31], $0x1000  }
0x136: {  	[sflag:s31] =	ssyncset.done $0x0  }
0x137: {  	[sflag:s31] =	ssyncadd.s32 $0xFFFFF000  }
0x138: {  	_ =	swait.ge [sflag:s31], $0x1000  }
0x139: {  	[sflag:s31] =	ssyncset.done $0x0  }
0x13a: {  	[sflag:s31] =	ssyncadd.s32 $0xFFFFF000  }
0x13b: {  	_ =	swait.ge [sflag:s31], $0x1000  }
0x13c: {  	[sflag:s31] =	ssyncset.done $0x0  }
0x13d: {  	[sflag:s31] =	ssyncadd.s32 $0xFFFFF000  }
0x13e: {  	_ =	swait.ge [sflag:s31], $0x1000  }
0x13f: {  	[sflag:s31] =	ssyncset.done $0x0  }
0x140: {  	[sflag:s31] =	ssyncadd.s32 $0xFFFFF000  }
0x141: {  	_ =	swait.ge [sflag:s31], $0x1000  }
0x142: {  	[sflag:s31] =	ssyncset.done $0x0  }
0x143: {  	[sflag:s31] =	ssyncadd.s32 $0xFFFFF000  }
0x144: {  	_ =	swait.ge [sflag:s31], $0x1000  }
0x145: {  	[sflag:s31] =	ssyncset.done $0x0  }
0x146: {  	[sflag:s31] =	ssyncadd.s32 $0xFFFFF000  }
0x147: {  	_ =	swait.ge [sflag:s31], $0x1000  }
0x148: {  	[sflag:s31] =	ssyncset.done $0x0  }
0x149: {  	[sflag:s31] =	ssyncadd.s32 $0xFFFFF000  }
0x14a: {  	_ =	swait.ge [sflag:s31], $0x1000  }
0x14b: {  	[sflag:s31] =	ssyncset.done $0x0  }
0x14c: {  	[sflag:s31] =	ssyncadd.s32 $0xFFFFF000  }
0x14d: {  	[spmem:s2] =	stream.indirect.scatter.add.f32 [tilespmem:s12], [sflag:$0x4], $0x20, s11, s21, $0xb8;
	[tilespmem:$0x15F00] =	vst v63  }
0x14e: {  	s22 =	rddreg [dreg:$0xb]  }
0x14f: {  	[spmem:s2] =	stream.indirect.scatter.add.f32 [tilespmem:s13], [sflag:$0x4], $0x20, s22, s21, $0xb8;
	[tilespmem:$0x15F00] =	vst v63  }
0x150: {  	s23 =	rddreg [dreg:$0xc]  }
0x151: {  	[spmem:s2] =	stream.indirect.scatter.add.f32 [tilespmem:s14], [sflag:$0x4], $0x20, s23, s21, $0xb8;
	[tilespmem:$0x15F00] =	vst v63  }
0x152: {  	s25 =	rddreg [dreg:$0xd]  }
0x153: {  	[spmem:s2] =	stream.indirect.scatter.add.f32 [tilespmem:s15], [sflag:$0x4], $0x20, s25, s21, $0xb8;
	[tilespmem:$0x15F00] =	vst v63  }
0x154: {  	s23 =	rddreg [dreg:$0xe]  }
0x155: {  	[spmem:s2] =	stream.indirect.scatter.add.f32 [tilespmem:s24], [sflag:$0x4], $0x20, s23, s21, $0xb8;
	[tilespmem:$0x15F00] =	vst v63  }
0x156: {  	s25 =	rddreg [dreg:$0xf]  }
0x157: {  	[spmem:s2] =	stream.indirect.scatter.add.f32 [tilespmem:s1], [sflag:$0x4], $0x20, s25, s21, $0xb8;
	[tilespmem:$0x15F00] =	vst v63  }
0x158: {  	s23 =	rddreg [dreg:$0x10];
	s25 =	simm.s32 $0xF000  }
0x159: {  	[spmem:s2] =	stream.indirect.scatter.add.f32 [tilespmem:s25], [sflag:$0x4], $0x20, s23, s21, $0xb8;
	[tilespmem:$0x15F00] =	vst v63  }
0x15a: {  	s20 =	rddreg [dreg:$0x11];
	s23 =	simm.s32 $0x10000  }
0x15b: {  	[spmem:s2] =	stream.indirect.scatter.add.f32 [tilespmem:s23], [sflag:$0x4], $0x20, s20, s21, $0xb8;
	[tilespmem:$0x15F00] =	vst v63  }
0x15c: {  	_ =	swait.ge [sflag:s9], $0x1000  }
0x15d: {  	[sflag:s9] =	ssyncset.done $0x0  }
0x15e: {  	[sflag:s9] =	ssyncadd.s32 $0xFFFFF000  }
0x15f: {  	_ =	swait.ge [sflag:s9], $0x1000  }
0x160: {  	[sflag:s9] =	ssyncset.done $0x0  }
0x161: {  	[sflag:s9] =	ssyncadd.s32 $0xFFFFF000  }
0x162: {  	_ =	swait.ge [sflag:s9], $0x1000  }
0x163: {  	[sflag:s9] =	ssyncset.done $0x0  }
0x164: {  	[sflag:s9] =	ssyncadd.s32 $0xFFFFF000  }
0x165: {  	_ =	swait.ge [sflag:s9], $0x1000  }
0x166: {  	[sflag:s9] =	ssyncset.done $0x0  }
0x167: {  	[sflag:s9] =	ssyncadd.s32 $0xFFFFF000  }
0x168: {  	_ =	swait.ge [sflag:s9], $0x1000  }
0x169: {  	[sflag:s9] =	ssyncset.done $0x0  }
0x16a: {  	[sflag:s9] =	ssyncadd.s32 $0xFFFFF000  }
0x16b: {  	_ =	swait.ge [sflag:s9], $0x1000  }
0x16c: {  	[sflag:s9] =	ssyncset.done $0x0  }
0x16d: {  	[sflag:s9] =	ssyncadd.s32 $0xFFFFF000  }
0x16e: {  	_ =	swait.ge [sflag:s9], $0x1000  }
0x16f: {  	[sflag:s9] =	ssyncset.done $0x0  }
0x170: {  	[sflag:s9] =	ssyncadd.s32 $0xFFFFF000  }
0x171: {  	p1 =	sge.u32 s3, s7;
	_ =	swait.ge [sflag:s9], $0x1000  }
0x172: {  	s22 =	simm.s32 @!p1 $0x5;
	s20 =	sshrl.u32 @!p1 s19, $0x3;
	[sflag:s9] =	ssyncset.done $0x0  }
0x173: {  	s25 =	simm.s32 @!p1 $0x0;
	s23 =	sadd.s32 @!p1 s5, s20;
	[sflag:s9] =	ssyncadd.s32 $0xFFFFF000  }
0x174: {  	[tilespmem:s25], [sflag:$0x5] =	stream.linear.gather @!p1 [hbm4b:s23+s25], $0x400, $0x38;
	[tilespmem:$0x15F00] =	vst v63  }
0x175: {  	_ =	swait.ge @!p1 [sflag:s22], $0x400  }
0x176: {  	[sflag:s22] =	ssyncset.done @!p1 $0x0  }
0x177: {  	s20 =	sadd.s32 @!p1 s6, s20;
	s23 =	simm.s32 @!p1 $0x400;
	[sflag:s22] =	ssyncadd.s32 @!p1 $0xFFFFFC00  }
0x178: {  	[tilespmem:s23], [sflag:$0x5] =	stream.linear.gather @!p1 [hbm4b:s20+s25], $0x400, $0x38;
	[tilespmem:$0x15F00] =	vst v63  }
0x179: {  	_ =	swait.ge @!p1 [sflag:s22], $0x400  }
0x17a: {  	[sflag:s22] =	ssyncset.done @!p1 $0x0  }
0x17b: {  	s20 =	simm.s32 @!p1 $0x80;
	[sflag:s22] =	ssyncadd.s32 @!p1 $0xFFFFFC00;
	s22 =	simm.s32 @!p1 $0x800  }
0x17c: {  	[tilespmem:s22], [sflag:$0x1] =	stream.indirect.gather @!p1 [hbm4b:s4+s20], $0x20, s25, s20, $0xb8;
	[tilespmem:$0x15F00] =	vst v63  }
0x17d: {  	s22 =	simm.s32 @!p1 $0x1800  }
0x17e: {  	[tilespmem:s22], [sflag:$0x1] =	stream.indirect.gather @!p1 [hbm4b:s4+s20], $0x20, s20, s20, $0xb8;
	[tilespmem:$0x15F00] =	vst v63  }
0x17f: {  	s23 =	simm.s32 @!p1 $0x2800;
	s22 =	simm.s32 @!p1 $0x100  }
0x180: {  	[tilespmem:s23], [sflag:$0x1] =	stream.indirect.gather @!p1 [hbm4b:s4+s20], $0x20, s22, s20, $0xb8;
	[tilespmem:$0x15F00] =	vst v63  }
0x181: {  	s22 =	simm.s32 @!p1 $0x180;
	s23 =	simm.s32 @!p1 $0x3800  }
0x182: {  	[tilespmem:s23], [sflag:$0x1] =	stream.indirect.gather @!p1 [hbm4b:s4+s20], $0x20, s22, s20, $0xb8;
	[tilespmem:$0x15F00] =	vst v63  }
0x183: {  	s22 =	simm.s32 @!p1 $0x200;
	s23 =	simm.s32 @!p1 $0x4800  }
0x184: {  	[tilespmem:s23], [sflag:$0x1] =	stream.indirect.gather @!p1 [hbm4b:s4+s20], $0x20, s22, s20, $0xb8;
	[tilespmem:$0x15F00] =	vst v63  }
0x185: {  	s22 =	simm.s32 @!p1 $0x280;
	s23 =	simm.s32 @!p1 $0x5800  }
0x186: {  	[tilespmem:s23], [sflag:$0x1] =	stream.indirect.gather @!p1 [hbm4b:s4+s20], $0x20, s22, s20, $0xb8;
	[tilespmem:$0x15F00] =	vst v63  }
0x187: {  	s22 =	simm.s32 @!p1 $0x300;
	s23 =	simm.s32 @!p1 $0x6800  }
0x188: {  	[tilespmem:s23], [sflag:$0x1] =	stream.indirect.gather @!p1 [hbm4b:s4+s20], $0x20, s22, s20, $0xb8;
	[tilespmem:$0x15F00] =	vst v63  }
0x189: {  	s22 =	simm.s32 @!p1 $0x380;
	s23 =	simm.s32 @!p1 $0x7800  }
0x18a: {  	[tilespmem:s23], [sflag:$0x1] =	stream.indirect.gather @!p1 [hbm4b:s4+s20], $0x20, s22, s20, $0xb8;
	[tilespmem:$0x15F00] =	vst v63  }
0x18b: {  	_ =	swait.ge [sflag:s18], $0x1000  }
0x18c: {  	[sflag:s18] =	ssyncset.done $0x0  }
0x18d: {  	[sflag:s18] =	ssyncadd.s32 $0xFFFFF000  }
0x18e: {  	_ =	swait.ge [sflag:s18], $0x1000  }
0x18f: {  	[sflag:s18] =	ssyncset.done $0x0  }
0x190: {  	[sflag:s18] =	ssyncadd.s32 $0xFFFFF000  }
0x191: {  	_ =	swait.ge [sflag:s18], $0x1000  }
0x192: {  	[sflag:s18] =	ssyncset.done $0x0  }
0x193: {  	[sflag:s18] =	ssyncadd.s32 $0xFFFFF000  }
0x194: {  	_ =	swait.ge [sflag:s18], $0x1000  }
0x195: {  	[sflag:s18] =	ssyncset.done $0x0  }
0x196: {  	[sflag:s18] =	ssyncadd.s32 $0xFFFFF000  }
0x197: {  	_ =	swait.ge [sflag:s18], $0x1000  }
0x198: {  	[sflag:s18] =	ssyncset.done $0x0  }
0x199: {  	[sflag:s18] =	ssyncadd.s32 $0xFFFFF000  }
0x19a: {  	_ =	swait.ge [sflag:s18], $0x1000  }
0x19b: {  	[sflag:s18] =	ssyncset.done $0x0  }
0x19c: {  	[sflag:s18] =	ssyncadd.s32 $0xFFFFF000  }
0x19d: {  	_ =	swait.ge [sflag:s18], $0x1000  }
0x19e: {  	s25 =	sadd.s32 $0x1, s3;
	[sflag:s18] =	ssyncset.done $0x0  }
0x19f: {  	p1 =	sge.u32 s25, s7;
	[sflag:s18] =	ssyncadd.s32 $0xFFFFF000  }
0x1a0: {  	s20 =	sadd.s32 @!p1 $0x400, s19;
	s22 =	simm.s32 @!p1 $0x5;
	_ =	swait.ge [sflag:s18], $0x1000  }
0x1a1: {  	s23 =	simm.s32 @!p1 $0x8800;
	s20 =	sshrl.u32 @!p1 s20, $0x3;
	[sflag:s18] =	ssyncset.done $0x0  }
0x1a2: {  	s28 =	simm.s32 @!p1 $0x0;
	s25 =	sadd.s32 @!p1 s5, s20;
	[sflag:s18] =	ssyncadd.s32 $0xFFFFF000  }
0x1a3: {  	[tilespmem:s23], [sflag:$0x5] =	stream.linear.gather @!p1 [hbm4b:s25+s28], $0x400, $0x38;
	[tilespmem:$0x15F00] =	vst v63  }
0x1a4: {  	_ =	swait.ge @!p1 [sflag:s22], $0x400  }
0x1a5: {  	[sflag:s22] =	ssyncset.done @!p1 $0x0  }
0x1a6: {  	s20 =	sadd.s32 @!p1 s6, s20;
	s25 =	simm.s32 @!p1 $0x8C00;
	[sflag:s22] =	ssyncadd.s32 @!p1 $0xFFFFFC00  }
0x1a7: {  	[tilespmem:s25], [sflag:$0x5] =	stream.linear.gather @!p1 [hbm4b:s20+s28], $0x400, $0x38;
	[tilespmem:$0x15F00] =	vst v63  }
0x1a8: {  	_ =	swait.ge @!p1 [sflag:s22], $0x400  }
0x1a9: {  	[sflag:s22] =	ssyncset.done @!p1 $0x0  }
0x1aa: {  	s20 =	simm.s32 @!p1 $0x80;
	[sflag:s22] =	ssyncadd.s32 @!p1 $0xFFFFFC00;
	s22 =	simm.s32 @!p1 $0x9000  }
0x1ab: {  	[tilespmem:s22], [sflag:$0x2] =	stream.indirect.gather @!p1 [hbm4b:s4+s20], $0x20, s23, s20, $0xb8;
	[tilespmem:$0x15F00] =	vst v63  }
0x1ac: {  	s22 =	simm.s32 @!p1 $0x8880;
	s23 =	simm.s32 @!p1 $0xA000  }
0x1ad: {  	[tilespmem:s23], [sflag:$0x2] =	stream.indirect.gather @!p1 [hbm4b:s4+s20], $0x20, s22, s20, $0xb8;
	[tilespmem:$0x15F00] =	vst v63  }
0x1ae: {  	s17 =	sadd.s32 $0xFFFFFFFF, s17;
	s22 =	simm.s32 @!p1 $0x8900;
	s23 =	simm.s32 @!p1 $0xB000  }
0x1af: {  	[tilespmem:s23], [sflag:$0x2] =	stream.indirect.gather @!p1 [hbm4b:s4+s20], $0x20, s22, s20, $0xb8;
	[tilespmem:$0x15F00] =	vst v63  }
0x1b0: {  	p0 =	sne.s32 s17, $0x0;
	s22 =	simm.s32 @!p1 $0x8980;
	s23 =	simm.s32 @!p1 $0xC000  }
0x1b1: {  	[tilespmem:s23], [sflag:$0x2] =	stream.indirect.gather @!p1 [hbm4b:s4+s20], $0x20, s22, s20, $0xb8;
	[tilespmem:$0x15F00] =	vst v63  }
0x1b2: {  	s3 =	sadd.s32 $0x2, s3;
	s22 =	simm.s32 @!p1 $0x8A00;
	s23 =	simm.s32 @!p1 $0xD000  }
0x1b3: {  	[tilespmem:s23], [sflag:$0x2] =	stream.indirect.gather @!p1 [hbm4b:s4+s20], $0x20, s22, s20, $0xb8;
	[tilespmem:$0x15F00] =	vst v63  }
.Ltmp1:
0x1b4: {  	s22 =	simm.s32 @!p1 $0x8A80;
	s23 =	simm.s32 @!p1 $0xE000;
	(pc) =	sbr.rel @p0 .LBB2_2-.Ltmp1, $4  }
0x1b5: {  	[tilespmem:s23], [sflag:$0x2] =	stream.indirect.gather @!p1 [hbm4b:s4+s20], $0x20, s22, s20, $0xb8;
	[tilespmem:$0x15F00] =	vst v63  }
0x1b6: {  	s19 =	sadd.s32 $0x800, s19;
	s22 =	simm.s32 @!p1 $0x8B00;
	s23 =	simm.s32 @!p1 $0xF000  }
0x1b7: {  	[tilespmem:s23], [sflag:$0x2] =	stream.indirect.gather @!p1 [hbm4b:s4+s20], $0x20, s22, s20, $0xb8;
	[tilespmem:$0x15F00] =	vst v63  }
0x1b8: {  	s28 =	simm.s32 $0x400;
	s22 =	simm.s32 @!p1 $0x8B80;
	s23 =	simm.s32 @!p1 $0x10000  }
.LBB2_3:
0x1b9: {  	[tilespmem:s23], [sflag:$0x2] =	stream.indirect.gather @!p1 [hbm4b:s4+s20], $0x20, s22, s20, $0xb8;
	[tilespmem:$0x15F00] =	vst v63  }
0x1ba: {  	[bflag:$0x0] =	sbarrier.arrive $0xFFFF  }
0x1bb: {  	s17 =	rddreg [dreg:$0x13]  }
0x1bc: {  	s3 =	rddreg [dreg:$0x19]  }
0x1bd: {  	s20 =	simm.s32 $0x5;
	s19 =	rddreg [dreg:$0x1c]  }
0x1be: {  	[hbm:s3], [sflag:s17] =	dma.local [spmem:s19], $0x9E0  }
0x1bf: {  	_ =	swait.ge [sflag:s20], $0x9E0  }
0x1c0: {  	s0 =	rddreg [dreg:$0x1d]  }
0x1c1: {  	s22 =	simm.s32 $0x800;
	s26 =	rddreg [dreg:$0x1a];
	s0 =	sadd.s32 $0x1, s0  }
0x1c2: {  	s23 =	simm.s32 $0x1800;
	s24 =	simm.s32 $0x2800;
	p0 =	sne.s32 s0, s26  }
.Ltmp2:
0x1c3: {  	s25 =	simm.s32 $0x3800;
	s1 =	simm.s32 $0x4800;
	(pc) =	sbr.rel @p0 .LBB2_1-.Ltmp2, $4  }
0x1c4: {  	s8 =	simm.s32 $0x6800;
	s10 =	simm.s32 $0x7800;
	s11 =	simm.s32 $0x8C00  }
0x1c5: {  	s12 =	simm.s32 $0x9000;
	s13 =	simm.s32 $0xA000;
	s14 =	simm.s32 $0xB000  }
0x1c6: {  	s15 =	simm.s32 $0xC000;
	s29 =	simm.s32 $0xD000;
	[sflag:s20] =	ssyncset.done $0x0  }
0x1c7: {  	s30 =	simm.s32 $0xE000;
	[sflag:s20] =	ssyncadd.s32 $0xFFFFF620;
	s26 =	simm.s32 $0x5800  }
0x1c8: {  	_ =	sfence.sel $0x180000  }
0x1c9: {  	[bflag:$0x0] =	sbarrier.arrive $0xFFFF  }
0x1ca: {  	_ =	strace $0x90000047  }
0x1cb: {  	s0 =	stileid.u32;
	[bflag:$0x2] =	sbarrier.arrive $0xFFFF  }
0x1cc: {  	p0 =	sne.s32 s0, $0x0;
	s0 =	rddreg [dreg:$0x3]  }
0x1cd: {  	s0 =	sadd.s32 @!p0 $0x100000, s0  }
0x1ce: {  	[sflag:s0] =	ssyncadd.tile.s32 @!p0 $0x1;
	_ =	shalt  }
.Lfunc_end2:
_tile_overlayer_lowered:
.L_overlay_start_2:
0x1cf: {  	(tag) =	ssettag $0x2  }
0x1d0: {  	s0 =	rddreg [dreg:$0x0];
	s2 =	stileid.u32  }
0x1d1: {  	s1 =	rddreg [dreg:$0x1];
	p0 =	sne.s32 s2, $0x0  }
0x1d2: {  	s3 =	rddreg [dreg:$0x2];
	[bflag:$0x3] =	sbarrier.arrive $0xFFFF;
	s2 =	simm.s32 @!p0 $0x1C05  }
0x1d3: {  	[timem:s3], [sflag:s2] =	dma.local @!p0 [hbm:s0], s1  }
0x1d4: {  	s0 =	simm.s32 @!p0 $0x5  }
0x1d5: {  	_ =	swait.ge @!p0 [sflag:s0], s1  }
0x1d6: {  	s1 =	ssub.s32 @!p0 $0x0, s1;
	[sflag:s0] =	ssyncset.done @!p0 $0x0  }
0x1d7: {  	[sflag:s0] =	ssyncadd.s32 @!p0 s1  }
0x1d8: {  	[bflag:$0x3] =	sbarrier.arrive $0xFFFF  }
0x1d9: {  	_ =	shalt  }

</sc_bundles>
